<compile_context>
chip_gen: v7x
topology: tpu7x:2x2x1
jax: 0.10.2.dev20260603
libtpu: 0.0.44.dev20260713+nightly
codegen_flags: <defaults>
</compile_context>

<pallas_src>
import functools

import jax
import jax.numpy as jnp
from jax.experimental import pallas as pl
from jax.experimental.pallas import tpu as pltpu
from jax.experimental.pallas import tpu_sc as plsc

_CC = 27776
_KTC = 20
_CW = 3968
_UN = 8
_CF = 62464



def _sc_body(probs_hbm, out_hbm, buf0, buf1, stage, sem0, sem1,
             *, col0, stripe, CW):
    w = jax.lax.axis_index("c") * 16 + jax.lax.axis_index("s")
    g = w % 4
    t = w // 4
    r0 = 8 * g
    nch = stripe // CW

    def src(j):
        return probs_hbm.at[pl.ds(r0, 8),
                            pl.ds(col0 + t * stripe + j * CW, CW)]

    def start(j, buf, sem):
        pltpu.async_copy(src(j), buf, sem)

    def wait(j, buf, sem):
        pltpu.make_async_copy(src(j), buf, sem).wait()

    def chunk_sum(buf, accs):
        zero = jnp.zeros((16,), jnp.float32)

        def row_sum(r, a):
            def vb(i, carry):
                cs = list(carry)
                base = i * (16 * _UN)
                for u in range(_UN):
                    cs[u % 4] = cs[u % 4] + jnp.exp(
                        buf[r, pl.ds(base + u * 16, 16)])
                return tuple(cs)
            c = jax.lax.fori_loop(0, CW // (16 * _UN), vb,
                                  (a, zero, zero, zero))
            return (c[0] + c[1]) + (c[2] + c[3])
        return tuple(row_sum(r, accs[r]) for r in range(8))

    start(0, buf0, sem0)
    start(1, buf1, sem1)

    def pair(jp, accs):
        j0 = 2 * jp
        wait(j0, buf0, sem0)
        accs = chunk_sum(buf0, accs)

        @pl.when(j0 + 2 < nch)
        def _():
            start(j0 + 2, buf0, sem0)
        wait(j0 + 1, buf1, sem1)
        accs = chunk_sum(buf1, accs)

        @pl.when(j0 + 3 < nch)
        def _():
            start(j0 + 3, buf1, sem1)
        return accs

    accs = jax.lax.fori_loop(
        0, nch // 2, pair,
        tuple(jnp.zeros((16,), jnp.float32) for _ in range(8)))
    if nch % 2:
        wait(nch - 1, buf0, sem0)
        accs = chunk_sum(buf0, accs)
    for r in range(8):
        stage[r, pl.ds(0, 16)] = accs[r]
    pltpu.sync_copy(stage, out_hbm.at[t, pl.ds(r0, 8), :])



def _lse_update(x, m, s):
    bm = jnp.max(x, axis=1, keepdims=True)
    m2 = jnp.maximum(m, bm)
    s2 = s * jnp.exp(m - m2) + jnp.sum(jnp.exp(x - m2), axis=1, keepdims=True)
    return m2, s2


def _logpf(p, ac):
    pe = p + jnp.float32(1e-20)
    return ac * jnp.log1p(-pe) + jnp.log(pe)


def _tc_body(action_ref, probs_ref, logpf_ref, m_ref, s_ref, bv_ref,
             b0, b1, f0, f1, o0, o1, strad, ftail, otail, acol,
             sb0, sb1, sf0, sf1, so0, so1, sst, sft, sot, sac,
             *, B, L, CC, KTC, CF):
    body = L - 64
    bback = L + 64
    fbody = (L // 1024) * 1024
    ftl = L - fbody
    nf = fbody // CF
    a = action_ref[0]
    ac = a.astype(jnp.float32)

    def start_back(c, bbuf, sb):
        pltpu.make_async_copy(
            probs_ref.at[:, pl.ds(bback + c * CC, CC)], bbuf, sb).start()

    def wait_back(c, bbuf, sb):
        pltpu.make_async_copy(
            probs_ref.at[:, pl.ds(bback + c * CC, CC)], bbuf, sb).wait()

    def start_fwd(c, fbuf, sf):
        pltpu.make_async_copy(
            probs_ref.at[pl.ds(0, 1), pl.ds(c * CF, CF)], fbuf, sf).start()

    def wait_fwd(c, fbuf, sf):
        pltpu.make_async_copy(
            probs_ref.at[pl.ds(0, 1), pl.ds(c * CF, CF)], fbuf, sf).wait()

    pltpu.make_async_copy(
        probs_ref.at[:, pl.ds(body, 128)], strad, sst).start()
    fslab = ((ftl + 127) // 128) * 128
    pltpu.make_async_copy(
        probs_ref.at[pl.ds(0, 1), pl.ds(fbody, fslab)], ftail, sft).start()
    astart = pl.multiple_of(((L + a) // 128) * 128, 128)
    pltpu.make_async_copy(
        probs_ref.at[:, pl.ds(astart, 128)], acol, sac).start()
    start_back(0, b0, sb0)
    start_back(1, b1, sb1)
    start_fwd(0, f0, sf0)
    start_fwd(1, f1, sf1)

    pltpu.make_async_copy(
        probs_ref.at[:, pl.ds(body, 128)], strad, sst).wait()
    lane = jax.lax.broadcasted_iota(jnp.int32, (B, 128), 1)
    xh = jnp.where(lane >= 64, strad[...], -jnp.inf)
    m0 = jnp.max(xh, axis=1, keepdims=True)
    s0 = jnp.sum(jnp.where(lane >= 64, jnp.exp(strad[...] - m0), 0.0),
                 axis=1, keepdims=True)

    pltpu.make_async_copy(
        probs_ref.at[pl.ds(0, 1), pl.ds(fbody, fslab)], ftail, sft).wait()
    otail[...] = _logpf(ftail[pl.ds(0, 1), pl.ds(0, ftl)], ac).reshape(ftl)
    pltpu.make_async_copy(
        otail, logpf_ref.at[pl.ds(fbody, ftl)], sot).start()

    def fstep(c, fbuf, obuf, sf, so, first):
        wait_fwd(c, fbuf, sf)

        @pl.when(jnp.logical_not(first))
        def _():
            pltpu.make_async_copy(
                obuf, logpf_ref.at[pl.ds((c - 2) * CF, CF)], so).wait()
        obuf[...] = _logpf(fbuf[...], ac).reshape(CF)
        pltpu.make_async_copy(
            obuf, logpf_ref.at[pl.ds(c * CF, CF)], so).start()

        @pl.when(c + 2 < nf)
        def _():
            start_fwd(c + 2, fbuf, sf)

    def floop(i2, carry):
        c0 = 2 * i2
        fstep(c0, f0, o0, sf0, so0, i2 == 0)
        fstep(c0 + 1, f1, o1, sf1, so1, i2 == 0)
        return carry

    jax.lax.fori_loop(0, nf // 2, floop, 0)

    def bstep(c, bbuf, sb, m, s):
        wait_back(c, bbuf, sb)
        m, s = _lse_update(bbuf[...], m, s)

        @pl.when(c + 2 < KTC)
        def _():
            start_back(c + 2, bbuf, sb)
        return m, s

    def bloop(i2, carry):
        m, s = carry
        c0 = 2 * i2
        m, s = bstep(c0, b0, sb0, m, s)
        m, s = bstep(c0 + 1, b1, sb1, m, s)
        return m, s

    m, s = jax.lax.fori_loop(0, KTC // 2, bloop, (m0, s0))

    pltpu.make_async_copy(
        o0, logpf_ref.at[pl.ds((nf - 2) * CF, CF)], so0).wait()
    pltpu.make_async_copy(
        o1, logpf_ref.at[pl.ds((nf - 1) * CF, CF)], so1).wait()
    pltpu.make_async_copy(
        otail, logpf_ref.at[pl.ds(fbody, ftl)], sot).wait()
    pltpu.make_async_copy(
        probs_ref.at[:, pl.ds(astart, 128)], acol, sac).wait()

    off = (L + a) - astart
    bv_ref[...] = jnp.sum(jnp.where(lane == off, acol[...], 0.0), axis=1,
                          keepdims=True)
    m_ref[...] = m
    s_ref[...] = s



def _comb_body(m_ref, s_ref, bv_ref, sc_ref, out_ref):
    ssc = jnp.sum(sc_ref[...], axis=(0, 2)).reshape(m_ref.shape)
    m = m_ref[...]
    lp = bv_ref[...] - (m + jnp.log(s_ref[...] + ssc * jnp.exp(-m)))
    out_ref[...] = lp.reshape(out_ref.shape)


def kernel(probs, action):
    B, twoL = probs.shape
    L = twoL // 2
    CC, KTC, CW = _CC, _KTC, _CW
    body = L - 64
    nf = body // CC
    assert L % 128 == 64 and body % CC == 0 and nf % 2 == 0
    assert 0 < KTC < nf and KTC % 2 == 0
    col0 = L + 64 + KTC * CC
    W = body - KTC * CC
    stripe = W // 8
    assert W % (8 * 128) == 0 and stripe % CW == 0
    assert stripe // CW >= 2 and CW % (16 * _UN) == 0 and CW % 128 == 0

    a = jnp.asarray(action, jnp.int32).reshape(1)

    scpart = pl.kernel(
        functools.partial(_sc_body, col0=col0, stripe=stripe, CW=CW),
        out_type=jax.ShapeDtypeStruct((8, B, 16), jnp.float32),
        mesh=plsc.VectorSubcoreMesh(core_axis_name="c", subcore_axis_name="s"),
        scratch_types=[
            pltpu.VMEM((8, CW), jnp.float32),
            pltpu.VMEM((8, CW), jnp.float32),
            pltpu.VMEM((8, 16), jnp.float32),
            pltpu.SemaphoreType.DMA,
            pltpu.SemaphoreType.DMA,
        ],
    )(probs)

    CF = _CF
    fbody = (L // 1024) * 1024
    ftl = L - fbody
    fslab = ((ftl + 127) // 128) * 128
    assert fbody % CF == 0 and (fbody // CF) % 2 == 0 and CF % 1024 == 0
    assert 0 < ftl

    logpf, m, s, bv = pl.pallas_call(
        functools.partial(_tc_body, B=B, L=L, CC=CC, KTC=KTC, CF=CF),
        in_specs=[
            pl.BlockSpec(memory_space=pltpu.SMEM),
            pl.BlockSpec(memory_space=pl.ANY),
        ],
        out_specs=[
            pl.BlockSpec(memory_space=pl.ANY),
            pl.BlockSpec(memory_space=pltpu.VMEM),
            pl.BlockSpec(memory_space=pltpu.VMEM),
            pl.BlockSpec(memory_space=pltpu.VMEM),
        ],
        out_shape=[
            jax.ShapeDtypeStruct((L,), jnp.float32),
            jax.ShapeDtypeStruct((B, 1), jnp.float32),
            jax.ShapeDtypeStruct((B, 1), jnp.float32),
            jax.ShapeDtypeStruct((B, 1), jnp.float32),
        ],
        scratch_shapes=(
            [pltpu.VMEM((B, CC), jnp.float32)] * 2
            + [pltpu.VMEM((1, CF), jnp.float32)] * 2
            + [pltpu.VMEM((CF,), jnp.float32)] * 2
            + [pltpu.VMEM((B, 128), jnp.float32)]
            + [pltpu.VMEM((1, fslab), jnp.float32)]
            + [pltpu.VMEM((ftl,), jnp.float32)]
            + [pltpu.VMEM((B, 128), jnp.float32)]
            + [pltpu.SemaphoreType.DMA] * 10
        ),
    )(a, probs)

    logpb = pl.pallas_call(
        _comb_body,
        out_shape=jax.ShapeDtypeStruct((B,), jnp.float32),
    )(m, s, bv, scpart)
    return logpf, logpb

# --- scband reference (transcript-rebuilt; emitter-appended) ---
"""Pipeline reference for scband-gflow-net-74758200754582 (READ-ONLY COPY).

The authoritative reference and input builder live on the scoring server;
editing this copy changes nothing except your own understanding.
"""

import jax, jax.numpy as jnp
import numpy as np

B = 32
L = 1000000  # vocab / action-space size; probs has 2*L columns


def setup_inputs(seed: int = 0) -> dict:
    key = jax.random.key(seed)
    k1, _ = jax.random.split(key)
    # 'rand' fill: uniform in [0,1); first half used as Geometric success probs,
    # second half used as Categorical logits (uniform values are valid logits).
    probs = jax.random.uniform(k1, (B, 2 * L), dtype=jnp.float32)
    action = 5  # scalar int action, in-range for both Geometric support and Categorical index
    return {"probs": probs, "action": action}


def reference(probs, action):
    # Faithful translation of GFlowNet.forward_probs(s, mask, sample=False, action=action)
    # *after* the abstract forward_policy has produced `probs` of shape [B, 2*l].
    l = probs.shape[1] // 2
    fwd_logits = probs[:, :l]
    back_logits = probs[:, l:]

    # --- logit_to_pf (sample=False branch) ---
    p = fwd_logits[0]
    # torch: if 0.0 in logits[0]: logits[0] = logits[0] + 1e-20
    p = p + jnp.where(jnp.any(p == 0.0), jnp.float32(1e-20), jnp.float32(0.0))
    ac = jnp.asarray(action, dtype=jnp.float32)
    # torch.distributions.Geometric(probs=p).log_prob(value) = value*log1p(-p) + log(p)
    logpf = ac * jnp.log1p(-p) + jnp.log(p)  # shape [l] (broadcast of scalar action)

    # --- logit_to_pb ---
    # Categorical(logits=back_logits).log_prob(ac) = log_softmax(back_logits)[:, ac]
    logsm = jax.nn.log_softmax(back_logits, axis=-1)
    logpb = logsm[:, action]  # shape [B]

    # dim-0 unsqueeze branches don't trigger here (outputs already >=1-D)
    return (logpf, logpb)

if __name__ == "__main__":
    import jax
    _d = setup_inputs()
    print(jax.jit(kernel)(*tuple(_d.values())))

</pallas_src>

<mosaic_0001>
#map = affine_map<(d0, d1) -> (0, 0)>
#map1 = affine_map<(d0, d1) -> (0, 0, 0)>
module attributes {stable_mosaic.version = 14 : i64} {
  func.func @_sc_body(%arg0: i32, %arg1: i32, %arg2: memref<32x2000000xf32, #tpu.memory_space<hbm>>, %arg3: memref<8x32x16xf32, #tpu.memory_space<hbm>>, %arg4: memref<8x3968xf32, #tpu.memory_space<vmem>>, %arg5: memref<8x3968xf32, #tpu.memory_space<vmem>>, %arg6: memref<8x16xf32, #tpu.memory_space<vmem>>, %arg7: memref<!tpu.dma_semaphore, #tpu.memory_space<semaphore_mem>>, %arg8: memref<!tpu.dma_semaphore, #tpu.memory_space<semaphore_mem>>) attributes {dimension_semantics = [#tpu.dimension_semantics<core_parallel>, #tpu.dimension_semantics<subcore_parallel>], iteration_bounds = array<i64: 2, 16>, scalar_prefetch = 0 : i64, scratch_operands = 5 : i64, tpu.core_type = #tpu.core_type<sc_vector_subcore>, window_params = [{transform_indices = #map}, {transform_indices = #map1}]} {
    %mul3A = arith.constant 16 : i32
    %mul3A_0 = arith.muli %arg0, %mul3A : i32
    %add3A = arith.addi %mul3A_0, %arg1 : i32
    %jit3A = arith.constant 4 : i32
    %eq3A = arith.constant 0 : i32
    %eq3A_1 = arith.cmpi eq, %jit3A, %eq3A : i32
    %jit3A_2 = arith.constant 1 : i32
    %select_n3A = arith.select %eq3A_1, %jit3A_2, %jit3A : i32
    %rem3A = arith.remsi %add3A, %select_n3A : i32
    %ne3A = arith.constant 0 : i32
    %ne3A_3 = arith.cmpi ne, %rem3A, %ne3A : i32
    %lt3A = arith.constant 0 : i32
    %lt3A_4 = arith.cmpi slt, %rem3A, %lt3A : i32
    %lt3A_5 = arith.constant 0 : i32
    %lt3A_6 = arith.cmpi slt, %select_n3A, %lt3A_5 : i32
    %ne3A_7 = arith.xori %lt3A_4, %lt3A_6 : i1
    %and3A = arith.andi %ne3A_7, %ne3A_3 : i1
    %add3A_8 = arith.addi %rem3A, %select_n3A : i32
    %select_n3A_9 = arith.select %and3A, %add3A_8, %rem3A : i32
    %jit3A_10 = arith.constant 4 : i32
    %div3A = arith.divsi %add3A, %jit3A_10 : i32
    %sign3A = arith.constant 0 : i32
    %sign3A_11 = arith.cmpi sgt, %add3A, %sign3A : i32
    %sign3A_12 = arith.extui %sign3A_11 : i1 to i32
    %sign3A_13 = arith.constant 0 : i32
    %sign3A_14 = arith.cmpi slt, %add3A, %sign3A_13 : i32
    %sign3A_15 = arith.extui %sign3A_14 : i1 to i32
    %sign3A_16 = arith.subi %sign3A_12, %sign3A_15 : i32
    %sign3A_17 = arith.constant 0 : i32
    %sign3A_18 = arith.cmpi sgt, %jit3A_10, %sign3A_17 : i32
    %sign3A_19 = arith.extui %sign3A_18 : i1 to i32
    %sign3A_20 = arith.constant 0 : i32
    %sign3A_21 = arith.cmpi slt, %jit3A_10, %sign3A_20 : i32
    %sign3A_22 = arith.extui %sign3A_21 : i1 to i32
    %sign3A_23 = arith.subi %sign3A_19, %sign3A_22 : i32
    %ne3A_24 = arith.cmpi ne, %sign3A_16, %sign3A_23 : i32
    %rem3A_25 = arith.remsi %add3A, %jit3A_10 : i32
    %ne3A_26 = arith.constant 0 : i32
    %ne3A_27 = arith.cmpi ne, %rem3A_25, %ne3A_26 : i32
    %and3A_28 = arith.andi %ne3A_24, %ne3A_27 : i1
    %sub3A = arith.constant 1 : i32
    %sub3A_29 = arith.subi %div3A, %sub3A : i32
    %select_n3A_30 = arith.select %and3A_28, %sub3A_29, %div3A : i32
    %mul3A_31 = arith.constant 8 : i32
    %mul3A_32 = arith.muli %mul3A_31, %select_n3A_9 : i32
    %mul3A_33 = arith.constant 55552 : i32
    %mul3A_34 = arith.muli %select_n3A_30, %mul3A_33 : i32
    %add3A_35 = arith.constant 1555584 : i32
    %add3A_36 = arith.addi %add3A_35, %mul3A_34 : i32
    %add3A_37 = arith.constant 0 : i32
    %add3A_38 = arith.addi %add3A_36, %add3A_37 : i32
    %dma_start3A = tpu.memref_slice %arg2[%mul3A_32, %add3A_38] : memref<32x2000000xf32, #tpu.memory_space<hbm>> -> memref<8x3968xf32, #tpu.memory_space<hbm>>
    %dma_start3A_39 = tpu.memref_slice %arg2[%mul3A_32, %add3A_38] : memref<32x2000000xf32, #tpu.memory_space<hbm>> -> memref<8x3968xf32, #tpu.memory_space<hbm>>
    tpu.enqueue_dma source(%dma_start3A_39 : memref<8x3968xf32, #tpu.memory_space<hbm>>) target(%arg4 : memref<8x3968xf32, #tpu.memory_space<vmem>>) target_semaphore(%arg7 : memref<!tpu.dma_semaphore, #tpu.memory_space<semaphore_mem>>)
    %mul3A_40 = arith.constant 55552 : i32
    %mul3A_41 = arith.muli %select_n3A_30, %mul3A_40 : i32
    %add3A_42 = arith.constant 1555584 : i32
    %add3A_43 = arith.addi %add3A_42, %mul3A_41 : i32
    %add3A_44 = arith.constant 3968 : i32
    %add3A_45 = arith.addi %add3A_43, %add3A_44 : i32
    %dma_start3A_46 = tpu.memref_slice %arg2[%mul3A_32, %add3A_45] : memref<32x2000000xf32, #tpu.memory_space<hbm>> -> memref<8x3968xf32, #tpu.memory_space<hbm>>
    %dma_start3A_47 = tpu.memref_slice %arg2[%mul3A_32, %add3A_45] : memref<32x2000000xf32, #tpu.memory_space<hbm>> -> memref<8x3968xf32, #tpu.memory_space<hbm>>
    tpu.enqueue_dma source(%dma_start3A_47 : memref<8x3968xf32, #tpu.memory_space<hbm>>) target(%arg5 : memref<8x3968xf32, #tpu.memory_space<vmem>>) target_semaphore(%arg8 : memref<!tpu.dma_semaphore, #tpu.memory_space<semaphore_mem>>)
    %broadcast_in_dim3A = arith.constant 0.000000e+00 : f32
    %broadcast_in_dim3A_48 = vector.broadcast %broadcast_in_dim3A : f32 to vector<16xf32>
    %broadcast_in_dim3A_49 = arith.constant 0.000000e+00 : f32
    %broadcast_in_dim3A_50 = vector.broadcast %broadcast_in_dim3A_49 : f32 to vector<16xf32>
    %broadcast_in_dim3A_51 = arith.constant 0.000000e+00 : f32
    %broadcast_in_dim3A_52 = vector.broadcast %broadcast_in_dim3A_51 : f32 to vector<16xf32>
    %broadcast_in_dim3A_53 = arith.constant 0.000000e+00 : f32
    %broadcast_in_dim3A_54 = vector.broadcast %broadcast_in_dim3A_53 : f32 to vector<16xf32>
    %broadcast_in_dim3A_55 = arith.constant 0.000000e+00 : f32
    %broadcast_in_dim3A_56 = vector.broadcast %broadcast_in_dim3A_55 : f32 to vector<16xf32>
    %broadcast_in_dim3A_57 = arith.constant 0.000000e+00 : f32
    %broadcast_in_dim3A_58 = vector.broadcast %broadcast_in_dim3A_57 : f32 to vector<16xf32>
    %broadcast_in_dim3A_59 = arith.constant 0.000000e+00 : f32
    %broadcast_in_dim3A_60 = vector.broadcast %broadcast_in_dim3A_59 : f32 to vector<16xf32>
    %broadcast_in_dim3A_61 = arith.constant 0.000000e+00 : f32
    %broadcast_in_dim3A_62 = vector.broadcast %broadcast_in_dim3A_61 : f32 to vector<16xf32>
    %scan3A = arith.constant 0 : i32
    %scan3A_63 = arith.constant 7 : i32
    %scan3A_64 = arith.addi %scan3A, %scan3A_63 : i32
    %scan3A_65 = arith.constant 1 : i32
    %scan3A_66:8 = scf.for %scan3A_115 = %scan3A to %scan3A_64 step %scan3A_65 iter_args(%scan3A_116 = %broadcast_in_dim3A_48, %scan3A_117 = %broadcast_in_dim3A_50, %scan3A_118 = %broadcast_in_dim3A_52, %scan3A_119 = %broadcast_in_dim3A_54, %scan3A_120 = %broadcast_in_dim3A_56, %scan3A_121 = %broadcast_in_dim3A_58, %scan3A_122 = %broadcast_in_dim3A_60, %scan3A_123 = %broadcast_in_dim3A_62) -> (vector<16xf32>, vector<16xf32>, vector<16xf32>, vector<16xf32>, vector<16xf32>, vector<16xf32>, vector<16xf32>, vector<16xf32>)  : i32 {
      %mul3A_124 = arith.constant 2 : i32
      %mul3A_125 = arith.muli %mul3A_124, %scan3A_115 : i32
      %mul3A_126 = arith.constant 55552 : i32
      %mul3A_127 = arith.muli %select_n3A_30, %mul3A_126 : i32
      %add3A_128 = arith.constant 1555584 : i32
      %add3A_129 = arith.addi %add3A_128, %mul3A_127 : i32
      %mul3A_130 = arith.constant 3968 : i32
      %mul3A_131 = arith.muli %mul3A_125, %mul3A_130 : i32
      %add3A_132 = arith.addi %add3A_129, %mul3A_131 : i32
      %dma_wait3A = tpu.memref_slice %arg2[%mul3A_32, %add3A_132] : memref<32x2000000xf32, #tpu.memory_space<hbm>> -> memref<8x3968xf32, #tpu.memory_space<hbm>>
      %dma_wait3A_133 = tpu.memref_slice %arg2[%mul3A_32, %add3A_132] : memref<32x2000000xf32, #tpu.memory_space<hbm>> -> memref<8x3968xf32, #tpu.memory_space<hbm>>
      tpu.wait_dma2 semaphore(%arg7 : memref<!tpu.dma_semaphore, #tpu.memory_space<semaphore_mem>>) src(%dma_wait3A_133 : memref<8x3968xf32, #tpu.memory_space<hbm>>) dst(%arg4 : memref<8x3968xf32, #tpu.memory_space<vmem>>)
      %broadcast_in_dim3A_134 = arith.constant 0.000000e+00 : f32
      %broadcast_in_dim3A_135 = vector.broadcast %broadcast_in_dim3A_134 : f32 to vector<16xf32>
      %scan3A_136 = arith.constant 0 : i32
      %scan3A_137 = arith.constant 31 : i32
      %scan3A_138 = arith.addi %scan3A_136, %scan3A_137 : i32
      %scan3A_139 = arith.constant 1 : i32
      %scan3A_140:4 = scf.for %scan3A_305 = %scan3A_136 to %scan3A_138 step %scan3A_139 iter_args(%scan3A_306 = %scan3A_116, %scan3A_307 = %broadcast_in_dim3A_135, %scan3A_308 = %broadcast_in_dim3A_135, %scan3A_309 = %broadcast_in_dim3A_135) -> (vector<16xf32>, vector<16xf32>, vector<16xf32>, vector<16xf32>)  : i32 {
        %mul3A_310 = arith.constant 128 : i32
        %mul3A_311 = arith.muli %scan3A_305, %mul3A_310 : i32
        %add3A_312 = arith.constant 0 : i32
        %add3A_313 = arith.addi %mul3A_311, %add3A_312 : i32
        %get3A = arith.constant 0 : i32
        %get3A_314 = arith.index_cast %get3A : i32 to index
        %get3A_315 = arith.index_cast %add3A_313 : i32 to index
        %get3A_316 = tpu.vector_load %arg4[%get3A_314, %get3A_315] {strides = array<i32>} : memref<8x3968xf32, #tpu.memory_space<vmem>>, vector<1x16xf32>,
        %get3A_317 = vector.shape_cast %get3A_316 : vector<1x16xf32> to vector<16xf32>
        %exp3A = math.exp %get3A_317 : vector<16xf32>
        %add3A_318 = arith.addf %scan3A_306, %exp3A : vector<16xf32>
        %add3A_319 = arith.constant 16 : i32
        %add3A_320 = arith.addi %mul3A_311, %add3A_319 : i32
        %get3A_321 = arith.constant 0 : i32
        %get3A_322 = arith.index_cast %get3A_321 : i32 to index
        %get3A_323 = arith.index_cast %add3A_320 : i32 to index
        %get3A_324 = tpu.vector_load %arg4[%get3A_322, %get3A_323] {strides = array<i32>} : memref<8x3968xf32, #tpu.memory_space<vmem>>, vector<1x16xf32>,
        %get3A_325 = vector.shape_cast %get3A_324 : vector<1x16xf32> to vector<16xf32>
        %exp3A_326 = math.exp %get3A_325 : vector<16xf32>
        %add3A_327 = arith.addf %scan3A_307, %exp3A_326 : vector<16xf32>
        %add3A_328 = arith.constant 32 : i32
        %add3A_329 = arith.addi %mul3A_311, %add3A_328 : i32
        %get3A_330 = arith.constant 0 : i32
        %get3A_331 = arith.index_cast %get3A_330 : i32 to index
        %get3A_332 = arith.index_cast %add3A_329 : i32 to index
        %get3A_333 = tpu.vector_load %arg4[%get3A_331, %get3A_332] {strides = array<i32>} : memref<8x3968xf32, #tpu.memory_space<vmem>>, vector<1x16xf32>,
        %get3A_334 = vector.shape_cast %get3A_333 : vector<1x16xf32> to vector<16xf32>
        %exp3A_335 = math.exp %get3A_334 : vector<16xf32>
        %add3A_336 = arith.addf %scan3A_308, %exp3A_335 : vector<16xf32>
        %add3A_337 = arith.constant 48 : i32
        %add3A_338 = arith.addi %mul3A_311, %add3A_337 : i32
        %get3A_339 = arith.constant 0 : i32
        %get3A_340 = arith.index_cast %get3A_339 : i32 to index
        %get3A_341 = arith.index_cast %add3A_338 : i32 to index
        %get3A_342 = tpu.vector_load %arg4[%get3A_340, %get3A_341] {strides = array<i32>} : memref<8x3968xf32, #tpu.memory_space<vmem>>, vector<1x16xf32>,
        %get3A_343 = vector.shape_cast %get3A_342 : vector<1x16xf32> to vector<16xf32>
        %exp3A_344 = math.exp %get3A_343 : vector<16xf32>
        %add3A_345 = arith.addf %scan3A_309, %exp3A_344 : vector<16xf32>
        %add3A_346 = arith.constant 64 : i32
        %add3A_347 = arith.addi %mul3A_311, %add3A_346 : i32
        %get3A_348 = arith.constant 0 : i32
        %get3A_349 = arith.index_cast %get3A_348 : i32 to index
        %get3A_350 = arith.index_cast %add3A_347 : i32 to index
        %get3A_351 = tpu.vector_load %arg4[%get3A_349, %get3A_350] {strides = array<i32>} : memref<8x3968xf32, #tpu.memory_space<vmem>>, vector<1x16xf32>,
        %get3A_352 = vector.shape_cast %get3A_351 : vector<1x16xf32> to vector<16xf32>
        %exp3A_353 = math.exp %get3A_352 : vector<16xf32>
        %add3A_354 = arith.addf %add3A_318, %exp3A_353 : vector<16xf32>
        %add3A_355 = arith.constant 80 : i32
        %add3A_356 = arith.addi %mul3A_311, %add3A_355 : i32
        %get3A_357 = arith.constant 0 : i32
        %get3A_358 = arith.index_cast %get3A_357 : i32 to index
        %get3A_359 = arith.index_cast %add3A_356 : i32 to index
        %get3A_360 = tpu.vector_load %arg4[%get3A_358, %get3A_359] {strides = array<i32>} : memref<8x3968xf32, #tpu.memory_space<vmem>>, vector<1x16xf32>,
        %get3A_361 = vector.shape_cast %get3A_360 : vector<1x16xf32> to vector<16xf32>
        %exp3A_362 = math.exp %get3A_361 : vector<16xf32>
        %add3A_363 = arith.addf %add3A_327, %exp3A_362 : vector<16xf32>
        %add3A_364 = arith.constant 96 : i32
        %add3A_365 = arith.addi %mul3A_311, %add3A_364 : i32
        %get3A_366 = arith.constant 0 : i32
        %get3A_367 = arith.index_cast %get3A_366 : i32 to index
        %get3A_368 = arith.index_cast %add3A_365 : i32 to index
        %get3A_369 = tpu.vector_load %arg4[%get3A_367, %get3A_368] {strides = array<i32>} : memref<8x3968xf32, #tpu.memory_space<vmem>>, vector<1x16xf32>,
        %get3A_370 = vector.shape_cast %get3A_369 : vector<1x16xf32> to vector<16xf32>
        %exp3A_371 = math.exp %get3A_370 : vector<16xf32>
        %add3A_372 = arith.addf %add3A_336, %exp3A_371 : vector<16xf32>
        %add3A_373 = arith.constant 112 : i32
        %add3A_374 = arith.addi %mul3A_311, %add3A_373 : i32
        %get3A_375 = arith.constant 0 : i32
        %get3A_376 = arith.index_cast %get3A_375 : i32 to index
        %get3A_377 = arith.index_cast %add3A_374 : i32 to index
        %get3A_378 = tpu.vector_load %arg4[%get3A_376, %get3A_377] {strides = array<i32>} : memref<8x3968xf32, #tpu.memory_space<vmem>>, vector<1x16xf32>,
        %get3A_379 = vector.shape_cast %get3A_378 : vector<1x16xf32> to vector<16xf32>
        %exp3A_380 = math.exp %get3A_379 : vector<16xf32>
        %add3A_381 = arith.addf %add3A_345, %exp3A_380 : vector<16xf32>
        scf.yield %add3A_354, %add3A_363, %add3A_372, %add3A_381 : vector<16xf32>, vector<16xf32>, vector<16xf32>, vector<16xf32>
      }
      %scan3A_141 = arith.constant 31 : i32
      %add3A_142 = arith.addf %scan3A_140#0, %scan3A_140#1 : vector<16xf32>
      %add3A_143 = arith.addf %scan3A_140#2, %scan3A_140#3 : vector<16xf32>
      %add3A_144 = arith.addf %add3A_142, %add3A_143 : vector<16xf32>
      %scan3A_145 = arith.constant 0 : i32
      %scan3A_146 = arith.constant 31 : i32
      %scan3A_147 = arith.addi %scan3A_145, %scan3A_146 : i32
      %scan3A_148 = arith.constant 1 : i32
      %scan3A_149:4 = scf.for %scan3A_305 = %scan3A_145 to %scan3A_147 step %scan3A_148 iter_args(%scan3A_306 = %scan3A_117, %scan3A_307 = %broadcast_in_dim3A_135, %scan3A_308 = %broadcast_in_dim3A_135, %scan3A_309 = %broadcast_in_dim3A_135) -> (vector<16xf32>, vector<16xf32>, vector<16xf32>, vector<16xf32>)  : i32 {
        %mul3A_310 = arith.constant 128 : i32
        %mul3A_311 = arith.muli %scan3A_305, %mul3A_310 : i32
        %add3A_312 = arith.constant 0 : i32
        %add3A_313 = arith.addi %mul3A_311, %add3A_312 : i32
        %get3A = arith.constant 1 : i32
        %get3A_314 = arith.index_cast %get3A : i32 to index
        %get3A_315 = arith.index_cast %add3A_313 : i32 to index
        %get3A_316 = tpu.vector_load %arg4[%get3A_314, %get3A_315] {strides = array<i32>} : memref<8x3968xf32, #tpu.memory_space<vmem>>, vector<1x16xf32>,
        %get3A_317 = vector.shape_cast %get3A_316 : vector<1x16xf32> to vector<16xf32>
        %exp3A = math.exp %get3A_317 : vector<16xf32>
        %add3A_318 = arith.addf %scan3A_306, %exp3A : vector<16xf32>
        %add3A_319 = arith.constant 16 : i32
        %add3A_320 = arith.addi %mul3A_311, %add3A_319 : i32
        %get3A_321 = arith.constant 1 : i32
        %get3A_322 = arith.index_cast %get3A_321 : i32 to index
        %get3A_323 = arith.index_cast %add3A_320 : i32 to index
        %get3A_324 = tpu.vector_load %arg4[%get3A_322, %get3A_323] {strides = array<i32>} : memref<8x3968xf32, #tpu.memory_space<vmem>>, vector<1x16xf32>,
        %get3A_325 = vector.shape_cast %get3A_324 : vector<1x16xf32> to vector<16xf32>
        %exp3A_326 = math.exp %get3A_325 : vector<16xf32>
        %add3A_327 = arith.addf %scan3A_307, %exp3A_326 : vector<16xf32>
        %add3A_328 = arith.constant 32 : i32
        %add3A_329 = arith.addi %mul3A_311, %add3A_328 : i32
        %get3A_330 = arith.constant 1 : i32
        %get3A_331 = arith.index_cast %get3A_330 : i32 to index
        %get3A_332 = arith.index_cast %add3A_329 : i32 to index
        %get3A_333 = tpu.vector_load %arg4[%get3A_331, %get3A_332] {strides = array<i32>} : memref<8x3968xf32, #tpu.memory_space<vmem>>, vector<1x16xf32>,
        %get3A_334 = vector.shape_cast %get3A_333 : vector<1x16xf32> to vector<16xf32>
        %exp3A_335 = math.exp %get3A_334 : vector<16xf32>
        %add3A_336 = arith.addf %scan3A_308, %exp3A_335 : vector<16xf32>
        %add3A_337 = arith.constant 48 : i32
        %add3A_338 = arith.addi %mul3A_311, %add3A_337 : i32
        %get3A_339 = arith.constant 1 : i32
        %get3A_340 = arith.index_cast %get3A_339 : i32 to index
        %get3A_341 = arith.index_cast %add3A_338 : i32 to index
        %get3A_342 = tpu.vector_load %arg4[%get3A_340, %get3A_341] {strides = array<i32>} : memref<8x3968xf32, #tpu.memory_space<vmem>>, vector<1x16xf32>,
        %get3A_343 = vector.shape_cast %get3A_342 : vector<1x16xf32> to vector<16xf32>
        %exp3A_344 = math.exp %get3A_343 : vector<16xf32>
        %add3A_345 = arith.addf %scan3A_309, %exp3A_344 : vector<16xf32>
        %add3A_346 = arith.constant 64 : i32
        %add3A_347 = arith.addi %mul3A_311, %add3A_346 : i32
        %get3A_348 = arith.constant 1 : i32
        %get3A_349 = arith.index_cast %get3A_348 : i32 to index
        %get3A_350 = arith.index_cast %add3A_347 : i32 to index
        %get3A_351 = tpu.vector_load %arg4[%get3A_349, %get3A_350] {strides = array<i32>} : memref<8x3968xf32, #tpu.memory_space<vmem>>, vector<1x16xf32>,
        %get3A_352 = vector.shape_cast %get3A_351 : vector<1x16xf32> to vector<16xf32>
        %exp3A_353 = math.exp %get3A_352 : vector<16xf32>
        %add3A_354 = arith.addf %add3A_318, %exp3A_353 : vector<16xf32>
        %add3A_355 = arith.constant 80 : i32
        %add3A_356 = arith.addi %mul3A_311, %add3A_355 : i32
        %get3A_357 = arith.constant 1 : i32
        %get3A_358 = arith.index_cast %get3A_357 : i32 to index
        %get3A_359 = arith.index_cast %add3A_356 : i32 to index
        %get3A_360 = tpu.vector_load %arg4[%get3A_358, %get3A_359] {strides = array<i32>} : memref<8x3968xf32, #tpu.memory_space<vmem>>, vector<1x16xf32>,
        %get3A_361 = vector.shape_cast %get3A_360 : vector<1x16xf32> to vector<16xf32>
        %exp3A_362 = math.exp %get3A_361 : vector<16xf32>
        %add3A_363 = arith.addf %add3A_327, %exp3A_362 : vector<16xf32>
        %add3A_364 = arith.constant 96 : i32
        %add3A_365 = arith.addi %mul3A_311, %add3A_364 : i32
        %get3A_366 = arith.constant 1 : i32
        %get3A_367 = arith.index_cast %get3A_366 : i32 to index
        %get3A_368 = arith.index_cast %add3A_365 : i32 to index
        %get3A_369 = tpu.vector_load %arg4[%get3A_367, %get3A_368] {strides = array<i32>} : memref<8x3968xf32, #tpu.memory_space<vmem>>, vector<1x16xf32>,
        %get3A_370 = vector.shape_cast %get3A_369 : vector<1x16xf32> to vector<16xf32>
        %exp3A_371 = math.exp %get3A_370 : vector<16xf32>
        %add3A_372 = arith.addf %add3A_336, %exp3A_371 : vector<16xf32>
        %add3A_373 = arith.constant 112 : i32
        %add3A_374 = arith.addi %mul3A_311, %add3A_373 : i32
        %get3A_375 = arith.constant 1 : i32
        %get3A_376 = arith.index_cast %get3A_375 : i32 to index
        %get3A_377 = arith.index_cast %add3A_374 : i32 to index
        %get3A_378 = tpu.vector_load %arg4[%get3A_376, %get3A_377] {strides = array<i32>} : memref<8x3968xf32, #tpu.memory_space<vmem>>, vector<1x16xf32>,
        %get3A_379 = vector.shape_cast %get3A_378 : vector<1x16xf32> to vector<16xf32>
        %exp3A_380 = math.exp %get3A_379 : vector<16xf32>
        %add3A_381 = arith.addf %add3A_345, %exp3A_380 : vector<16xf32>
        scf.yield %add3A_354, %add3A_363, %add3A_372, %add3A_381 : vector<16xf32>, vector<16xf32>, vector<16xf32>, vector<16xf32>
      }
      %scan3A_150 = arith.constant 31 : i32
      %add3A_151 = arith.addf %scan3A_149#0, %scan3A_149#1 : vector<16xf32>
      %add3A_152 = arith.addf %scan3A_149#2, %scan3A_149#3 : vector<16xf32>
      %add3A_153 = arith.addf %add3A_151, %add3A_152 : vector<16xf32>
      %scan3A_154 = arith.constant 0 : i32
      %scan3A_155 = arith.constant 31 : i32
      %scan3A_156 = arith.addi %scan3A_154, %scan3A_155 : i32
      %scan3A_157 = arith.constant 1 : i32
      %scan3A_158:4 = scf.for %scan3A_305 = %scan3A_154 to %scan3A_156 step %scan3A_157 iter_args(%scan3A_306 = %scan3A_118, %scan3A_307 = %broadcast_in_dim3A_135, %scan3A_308 = %broadcast_in_dim3A_135, %scan3A_309 = %broadcast_in_dim3A_135) -> (vector<16xf32>, vector<16xf32>, vector<16xf32>, vector<16xf32>)  : i32 {
        %mul3A_310 = arith.constant 128 : i32
        %mul3A_311 = arith.muli %scan3A_305, %mul3A_310 : i32
        %add3A_312 = arith.constant 0 : i32
        %add3A_313 = arith.addi %mul3A_311, %add3A_312 : i32
        %get3A = arith.constant 2 : i32
        %get3A_314 = arith.index_cast %get3A : i32 to index
        %get3A_315 = arith.index_cast %add3A_313 : i32 to index
        %get3A_316 = tpu.vector_load %arg4[%get3A_314, %get3A_315] {strides = array<i32>} : memref<8x3968xf32, #tpu.memory_space<vmem>>, vector<1x16xf32>,
        %get3A_317 = vector.shape_cast %get3A_316 : vector<1x16xf32> to vector<16xf32>
        %exp3A = math.exp %get3A_317 : vector<16xf32>
        %add3A_318 = arith.addf %scan3A_306, %exp3A : vector<16xf32>
        %add3A_319 = arith.constant 16 : i32
        %add3A_320 = arith.addi %mul3A_311, %add3A_319 : i32
        %get3A_321 = arith.constant 2 : i32
        %get3A_322 = arith.index_cast %get3A_321 : i32 to index
        %get3A_323 = arith.index_cast %add3A_320 : i32 to index
        %get3A_324 = tpu.vector_load %arg4[%get3A_322, %get3A_323] {strides = array<i32>} : memref<8x3968xf32, #tpu.memory_space<vmem>>, vector<1x16xf32>,
        %get3A_325 = vector.shape_cast %get3A_324 : vector<1x16xf32> to vector<16xf32>
        %exp3A_326 = math.exp %get3A_325 : vector<16xf32>
        %add3A_327 = arith.addf %scan3A_307, %exp3A_326 : vector<16xf32>
        %add3A_328 = arith.constant 32 : i32
        %add3A_329 = arith.addi %mul3A_311, %add3A_328 : i32
        %get3A_330 = arith.constant 2 : i32
        %get3A_331 = arith.index_cast %get3A_330 : i32 to index
        %get3A_332 = arith.index_cast %add3A_329 : i32 to index
        %get3A_333 = tpu.vector_load %arg4[%get3A_331, %get3A_332] {strides = array<i32>} : memref<8x3968xf32, #tpu.memory_space<vmem>>, vector<1x16xf32>,
        %get3A_334 = vector.shape_cast %get3A_333 : vector<1x16xf32> to vector<16xf32>
        %exp3A_335 = math.exp %get3A_334 : vector<16xf32>
        %add3A_336 = arith.addf %scan3A_308, %exp3A_335 : vector<16xf32>
        %add3A_337 = arith.constant 48 : i32
        %add3A_338 = arith.addi %mul3A_311, %add3A_337 : i32
        %get3A_339 = arith.constant 2 : i32
        %get3A_340 = arith.index_cast %get3A_339 : i32 to index
        %get3A_341 = arith.index_cast %add3A_338 : i32 to index
        %get3A_342 = tpu.vector_load %arg4[%get3A_340, %get3A_341] {strides = array<i32>} : memref<8x3968xf32, #tpu.memory_space<vmem>>, vector<1x16xf32>,
        %get3A_343 = vector.shape_cast %get3A_342 : vector<1x16xf32> to vector<16xf32>
        %exp3A_344 = math.exp %get3A_343 : vector<16xf32>
        %add3A_345 = arith.addf %scan3A_309, %exp3A_344 : vector<16xf32>
        %add3A_346 = arith.constant 64 : i32
        %add3A_347 = arith.addi %mul3A_311, %add3A_346 : i32
        %get3A_348 = arith.constant 2 : i32
        %get3A_349 = arith.index_cast %get3A_348 : i32 to index
        %get3A_350 = arith.index_cast %add3A_347 : i32 to index
        %get3A_351 = tpu.vector_load %arg4[%get3A_349, %get3A_350] {strides = array<i32>} : memref<8x3968xf32, #tpu.memory_space<vmem>>, vector<1x16xf32>,
        %get3A_352 = vector.shape_cast %get3A_351 : vector<1x16xf32> to vector<16xf32>
        %exp3A_353 = math.exp %get3A_352 : vector<16xf32>
        %add3A_354 = arith.addf %add3A_318, %exp3A_353 : vector<16xf32>
        %add3A_355 = arith.constant 80 : i32
        %add3A_356 = arith.addi %mul3A_311, %add3A_355 : i32
        %get3A_357 = arith.constant 2 : i32
        %get3A_358 = arith.index_cast %get3A_357 : i32 to index
        %get3A_359 = arith.index_cast %add3A_356 : i32 to index
        %get3A_360 = tpu.vector_load %arg4[%get3A_358, %get3A_359] {strides = array<i32>} : memref<8x3968xf32, #tpu.memory_space<vmem>>, vector<1x16xf32>,
        %get3A_361 = vector.shape_cast %get3A_360 : vector<1x16xf32> to vector<16xf32>
        %exp3A_362 = math.exp %get3A_361 : vector<16xf32>
        %add3A_363 = arith.addf %add3A_327, %exp3A_362 : vector<16xf32>
        %add3A_364 = arith.constant 96 : i32
        %add3A_365 = arith.addi %mul3A_311, %add3A_364 : i32
        %get3A_366 = arith.constant 2 : i32
        %get3A_367 = arith.index_cast %get3A_366 : i32 to index
        %get3A_368 = arith.index_cast %add3A_365 : i32 to index
        %get3A_369 = tpu.vector_load %arg4[%get3A_367, %get3A_368] {strides = array<i32>} : memref<8x3968xf32, #tpu.memory_space<vmem>>, vector<1x16xf32>,
        %get3A_370 = vector.shape_cast %get3A_369 : vector<1x16xf32> to vector<16xf32>
        %exp3A_371 = math.exp %get3A_370 : vector<16xf32>
        %add3A_372 = arith.addf %add3A_336, %exp3A_371 : vector<16xf32>
        %add3A_373 = arith.constant 112 : i32
        %add3A_374 = arith.addi %mul3A_311, %add3A_373 : i32
        %get3A_375 = arith.constant 2 : i32
        %get3A_376 = arith.index_cast %get3A_375 : i32 to index
        %get3A_377 = arith.index_cast %add3A_374 : i32 to index
        %get3A_378 = tpu.vector_load %arg4[%get3A_376, %get3A_377] {strides = array<i32>} : memref<8x3968xf32, #tpu.memory_space<vmem>>, vector<1x16xf32>,
        %get3A_379 = vector.shape_cast %get3A_378 : vector<1x16xf32> to vector<16xf32>
        %exp3A_380 = math.exp %get3A_379 : vector<16xf32>
        %add3A_381 = arith.addf %add3A_345, %exp3A_380 : vector<16xf32>
        scf.yield %add3A_354, %add3A_363, %add3A_372, %add3A_381 : vector<16xf32>, vector<16xf32>, vector<16xf32>, vector<16xf32>
      }
      %scan3A_159 = arith.constant 31 : i32
      %add3A_160 = arith.addf %scan3A_158#0, %scan3A_158#1 : vector<16xf32>
      %add3A_161 = arith.addf %scan3A_158#2, %scan3A_158#3 : vector<16xf32>
      %add3A_162 = arith.addf %add3A_160, %add3A_161 : vector<16xf32>
      %scan3A_163 = arith.constant 0 : i32
      %scan3A_164 = arith.constant 31 : i32
      %scan3A_165 = arith.addi %scan3A_163, %scan3A_164 : i32
      %scan3A_166 = arith.constant 1 : i32
      %scan3A_167:4 = scf.for %scan3A_305 = %scan3A_163 to %scan3A_165 step %scan3A_166 iter_args(%scan3A_306 = %scan3A_119, %scan3A_307 = %broadcast_in_dim3A_135, %scan3A_308 = %broadcast_in_dim3A_135, %scan3A_309 = %broadcast_in_dim3A_135) -> (vector<16xf32>, vector<16xf32>, vector<16xf32>, vector<16xf32>)  : i32 {
        %mul3A_310 = arith.constant 128 : i32
        %mul3A_311 = arith.muli %scan3A_305, %mul3A_310 : i32
        %add3A_312 = arith.constant 0 : i32
        %add3A_313 = arith.addi %mul3A_311, %add3A_312 : i32
        %get3A = arith.constant 3 : i32
        %get3A_314 = arith.index_cast %get3A : i32 to index
        %get3A_315 = arith.index_cast %add3A_313 : i32 to index
        %get3A_316 = tpu.vector_load %arg4[%get3A_314, %get3A_315] {strides = array<i32>} : memref<8x3968xf32, #tpu.memory_space<vmem>>, vector<1x16xf32>,
        %get3A_317 = vector.shape_cast %get3A_316 : vector<1x16xf32> to vector<16xf32>
        %exp3A = math.exp %get3A_317 : vector<16xf32>
        %add3A_318 = arith.addf %scan3A_306, %exp3A : vector<16xf32>
        %add3A_319 = arith.constant 16 : i32
        %add3A_320 = arith.addi %mul3A_311, %add3A_319 : i32
        %get3A_321 = arith.constant 3 : i32
        %get3A_322 = arith.index_cast %get3A_321 : i32 to index
        %get3A_323 = arith.index_cast %add3A_320 : i32 to index
        %get3A_324 = tpu.vector_load %arg4[%get3A_322, %get3A_323] {strides = array<i32>} : memref<8x3968xf32, #tpu.memory_space<vmem>>, vector<1x16xf32>,
        %get3A_325 = vector.shape_cast %get3A_324 : vector<1x16xf32> to vector<16xf32>
        %exp3A_326 = math.exp %get3A_325 : vector<16xf32>
        %add3A_327 = arith.addf %scan3A_307, %exp3A_326 : vector<16xf32>
        %add3A_328 = arith.constant 32 : i32
        %add3A_329 = arith.addi %mul3A_311, %add3A_328 : i32
        %get3A_330 = arith.constant 3 : i32
        %get3A_331 = arith.index_cast %get3A_330 : i32 to index
        %get3A_332 = arith.index_cast %add3A_329 : i32 to index
        %get3A_333 = tpu.vector_load %arg4[%get3A_331, %get3A_332] {strides = array<i32>} : memref<8x3968xf32, #tpu.memory_space<vmem>>, vector<1x16xf32>,
        %get3A_334 = vector.shape_cast %get3A_333 : vector<1x16xf32> to vector<16xf32>
        %exp3A_335 = math.exp %get3A_334 : vector<16xf32>
        %add3A_336 = arith.addf %scan3A_308, %exp3A_335 : vector<16xf32>
        %add3A_337 = arith.constant 48 : i32
        %add3A_338 = arith.addi %mul3A_311, %add3A_337 : i32
        %get3A_339 = arith.constant 3 : i32
        %get3A_340 = arith.index_cast %get3A_339 : i32 to index
        %get3A_341 = arith.index_cast %add3A_338 : i32 to index
        %get3A_342 = tpu.vector_load %arg4[%get3A_340, %get3A_341] {strides = array<i32>} : memref<8x3968xf32, #tpu.memory_space<vmem>>, vector<1x16xf32>,
        %get3A_343 = vector.shape_cast %get3A_342 : vector<1x16xf32> to vector<16xf32>
        %exp3A_344 = math.exp %get3A_343 : vector<16xf32>
        %add3A_345 = arith.addf %scan3A_309, %exp3A_344 : vector<16xf32>
        %add3A_346 = arith.constant 64 : i32
        %add3A_347 = arith.addi %mul3A_311, %add3A_346 : i32
        %get3A_348 = arith.constant 3 : i32
        %get3A_349 = arith.index_cast %get3A_348 : i32 to index
        %get3A_350 = arith.index_cast %add3A_347 : i32 to index
        %get3A_351 = tpu.vector_load %arg4[%get3A_349, %get3A_350] {strides = array<i32>} : memref<8x3968xf32, #tpu.memory_space<vmem>>, vector<1x16xf32>,
        %get3A_352 = vector.shape_cast %get3A_351 : vector<1x16xf32> to vector<16xf32>
        %exp3A_353 = math.exp %get3A_352 : vector<16xf32>
        %add3A_354 = arith.addf %add3A_318, %exp3A_353 : vector<16xf32>
        %add3A_355 = arith.constant 80 : i32
        %add3A_356 = arith.addi %mul3A_311, %add3A_355 : i32
        %get3A_357 = arith.constant 3 : i32
        %get3A_358 = arith.index_cast %get3A_357 : i32 to index
        %get3A_359 = arith.index_cast %add3A_356 : i32 to index
        %get3A_360 = tpu.vector_load %arg4[%get3A_358, %get3A_359] {strides = array<i32>} : memref<8x3968xf32, #tpu.memory_space<vmem>>, vector<1x16xf32>,
        %get3A_361 = vector.shape_cast %get3A_360 : vector<1x16xf32> to vector<16xf32>
        %exp3A_362 = math.exp %get3A_361 : vector<16xf32>
        %add3A_363 = arith.addf %add3A_327, %exp3A_362 : vector<16xf32>
        %add3A_364 = arith.constant 96 : i32
        %add3A_365 = arith.addi %mul3A_311, %add3A_364 : i32
        %get3A_366 = arith.constant 3 : i32
        %get3A_367 = arith.index_cast %get3A_366 : i32 to index
        %get3A_368 = arith.index_cast %add3A_365 : i32 to index
        %get3A_369 = tpu.vector_load %arg4[%get3A_367, %get3A_368] {strides = array<i32>} : memref<8x3968xf32, #tpu.memory_space<vmem>>, vector<1x16xf32>,
        %get3A_370 = vector.shape_cast %get3A_369 : vector<1x16xf32> to vector<16xf32>
        %exp3A_371 = math.exp %get3A_370 : vector<16xf32>
        %add3A_372 = arith.addf %add3A_336, %exp3A_371 : vector<16xf32>
        %add3A_373 = arith.constant 112 : i32
        %add3A_374 = arith.addi %mul3A_311, %add3A_373 : i32
        %get3A_375 = arith.constant 3 : i32
        %get3A_376 = arith.index_cast %get3A_375 : i32 to index
        %get3A_377 = arith.index_cast %add3A_374 : i32 to index
        %get3A_378 = tpu.vector_load %arg4[%get3A_376, %get3A_377] {strides = array<i32>} : memref<8x3968xf32, #tpu.memory_space<vmem>>, vector<1x16xf32>,
        %get3A_379 = vector.shape_cast %get3A_378 : vector<1x16xf32> to vector<16xf32>
        %exp3A_380 = math.exp %get3A_379 : vector<16xf32>
        %add3A_381 = arith.addf %add3A_345, %exp3A_380 : vector<16xf32>
        scf.yield %add3A_354, %add3A_363, %add3A_372, %add3A_381 : vector<16xf32>, vector<16xf32>, vector<16xf32>, vector<16xf32>
      }
      %scan3A_168 = arith.constant 31 : i32
      %add3A_169 = arith.addf %scan3A_167#0, %scan3A_167#1 : vector<16xf32>
      %add3A_170 = arith.addf %scan3A_167#2, %scan3A_167#3 : vector<16xf32>
      %add3A_171 = arith.addf %add3A_169, %add3A_170 : vector<16xf32>
      %scan3A_172 = arith.constant 0 : i32
      %scan3A_173 = arith.constant 31 : i32
      %scan3A_174 = arith.addi %scan3A_172, %scan3A_173 : i32
      %scan3A_175 = arith.constant 1 : i32
      %scan3A_176:4 = scf.for %scan3A_305 = %scan3A_172 to %scan3A_174 step %scan3A_175 iter_args(%scan3A_306 = %scan3A_120, %scan3A_307 = %broadcast_in_dim3A_135, %scan3A_308 = %broadcast_in_dim3A_135, %scan3A_309 = %broadcast_in_dim3A_135) -> (vector<16xf32>, vector<16xf32>, vector<16xf32>, vector<16xf32>)  : i32 {
        %mul3A_310 = arith.constant 128 : i32
        %mul3A_311 = arith.muli %scan3A_305, %mul3A_310 : i32
        %add3A_312 = arith.constant 0 : i32
        %add3A_313 = arith.addi %mul3A_311, %add3A_312 : i32
        %get3A = arith.constant 4 : i32
        %get3A_314 = arith.index_cast %get3A : i32 to index
        %get3A_315 = arith.index_cast %add3A_313 : i32 to index
        %get3A_316 = tpu.vector_load %arg4[%get3A_314, %get3A_315] {strides = array<i32>} : memref<8x3968xf32, #tpu.memory_space<vmem>>, vector<1x16xf32>,
        %get3A_317 = vector.shape_cast %get3A_316 : vector<1x16xf32> to vector<16xf32>
        %exp3A = math.exp %get3A_317 : vector<16xf32>
        %add3A_318 = arith.addf %scan3A_306, %exp3A : vector<16xf32>
        %add3A_319 = arith.constant 16 : i32
        %add3A_320 = arith.addi %mul3A_311, %add3A_319 : i32
        %get3A_321 = arith.constant 4 : i32
        %get3A_322 = arith.index_cast %get3A_321 : i32 to index
        %get3A_323 = arith.index_cast %add3A_320 : i32 to index
        %get3A_324 = tpu.vector_load %arg4[%get3A_322, %get3A_323] {strides = array<i32>} : memref<8x3968xf32, #tpu.memory_space<vmem>>, vector<1x16xf32>,
        %get3A_325 = vector.shape_cast %get3A_324 : vector<1x16xf32> to vector<16xf32>
        %exp3A_326 = math.exp %get3A_325 : vector<16xf32>
        %add3A_327 = arith.addf %scan3A_307, %exp3A_326 : vector<16xf32>
        %add3A_328 = arith.constant 32 : i32
        %add3A_329 = arith.addi %mul3A_311, %add3A_328 : i32
        %get3A_330 = arith.constant 4 : i32
        %get3A_331 = arith.index_cast %get3A_330 : i32 to index
        %get3A_332 = arith.index_cast %add3A_329 : i32 to index
        %get3A_333 = tpu.vector_load %arg4[%get3A_331, %get3A_332] {strides = array<i32>} : memref<8x3968xf32, #tpu.memory_space<vmem>>, vector<1x16xf32>,
        %get3A_334 = vector.shape_cast %get3A_333 : vector<1x16xf32> to vector<16xf32>
        %exp3A_335 = math.exp %get3A_334 : vector<16xf32>
        %add3A_336 = arith.addf %scan3A_308, %exp3A_335 : vector<16xf32>
        %add3A_337 = arith.constant 48 : i32
        %add3A_338 = arith.addi %mul3A_311, %add3A_337 : i32
        %get3A_339 = arith.constant 4 : i32
        %get3A_340 = arith.index_cast %get3A_339 : i32 to index
        %get3A_341 = arith.index_cast %add3A_338 : i32 to index
        %get3A_342 = tpu.vector_load %arg4[%get3A_340, %get3A_341] {strides = array<i32>} : memref<8x3968xf32, #tpu.memory_space<vmem>>, vector<1x16xf32>,
        %get3A_343 = vector.shape_cast %get3A_342 : vector<1x16xf32> to vector<16xf32>
        %exp3A_344 = math.exp %get3A_343 : vector<16xf32>
        %add3A_345 = arith.addf %scan3A_309, %exp3A_344 : vector<16xf32>
        %add3A_346 = arith.constant 64 : i32
        %add3A_347 = arith.addi %mul3A_311, %add3A_346 : i32
        %get3A_348 = arith.constant 4 : i32
        %get3A_349 = arith.index_cast %get3A_348 : i32 to index
        %get3A_350 = arith.index_cast %add3A_347 : i32 to index
        %get3A_351 = tpu.vector_load %arg4[%get3A_349, %get3A_350] {strides = array<i32>} : memref<8x3968xf32, #tpu.memory_space<vmem>>, vector<1x16xf32>,
        %get3A_352 = vector.shape_cast %get3A_351 : vector<1x16xf32> to vector<16xf32>
        %exp3A_353 = math.exp %get3A_352 : vector<16xf32>
        %add3A_354 = arith.addf %add3A_318, %exp3A_353 : vector<16xf32>
        %add3A_355 = arith.constant 80 : i32
        %add3A_356 = arith.addi %mul3A_311, %add3A_355 : i32
        %get3A_357 = arith.constant 4 : i32
        %get3A_358 = arith.index_cast %get3A_357 : i32 to index
        %get3A_359 = arith.index_cast %add3A_356 : i32 to index
        %get3A_360 = tpu.vector_load %arg4[%get3A_358, %get3A_359] {strides = array<i32>} : memref<8x3968xf32, #tpu.memory_space<vmem>>, vector<1x16xf32>,
        %get3A_361 = vector.shape_cast %get3A_360 : vector<1x16xf32> to vector<16xf32>
        %exp3A_362 = math.exp %get3A_361 : vector<16xf32>
        %add3A_363 = arith.addf %add3A_327, %exp3A_362 : vector<16xf32>
        %add3A_364 = arith.constant 96 : i32
        %add3A_365 = arith.addi %mul3A_311, %add3A_364 : i32
        %get3A_366 = arith.constant 4 : i32
        %get3A_367 = arith.index_cast %get3A_366 : i32 to index
        %get3A_368 = arith.index_cast %add3A_365 : i32 to index
        %get3A_369 = tpu.vector_load %arg4[%get3A_367, %get3A_368] {strides = array<i32>} : memref<8x3968xf32, #tpu.memory_space<vmem>>, vector<1x16xf32>,
        %get3A_370 = vector.shape_cast %get3A_369 : vector<1x16xf32> to vector<16xf32>
        %exp3A_371 = math.exp %get3A_370 : vector<16xf32>
        %add3A_372 = arith.addf %add3A_336, %exp3A_371 : vector<16xf32>
        %add3A_373 = arith.constant 112 : i32
        %add3A_374 = arith.addi %mul3A_311, %add3A_373 : i32
        %get3A_375 = arith.constant 4 : i32
        %get3A_376 = arith.index_cast %get3A_375 : i32 to index
        %get3A_377 = arith.index_cast %add3A_374 : i32 to index
        %get3A_378 = tpu.vector_load %arg4[%get3A_376, %get3A_377] {strides = array<i32>} : memref<8x3968xf32, #tpu.memory_space<vmem>>, vector<1x16xf32>,
        %get3A_379 = vector.shape_cast %get3A_378 : vector<1x16xf32> to vector<16xf32>
        %exp3A_380 = math.exp %get3A_379 : vector<16xf32>
        %add3A_381 = arith.addf %add3A_345, %exp3A_380 : vector<16xf32>
        scf.yield %add3A_354, %add3A_363, %add3A_372, %add3A_381 : vector<16xf32>, vector<16xf32>, vector<16xf32>, vector<16xf32>
      }
      %scan3A_177 = arith.constant 31 : i32
      %add3A_178 = arith.addf %scan3A_176#0, %scan3A_176#1 : vector<16xf32>
      %add3A_179 = arith.addf %scan3A_176#2, %scan3A_176#3 : vector<16xf32>
      %add3A_180 = arith.addf %add3A_178, %add3A_179 : vector<16xf32>
      %scan3A_181 = arith.constant 0 : i32
      %scan3A_182 = arith.constant 31 : i32
      %scan3A_183 = arith.addi %scan3A_181, %scan3A_182 : i32
      %scan3A_184 = arith.constant 1 : i32
      %scan3A_185:4 = scf.for %scan3A_305 = %scan3A_181 to %scan3A_183 step %scan3A_184 iter_args(%scan3A_306 = %scan3A_121, %scan3A_307 = %broadcast_in_dim3A_135, %scan3A_308 = %broadcast_in_dim3A_135, %scan3A_309 = %broadcast_in_dim3A_135) -> (vector<16xf32>, vector<16xf32>, vector<16xf32>, vector<16xf32>)  : i32 {
        %mul3A_310 = arith.constant 128 : i32
        %mul3A_311 = arith.muli %scan3A_305, %mul3A_310 : i32
        %add3A_312 = arith.constant 0 : i32
        %add3A_313 = arith.addi %mul3A_311, %add3A_312 : i32
        %get3A = arith.constant 5 : i32
        %get3A_314 = arith.index_cast %get3A : i32 to index
        %get3A_315 = arith.index_cast %add3A_313 : i32 to index
        %get3A_316 = tpu.vector_load %arg4[%get3A_314, %get3A_315] {strides = array<i32>} : memref<8x3968xf32, #tpu.memory_space<vmem>>, vector<1x16xf32>,
        %get3A_317 = vector.shape_cast %get3A_316 : vector<1x16xf32> to vector<16xf32>
        %exp3A = math.exp %get3A_317 : vector<16xf32>
        %add3A_318 = arith.addf %scan3A_306, %exp3A : vector<16xf32>
        %add3A_319 = arith.constant 16 : i32
        %add3A_320 = arith.addi %mul3A_311, %add3A_319 : i32
        %get3A_321 = arith.constant 5 : i32
        %get3A_322 = arith.index_cast %get3A_321 : i32 to index
        %get3A_323 = arith.index_cast %add3A_320 : i32 to index
        %get3A_324 = tpu.vector_load %arg4[%get3A_322, %get3A_323] {strides = array<i32>} : memref<8x3968xf32, #tpu.memory_space<vmem>>, vector<1x16xf32>,
        %get3A_325 = vector.shape_cast %get3A_324 : vector<1x16xf32> to vector<16xf32>
        %exp3A_326 = math.exp %get3A_325 : vector<16xf32>
        %add3A_327 = arith.addf %scan3A_307, %exp3A_326 : vector<16xf32>
        %add3A_328 = arith.constant 32 : i32
        %add3A_329 = arith.addi %mul3A_311, %add3A_328 : i32
        %get3A_330 = arith.constant 5 : i32
        %get3A_331 = arith.index_cast %get3A_330 : i32 to index
        %get3A_332 = arith.index_cast %add3A_329 : i32 to index
        %get3A_333 = tpu.vector_load %arg4[%get3A_331, %get3A_332] {strides = array<i32>} : memref<8x3968xf32, #tpu.memory_space<vmem>>, vector<1x16xf32>,
        %get3A_334 = vector.shape_cast %get3A_333 : vector<1x16xf32> to vector<16xf32>
        %exp3A_335 = math.exp %get3A_334 : vector<16xf32>
        %add3A_336 = arith.addf %scan3A_308, %exp3A_335 : vector<16xf32>
        %add3A_337 = arith.constant 48 : i32
        %add3A_338 = arith.addi %mul3A_311, %add3A_337 : i32
        %get3A_339 = arith.constant 5 : i32
        %get3A_340 = arith.index_cast %get3A_339 : i32 to index
        %get3A_341 = arith.index_cast %add3A_338 : i32 to index
        %get3A_342 = tpu.vector_load %arg4[%get3A_340, %get3A_341] {strides = array<i32>} : memref<8x3968xf32, #tpu.memory_space<vmem>>, vector<1x16xf32>,
        %get3A_343 = vector.shape_cast %get3A_342 : vector<1x16xf32> to vector<16xf32>
        %exp3A_344 = math.exp %get3A_343 : vector<16xf32>
        %add3A_345 = arith.addf %scan3A_309, %exp3A_344 : vector<16xf32>
        %add3A_346 = arith.constant 64 : i32
        %add3A_347 = arith.addi %mul3A_311, %add3A_346 : i32
        %get3A_348 = arith.constant 5 : i32
        %get3A_349 = arith.index_cast %get3A_348 : i32 to index
        %get3A_350 = arith.index_cast %add3A_347 : i32 to index
        %get3A_351 = tpu.vector_load %arg4[%get3A_349, %get3A_350] {strides = array<i32>} : memref<8x3968xf32, #tpu.memory_space<vmem>>, vector<1x16xf32>,
        %get3A_352 = vector.shape_cast %get3A_351 : vector<1x16xf32> to vector<16xf32>
        %exp3A_353 = math.exp %get3A_352 : vector<16xf32>
        %add3A_354 = arith.addf %add3A_318, %exp3A_353 : vector<16xf32>
        %add3A_355 = arith.constant 80 : i32
        %add3A_356 = arith.addi %mul3A_311, %add3A_355 : i32
        %get3A_357 = arith.constant 5 : i32
        %get3A_358 = arith.index_cast %get3A_357 : i32 to index
        %get3A_359 = arith.index_cast %add3A_356 : i32 to index
        %get3A_360 = tpu.vector_load %arg4[%get3A_358, %get3A_359] {strides = array<i32>} : memref<8x3968xf32, #tpu.memory_space<vmem>>, vector<1x16xf32>,
        %get3A_361 = vector.shape_cast %get3A_360 : vector<1x16xf32> to vector<16xf32>
        %exp3A_362 = math.exp %get3A_361 : vector<16xf32>
        %add3A_363 = arith.addf %add3A_327, %exp3A_362 : vector<16xf32>
        %add3A_364 = arith.constant 96 : i32
        %add3A_365 = arith.addi %mul3A_311, %add3A_364 : i32
        %get3A_366 = arith.constant 5 : i32
        %get3A_367 = arith.index_cast %get3A_366 : i32 to index
        %get3A_368 = arith.index_cast %add3A_365 : i32 to index
        %get3A_369 = tpu.vector_load %arg4[%get3A_367, %get3A_368] {strides = array<i32>} : memref<8x3968xf32, #tpu.memory_space<vmem>>, vector<1x16xf32>,
        %get3A_370 = vector.shape_cast %get3A_369 : vector<1x16xf32> to vector<16xf32>
        %exp3A_371 = math.exp %get3A_370 : vector<16xf32>
        %add3A_372 = arith.addf %add3A_336, %exp3A_371 : vector<16xf32>
        %add3A_373 = arith.constant 112 : i32
        %add3A_374 = arith.addi %mul3A_311, %add3A_373 : i32
        %get3A_375 = arith.constant 5 : i32
        %get3A_376 = arith.index_cast %get3A_375 : i32 to index
        %get3A_377 = arith.index_cast %add3A_374 : i32 to index
        %get3A_378 = tpu.vector_load %arg4[%get3A_376, %get3A_377] {strides = array<i32>} : memref<8x3968xf32, #tpu.memory_space<vmem>>, vector<1x16xf32>,
        %get3A_379 = vector.shape_cast %get3A_378 : vector<1x16xf32> to vector<16xf32>
        %exp3A_380 = math.exp %get3A_379 : vector<16xf32>
        %add3A_381 = arith.addf %add3A_345, %exp3A_380 : vector<16xf32>
        scf.yield %add3A_354, %add3A_363, %add3A_372, %add3A_381 : vector<16xf32>, vector<16xf32>, vector<16xf32>, vector<16xf32>
      }
      %scan3A_186 = arith.constant 31 : i32
      %add3A_187 = arith.addf %scan3A_185#0, %scan3A_185#1 : vector<16xf32>
      %add3A_188 = arith.addf %scan3A_185#2, %scan3A_185#3 : vector<16xf32>
      %add3A_189 = arith.addf %add3A_187, %add3A_188 : vector<16xf32>
      %scan3A_190 = arith.constant 0 : i32
      %scan3A_191 = arith.constant 31 : i32
      %scan3A_192 = arith.addi %scan3A_190, %scan3A_191 : i32
      %scan3A_193 = arith.constant 1 : i32
      %scan3A_194:4 = scf.for %scan3A_305 = %scan3A_190 to %scan3A_192 step %scan3A_193 iter_args(%scan3A_306 = %scan3A_122, %scan3A_307 = %broadcast_in_dim3A_135, %scan3A_308 = %broadcast_in_dim3A_135, %scan3A_309 = %broadcast_in_dim3A_135) -> (vector<16xf32>, vector<16xf32>, vector<16xf32>, vector<16xf32>)  : i32 {
        %mul3A_310 = arith.constant 128 : i32
        %mul3A_311 = arith.muli %scan3A_305, %mul3A_310 : i32
        %add3A_312 = arith.constant 0 : i32
        %add3A_313 = arith.addi %mul3A_311, %add3A_312 : i32
        %get3A = arith.constant 6 : i32
        %get3A_314 = arith.index_cast %get3A : i32 to index
        %get3A_315 = arith.index_cast %add3A_313 : i32 to index
        %get3A_316 = tpu.vector_load %arg4[%get3A_314, %get3A_315] {strides = array<i32>} : memref<8x3968xf32, #tpu.memory_space<vmem>>, vector<1x16xf32>,
        %get3A_317 = vector.shape_cast %get3A_316 : vector<1x16xf32> to vector<16xf32>
        %exp3A = math.exp %get3A_317 : vector<16xf32>
        %add3A_318 = arith.addf %scan3A_306, %exp3A : vector<16xf32>
        %add3A_319 = arith.constant 16 : i32
        %add3A_320 = arith.addi %mul3A_311, %add3A_319 : i32
        %get3A_321 = arith.constant 6 : i32
        %get3A_322 = arith.index_cast %get3A_321 : i32 to index
        %get3A_323 = arith.index_cast %add3A_320 : i32 to index
        %get3A_324 = tpu.vector_load %arg4[%get3A_322, %get3A_323] {strides = array<i32>} : memref<8x3968xf32, #tpu.memory_space<vmem>>, vector<1x16xf32>,
        %get3A_325 = vector.shape_cast %get3A_324 : vector<1x16xf32> to vector<16xf32>
        %exp3A_326 = math.exp %get3A_325 : vector<16xf32>
        %add3A_327 = arith.addf %scan3A_307, %exp3A_326 : vector<16xf32>
        %add3A_328 = arith.constant 32 : i32
        %add3A_329 = arith.addi %mul3A_311, %add3A_328 : i32
        %get3A_330 = arith.constant 6 : i32
        %get3A_331 = arith.index_cast %get3A_330 : i32 to index
        %get3A_332 = arith.index_cast %add3A_329 : i32 to index
        %get3A_333 = tpu.vector_load %arg4[%get3A_331, %get3A_332] {strides = array<i32>} : memref<8x3968xf32, #tpu.memory_space<vmem>>, vector<1x16xf32>,
        %get3A_334 = vector.shape_cast %get3A_333 : vector<1x16xf32> to vector<16xf32>
        %exp3A_335 = math.exp %get3A_334 : vector<16xf32>
        %add3A_336 = arith.addf %scan3A_308, %exp3A_335 : vector<16xf32>
        %add3A_337 = arith.constant 48 : i32
        %add3A_338 = arith.addi %mul3A_311, %add3A_337 : i32
        %get3A_339 = arith.constant 6 : i32
        %get3A_340 = arith.index_cast %get3A_339 : i32 to index
        %get3A_341 = arith.index_cast %add3A_338 : i32 to index
        %get3A_342 = tpu.vector_load %arg4[%get3A_340, %get3A_341] {strides = array<i32>} : memref<8x3968xf32, #tpu.memory_space<vmem>>, vector<1x16xf32>,
        %get3A_343 = vector.shape_cast %get3A_342 : vector<1x16xf32> to vector<16xf32>
        %exp3A_344 = math.exp %get3A_343 : vector<16xf32>
        %add3A_345 = arith.addf %scan3A_309, %exp3A_344 : vector<16xf32>
        %add3A_346 = arith.constant 64 : i32
        %add3A_347 = arith.addi %mul3A_311, %add3A_346 : i32
        %get3A_348 = arith.constant 6 : i32
        %get3A_349 = arith.index_cast %get3A_348 : i32 to index
        %get3A_350 = arith.index_cast %add3A_347 : i32 to index
        %get3A_351 = tpu.vector_load %arg4[%get3A_349, %get3A_350] {strides = array<i32>} : memref<8x3968xf32, #tpu.memory_space<vmem>>, vector<1x16xf32>,
        %get3A_352 = vector.shape_cast %get3A_351 : vector<1x16xf32> to vector<16xf32>
        %exp3A_353 = math.exp %get3A_352 : vector<16xf32>
        %add3A_354 = arith.addf %add3A_318, %exp3A_353 : vector<16xf32>
        %add3A_355 = arith.constant 80 : i32
        %add3A_356 = arith.addi %mul3A_311, %add3A_355 : i32
        %get3A_357 = arith.constant 6 : i32
        %get3A_358 = arith.index_cast %get3A_357 : i32 to index
        %get3A_359 = arith.index_cast %add3A_356 : i32 to index
        %get3A_360 = tpu.vector_load %arg4[%get3A_358, %get3A_359] {strides = array<i32>} : memref<8x3968xf32, #tpu.memory_space<vmem>>, vector<1x16xf32>,
        %get3A_361 = vector.shape_cast %get3A_360 : vector<1x16xf32> to vector<16xf32>
        %exp3A_362 = math.exp %get3A_361 : vector<16xf32>
        %add3A_363 = arith.addf %add3A_327, %exp3A_362 : vector<16xf32>
        %add3A_364 = arith.constant 96 : i32
        %add3A_365 = arith.addi %mul3A_311, %add3A_364 : i32
        %get3A_366 = arith.constant 6 : i32
        %get3A_367 = arith.index_cast %get3A_366 : i32 to index
        %get3A_368 = arith.index_cast %add3A_365 : i32 to index
        %get3A_369 = tpu.vector_load %arg4[%get3A_367, %get3A_368] {strides = array<i32>} : memref<8x3968xf32, #tpu.memory_space<vmem>>, vector<1x16xf32>,
        %get3A_370 = vector.shape_cast %get3A_369 : vector<1x16xf32> to vector<16xf32>
        %exp3A_371 = math.exp %get3A_370 : vector<16xf32>
        %add3A_372 = arith.addf %add3A_336, %exp3A_371 : vector<16xf32>
        %add3A_373 = arith.constant 112 : i32
        %add3A_374 = arith.addi %mul3A_311, %add3A_373 : i32
        %get3A_375 = arith.constant 6 : i32
        %get3A_376 = arith.index_cast %get3A_375 : i32 to index
        %get3A_377 = arith.index_cast %add3A_374 : i32 to index
        %get3A_378 = tpu.vector_load %arg4[%get3A_376, %get3A_377] {strides = array<i32>} : memref<8x3968xf32, #tpu.memory_space<vmem>>, vector<1x16xf32>,
        %get3A_379 = vector.shape_cast %get3A_378 : vector<1x16xf32> to vector<16xf32>
        %exp3A_380 = math.exp %get3A_379 : vector<16xf32>
        %add3A_381 = arith.addf %add3A_345, %exp3A_380 : vector<16xf32>
        scf.yield %add3A_354, %add3A_363, %add3A_372, %add3A_381 : vector<16xf32>, vector<16xf32>, vector<16xf32>, vector<16xf32>
      }
      %scan3A_195 = arith.constant 31 : i32
      %add3A_196 = arith.addf %scan3A_194#0, %scan3A_194#1 : vector<16xf32>
      %add3A_197 = arith.addf %scan3A_194#2, %scan3A_194#3 : vector<16xf32>
      %add3A_198 = arith.addf %add3A_196, %add3A_197 : vector<16xf32>
      %scan3A_199 = arith.constant 0 : i32
      %scan3A_200 = arith.constant 31 : i32
      %scan3A_201 = arith.addi %scan3A_199, %scan3A_200 : i32
      %scan3A_202 = arith.constant 1 : i32
      %scan3A_203:4 = scf.for %scan3A_305 = %scan3A_199 to %scan3A_201 step %scan3A_202 iter_args(%scan3A_306 = %scan3A_123, %scan3A_307 = %broadcast_in_dim3A_135, %scan3A_308 = %broadcast_in_dim3A_135, %scan3A_309 = %broadcast_in_dim3A_135) -> (vector<16xf32>, vector<16xf32>, vector<16xf32>, vector<16xf32>)  : i32 {
        %mul3A_310 = arith.constant 128 : i32
        %mul3A_311 = arith.muli %scan3A_305, %mul3A_310 : i32
        %add3A_312 = arith.constant 0 : i32
        %add3A_313 = arith.addi %mul3A_311, %add3A_312 : i32
        %get3A = arith.constant 7 : i32
        %get3A_314 = arith.index_cast %get3A : i32 to index
        %get3A_315 = arith.index_cast %add3A_313 : i32 to index
        %get3A_316 = tpu.vector_load %arg4[%get3A_314, %get3A_315] {strides = array<i32>} : memref<8x3968xf32, #tpu.memory_space<vmem>>, vector<1x16xf32>,
        %get3A_317 = vector.shape_cast %get3A_316 : vector<1x16xf32> to vector<16xf32>
        %exp3A = math.exp %get3A_317 : vector<16xf32>
        %add3A_318 = arith.addf %scan3A_306, %exp3A : vector<16xf32>
        %add3A_319 = arith.constant 16 : i32
        %add3A_320 = arith.addi %mul3A_311, %add3A_319 : i32
        %get3A_321 = arith.constant 7 : i32
        %get3A_322 = arith.index_cast %get3A_321 : i32 to index
        %get3A_323 = arith.index_cast %add3A_320 : i32 to index
        %get3A_324 = tpu.vector_load %arg4[%get3A_322, %get3A_323] {strides = array<i32>} : memref<8x3968xf32, #tpu.memory_space<vmem>>, vector<1x16xf32>,
        %get3A_325 = vector.shape_cast %get3A_324 : vector<1x16xf32> to vector<16xf32>
        %exp3A_326 = math.exp %get3A_325 : vector<16xf32>
        %add3A_327 = arith.addf %scan3A_307, %exp3A_326 : vector<16xf32>
        %add3A_328 = arith.constant 32 : i32
        %add3A_329 = arith.addi %mul3A_311, %add3A_328 : i32
        %get3A_330 = arith.constant 7 : i32
        %get3A_331 = arith.index_cast %get3A_330 : i32 to index
        %get3A_332 = arith.index_cast %add3A_329 : i32 to index
        %get3A_333 = tpu.vector_load %arg4[%get3A_331, %get3A_332] {strides = array<i32>} : memref<8x3968xf32, #tpu.memory_space<vmem>>, vector<1x16xf32>,
        %get3A_334 = vector.shape_cast %get3A_333 : vector<1x16xf32> to vector<16xf32>
        %exp3A_335 = math.exp %get3A_334 : vector<16xf32>
        %add3A_336 = arith.addf %scan3A_308, %exp3A_335 : vector<16xf32>
        %add3A_337 = arith.constant 48 : i32
        %add3A_338 = arith.addi %mul3A_311, %add3A_337 : i32
        %get3A_339 = arith.constant 7 : i32
        %get3A_340 = arith.index_cast %get3A_339 : i32 to index
        %get3A_341 = arith.index_cast %add3A_338 : i32 to index
        %get3A_342 = tpu.vector_load %arg4[%get3A_340, %get3A_341] {strides = array<i32>} : memref<8x3968xf32, #tpu.memory_space<vmem>>, vector<1x16xf32>,
        %get3A_343 = vector.shape_cast %get3A_342 : vector<1x16xf32> to vector<16xf32>
        %exp3A_344 = math.exp %get3A_343 : vector<16xf32>
        %add3A_345 = arith.addf %scan3A_309, %exp3A_344 : vector<16xf32>
        %add3A_346 = arith.constant 64 : i32
        %add3A_347 = arith.addi %mul3A_311, %add3A_346 : i32
        %get3A_348 = arith.constant 7 : i32
        %get3A_349 = arith.index_cast %get3A_348 : i32 to index
        %get3A_350 = arith.index_cast %add3A_347 : i32 to index
        %get3A_351 = tpu.vector_load %arg4[%get3A_349, %get3A_350] {strides = array<i32>} : memref<8x3968xf32, #tpu.memory_space<vmem>>, vector<1x16xf32>,
        %get3A_352 = vector.shape_cast %get3A_351 : vector<1x16xf32> to vector<16xf32>
        %exp3A_353 = math.exp %get3A_352 : vector<16xf32>
        %add3A_354 = arith.addf %add3A_318, %exp3A_353 : vector<16xf32>
        %add3A_355 = arith.constant 80 : i32
        %add3A_356 = arith.addi %mul3A_311, %add3A_355 : i32
        %get3A_357 = arith.constant 7 : i32
        %get3A_358 = arith.index_cast %get3A_357 : i32 to index
        %get3A_359 = arith.index_cast %add3A_356 : i32 to index
        %get3A_360 = tpu.vector_load %arg4[%get3A_358, %get3A_359] {strides = array<i32>} : memref<8x3968xf32, #tpu.memory_space<vmem>>, vector<1x16xf32>,
        %get3A_361 = vector.shape_cast %get3A_360 : vector<1x16xf32> to vector<16xf32>
        %exp3A_362 = math.exp %get3A_361 : vector<16xf32>
        %add3A_363 = arith.addf %add3A_327, %exp3A_362 : vector<16xf32>
        %add3A_364 = arith.constant 96 : i32
        %add3A_365 = arith.addi %mul3A_311, %add3A_364 : i32
        %get3A_366 = arith.constant 7 : i32
        %get3A_367 = arith.index_cast %get3A_366 : i32 to index
        %get3A_368 = arith.index_cast %add3A_365 : i32 to index
        %get3A_369 = tpu.vector_load %arg4[%get3A_367, %get3A_368] {strides = array<i32>} : memref<8x3968xf32, #tpu.memory_space<vmem>>, vector<1x16xf32>,
        %get3A_370 = vector.shape_cast %get3A_369 : vector<1x16xf32> to vector<16xf32>
        %exp3A_371 = math.exp %get3A_370 : vector<16xf32>
        %add3A_372 = arith.addf %add3A_336, %exp3A_371 : vector<16xf32>
        %add3A_373 = arith.constant 112 : i32
        %add3A_374 = arith.addi %mul3A_311, %add3A_373 : i32
        %get3A_375 = arith.constant 7 : i32
        %get3A_376 = arith.index_cast %get3A_375 : i32 to index
        %get3A_377 = arith.index_cast %add3A_374 : i32 to index
        %get3A_378 = tpu.vector_load %arg4[%get3A_376, %get3A_377] {strides = array<i32>} : memref<8x3968xf32, #tpu.memory_space<vmem>>, vector<1x16xf32>,
        %get3A_379 = vector.shape_cast %get3A_378 : vector<1x16xf32> to vector<16xf32>
        %exp3A_380 = math.exp %get3A_379 : vector<16xf32>
        %add3A_381 = arith.addf %add3A_345, %exp3A_380 : vector<16xf32>
        scf.yield %add3A_354, %add3A_363, %add3A_372, %add3A_381 : vector<16xf32>, vector<16xf32>, vector<16xf32>, vector<16xf32>
      }
      %scan3A_204 = arith.constant 31 : i32
      %add3A_205 = arith.addf %scan3A_203#0, %scan3A_203#1 : vector<16xf32>
      %add3A_206 = arith.addf %scan3A_203#2, %scan3A_203#3 : vector<16xf32>
      %add3A_207 = arith.addf %add3A_205, %add3A_206 : vector<16xf32>
      %add3A_208 = arith.constant 2 : i32
      %add3A_209 = arith.addi %mul3A_125, %add3A_208 : i32
      %lt3A_210 = arith.constant 14 : i32
      %lt3A_211 = arith.cmpi slt, %add3A_209, %lt3A_210 : i32
      %convert_element_type3A = arith.extui %lt3A_211 : i1 to i32
      %cond3A = arith.constant 0 : i32
      %cond3A_212 = arith.cmpi ne, %convert_element_type3A, %cond3A : i32
      scf.if %cond3A_212 {
        %add3A_305 = arith.constant 2 : i32
        %add3A_306 = arith.addi %mul3A_125, %add3A_305 : i32
        %mul3A_307 = arith.constant 55552 : i32
        %mul3A_308 = arith.muli %select_n3A_30, %mul3A_307 : i32
        %add3A_309 = arith.constant 1555584 : i32
        %add3A_310 = arith.addi %add3A_309, %mul3A_308 : i32
        %mul3A_311 = arith.constant 3968 : i32
        %mul3A_312 = arith.muli %add3A_306, %mul3A_311 : i32
        %add3A_313 = arith.addi %add3A_310, %mul3A_312 : i32
        %dma_start3A_314 = tpu.memref_slice %arg2[%mul3A_32, %add3A_313] : memref<32x2000000xf32, #tpu.memory_space<hbm>> -> memref<8x3968xf32, #tpu.memory_space<hbm>>
        %dma_start3A_315 = tpu.memref_slice %arg2[%mul3A_32, %add3A_313] : memref<32x2000000xf32, #tpu.memory_space<hbm>> -> memref<8x3968xf32, #tpu.memory_space<hbm>>
        tpu.enqueue_dma source(%dma_start3A_315 : memref<8x3968xf32, #tpu.memory_space<hbm>>) target(%arg4 : memref<8x3968xf32, #tpu.memory_space<vmem>>) target_semaphore(%arg7 : memref<!tpu.dma_semaphore, #tpu.memory_space<semaphore_mem>>)
      } else {
      }
      %add3A_213 = arith.constant 1 : i32
      %add3A_214 = arith.addi %mul3A_125, %add3A_213 : i32
      %mul3A_215 = arith.constant 55552 : i32
      %mul3A_216 = arith.muli %select_n3A_30, %mul3A_215 : i32
      %add3A_217 = arith.constant 1555584 : i32
      %add3A_218 = arith.addi %add3A_217, %mul3A_216 : i32
      %mul3A_219 = arith.constant 3968 : i32
      %mul3A_220 = arith.muli %add3A_214, %mul3A_219 : i32
      %add3A_221 = arith.addi %add3A_218, %mul3A_220 : i32
      %dma_wait3A_222 = tpu.memref_slice %arg2[%mul3A_32, %add3A_221] : memref<32x2000000xf32, #tpu.memory_space<hbm>> -> memref<8x3968xf32, #tpu.memory_space<hbm>>
      %dma_wait3A_223 = tpu.memref_slice %arg2[%mul3A_32, %add3A_221] : memref<32x2000000xf32, #tpu.memory_space<hbm>> -> memref<8x3968xf32, #tpu.memory_space<hbm>>
      tpu.wait_dma2 semaphore(%arg8 : memref<!tpu.dma_semaphore, #tpu.memory_space<semaphore_mem>>) src(%dma_wait3A_223 : memref<8x3968xf32, #tpu.memory_space<hbm>>) dst(%arg5 : memref<8x3968xf32, #tpu.memory_space<vmem>>)
      %broadcast_in_dim3A_224 = arith.constant 0.000000e+00 : f32
      %broadcast_in_dim3A_225 = vector.broadcast %broadcast_in_dim3A_224 : f32 to vector<16xf32>
      %scan3A_226 = arith.constant 0 : i32
      %scan3A_227 = arith.constant 31 : i32
      %scan3A_228 = arith.addi %scan3A_226, %scan3A_227 : i32
      %scan3A_229 = arith.constant 1 : i32
      %scan3A_230:4 = scf.for %scan3A_305 = %scan3A_226 to %scan3A_228 step %scan3A_229 iter_args(%scan3A_306 = %add3A_144, %scan3A_307 = %broadcast_in_dim3A_225, %scan3A_308 = %broadcast_in_dim3A_225, %scan3A_309 = %broadcast_in_dim3A_225) -> (vector<16xf32>, vector<16xf32>, vector<16xf32>, vector<16xf32>)  : i32 {
        %mul3A_310 = arith.constant 128 : i32
        %mul3A_311 = arith.muli %scan3A_305, %mul3A_310 : i32
        %add3A_312 = arith.constant 0 : i32
        %add3A_313 = arith.addi %mul3A_311, %add3A_312 : i32
        %get3A = arith.constant 0 : i32
        %get3A_314 = arith.index_cast %get3A : i32 to index
        %get3A_315 = arith.index_cast %add3A_313 : i32 to index
        %get3A_316 = tpu.vector_load %arg5[%get3A_314, %get3A_315] {strides = array<i32>} : memref<8x3968xf32, #tpu.memory_space<vmem>>, vector<1x16xf32>,
        %get3A_317 = vector.shape_cast %get3A_316 : vector<1x16xf32> to vector<16xf32>
        %exp3A = math.exp %get3A_317 : vector<16xf32>
        %add3A_318 = arith.addf %scan3A_306, %exp3A : vector<16xf32>
        %add3A_319 = arith.constant 16 : i32
        %add3A_320 = arith.addi %mul3A_311, %add3A_319 : i32
        %get3A_321 = arith.constant 0 : i32
        %get3A_322 = arith.index_cast %get3A_321 : i32 to index
        %get3A_323 = arith.index_cast %add3A_320 : i32 to index
        %get3A_324 = tpu.vector_load %arg5[%get3A_322, %get3A_323] {strides = array<i32>} : memref<8x3968xf32, #tpu.memory_space<vmem>>, vector<1x16xf32>,
        %get3A_325 = vector.shape_cast %get3A_324 : vector<1x16xf32> to vector<16xf32>
        %exp3A_326 = math.exp %get3A_325 : vector<16xf32>
        %add3A_327 = arith.addf %scan3A_307, %exp3A_326 : vector<16xf32>
        %add3A_328 = arith.constant 32 : i32
        %add3A_329 = arith.addi %mul3A_311, %add3A_328 : i32
        %get3A_330 = arith.constant 0 : i32
        %get3A_331 = arith.index_cast %get3A_330 : i32 to index
        %get3A_332 = arith.index_cast %add3A_329 : i32 to index
        %get3A_333 = tpu.vector_load %arg5[%get3A_331, %get3A_332] {strides = array<i32>} : memref<8x3968xf32, #tpu.memory_space<vmem>>, vector<1x16xf32>,
        %get3A_334 = vector.shape_cast %get3A_333 : vector<1x16xf32> to vector<16xf32>
        %exp3A_335 = math.exp %get3A_334 : vector<16xf32>
        %add3A_336 = arith.addf %scan3A_308, %exp3A_335 : vector<16xf32>
        %add3A_337 = arith.constant 48 : i32
        %add3A_338 = arith.addi %mul3A_311, %add3A_337 : i32
        %get3A_339 = arith.constant 0 : i32
        %get3A_340 = arith.index_cast %get3A_339 : i32 to index
        %get3A_341 = arith.index_cast %add3A_338 : i32 to index
        %get3A_342 = tpu.vector_load %arg5[%get3A_340, %get3A_341] {strides = array<i32>} : memref<8x3968xf32, #tpu.memory_space<vmem>>, vector<1x16xf32>,
        %get3A_343 = vector.shape_cast %get3A_342 : vector<1x16xf32> to vector<16xf32>
        %exp3A_344 = math.exp %get3A_343 : vector<16xf32>
        %add3A_345 = arith.addf %scan3A_309, %exp3A_344 : vector<16xf32>
        %add3A_346 = arith.constant 64 : i32
        %add3A_347 = arith.addi %mul3A_311, %add3A_346 : i32
        %get3A_348 = arith.constant 0 : i32
        %get3A_349 = arith.index_cast %get3A_348 : i32 to index
        %get3A_350 = arith.index_cast %add3A_347 : i32 to index
        %get3A_351 = tpu.vector_load %arg5[%get3A_349, %get3A_350] {strides = array<i32>} : memref<8x3968xf32, #tpu.memory_space<vmem>>, vector<1x16xf32>,
        %get3A_352 = vector.shape_cast %get3A_351 : vector<1x16xf32> to vector<16xf32>
        %exp3A_353 = math.exp %get3A_352 : vector<16xf32>
        %add3A_354 = arith.addf %add3A_318, %exp3A_353 : vector<16xf32>
        %add3A_355 = arith.constant 80 : i32
        %add3A_356 = arith.addi %mul3A_311, %add3A_355 : i32
        %get3A_357 = arith.constant 0 : i32
        %get3A_358 = arith.index_cast %get3A_357 : i32 to index
        %get3A_359 = arith.index_cast %add3A_356 : i32 to index
        %get3A_360 = tpu.vector_load %arg5[%get3A_358, %get3A_359] {strides = array<i32>} : memref<8x3968xf32, #tpu.memory_space<vmem>>, vector<1x16xf32>,
        %get3A_361 = vector.shape_cast %get3A_360 : vector<1x16xf32> to vector<16xf32>
        %exp3A_362 = math.exp %get3A_361 : vector<16xf32>
        %add3A_363 = arith.addf %add3A_327, %exp3A_362 : vector<16xf32>
        %add3A_364 = arith.constant 96 : i32
        %add3A_365 = arith.addi %mul3A_311, %add3A_364 : i32
        %get3A_366 = arith.constant 0 : i32
        %get3A_367 = arith.index_cast %get3A_366 : i32 to index
        %get3A_368 = arith.index_cast %add3A_365 : i32 to index
        %get3A_369 = tpu.vector_load %arg5[%get3A_367, %get3A_368] {strides = array<i32>} : memref<8x3968xf32, #tpu.memory_space<vmem>>, vector<1x16xf32>,
        %get3A_370 = vector.shape_cast %get3A_369 : vector<1x16xf32> to vector<16xf32>
        %exp3A_371 = math.exp %get3A_370 : vector<16xf32>
        %add3A_372 = arith.addf %add3A_336, %exp3A_371 : vector<16xf32>
        %add3A_373 = arith.constant 112 : i32
        %add3A_374 = arith.addi %mul3A_311, %add3A_373 : i32
        %get3A_375 = arith.constant 0 : i32
        %get3A_376 = arith.index_cast %get3A_375 : i32 to index
        %get3A_377 = arith.index_cast %add3A_374 : i32 to index
        %get3A_378 = tpu.vector_load %arg5[%get3A_376, %get3A_377] {strides = array<i32>} : memref<8x3968xf32, #tpu.memory_space<vmem>>, vector<1x16xf32>,
        %get3A_379 = vector.shape_cast %get3A_378 : vector<1x16xf32> to vector<16xf32>
        %exp3A_380 = math.exp %get3A_379 : vector<16xf32>
        %add3A_381 = arith.addf %add3A_345, %exp3A_380 : vector<16xf32>
        scf.yield %add3A_354, %add3A_363, %add3A_372, %add3A_381 : vector<16xf32>, vector<16xf32>, vector<16xf32>, vector<16xf32>
      }
      %scan3A_231 = arith.constant 31 : i32
      %add3A_232 = arith.addf %scan3A_230#0, %scan3A_230#1 : vector<16xf32>
      %add3A_233 = arith.addf %scan3A_230#2, %scan3A_230#3 : vector<16xf32>
      %add3A_234 = arith.addf %add3A_232, %add3A_233 : vector<16xf32>
      %scan3A_235 = arith.constant 0 : i32
      %scan3A_236 = arith.constant 31 : i32
      %scan3A_237 = arith.addi %scan3A_235, %scan3A_236 : i32
      %scan3A_238 = arith.constant 1 : i32
      %scan3A_239:4 = scf.for %scan3A_305 = %scan3A_235 to %scan3A_237 step %scan3A_238 iter_args(%scan3A_306 = %add3A_153, %scan3A_307 = %broadcast_in_dim3A_225, %scan3A_308 = %broadcast_in_dim3A_225, %scan3A_309 = %broadcast_in_dim3A_225) -> (vector<16xf32>, vector<16xf32>, vector<16xf32>, vector<16xf32>)  : i32 {
        %mul3A_310 = arith.constant 128 : i32
        %mul3A_311 = arith.muli %scan3A_305, %mul3A_310 : i32
        %add3A_312 = arith.constant 0 : i32
        %add3A_313 = arith.addi %mul3A_311, %add3A_312 : i32
        %get3A = arith.constant 1 : i32
        %get3A_314 = arith.index_cast %get3A : i32 to index
        %get3A_315 = arith.index_cast %add3A_313 : i32 to index
        %get3A_316 = tpu.vector_load %arg5[%get3A_314, %get3A_315] {strides = array<i32>} : memref<8x3968xf32, #tpu.memory_space<vmem>>, vector<1x16xf32>,
        %get3A_317 = vector.shape_cast %get3A_316 : vector<1x16xf32> to vector<16xf32>
        %exp3A = math.exp %get3A_317 : vector<16xf32>
        %add3A_318 = arith.addf %scan3A_306, %exp3A : vector<16xf32>
        %add3A_319 = arith.constant 16 : i32
        %add3A_320 = arith.addi %mul3A_311, %add3A_319 : i32
        %get3A_321 = arith.constant 1 : i32
        %get3A_322 = arith.index_cast %get3A_321 : i32 to index
        %get3A_323 = arith.index_cast %add3A_320 : i32 to index
        %get3A_324 = tpu.vector_load %arg5[%get3A_322, %get3A_323] {strides = array<i32>} : memref<8x3968xf32, #tpu.memory_space<vmem>>, vector<1x16xf32>,
        %get3A_325 = vector.shape_cast %get3A_324 : vector<1x16xf32> to vector<16xf32>
        %exp3A_326 = math.exp %get3A_325 : vector<16xf32>
        %add3A_327 = arith.addf %scan3A_307, %exp3A_326 : vector<16xf32>
        %add3A_328 = arith.constant 32 : i32
        %add3A_329 = arith.addi %mul3A_311, %add3A_328 : i32
        %get3A_330 = arith.constant 1 : i32
        %get3A_331 = arith.index_cast %get3A_330 : i32 to index
        %get3A_332 = arith.index_cast %add3A_329 : i32 to index
        %get3A_333 = tpu.vector_load %arg5[%get3A_331, %get3A_332] {strides = array<i32>} : memref<8x3968xf32, #tpu.memory_space<vmem>>, vector<1x16xf32>,
        %get3A_334 = vector.shape_cast %get3A_333 : vector<1x16xf32> to vector<16xf32>
        %exp3A_335 = math.exp %get3A_334 : vector<16xf32>
        %add3A_336 = arith.addf %scan3A_308, %exp3A_335 : vector<16xf32>
        %add3A_337 = arith.constant 48 : i32
        %add3A_338 = arith.addi %mul3A_311, %add3A_337 : i32
        %get3A_339 = arith.constant 1 : i32
        %get3A_340 = arith.index_cast %get3A_339 : i32 to index
        %get3A_341 = arith.index_cast %add3A_338 : i32 to index
        %get3A_342 = tpu.vector_load %arg5[%get3A_340, %get3A_341] {strides = array<i32>} : memref<8x3968xf32, #tpu.memory_space<vmem>>, vector<1x16xf32>,
        %get3A_343 = vector.shape_cast %get3A_342 : vector<1x16xf32> to vector<16xf32>
        %exp3A_344 = math.exp %get3A_343 : vector<16xf32>
        %add3A_345 = arith.addf %scan3A_309, %exp3A_344 : vector<16xf32>
        %add3A_346 = arith.constant 64 : i32
        %add3A_347 = arith.addi %mul3A_311, %add3A_346 : i32
        %get3A_348 = arith.constant 1 : i32
        %get3A_349 = arith.index_cast %get3A_348 : i32 to index
        %get3A_350 = arith.index_cast %add3A_347 : i32 to index
        %get3A_351 = tpu.vector_load %arg5[%get3A_349, %get3A_350] {strides = array<i32>} : memref<8x3968xf32, #tpu.memory_space<vmem>>, vector<1x16xf32>,
        %get3A_352 = vector.shape_cast %get3A_351 : vector<1x16xf32> to vector<16xf32>
        %exp3A_353 = math.exp %get3A_352 : vector<16xf32>
        %add3A_354 = arith.addf %add3A_318, %exp3A_353 : vector<16xf32>
        %add3A_355 = arith.constant 80 : i32
        %add3A_356 = arith.addi %mul3A_311, %add3A_355 : i32
        %get3A_357 = arith.constant 1 : i32
        %get3A_358 = arith.index_cast %get3A_357 : i32 to index
        %get3A_359 = arith.index_cast %add3A_356 : i32 to index
        %get3A_360 = tpu.vector_load %arg5[%get3A_358, %get3A_359] {strides = array<i32>} : memref<8x3968xf32, #tpu.memory_space<vmem>>, vector<1x16xf32>,
        %get3A_361 = vector.shape_cast %get3A_360 : vector<1x16xf32> to vector<16xf32>
        %exp3A_362 = math.exp %get3A_361 : vector<16xf32>
        %add3A_363 = arith.addf %add3A_327, %exp3A_362 : vector<16xf32>
        %add3A_364 = arith.constant 96 : i32
        %add3A_365 = arith.addi %mul3A_311, %add3A_364 : i32
        %get3A_366 = arith.constant 1 : i32
        %get3A_367 = arith.index_cast %get3A_366 : i32 to index
        %get3A_368 = arith.index_cast %add3A_365 : i32 to index
        %get3A_369 = tpu.vector_load %arg5[%get3A_367, %get3A_368] {strides = array<i32>} : memref<8x3968xf32, #tpu.memory_space<vmem>>, vector<1x16xf32>,
        %get3A_370 = vector.shape_cast %get3A_369 : vector<1x16xf32> to vector<16xf32>
        %exp3A_371 = math.exp %get3A_370 : vector<16xf32>
        %add3A_372 = arith.addf %add3A_336, %exp3A_371 : vector<16xf32>
        %add3A_373 = arith.constant 112 : i32
        %add3A_374 = arith.addi %mul3A_311, %add3A_373 : i32
        %get3A_375 = arith.constant 1 : i32
        %get3A_376 = arith.index_cast %get3A_375 : i32 to index
        %get3A_377 = arith.index_cast %add3A_374 : i32 to index
        %get3A_378 = tpu.vector_load %arg5[%get3A_376, %get3A_377] {strides = array<i32>} : memref<8x3968xf32, #tpu.memory_space<vmem>>, vector<1x16xf32>,
        %get3A_379 = vector.shape_cast %get3A_378 : vector<1x16xf32> to vector<16xf32>
        %exp3A_380 = math.exp %get3A_379 : vector<16xf32>
        %add3A_381 = arith.addf %add3A_345, %exp3A_380 : vector<16xf32>
        scf.yield %add3A_354, %add3A_363, %add3A_372, %add3A_381 : vector<16xf32>, vector<16xf32>, vector<16xf32>, vector<16xf32>
      }
      %scan3A_240 = arith.constant 31 : i32
      %add3A_241 = arith.addf %scan3A_239#0, %scan3A_239#1 : vector<16xf32>
      %add3A_242 = arith.addf %scan3A_239#2, %scan3A_239#3 : vector<16xf32>
      %add3A_243 = arith.addf %add3A_241, %add3A_242 : vector<16xf32>
      %scan3A_244 = arith.constant 0 : i32
      %scan3A_245 = arith.constant 31 : i32
      %scan3A_246 = arith.addi %scan3A_244, %scan3A_245 : i32
      %scan3A_247 = arith.constant 1 : i32
      %scan3A_248:4 = scf.for %scan3A_305 = %scan3A_244 to %scan3A_246 step %scan3A_247 iter_args(%scan3A_306 = %add3A_162, %scan3A_307 = %broadcast_in_dim3A_225, %scan3A_308 = %broadcast_in_dim3A_225, %scan3A_309 = %broadcast_in_dim3A_225) -> (vector<16xf32>, vector<16xf32>, vector<16xf32>, vector<16xf32>)  : i32 {
        %mul3A_310 = arith.constant 128 : i32
        %mul3A_311 = arith.muli %scan3A_305, %mul3A_310 : i32
        %add3A_312 = arith.constant 0 : i32
        %add3A_313 = arith.addi %mul3A_311, %add3A_312 : i32
        %get3A = arith.constant 2 : i32
        %get3A_314 = arith.index_cast %get3A : i32 to index
        %get3A_315 = arith.index_cast %add3A_313 : i32 to index
        %get3A_316 = tpu.vector_load %arg5[%get3A_314, %get3A_315] {strides = array<i32>} : memref<8x3968xf32, #tpu.memory_space<vmem>>, vector<1x16xf32>,
        %get3A_317 = vector.shape_cast %get3A_316 : vector<1x16xf32> to vector<16xf32>
        %exp3A = math.exp %get3A_317 : vector<16xf32>
        %add3A_318 = arith.addf %scan3A_306, %exp3A : vector<16xf32>
        %add3A_319 = arith.constant 16 : i32
        %add3A_320 = arith.addi %mul3A_311, %add3A_319 : i32
        %get3A_321 = arith.constant 2 : i32
        %get3A_322 = arith.index_cast %get3A_321 : i32 to index
        %get3A_323 = arith.index_cast %add3A_320 : i32 to index
        %get3A_324 = tpu.vector_load %arg5[%get3A_322, %get3A_323] {strides = array<i32>} : memref<8x3968xf32, #tpu.memory_space<vmem>>, vector<1x16xf32>,
        %get3A_325 = vector.shape_cast %get3A_324 : vector<1x16xf32> to vector<16xf32>
        %exp3A_326 = math.exp %get3A_325 : vector<16xf32>
        %add3A_327 = arith.addf %scan3A_307, %exp3A_326 : vector<16xf32>
        %add3A_328 = arith.constant 32 : i32
        %add3A_329 = arith.addi %mul3A_311, %add3A_328 : i32
        %get3A_330 = arith.constant 2 : i32
        %get3A_331 = arith.index_cast %get3A_330 : i32 to index
        %get3A_332 = arith.index_cast %add3A_329 : i32 to index
        %get3A_333 = tpu.vector_load %arg5[%get3A_331, %get3A_332] {strides = array<i32>} : memref<8x3968xf32, #tpu.memory_space<vmem>>, vector<1x16xf32>,
        %get3A_334 = vector.shape_cast %get3A_333 : vector<1x16xf32> to vector<16xf32>
        %exp3A_335 = math.exp %get3A_334 : vector<16xf32>
        %add3A_336 = arith.addf %scan3A_308, %exp3A_335 : vector<16xf32>
        %add3A_337 = arith.constant 48 : i32
        %add3A_338 = arith.addi %mul3A_311, %add3A_337 : i32
        %get3A_339 = arith.constant 2 : i32
        %get3A_340 = arith.index_cast %get3A_339 : i32 to index
        %get3A_341 = arith.index_cast %add3A_338 : i32 to index
        %get3A_342 = tpu.vector_load %arg5[%get3A_340, %get3A_341] {strides = array<i32>} : memref<8x3968xf32, #tpu.memory_space<vmem>>, vector<1x16xf32>,
        %get3A_343 = vector.shape_cast %get3A_342 : vector<1x16xf32> to vector<16xf32>
        %exp3A_344 = math.exp %get3A_343 : vector<16xf32>
        %add3A_345 = arith.addf %scan3A_309, %exp3A_344 : vector<16xf32>
        %add3A_346 = arith.constant 64 : i32
        %add3A_347 = arith.addi %mul3A_311, %add3A_346 : i32
        %get3A_348 = arith.constant 2 : i32
        %get3A_349 = arith.index_cast %get3A_348 : i32 to index
        %get3A_350 = arith.index_cast %add3A_347 : i32 to index
        %get3A_351 = tpu.vector_load %arg5[%get3A_349, %get3A_350] {strides = array<i32>} : memref<8x3968xf32, #tpu.memory_space<vmem>>, vector<1x16xf32>,
        %get3A_352 = vector.shape_cast %get3A_351 : vector<1x16xf32> to vector<16xf32>
        %exp3A_353 = math.exp %get3A_352 : vector<16xf32>
        %add3A_354 = arith.addf %add3A_318, %exp3A_353 : vector<16xf32>
        %add3A_355 = arith.constant 80 : i32
        %add3A_356 = arith.addi %mul3A_311, %add3A_355 : i32
        %get3A_357 = arith.constant 2 : i32
        %get3A_358 = arith.index_cast %get3A_357 : i32 to index
        %get3A_359 = arith.index_cast %add3A_356 : i32 to index
        %get3A_360 = tpu.vector_load %arg5[%get3A_358, %get3A_359] {strides = array<i32>} : memref<8x3968xf32, #tpu.memory_space<vmem>>, vector<1x16xf32>,
        %get3A_361 = vector.shape_cast %get3A_360 : vector<1x16xf32> to vector<16xf32>
        %exp3A_362 = math.exp %get3A_361 : vector<16xf32>
        %add3A_363 = arith.addf %add3A_327, %exp3A_362 : vector<16xf32>
        %add3A_364 = arith.constant 96 : i32
        %add3A_365 = arith.addi %mul3A_311, %add3A_364 : i32
        %get3A_366 = arith.constant 2 : i32
        %get3A_367 = arith.index_cast %get3A_366 : i32 to index
        %get3A_368 = arith.index_cast %add3A_365 : i32 to index
        %get3A_369 = tpu.vector_load %arg5[%get3A_367, %get3A_368] {strides = array<i32>} : memref<8x3968xf32, #tpu.memory_space<vmem>>, vector<1x16xf32>,
        %get3A_370 = vector.shape_cast %get3A_369 : vector<1x16xf32> to vector<16xf32>
        %exp3A_371 = math.exp %get3A_370 : vector<16xf32>
        %add3A_372 = arith.addf %add3A_336, %exp3A_371 : vector<16xf32>
        %add3A_373 = arith.constant 112 : i32
        %add3A_374 = arith.addi %mul3A_311, %add3A_373 : i32
        %get3A_375 = arith.constant 2 : i32
        %get3A_376 = arith.index_cast %get3A_375 : i32 to index
        %get3A_377 = arith.index_cast %add3A_374 : i32 to index
        %get3A_378 = tpu.vector_load %arg5[%get3A_376, %get3A_377] {strides = array<i32>} : memref<8x3968xf32, #tpu.memory_space<vmem>>, vector<1x16xf32>,
        %get3A_379 = vector.shape_cast %get3A_378 : vector<1x16xf32> to vector<16xf32>
        %exp3A_380 = math.exp %get3A_379 : vector<16xf32>
        %add3A_381 = arith.addf %add3A_345, %exp3A_380 : vector<16xf32>
        scf.yield %add3A_354, %add3A_363, %add3A_372, %add3A_381 : vector<16xf32>, vector<16xf32>, vector<16xf32>, vector<16xf32>
      }
      %scan3A_249 = arith.constant 31 : i32
      %add3A_250 = arith.addf %scan3A_248#0, %scan3A_248#1 : vector<16xf32>
      %add3A_251 = arith.addf %scan3A_248#2, %scan3A_248#3 : vector<16xf32>
      %add3A_252 = arith.addf %add3A_250, %add3A_251 : vector<16xf32>
      %scan3A_253 = arith.constant 0 : i32
      %scan3A_254 = arith.constant 31 : i32
      %scan3A_255 = arith.addi %scan3A_253, %scan3A_254 : i32
      %scan3A_256 = arith.constant 1 : i32
      %scan3A_257:4 = scf.for %scan3A_305 = %scan3A_253 to %scan3A_255 step %scan3A_256 iter_args(%scan3A_306 = %add3A_171, %scan3A_307 = %broadcast_in_dim3A_225, %scan3A_308 = %broadcast_in_dim3A_225, %scan3A_309 = %broadcast_in_dim3A_225) -> (vector<16xf32>, vector<16xf32>, vector<16xf32>, vector<16xf32>)  : i32 {
        %mul3A_310 = arith.constant 128 : i32
        %mul3A_311 = arith.muli %scan3A_305, %mul3A_310 : i32
        %add3A_312 = arith.constant 0 : i32
        %add3A_313 = arith.addi %mul3A_311, %add3A_312 : i32
        %get3A = arith.constant 3 : i32
        %get3A_314 = arith.index_cast %get3A : i32 to index
        %get3A_315 = arith.index_cast %add3A_313 : i32 to index
        %get3A_316 = tpu.vector_load %arg5[%get3A_314, %get3A_315] {strides = array<i32>} : memref<8x3968xf32, #tpu.memory_space<vmem>>, vector<1x16xf32>,
        %get3A_317 = vector.shape_cast %get3A_316 : vector<1x16xf32> to vector<16xf32>
        %exp3A = math.exp %get3A_317 : vector<16xf32>
        %add3A_318 = arith.addf %scan3A_306, %exp3A : vector<16xf32>
        %add3A_319 = arith.constant 16 : i32
        %add3A_320 = arith.addi %mul3A_311, %add3A_319 : i32
        %get3A_321 = arith.constant 3 : i32
        %get3A_322 = arith.index_cast %get3A_321 : i32 to index
        %get3A_323 = arith.index_cast %add3A_320 : i32 to index
        %get3A_324 = tpu.vector_load %arg5[%get3A_322, %get3A_323] {strides = array<i32>} : memref<8x3968xf32, #tpu.memory_space<vmem>>, vector<1x16xf32>,
        %get3A_325 = vector.shape_cast %get3A_324 : vector<1x16xf32> to vector<16xf32>
        %exp3A_326 = math.exp %get3A_325 : vector<16xf32>
        %add3A_327 = arith.addf %scan3A_307, %exp3A_326 : vector<16xf32>
        %add3A_328 = arith.constant 32 : i32
        %add3A_329 = arith.addi %mul3A_311, %add3A_328 : i32
        %get3A_330 = arith.constant 3 : i32
        %get3A_331 = arith.index_cast %get3A_330 : i32 to index
        %get3A_332 = arith.index_cast %add3A_329 : i32 to index
        %get3A_333 = tpu.vector_load %arg5[%get3A_331, %get3A_332] {strides = array<i32>} : memref<8x3968xf32, #tpu.memory_space<vmem>>, vector<1x16xf32>,
        %get3A_334 = vector.shape_cast %get3A_333 : vector<1x16xf32> to vector<16xf32>
        %exp3A_335 = math.exp %get3A_334 : vector<16xf32>
        %add3A_336 = arith.addf %scan3A_308, %exp3A_335 : vector<16xf32>
        %add3A_337 = arith.constant 48 : i32
        %add3A_338 = arith.addi %mul3A_311, %add3A_337 : i32
        %get3A_339 = arith.constant 3 : i32
        %get3A_340 = arith.index_cast %get3A_339 : i32 to index
        %get3A_341 = arith.index_cast %add3A_338 : i32 to index
        %get3A_342 = tpu.vector_load %arg5[%get3A_340, %get3A_341] {strides = array<i32>} : memref<8x3968xf32, #tpu.memory_space<vmem>>, vector<1x16xf32>,
        %get3A_343 = vector.shape_cast %get3A_342 : vector<1x16xf32> to vector<16xf32>
        %exp3A_344 = math.exp %get3A_343 : vector<16xf32>
        %add3A_345 = arith.addf %scan3A_309, %exp3A_344 : vector<16xf32>
        %add3A_346 = arith.constant 64 : i32
        %add3A_347 = arith.addi %mul3A_311, %add3A_346 : i32
        %get3A_348 = arith.constant 3 : i32
        %get3A_349 = arith.index_cast %get3A_348 : i32 to index
        %get3A_350 = arith.index_cast %add3A_347 : i32 to index
        %get3A_351 = tpu.vector_load %arg5[%get3A_349, %get3A_350] {strides = array<i32>} : memref<8x3968xf32, #tpu.memory_space<vmem>>, vector<1x16xf32>,
        %get3A_352 = vector.shape_cast %get3A_351 : vector<1x16xf32> to vector<16xf32>
        %exp3A_353 = math.exp %get3A_352 : vector<16xf32>
        %add3A_354 = arith.addf %add3A_318, %exp3A_353 : vector<16xf32>
        %add3A_355 = arith.constant 80 : i32
        %add3A_356 = arith.addi %mul3A_311, %add3A_355 : i32
        %get3A_357 = arith.constant 3 : i32
        %get3A_358 = arith.index_cast %get3A_357 : i32 to index
        %get3A_359 = arith.index_cast %add3A_356 : i32 to index
        %get3A_360 = tpu.vector_load %arg5[%get3A_358, %get3A_359] {strides = array<i32>} : memref<8x3968xf32, #tpu.memory_space<vmem>>, vector<1x16xf32>,
        %get3A_361 = vector.shape_cast %get3A_360 : vector<1x16xf32> to vector<16xf32>
        %exp3A_362 = math.exp %get3A_361 : vector<16xf32>
        %add3A_363 = arith.addf %add3A_327, %exp3A_362 : vector<16xf32>
        %add3A_364 = arith.constant 96 : i32
        %add3A_365 = arith.addi %mul3A_311, %add3A_364 : i32
        %get3A_366 = arith.constant 3 : i32
        %get3A_367 = arith.index_cast %get3A_366 : i32 to index
        %get3A_368 = arith.index_cast %add3A_365 : i32 to index
        %get3A_369 = tpu.vector_load %arg5[%get3A_367, %get3A_368] {strides = array<i32>} : memref<8x3968xf32, #tpu.memory_space<vmem>>, vector<1x16xf32>,
        %get3A_370 = vector.shape_cast %get3A_369 : vector<1x16xf32> to vector<16xf32>
        %exp3A_371 = math.exp %get3A_370 : vector<16xf32>
        %add3A_372 = arith.addf %add3A_336, %exp3A_371 : vector<16xf32>
        %add3A_373 = arith.constant 112 : i32
        %add3A_374 = arith.addi %mul3A_311, %add3A_373 : i32
        %get3A_375 = arith.constant 3 : i32
        %get3A_376 = arith.index_cast %get3A_375 : i32 to index
        %get3A_377 = arith.index_cast %add3A_374 : i32 to index
        %get3A_378 = tpu.vector_load %arg5[%get3A_376, %get3A_377] {strides = array<i32>} : memref<8x3968xf32, #tpu.memory_space<vmem>>, vector<1x16xf32>,
        %get3A_379 = vector.shape_cast %get3A_378 : vector<1x16xf32> to vector<16xf32>
        %exp3A_380 = math.exp %get3A_379 : vector<16xf32>
        %add3A_381 = arith.addf %add3A_345, %exp3A_380 : vector<16xf32>
        scf.yield %add3A_354, %add3A_363, %add3A_372, %add3A_381 : vector<16xf32>, vector<16xf32>, vector<16xf32>, vector<16xf32>
      }
      %scan3A_258 = arith.constant 31 : i32
      %add3A_259 = arith.addf %scan3A_257#0, %scan3A_257#1 : vector<16xf32>
      %add3A_260 = arith.addf %scan3A_257#2, %scan3A_257#3 : vector<16xf32>
      %add3A_261 = arith.addf %add3A_259, %add3A_260 : vector<16xf32>
      %scan3A_262 = arith.constant 0 : i32
      %scan3A_263 = arith.constant 31 : i32
      %scan3A_264 = arith.addi %scan3A_262, %scan3A_263 : i32
      %scan3A_265 = arith.constant 1 : i32
      %scan3A_266:4 = scf.for %scan3A_305 = %scan3A_262 to %scan3A_264 step %scan3A_265 iter_args(%scan3A_306 = %add3A_180, %scan3A_307 = %broadcast_in_dim3A_225, %scan3A_308 = %broadcast_in_dim3A_225, %scan3A_309 = %broadcast_in_dim3A_225) -> (vector<16xf32>, vector<16xf32>, vector<16xf32>, vector<16xf32>)  : i32 {
        %mul3A_310 = arith.constant 128 : i32
        %mul3A_311 = arith.muli %scan3A_305, %mul3A_310 : i32
        %add3A_312 = arith.constant 0 : i32
        %add3A_313 = arith.addi %mul3A_311, %add3A_312 : i32
        %get3A = arith.constant 4 : i32
        %get3A_314 = arith.index_cast %get3A : i32 to index
        %get3A_315 = arith.index_cast %add3A_313 : i32 to index
        %get3A_316 = tpu.vector_load %arg5[%get3A_314, %get3A_315] {strides = array<i32>} : memref<8x3968xf32, #tpu.memory_space<vmem>>, vector<1x16xf32>,
        %get3A_317 = vector.shape_cast %get3A_316 : vector<1x16xf32> to vector<16xf32>
        %exp3A = math.exp %get3A_317 : vector<16xf32>
        %add3A_318 = arith.addf %scan3A_306, %exp3A : vector<16xf32>
        %add3A_319 = arith.constant 16 : i32
        %add3A_320 = arith.addi %mul3A_311, %add3A_319 : i32
        %get3A_321 = arith.constant 4 : i32
        %get3A_322 = arith.index_cast %get3A_321 : i32 to index
        %get3A_323 = arith.index_cast %add3A_320 : i32 to index
        %get3A_324 = tpu.vector_load %arg5[%get3A_322, %get3A_323] {strides = array<i32>} : memref<8x3968xf32, #tpu.memory_space<vmem>>, vector<1x16xf32>,
        %get3A_325 = vector.shape_cast %get3A_324 : vector<1x16xf32> to vector<16xf32>
        %exp3A_326 = math.exp %get3A_325 : vector<16xf32>
        %add3A_327 = arith.addf %scan3A_307, %exp3A_326 : vector<16xf32>
        %add3A_328 = arith.constant 32 : i32
        %add3A_329 = arith.addi %mul3A_311, %add3A_328 : i32
        %get3A_330 = arith.constant 4 : i32
        %get3A_331 = arith.index_cast %get3A_330 : i32 to index
        %get3A_332 = arith.index_cast %add3A_329 : i32 to index
        %get3A_333 = tpu.vector_load %arg5[%get3A_331, %get3A_332] {strides = array<i32>} : memref<8x3968xf32, #tpu.memory_space<vmem>>, vector<1x16xf32>,
        %get3A_334 = vector.shape_cast %get3A_333 : vector<1x16xf32> to vector<16xf32>
        %exp3A_335 = math.exp %get3A_334 : vector<16xf32>
        %add3A_336 = arith.addf %scan3A_308, %exp3A_335 : vector<16xf32>
        %add3A_337 = arith.constant 48 : i32
        %add3A_338 = arith.addi %mul3A_311, %add3A_337 : i32
        %get3A_339 = arith.constant 4 : i32
        %get3A_340 = arith.index_cast %get3A_339 : i32 to index
        %get3A_341 = arith.index_cast %add3A_338 : i32 to index
        %get3A_342 = tpu.vector_load %arg5[%get3A_340, %get3A_341] {strides = array<i32>} : memref<8x3968xf32, #tpu.memory_space<vmem>>, vector<1x16xf32>,
        %get3A_343 = vector.shape_cast %get3A_342 : vector<1x16xf32> to vector<16xf32>
        %exp3A_344 = math.exp %get3A_343 : vector<16xf32>
        %add3A_345 = arith.addf %scan3A_309, %exp3A_344 : vector<16xf32>
        %add3A_346 = arith.constant 64 : i32
        %add3A_347 = arith.addi %mul3A_311, %add3A_346 : i32
        %get3A_348 = arith.constant 4 : i32
        %get3A_349 = arith.index_cast %get3A_348 : i32 to index
        %get3A_350 = arith.index_cast %add3A_347 : i32 to index
        %get3A_351 = tpu.vector_load %arg5[%get3A_349, %get3A_350] {strides = array<i32>} : memref<8x3968xf32, #tpu.memory_space<vmem>>, vector<1x16xf32>,
        %get3A_352 = vector.shape_cast %get3A_351 : vector<1x16xf32> to vector<16xf32>
        %exp3A_353 = math.exp %get3A_352 : vector<16xf32>
        %add3A_354 = arith.addf %add3A_318, %exp3A_353 : vector<16xf32>
        %add3A_355 = arith.constant 80 : i32
        %add3A_356 = arith.addi %mul3A_311, %add3A_355 : i32
        %get3A_357 = arith.constant 4 : i32
        %get3A_358 = arith.index_cast %get3A_357 : i32 to index
        %get3A_359 = arith.index_cast %add3A_356 : i32 to index
        %get3A_360 = tpu.vector_load %arg5[%get3A_358, %get3A_359] {strides = array<i32>} : memref<8x3968xf32, #tpu.memory_space<vmem>>, vector<1x16xf32>,
        %get3A_361 = vector.shape_cast %get3A_360 : vector<1x16xf32> to vector<16xf32>
        %exp3A_362 = math.exp %get3A_361 : vector<16xf32>
        %add3A_363 = arith.addf %add3A_327, %exp3A_362 : vector<16xf32>
        %add3A_364 = arith.constant 96 : i32
        %add3A_365 = arith.addi %mul3A_311, %add3A_364 : i32
        %get3A_366 = arith.constant 4 : i32
        %get3A_367 = arith.index_cast %get3A_366 : i32 to index
        %get3A_368 = arith.index_cast %add3A_365 : i32 to index
        %get3A_369 = tpu.vector_load %arg5[%get3A_367, %get3A_368] {strides = array<i32>} : memref<8x3968xf32, #tpu.memory_space<vmem>>, vector<1x16xf32>,
        %get3A_370 = vector.shape_cast %get3A_369 : vector<1x16xf32> to vector<16xf32>
        %exp3A_371 = math.exp %get3A_370 : vector<16xf32>
        %add3A_372 = arith.addf %add3A_336, %exp3A_371 : vector<16xf32>
        %add3A_373 = arith.constant 112 : i32
        %add3A_374 = arith.addi %mul3A_311, %add3A_373 : i32
        %get3A_375 = arith.constant 4 : i32
        %get3A_376 = arith.index_cast %get3A_375 : i32 to index
        %get3A_377 = arith.index_cast %add3A_374 : i32 to index
        %get3A_378 = tpu.vector_load %arg5[%get3A_376, %get3A_377] {strides = array<i32>} : memref<8x3968xf32, #tpu.memory_space<vmem>>, vector<1x16xf32>,
        %get3A_379 = vector.shape_cast %get3A_378 : vector<1x16xf32> to vector<16xf32>
        %exp3A_380 = math.exp %get3A_379 : vector<16xf32>
        %add3A_381 = arith.addf %add3A_345, %exp3A_380 : vector<16xf32>
        scf.yield %add3A_354, %add3A_363, %add3A_372, %add3A_381 : vector<16xf32>, vector<16xf32>, vector<16xf32>, vector<16xf32>
      }
      %scan3A_267 = arith.constant 31 : i32
      %add3A_268 = arith.addf %scan3A_266#0, %scan3A_266#1 : vector<16xf32>
      %add3A_269 = arith.addf %scan3A_266#2, %scan3A_266#3 : vector<16xf32>
      %add3A_270 = arith.addf %add3A_268, %add3A_269 : vector<16xf32>
      %scan3A_271 = arith.constant 0 : i32
      %scan3A_272 = arith.constant 31 : i32
      %scan3A_273 = arith.addi %scan3A_271, %scan3A_272 : i32
      %scan3A_274 = arith.constant 1 : i32
      %scan3A_275:4 = scf.for %scan3A_305 = %scan3A_271 to %scan3A_273 step %scan3A_274 iter_args(%scan3A_306 = %add3A_189, %scan3A_307 = %broadcast_in_dim3A_225, %scan3A_308 = %broadcast_in_dim3A_225, %scan3A_309 = %broadcast_in_dim3A_225) -> (vector<16xf32>, vector<16xf32>, vector<16xf32>, vector<16xf32>)  : i32 {
        %mul3A_310 = arith.constant 128 : i32
        %mul3A_311 = arith.muli %scan3A_305, %mul3A_310 : i32
        %add3A_312 = arith.constant 0 : i32
        %add3A_313 = arith.addi %mul3A_311, %add3A_312 : i32
        %get3A = arith.constant 5 : i32
        %get3A_314 = arith.index_cast %get3A : i32 to index
        %get3A_315 = arith.index_cast %add3A_313 : i32 to index
        %get3A_316 = tpu.vector_load %arg5[%get3A_314, %get3A_315] {strides = array<i32>} : memref<8x3968xf32, #tpu.memory_space<vmem>>, vector<1x16xf32>,
        %get3A_317 = vector.shape_cast %get3A_316 : vector<1x16xf32> to vector<16xf32>
        %exp3A = math.exp %get3A_317 : vector<16xf32>
        %add3A_318 = arith.addf %scan3A_306, %exp3A : vector<16xf32>
        %add3A_319 = arith.constant 16 : i32
        %add3A_320 = arith.addi %mul3A_311, %add3A_319 : i32
        %get3A_321 = arith.constant 5 : i32
        %get3A_322 = arith.index_cast %get3A_321 : i32 to index
        %get3A_323 = arith.index_cast %add3A_320 : i32 to index
        %get3A_324 = tpu.vector_load %arg5[%get3A_322, %get3A_323] {strides = array<i32>} : memref<8x3968xf32, #tpu.memory_space<vmem>>, vector<1x16xf32>,
        %get3A_325 = vector.shape_cast %get3A_324 : vector<1x16xf32> to vector<16xf32>
        %exp3A_326 = math.exp %get3A_325 : vector<16xf32>
        %add3A_327 = arith.addf %scan3A_307, %exp3A_326 : vector<16xf32>
        %add3A_328 = arith.constant 32 : i32
        %add3A_329 = arith.addi %mul3A_311, %add3A_328 : i32
        %get3A_330 = arith.constant 5 : i32
        %get3A_331 = arith.index_cast %get3A_330 : i32 to index
        %get3A_332 = arith.index_cast %add3A_329 : i32 to index
        %get3A_333 = tpu.vector_load %arg5[%get3A_331, %get3A_332] {strides = array<i32>} : memref<8x3968xf32, #tpu.memory_space<vmem>>, vector<1x16xf32>,
        %get3A_334 = vector.shape_cast %get3A_333 : vector<1x16xf32> to vector<16xf32>
        %exp3A_335 = math.exp %get3A_334 : vector<16xf32>
        %add3A_336 = arith.addf %scan3A_308, %exp3A_335 : vector<16xf32>
        %add3A_337 = arith.constant 48 : i32
        %add3A_338 = arith.addi %mul3A_311, %add3A_337 : i32
        %get3A_339 = arith.constant 5 : i32
        %get3A_340 = arith.index_cast %get3A_339 : i32 to index
        %get3A_341 = arith.index_cast %add3A_338 : i32 to index
        %get3A_342 = tpu.vector_load %arg5[%get3A_340, %get3A_341] {strides = array<i32>} : memref<8x3968xf32, #tpu.memory_space<vmem>>, vector<1x16xf32>,
        %get3A_343 = vector.shape_cast %get3A_342 : vector<1x16xf32> to vector<16xf32>
        %exp3A_344 = math.exp %get3A_343 : vector<16xf32>
        %add3A_345 = arith.addf %scan3A_309, %exp3A_344 : vector<16xf32>
        %add3A_346 = arith.constant 64 : i32
        %add3A_347 = arith.addi %mul3A_311, %add3A_346 : i32
        %get3A_348 = arith.constant 5 : i32
        %get3A_349 = arith.index_cast %get3A_348 : i32 to index
        %get3A_350 = arith.index_cast %add3A_347 : i32 to index
        %get3A_351 = tpu.vector_load %arg5[%get3A_349, %get3A_350] {strides = array<i32>} : memref<8x3968xf32, #tpu.memory_space<vmem>>, vector<1x16xf32>,
        %get3A_352 = vector.shape_cast %get3A_351 : vector<1x16xf32> to vector<16xf32>
        %exp3A_353 = math.exp %get3A_352 : vector<16xf32>
        %add3A_354 = arith.addf %add3A_318, %exp3A_353 : vector<16xf32>
        %add3A_355 = arith.constant 80 : i32
        %add3A_356 = arith.addi %mul3A_311, %add3A_355 : i32
        %get3A_357 = arith.constant 5 : i32
        %get3A_358 = arith.index_cast %get3A_357 : i32 to index
        %get3A_359 = arith.index_cast %add3A_356 : i32 to index
        %get3A_360 = tpu.vector_load %arg5[%get3A_358, %get3A_359] {strides = array<i32>} : memref<8x3968xf32, #tpu.memory_space<vmem>>, vector<1x16xf32>,
        %get3A_361 = vector.shape_cast %get3A_360 : vector<1x16xf32> to vector<16xf32>
        %exp3A_362 = math.exp %get3A_361 : vector<16xf32>
        %add3A_363 = arith.addf %add3A_327, %exp3A_362 : vector<16xf32>
        %add3A_364 = arith.constant 96 : i32
        %add3A_365 = arith.addi %mul3A_311, %add3A_364 : i32
        %get3A_366 = arith.constant 5 : i32
        %get3A_367 = arith.index_cast %get3A_366 : i32 to index
        %get3A_368 = arith.index_cast %add3A_365 : i32 to index
        %get3A_369 = tpu.vector_load %arg5[%get3A_367, %get3A_368] {strides = array<i32>} : memref<8x3968xf32, #tpu.memory_space<vmem>>, vector<1x16xf32>,
        %get3A_370 = vector.shape_cast %get3A_369 : vector<1x16xf32> to vector<16xf32>
        %exp3A_371 = math.exp %get3A_370 : vector<16xf32>
        %add3A_372 = arith.addf %add3A_336, %exp3A_371 : vector<16xf32>
        %add3A_373 = arith.constant 112 : i32
        %add3A_374 = arith.addi %mul3A_311, %add3A_373 : i32
        %get3A_375 = arith.constant 5 : i32
        %get3A_376 = arith.index_cast %get3A_375 : i32 to index
        %get3A_377 = arith.index_cast %add3A_374 : i32 to index
        %get3A_378 = tpu.vector_load %arg5[%get3A_376, %get3A_377] {strides = array<i32>} : memref<8x3968xf32, #tpu.memory_space<vmem>>, vector<1x16xf32>,
        %get3A_379 = vector.shape_cast %get3A_378 : vector<1x16xf32> to vector<16xf32>
        %exp3A_380 = math.exp %get3A_379 : vector<16xf32>
        %add3A_381 = arith.addf %add3A_345, %exp3A_380 : vector<16xf32>
        scf.yield %add3A_354, %add3A_363, %add3A_372, %add3A_381 : vector<16xf32>, vector<16xf32>, vector<16xf32>, vector<16xf32>
      }
      %scan3A_276 = arith.constant 31 : i32
      %add3A_277 = arith.addf %scan3A_275#0, %scan3A_275#1 : vector<16xf32>
      %add3A_278 = arith.addf %scan3A_275#2, %scan3A_275#3 : vector<16xf32>
      %add3A_279 = arith.addf %add3A_277, %add3A_278 : vector<16xf32>
      %scan3A_280 = arith.constant 0 : i32
      %scan3A_281 = arith.constant 31 : i32
      %scan3A_282 = arith.addi %scan3A_280, %scan3A_281 : i32
      %scan3A_283 = arith.constant 1 : i32
      %scan3A_284:4 = scf.for %scan3A_305 = %scan3A_280 to %scan3A_282 step %scan3A_283 iter_args(%scan3A_306 = %add3A_198, %scan3A_307 = %broadcast_in_dim3A_225, %scan3A_308 = %broadcast_in_dim3A_225, %scan3A_309 = %broadcast_in_dim3A_225) -> (vector<16xf32>, vector<16xf32>, vector<16xf32>, vector<16xf32>)  : i32 {
        %mul3A_310 = arith.constant 128 : i32
        %mul3A_311 = arith.muli %scan3A_305, %mul3A_310 : i32
        %add3A_312 = arith.constant 0 : i32
        %add3A_313 = arith.addi %mul3A_311, %add3A_312 : i32
        %get3A = arith.constant 6 : i32
        %get3A_314 = arith.index_cast %get3A : i32 to index
        %get3A_315 = arith.index_cast %add3A_313 : i32 to index
        %get3A_316 = tpu.vector_load %arg5[%get3A_314, %get3A_315] {strides = array<i32>} : memref<8x3968xf32, #tpu.memory_space<vmem>>, vector<1x16xf32>,
        %get3A_317 = vector.shape_cast %get3A_316 : vector<1x16xf32> to vector<16xf32>
        %exp3A = math.exp %get3A_317 : vector<16xf32>
        %add3A_318 = arith.addf %scan3A_306, %exp3A : vector<16xf32>
        %add3A_319 = arith.constant 16 : i32
        %add3A_320 = arith.addi %mul3A_311, %add3A_319 : i32
        %get3A_321 = arith.constant 6 : i32
        %get3A_322 = arith.index_cast %get3A_321 : i32 to index
        %get3A_323 = arith.index_cast %add3A_320 : i32 to index
        %get3A_324 = tpu.vector_load %arg5[%get3A_322, %get3A_323] {strides = array<i32>} : memref<8x3968xf32, #tpu.memory_space<vmem>>, vector<1x16xf32>,
        %get3A_325 = vector.shape_cast %get3A_324 : vector<1x16xf32> to vector<16xf32>
        %exp3A_326 = math.exp %get3A_325 : vector<16xf32>
        %add3A_327 = arith.addf %scan3A_307, %exp3A_326 : vector<16xf32>
        %add3A_328 = arith.constant 32 : i32
        %add3A_329 = arith.addi %mul3A_311, %add3A_328 : i32
        %get3A_330 = arith.constant 6 : i32
        %get3A_331 = arith.index_cast %get3A_330 : i32 to index
        %get3A_332 = arith.index_cast %add3A_329 : i32 to index
        %get3A_333 = tpu.vector_load %arg5[%get3A_331, %get3A_332] {strides = array<i32>} : memref<8x3968xf32, #tpu.memory_space<vmem>>, vector<1x16xf32>,
        %get3A_334 = vector.shape_cast %get3A_333 : vector<1x16xf32> to vector<16xf32>
        %exp3A_335 = math.exp %get3A_334 : vector<16xf32>
        %add3A_336 = arith.addf %scan3A_308, %exp3A_335 : vector<16xf32>
        %add3A_337 = arith.constant 48 : i32
        %add3A_338 = arith.addi %mul3A_311, %add3A_337 : i32
        %get3A_339 = arith.constant 6 : i32
        %get3A_340 = arith.index_cast %get3A_339 : i32 to index
        %get3A_341 = arith.index_cast %add3A_338 : i32 to index
        %get3A_342 = tpu.vector_load %arg5[%get3A_340, %get3A_341] {strides = array<i32>} : memref<8x3968xf32, #tpu.memory_space<vmem>>, vector<1x16xf32>,
        %get3A_343 = vector.shape_cast %get3A_342 : vector<1x16xf32> to vector<16xf32>
        %exp3A_344 = math.exp %get3A_343 : vector<16xf32>
        %add3A_345 = arith.addf %scan3A_309, %exp3A_344 : vector<16xf32>
        %add3A_346 = arith.constant 64 : i32
        %add3A_347 = arith.addi %mul3A_311, %add3A_346 : i32
        %get3A_348 = arith.constant 6 : i32
        %get3A_349 = arith.index_cast %get3A_348 : i32 to index
        %get3A_350 = arith.index_cast %add3A_347 : i32 to index
        %get3A_351 = tpu.vector_load %arg5[%get3A_349, %get3A_350] {strides = array<i32>} : memref<8x3968xf32, #tpu.memory_space<vmem>>, vector<1x16xf32>,
        %get3A_352 = vector.shape_cast %get3A_351 : vector<1x16xf32> to vector<16xf32>
        %exp3A_353 = math.exp %get3A_352 : vector<16xf32>
        %add3A_354 = arith.addf %add3A_318, %exp3A_353 : vector<16xf32>
        %add3A_355 = arith.constant 80 : i32
        %add3A_356 = arith.addi %mul3A_311, %add3A_355 : i32
        %get3A_357 = arith.constant 6 : i32
        %get3A_358 = arith.index_cast %get3A_357 : i32 to index
        %get3A_359 = arith.index_cast %add3A_356 : i32 to index
        %get3A_360 = tpu.vector_load %arg5[%get3A_358, %get3A_359] {strides = array<i32>} : memref<8x3968xf32, #tpu.memory_space<vmem>>, vector<1x16xf32>,
        %get3A_361 = vector.shape_cast %get3A_360 : vector<1x16xf32> to vector<16xf32>
        %exp3A_362 = math.exp %get3A_361 : vector<16xf32>
        %add3A_363 = arith.addf %add3A_327, %exp3A_362 : vector<16xf32>
        %add3A_364 = arith.constant 96 : i32
        %add3A_365 = arith.addi %mul3A_311, %add3A_364 : i32
        %get3A_366 = arith.constant 6 : i32
        %get3A_367 = arith.index_cast %get3A_366 : i32 to index
        %get3A_368 = arith.index_cast %add3A_365 : i32 to index
        %get3A_369 = tpu.vector_load %arg5[%get3A_367, %get3A_368] {strides = array<i32>} : memref<8x3968xf32, #tpu.memory_space<vmem>>, vector<1x16xf32>,
        %get3A_370 = vector.shape_cast %get3A_369 : vector<1x16xf32> to vector<16xf32>
        %exp3A_371 = math.exp %get3A_370 : vector<16xf32>
        %add3A_372 = arith.addf %add3A_336, %exp3A_371 : vector<16xf32>
        %add3A_373 = arith.constant 112 : i32
        %add3A_374 = arith.addi %mul3A_311, %add3A_373 : i32
        %get3A_375 = arith.constant 6 : i32
        %get3A_376 = arith.index_cast %get3A_375 : i32 to index
        %get3A_377 = arith.index_cast %add3A_374 : i32 to index
        %get3A_378 = tpu.vector_load %arg5[%get3A_376, %get3A_377] {strides = array<i32>} : memref<8x3968xf32, #tpu.memory_space<vmem>>, vector<1x16xf32>,
        %get3A_379 = vector.shape_cast %get3A_378 : vector<1x16xf32> to vector<16xf32>
        %exp3A_380 = math.exp %get3A_379 : vector<16xf32>
        %add3A_381 = arith.addf %add3A_345, %exp3A_380 : vector<16xf32>
        scf.yield %add3A_354, %add3A_363, %add3A_372, %add3A_381 : vector<16xf32>, vector<16xf32>, vector<16xf32>, vector<16xf32>
      }
      %scan3A_285 = arith.constant 31 : i32
      %add3A_286 = arith.addf %scan3A_284#0, %scan3A_284#1 : vector<16xf32>
      %add3A_287 = arith.addf %scan3A_284#2, %scan3A_284#3 : vector<16xf32>
      %add3A_288 = arith.addf %add3A_286, %add3A_287 : vector<16xf32>
      %scan3A_289 = arith.constant 0 : i32
      %scan3A_290 = arith.constant 31 : i32
      %scan3A_291 = arith.addi %scan3A_289, %scan3A_290 : i32
      %scan3A_292 = arith.constant 1 : i32
      %scan3A_293:4 = scf.for %scan3A_305 = %scan3A_289 to %scan3A_291 step %scan3A_292 iter_args(%scan3A_306 = %add3A_207, %scan3A_307 = %broadcast_in_dim3A_225, %scan3A_308 = %broadcast_in_dim3A_225, %scan3A_309 = %broadcast_in_dim3A_225) -> (vector<16xf32>, vector<16xf32>, vector<16xf32>, vector<16xf32>)  : i32 {
        %mul3A_310 = arith.constant 128 : i32
        %mul3A_311 = arith.muli %scan3A_305, %mul3A_310 : i32
        %add3A_312 = arith.constant 0 : i32
        %add3A_313 = arith.addi %mul3A_311, %add3A_312 : i32
        %get3A = arith.constant 7 : i32
        %get3A_314 = arith.index_cast %get3A : i32 to index
        %get3A_315 = arith.index_cast %add3A_313 : i32 to index
        %get3A_316 = tpu.vector_load %arg5[%get3A_314, %get3A_315] {strides = array<i32>} : memref<8x3968xf32, #tpu.memory_space<vmem>>, vector<1x16xf32>,
        %get3A_317 = vector.shape_cast %get3A_316 : vector<1x16xf32> to vector<16xf32>
        %exp3A = math.exp %get3A_317 : vector<16xf32>
        %add3A_318 = arith.addf %scan3A_306, %exp3A : vector<16xf32>
        %add3A_319 = arith.constant 16 : i32
        %add3A_320 = arith.addi %mul3A_311, %add3A_319 : i32
        %get3A_321 = arith.constant 7 : i32
        %get3A_322 = arith.index_cast %get3A_321 : i32 to index
        %get3A_323 = arith.index_cast %add3A_320 : i32 to index
        %get3A_324 = tpu.vector_load %arg5[%get3A_322, %get3A_323] {strides = array<i32>} : memref<8x3968xf32, #tpu.memory_space<vmem>>, vector<1x16xf32>,
        %get3A_325 = vector.shape_cast %get3A_324 : vector<1x16xf32> to vector<16xf32>
        %exp3A_326 = math.exp %get3A_325 : vector<16xf32>
        %add3A_327 = arith.addf %scan3A_307, %exp3A_326 : vector<16xf32>
        %add3A_328 = arith.constant 32 : i32
        %add3A_329 = arith.addi %mul3A_311, %add3A_328 : i32
        %get3A_330 = arith.constant 7 : i32
        %get3A_331 = arith.index_cast %get3A_330 : i32 to index
        %get3A_332 = arith.index_cast %add3A_329 : i32 to index
        %get3A_333 = tpu.vector_load %arg5[%get3A_331, %get3A_332] {strides = array<i32>} : memref<8x3968xf32, #tpu.memory_space<vmem>>, vector<1x16xf32>,
        %get3A_334 = vector.shape_cast %get3A_333 : vector<1x16xf32> to vector<16xf32>
        %exp3A_335 = math.exp %get3A_334 : vector<16xf32>
        %add3A_336 = arith.addf %scan3A_308, %exp3A_335 : vector<16xf32>
        %add3A_337 = arith.constant 48 : i32
        %add3A_338 = arith.addi %mul3A_311, %add3A_337 : i32
        %get3A_339 = arith.constant 7 : i32
        %get3A_340 = arith.index_cast %get3A_339 : i32 to index
        %get3A_341 = arith.index_cast %add3A_338 : i32 to index
        %get3A_342 = tpu.vector_load %arg5[%get3A_340, %get3A_341] {strides = array<i32>} : memref<8x3968xf32, #tpu.memory_space<vmem>>, vector<1x16xf32>,
        %get3A_343 = vector.shape_cast %get3A_342 : vector<1x16xf32> to vector<16xf32>
        %exp3A_344 = math.exp %get3A_343 : vector<16xf32>
        %add3A_345 = arith.addf %scan3A_309, %exp3A_344 : vector<16xf32>
        %add3A_346 = arith.constant 64 : i32
        %add3A_347 = arith.addi %mul3A_311, %add3A_346 : i32
        %get3A_348 = arith.constant 7 : i32
        %get3A_349 = arith.index_cast %get3A_348 : i32 to index
        %get3A_350 = arith.index_cast %add3A_347 : i32 to index
        %get3A_351 = tpu.vector_load %arg5[%get3A_349, %get3A_350] {strides = array<i32>} : memref<8x3968xf32, #tpu.memory_space<vmem>>, vector<1x16xf32>,
        %get3A_352 = vector.shape_cast %get3A_351 : vector<1x16xf32> to vector<16xf32>
        %exp3A_353 = math.exp %get3A_352 : vector<16xf32>
        %add3A_354 = arith.addf %add3A_318, %exp3A_353 : vector<16xf32>
        %add3A_355 = arith.constant 80 : i32
        %add3A_356 = arith.addi %mul3A_311, %add3A_355 : i32
        %get3A_357 = arith.constant 7 : i32
        %get3A_358 = arith.index_cast %get3A_357 : i32 to index
        %get3A_359 = arith.index_cast %add3A_356 : i32 to index
        %get3A_360 = tpu.vector_load %arg5[%get3A_358, %get3A_359] {strides = array<i32>} : memref<8x3968xf32, #tpu.memory_space<vmem>>, vector<1x16xf32>,
        %get3A_361 = vector.shape_cast %get3A_360 : vector<1x16xf32> to vector<16xf32>
        %exp3A_362 = math.exp %get3A_361 : vector<16xf32>
        %add3A_363 = arith.addf %add3A_327, %exp3A_362 : vector<16xf32>
        %add3A_364 = arith.constant 96 : i32
        %add3A_365 = arith.addi %mul3A_311, %add3A_364 : i32
        %get3A_366 = arith.constant 7 : i32
        %get3A_367 = arith.index_cast %get3A_366 : i32 to index
        %get3A_368 = arith.index_cast %add3A_365 : i32 to index
        %get3A_369 = tpu.vector_load %arg5[%get3A_367, %get3A_368] {strides = array<i32>} : memref<8x3968xf32, #tpu.memory_space<vmem>>, vector<1x16xf32>,
        %get3A_370 = vector.shape_cast %get3A_369 : vector<1x16xf32> to vector<16xf32>
        %exp3A_371 = math.exp %get3A_370 : vector<16xf32>
        %add3A_372 = arith.addf %add3A_336, %exp3A_371 : vector<16xf32>
        %add3A_373 = arith.constant 112 : i32
        %add3A_374 = arith.addi %mul3A_311, %add3A_373 : i32
        %get3A_375 = arith.constant 7 : i32
        %get3A_376 = arith.index_cast %get3A_375 : i32 to index
        %get3A_377 = arith.index_cast %add3A_374 : i32 to index
        %get3A_378 = tpu.vector_load %arg5[%get3A_376, %get3A_377] {strides = array<i32>} : memref<8x3968xf32, #tpu.memory_space<vmem>>, vector<1x16xf32>,
        %get3A_379 = vector.shape_cast %get3A_378 : vector<1x16xf32> to vector<16xf32>
        %exp3A_380 = math.exp %get3A_379 : vector<16xf32>
        %add3A_381 = arith.addf %add3A_345, %exp3A_380 : vector<16xf32>
        scf.yield %add3A_354, %add3A_363, %add3A_372, %add3A_381 : vector<16xf32>, vector<16xf32>, vector<16xf32>, vector<16xf32>
      }
      %scan3A_294 = arith.constant 31 : i32
      %add3A_295 = arith.addf %scan3A_293#0, %scan3A_293#1 : vector<16xf32>
      %add3A_296 = arith.addf %scan3A_293#2, %scan3A_293#3 : vector<16xf32>
      %add3A_297 = arith.addf %add3A_295, %add3A_296 : vector<16xf32>
      %add3A_298 = arith.constant 3 : i32
      %add3A_299 = arith.addi %mul3A_125, %add3A_298 : i32
      %lt3A_300 = arith.constant 14 : i32
      %lt3A_301 = arith.cmpi slt, %add3A_299, %lt3A_300 : i32
      %convert_element_type3A_302 = arith.extui %lt3A_301 : i1 to i32
      %cond3A_303 = arith.constant 0 : i32
      %cond3A_304 = arith.cmpi ne, %convert_element_type3A_302, %cond3A_303 : i32
      scf.if %cond3A_304 {
        %add3A_305 = arith.constant 3 : i32
        %add3A_306 = arith.addi %mul3A_125, %add3A_305 : i32
        %mul3A_307 = arith.constant 55552 : i32
        %mul3A_308 = arith.muli %select_n3A_30, %mul3A_307 : i32
        %add3A_309 = arith.constant 1555584 : i32
        %add3A_310 = arith.addi %add3A_309, %mul3A_308 : i32
        %mul3A_311 = arith.constant 3968 : i32
        %mul3A_312 = arith.muli %add3A_306, %mul3A_311 : i32
        %add3A_313 = arith.addi %add3A_310, %mul3A_312 : i32
        %dma_start3A_314 = tpu.memref_slice %arg2[%mul3A_32, %add3A_313] : memref<32x2000000xf32, #tpu.memory_space<hbm>> -> memref<8x3968xf32, #tpu.memory_space<hbm>>
        %dma_start3A_315 = tpu.memref_slice %arg2[%mul3A_32, %add3A_313] : memref<32x2000000xf32, #tpu.memory_space<hbm>> -> memref<8x3968xf32, #tpu.memory_space<hbm>>
        tpu.enqueue_dma source(%dma_start3A_315 : memref<8x3968xf32, #tpu.memory_space<hbm>>) target(%arg5 : memref<8x3968xf32, #tpu.memory_space<vmem>>) target_semaphore(%arg8 : memref<!tpu.dma_semaphore, #tpu.memory_space<semaphore_mem>>)
      } else {
      }
      scf.yield %add3A_234, %add3A_243, %add3A_252, %add3A_261, %add3A_270, %add3A_279, %add3A_288, %add3A_297 : vector<16xf32>, vector<16xf32>, vector<16xf32>, vector<16xf32>, vector<16xf32>, vector<16xf32>, vector<16xf32>, vector<16xf32>
    }
    %scan3A_67 = arith.constant 7 : i32
    %swap3A = arith.constant 0 : i32
    %swap3A_68 = arith.index_cast %swap3A : i32 to index
    %swap3A_69 = arith.constant 0 : index
    %swap3A_70 = tpu.vector_load %arg6[%swap3A_68, %swap3A_69] {strides = array<i32>} : memref<8x16xf32, #tpu.memory_space<vmem>>, vector<1x16xf32>,
    %swap3A_71 = vector.shape_cast %swap3A_70 : vector<1x16xf32> to vector<16xf32>
    %swap3A_72 = vector.shape_cast %scan3A_66#0 : vector<16xf32> to vector<1x16xf32>
    tpu.vector_store %arg6[%swap3A_68, %swap3A_69], %swap3A_72 {strides = array<i32>} : memref<8x16xf32, #tpu.memory_space<vmem>>, vector<1x16xf32>,
    %swap3A_73 = arith.constant 1 : i32
    %swap3A_74 = arith.index_cast %swap3A_73 : i32 to index
    %swap3A_75 = arith.constant 0 : index
    %swap3A_76 = tpu.vector_load %arg6[%swap3A_74, %swap3A_75] {strides = array<i32>} : memref<8x16xf32, #tpu.memory_space<vmem>>, vector<1x16xf32>,
    %swap3A_77 = vector.shape_cast %swap3A_76 : vector<1x16xf32> to vector<16xf32>
    %swap3A_78 = vector.shape_cast %scan3A_66#1 : vector<16xf32> to vector<1x16xf32>
    tpu.vector_store %arg6[%swap3A_74, %swap3A_75], %swap3A_78 {strides = array<i32>} : memref<8x16xf32, #tpu.memory_space<vmem>>, vector<1x16xf32>,
    %swap3A_79 = arith.constant 2 : i32
    %swap3A_80 = arith.index_cast %swap3A_79 : i32 to index
    %swap3A_81 = arith.constant 0 : index
    %swap3A_82 = tpu.vector_load %arg6[%swap3A_80, %swap3A_81] {strides = array<i32>} : memref<8x16xf32, #tpu.memory_space<vmem>>, vector<1x16xf32>,
    %swap3A_83 = vector.shape_cast %swap3A_82 : vector<1x16xf32> to vector<16xf32>
    %swap3A_84 = vector.shape_cast %scan3A_66#2 : vector<16xf32> to vector<1x16xf32>
    tpu.vector_store %arg6[%swap3A_80, %swap3A_81], %swap3A_84 {strides = array<i32>} : memref<8x16xf32, #tpu.memory_space<vmem>>, vector<1x16xf32>,
    %swap3A_85 = arith.constant 3 : i32
    %swap3A_86 = arith.index_cast %swap3A_85 : i32 to index
    %swap3A_87 = arith.constant 0 : index
    %swap3A_88 = tpu.vector_load %arg6[%swap3A_86, %swap3A_87] {strides = array<i32>} : memref<8x16xf32, #tpu.memory_space<vmem>>, vector<1x16xf32>,
    %swap3A_89 = vector.shape_cast %swap3A_88 : vector<1x16xf32> to vector<16xf32>
    %swap3A_90 = vector.shape_cast %scan3A_66#3 : vector<16xf32> to vector<1x16xf32>
    tpu.vector_store %arg6[%swap3A_86, %swap3A_87], %swap3A_90 {strides = array<i32>} : memref<8x16xf32, #tpu.memory_space<vmem>>, vector<1x16xf32>,
    %swap3A_91 = arith.constant 4 : i32
    %swap3A_92 = arith.index_cast %swap3A_91 : i32 to index
    %swap3A_93 = arith.constant 0 : index
    %swap3A_94 = tpu.vector_load %arg6[%swap3A_92, %swap3A_93] {strides = array<i32>} : memref<8x16xf32, #tpu.memory_space<vmem>>, vector<1x16xf32>,
    %swap3A_95 = vector.shape_cast %swap3A_94 : vector<1x16xf32> to vector<16xf32>
    %swap3A_96 = vector.shape_cast %scan3A_66#4 : vector<16xf32> to vector<1x16xf32>
    tpu.vector_store %arg6[%swap3A_92, %swap3A_93], %swap3A_96 {strides = array<i32>} : memref<8x16xf32, #tpu.memory_space<vmem>>, vector<1x16xf32>,
    %swap3A_97 = arith.constant 5 : i32
    %swap3A_98 = arith.index_cast %swap3A_97 : i32 to index
    %swap3A_99 = arith.constant 0 : index
    %swap3A_100 = tpu.vector_load %arg6[%swap3A_98, %swap3A_99] {strides = array<i32>} : memref<8x16xf32, #tpu.memory_space<vmem>>, vector<1x16xf32>,
    %swap3A_101 = vector.shape_cast %swap3A_100 : vector<1x16xf32> to vector<16xf32>
    %swap3A_102 = vector.shape_cast %scan3A_66#5 : vector<16xf32> to vector<1x16xf32>
    tpu.vector_store %arg6[%swap3A_98, %swap3A_99], %swap3A_102 {strides = array<i32>} : memref<8x16xf32, #tpu.memory_space<vmem>>, vector<1x16xf32>,
    %swap3A_103 = arith.constant 6 : i32
    %swap3A_104 = arith.index_cast %swap3A_103 : i32 to index
    %swap3A_105 = arith.constant 0 : index
    %swap3A_106 = tpu.vector_load %arg6[%swap3A_104, %swap3A_105] {strides = array<i32>} : memref<8x16xf32, #tpu.memory_space<vmem>>, vector<1x16xf32>,
    %swap3A_107 = vector.shape_cast %swap3A_106 : vector<1x16xf32> to vector<16xf32>
    %swap3A_108 = vector.shape_cast %scan3A_66#6 : vector<16xf32> to vector<1x16xf32>
    tpu.vector_store %arg6[%swap3A_104, %swap3A_105], %swap3A_108 {strides = array<i32>} : memref<8x16xf32, #tpu.memory_space<vmem>>, vector<1x16xf32>,
    %swap3A_109 = arith.constant 7 : i32
    %swap3A_110 = arith.index_cast %swap3A_109 : i32 to index
    %swap3A_111 = arith.constant 0 : index
    %swap3A_112 = tpu.vector_load %arg6[%swap3A_110, %swap3A_111] {strides = array<i32>} : memref<8x16xf32, #tpu.memory_space<vmem>>, vector<1x16xf32>,
    %swap3A_113 = vector.shape_cast %swap3A_112 : vector<1x16xf32> to vector<16xf32>
    %swap3A_114 = vector.shape_cast %scan3A_66#7 : vector<16xf32> to vector<1x16xf32>
    tpu.vector_store %arg6[%swap3A_110, %swap3A_111], %swap3A_114 {strides = array<i32>} : memref<8x16xf32, #tpu.memory_space<vmem>>, vector<1x16xf32>,
    "tpu.region"() ({
      %run_scoped3A = tpu.sem_alloc : memref<!tpu.dma_semaphore, #tpu.memory_space<semaphore_mem>>
      %dma_start3A_115 = arith.constant 0 : i32
      %dma_start3A_116 = tpu.memref_slice %arg3[%select_n3A_30, %mul3A_32, %dma_start3A_115] : memref<8x32x16xf32, #tpu.memory_space<hbm>> -> memref<1x8x16xf32, #tpu.memory_space<hbm>>
      %dma_start3A_117 = tpu.memref_squeeze %dma_start3A_116 : memref<1x8x16xf32, #tpu.memory_space<hbm>> -> memref<8x16xf32, #tpu.memory_space<hbm>>
      %dma_start3A_118 = arith.constant 0 : i32
      %dma_start3A_119 = tpu.memref_slice %arg3[%select_n3A_30, %mul3A_32, %dma_start3A_118] : memref<8x32x16xf32, #tpu.memory_space<hbm>> -> memref<1x8x16xf32, #tpu.memory_space<hbm>>
      %dma_start3A_120 = tpu.memref_squeeze %dma_start3A_119 : memref<1x8x16xf32, #tpu.memory_space<hbm>> -> memref<8x16xf32, #tpu.memory_space<hbm>>
      tpu.enqueue_dma source(%arg6 : memref<8x16xf32, #tpu.memory_space<vmem>>) target(%dma_start3A_120 : memref<8x16xf32, #tpu.memory_space<hbm>>) target_semaphore(%run_scoped3A : memref<!tpu.dma_semaphore, #tpu.memory_space<semaphore_mem>>)
      %dma_wait3A = arith.constant 0 : i32
      %dma_wait3A_121 = tpu.memref_slice %arg3[%select_n3A_30, %mul3A_32, %dma_wait3A] : memref<8x32x16xf32, #tpu.memory_space<hbm>> -> memref<1x8x16xf32, #tpu.memory_space<hbm>>
      %dma_wait3A_122 = tpu.memref_squeeze %dma_wait3A_121 : memref<1x8x16xf32, #tpu.memory_space<hbm>> -> memref<8x16xf32, #tpu.memory_space<hbm>>
      %dma_wait3A_123 = arith.constant 0 : i32
      %dma_wait3A_124 = tpu.memref_slice %arg3[%select_n3A_30, %mul3A_32, %dma_wait3A_123] : memref<8x32x16xf32, #tpu.memory_space<hbm>> -> memref<1x8x16xf32, #tpu.memory_space<hbm>>
      %dma_wait3A_125 = tpu.memref_squeeze %dma_wait3A_124 : memref<1x8x16xf32, #tpu.memory_space<hbm>> -> memref<8x16xf32, #tpu.memory_space<hbm>>
      tpu.wait_dma2 semaphore(%run_scoped3A : memref<!tpu.dma_semaphore, #tpu.memory_space<semaphore_mem>>) src(%arg6 : memref<8x16xf32, #tpu.memory_space<vmem>>) dst(%dma_wait3A_125 : memref<8x16xf32, #tpu.memory_space<hbm>>)
      tpu.yield
    }) : () -> ()
    return
  }
}

module attributes {stable_mosaic.version = 14 : i64} {
  func.func @_comb_body(%arg0: memref<32x1xf32, #tpu.memory_space<vmem>>, %arg1: memref<32x1xf32, #tpu.memory_space<vmem>>, %arg2: memref<32x1xf32, #tpu.memory_space<vmem>>, %arg3: memref<8x32x16xf32, #tpu.memory_space<vmem>>, %arg4: memref<32xf32, #tpu.memory_space<vmem>>) attributes {dimension_semantics = [], scalar_prefetch = 0 : i64, scratch_operands = 0 : i64, tpu.core_type = #tpu.core_type<tc>} {
    %get3A = arith.constant 0 : index
    %get3A_0 = arith.constant 0 : index
    %get3A_1 = arith.constant 0 : index
    %get3A_2 = vector.load %arg3[%get3A, %get3A_0, %get3A_1] : memref<8x32x16xf32, #tpu.memory_space<vmem>>, vector<8x32x16xf32>
    %reduce_sum3A = arith.constant dense<0.000000e+00> : vector<32xf32>
    %reduce_sum3A_3 = vector.multi_reduction <add>, %get3A_2, %reduce_sum3A [0, 2] : vector<8x32x16xf32> to vector<32xf32>
    %reshape3A = vector.shape_cast %reduce_sum3A_3 : vector<32xf32> to vector<32x1xf32>
    %get3A_4 = arith.constant 0 : index
    %get3A_5 = arith.constant 0 : index
    %get3A_6 = vector.load %arg0[%get3A_4, %get3A_5] : memref<32x1xf32, #tpu.memory_space<vmem>>, vector<32x1xf32>
    %get3A_7 = arith.constant 0 : index
    %get3A_8 = arith.constant 0 : index
    %get3A_9 = vector.load %arg2[%get3A_7, %get3A_8] : memref<32x1xf32, #tpu.memory_space<vmem>>, vector<32x1xf32>
    %get3A_10 = arith.constant 0 : index
    %get3A_11 = arith.constant 0 : index
    %get3A_12 = vector.load %arg1[%get3A_10, %get3A_11] : memref<32x1xf32, #tpu.memory_space<vmem>>, vector<32x1xf32>
    %neg3A = arith.constant 0.000000e+00 : f32
    %neg3A_13 = vector.broadcast %neg3A : f32 to vector<32x1xf32>
    %neg3A_14 = arith.subf %neg3A_13, %get3A_6 : vector<32x1xf32>
    %exp3A = math.exp %neg3A_14 : vector<32x1xf32>
    %mul3A = arith.mulf %reshape3A, %exp3A : vector<32x1xf32>
    %add3A = arith.addf %get3A_12, %mul3A : vector<32x1xf32>
    %log3A = math.log %add3A : vector<32x1xf32>
    %add3A_15 = arith.addf %get3A_6, %log3A : vector<32x1xf32>
    %sub3A = arith.subf %get3A_9, %add3A_15 : vector<32x1xf32>
    %reshape3A_16 = vector.shape_cast %sub3A : vector<32x1xf32> to vector<32xf32>
    %swap3A = arith.constant 0 : index
    %swap3A_17 = vector.load %arg4[%swap3A] : memref<32xf32, #tpu.memory_space<vmem>>, vector<32xf32>
    tpu.vector_store %arg4[%swap3A], %reshape3A_16 {strides = array<i32>} : memref<32xf32, #tpu.memory_space<vmem>>, vector<32xf32>,
    return
  }
}

module attributes {stable_mosaic.version = 14 : i64} {
  func.func @_tc_body(%arg0: memref<1xi32, #tpu.memory_space<smem>>, %arg1: memref<32x2000000xf32, #tpu.memory_space<any>>, %arg2: memref<1000000xf32, #tpu.memory_space<any>>, %arg3: memref<32x1xf32, #tpu.memory_space<vmem>>, %arg4: memref<32x1xf32, #tpu.memory_space<vmem>>, %arg5: memref<32x1xf32, #tpu.memory_space<vmem>>, %arg6: memref<32x27776xf32, #tpu.memory_space<vmem>>, %arg7: memref<32x27776xf32, #tpu.memory_space<vmem>>, %arg8: memref<1x62464xf32, #tpu.memory_space<vmem>>, %arg9: memref<1x62464xf32, #tpu.memory_space<vmem>>, %arg10: memref<62464xf32, #tpu.memory_space<vmem>>, %arg11: memref<62464xf32, #tpu.memory_space<vmem>>, %arg12: memref<32x128xf32, #tpu.memory_space<vmem>>, %arg13: memref<1x640xf32, #tpu.memory_space<vmem>>, %arg14: memref<576xf32, #tpu.memory_space<vmem>>, %arg15: memref<32x128xf32, #tpu.memory_space<vmem>>, %arg16: memref<!tpu.dma_semaphore, #tpu.memory_space<semaphore_mem>>, %arg17: memref<!tpu.dma_semaphore, #tpu.memory_space<semaphore_mem>>, %arg18: memref<!tpu.dma_semaphore, #tpu.memory_space<semaphore_mem>>, %arg19: memref<!tpu.dma_semaphore, #tpu.memory_space<semaphore_mem>>, %arg20: memref<!tpu.dma_semaphore, #tpu.memory_space<semaphore_mem>>, %arg21: memref<!tpu.dma_semaphore, #tpu.memory_space<semaphore_mem>>, %arg22: memref<!tpu.dma_semaphore, #tpu.memory_space<semaphore_mem>>, %arg23: memref<!tpu.dma_semaphore, #tpu.memory_space<semaphore_mem>>, %arg24: memref<!tpu.dma_semaphore, #tpu.memory_space<semaphore_mem>>, %arg25: memref<!tpu.dma_semaphore, #tpu.memory_space<semaphore_mem>>) attributes {dimension_semantics = [], scalar_prefetch = 0 : i64, scratch_operands = 20 : i64, tpu.core_type = #tpu.core_type<tc>} {
    %get3A = arith.constant 0 : index
    %get3A_0 = memref.load %arg0[%get3A] : memref<1xi32, #tpu.memory_space<smem>>
    %convert_element_type3A = arith.sitofp %get3A_0 : i32 to f32
    %dma_start3A = arith.constant 0 : i32
    %dma_start3A_1 = arith.constant 999936 : i32
    %dma_start3A_2 = tpu.memref_slice %arg1[%dma_start3A, %dma_start3A_1] : memref<32x2000000xf32, #tpu.memory_space<any>> -> memref<32x128xf32, #tpu.memory_space<any>>
    tpu.enqueue_dma source(%dma_start3A_2 : memref<32x128xf32, #tpu.memory_space<any>>) target(%arg12 : memref<32x128xf32, #tpu.memory_space<vmem>>) target_semaphore(%arg22 : memref<!tpu.dma_semaphore, #tpu.memory_space<semaphore_mem>>)
    %dma_start3A_3 = arith.constant 0 : i32
    %dma_start3A_4 = arith.constant 999424 : i32
    %dma_start3A_5 = tpu.memref_slice %arg1[%dma_start3A_3, %dma_start3A_4] : memref<32x2000000xf32, #tpu.memory_space<any>> -> memref<1x640xf32, #tpu.memory_space<any>>
    tpu.enqueue_dma source(%dma_start3A_5 : memref<1x640xf32, #tpu.memory_space<any>>) target(%arg13 : memref<1x640xf32, #tpu.memory_space<vmem>>) target_semaphore(%arg23 : memref<!tpu.dma_semaphore, #tpu.memory_space<semaphore_mem>>)
    %add3A = arith.constant 1000000 : i32
    %add3A_6 = arith.addi %add3A, %get3A_0 : i32
    %jit3A = arith.constant 128 : i32
    %div3A = arith.divsi %add3A_6, %jit3A : i32
    %sign3A = arith.constant 0 : i32
    %sign3A_7 = arith.cmpi sgt, %add3A_6, %sign3A : i32
    %sign3A_8 = arith.extui %sign3A_7 : i1 to i32
    %sign3A_9 = arith.constant 0 : i32
    %sign3A_10 = arith.cmpi slt, %add3A_6, %sign3A_9 : i32
    %sign3A_11 = arith.extui %sign3A_10 : i1 to i32
    %sign3A_12 = arith.subi %sign3A_8, %sign3A_11 : i32
    %sign3A_13 = arith.constant 0 : i32
    %sign3A_14 = arith.cmpi sgt, %jit3A, %sign3A_13 : i32
    %sign3A_15 = arith.extui %sign3A_14 : i1 to i32
    %sign3A_16 = arith.constant 0 : i32
    %sign3A_17 = arith.cmpi slt, %jit3A, %sign3A_16 : i32
    %sign3A_18 = arith.extui %sign3A_17 : i1 to i32
    %sign3A_19 = arith.subi %sign3A_15, %sign3A_18 : i32
    %ne3A = arith.cmpi ne, %sign3A_12, %sign3A_19 : i32
    %rem3A = arith.remsi %add3A_6, %jit3A : i32
    %ne3A_20 = arith.constant 0 : i32
    %ne3A_21 = arith.cmpi ne, %rem3A, %ne3A_20 : i32
    %and3A = arith.andi %ne3A, %ne3A_21 : i1
    %sub3A = arith.constant 1 : i32
    %sub3A_22 = arith.subi %div3A, %sub3A : i32
    %select_n3A = arith.select %and3A, %sub3A_22, %div3A : i32
    %mul3A = arith.constant 128 : i32
    %mul3A_23 = arith.muli %select_n3A, %mul3A : i32
    %multiple_of3A = tpu.assume_multiple %mul3A_23, 128 : i32
    %dma_start3A_24 = arith.constant 0 : i32
    %dma_start3A_25 = tpu.memref_slice %arg1[%dma_start3A_24, %multiple_of3A] : memref<32x2000000xf32, #tpu.memory_space<any>> -> memref<32x128xf32, #tpu.memory_space<any>>
    tpu.enqueue_dma source(%dma_start3A_25 : memref<32x128xf32, #tpu.memory_space<any>>) target(%arg15 : memref<32x128xf32, #tpu.memory_space<vmem>>) target_semaphore(%arg25 : memref<!tpu.dma_semaphore, #tpu.memory_space<semaphore_mem>>)
    %dma_start3A_26 = arith.constant 0 : i32
    %dma_start3A_27 = arith.constant 1000064 : i32
    %dma_start3A_28 = tpu.memref_slice %arg1[%dma_start3A_26, %dma_start3A_27] : memref<32x2000000xf32, #tpu.memory_space<any>> -> memref<32x27776xf32, #tpu.memory_space<any>>
    tpu.enqueue_dma source(%dma_start3A_28 : memref<32x27776xf32, #tpu.memory_space<any>>) target(%arg6 : memref<32x27776xf32, #tpu.memory_space<vmem>>) target_semaphore(%arg16 : memref<!tpu.dma_semaphore, #tpu.memory_space<semaphore_mem>>)
    %dma_start3A_29 = arith.constant 0 : i32
    %dma_start3A_30 = arith.constant 1027840 : i32
    %dma_start3A_31 = tpu.memref_slice %arg1[%dma_start3A_29, %dma_start3A_30] : memref<32x2000000xf32, #tpu.memory_space<any>> -> memref<32x27776xf32, #tpu.memory_space<any>>
    tpu.enqueue_dma source(%dma_start3A_31 : memref<32x27776xf32, #tpu.memory_space<any>>) target(%arg7 : memref<32x27776xf32, #tpu.memory_space<vmem>>) target_semaphore(%arg17 : memref<!tpu.dma_semaphore, #tpu.memory_space<semaphore_mem>>)
    %dma_start3A_32 = arith.constant 0 : i32
    %dma_start3A_33 = arith.constant 0 : i32
    %dma_start3A_34 = tpu.memref_slice %arg1[%dma_start3A_32, %dma_start3A_33] : memref<32x2000000xf32, #tpu.memory_space<any>> -> memref<1x62464xf32, #tpu.memory_space<any>>
    tpu.enqueue_dma source(%dma_start3A_34 : memref<1x62464xf32, #tpu.memory_space<any>>) target(%arg8 : memref<1x62464xf32, #tpu.memory_space<vmem>>) target_semaphore(%arg18 : memref<!tpu.dma_semaphore, #tpu.memory_space<semaphore_mem>>)
    %dma_start3A_35 = arith.constant 0 : i32
    %dma_start3A_36 = arith.constant 62464 : i32
    %dma_start3A_37 = tpu.memref_slice %arg1[%dma_start3A_35, %dma_start3A_36] : memref<32x2000000xf32, #tpu.memory_space<any>> -> memref<1x62464xf32, #tpu.memory_space<any>>
    tpu.enqueue_dma source(%dma_start3A_37 : memref<1x62464xf32, #tpu.memory_space<any>>) target(%arg9 : memref<1x62464xf32, #tpu.memory_space<vmem>>) target_semaphore(%arg19 : memref<!tpu.dma_semaphore, #tpu.memory_space<semaphore_mem>>)
    %dma_wait3A = arith.constant 0 : i32
    %dma_wait3A_38 = arith.constant 999936 : i32
    %dma_wait3A_39 = tpu.memref_slice %arg1[%dma_wait3A, %dma_wait3A_38] : memref<32x2000000xf32, #tpu.memory_space<any>> -> memref<32x128xf32, #tpu.memory_space<any>>
    tpu.wait_dma2 semaphore(%arg22 : memref<!tpu.dma_semaphore, #tpu.memory_space<semaphore_mem>>) src(%dma_wait3A_39 : memref<32x128xf32, #tpu.memory_space<any>>) dst(%arg12 : memref<32x128xf32, #tpu.memory_space<vmem>>)
    %iota3A = tpu.iota {dimensions = array<i32: 1>} : vector<32x128xi32>
    %ge3A = arith.constant 64 : i32
    %ge3A_40 = vector.broadcast %ge3A : i32 to vector<32x128xi32>
    %ge3A_41 = arith.cmpi sge, %iota3A, %ge3A_40 : vector<32x128xi32>
    %get3A_42 = arith.constant 0 : index
    %get3A_43 = arith.constant 0 : index
    %get3A_44 = vector.load %arg12[%get3A_42, %get3A_43] : memref<32x128xf32, #tpu.memory_space<vmem>>, vector<32x128xf32>
    %jit3A_45 = arith.constant 0xFF800000 : f32
    %broadcast_in_dim3A = vector.broadcast %jit3A_45 : f32 to vector<32x128xf32>
    %select_n3A_46 = arith.select %ge3A_41, %get3A_44, %broadcast_in_dim3A : vector<32x128xi1>, vector<32x128xf32>
    %reduce_max3A = arith.constant dense<0xFF800000> : vector<32xf32>
    %reduce_max3A_47 = vector.multi_reduction <maximumf>, %select_n3A_46, %reduce_max3A [1] : vector<32x128xf32> to vector<32xf32>
    %broadcast_in_dim3A_48 = vector.shape_cast %reduce_max3A_47 : vector<32xf32> to vector<32x1xf32>
    %ge3A_49 = arith.constant 64 : i32
    %ge3A_50 = vector.broadcast %ge3A_49 : i32 to vector<32x128xi32>
    %ge3A_51 = arith.cmpi sge, %iota3A, %ge3A_50 : vector<32x128xi32>
    %get3A_52 = arith.constant 0 : index
    %get3A_53 = arith.constant 0 : index
    %get3A_54 = vector.load %arg12[%get3A_52, %get3A_53] : memref<32x128xf32, #tpu.memory_space<vmem>>, vector<32x128xf32>
    %sub3A_55 = vector.broadcast %broadcast_in_dim3A_48 : vector<32x1xf32> to vector<32x128xf32>
    %sub3A_56 = arith.subf %get3A_54, %sub3A_55 : vector<32x128xf32>
    %exp3A = math.exp %sub3A_56 : vector<32x128xf32>
    %jit3A_57 = arith.constant 0.000000e+00 : f32
    %broadcast_in_dim3A_58 = vector.broadcast %jit3A_57 : f32 to vector<32x128xf32>
    %select_n3A_59 = arith.select %ge3A_51, %exp3A, %broadcast_in_dim3A_58 : vector<32x128xi1>, vector<32x128xf32>
    %reduce_sum3A = arith.constant dense<0.000000e+00> : vector<32xf32>
    %reduce_sum3A_60 = vector.multi_reduction <add>, %select_n3A_59, %reduce_sum3A [1] : vector<32x128xf32> to vector<32xf32>
    %broadcast_in_dim3A_61 = vector.shape_cast %reduce_sum3A_60 : vector<32xf32> to vector<32x1xf32>
    %dma_wait3A_62 = arith.constant 0 : i32
    %dma_wait3A_63 = arith.constant 999424 : i32
    %dma_wait3A_64 = tpu.memref_slice %arg1[%dma_wait3A_62, %dma_wait3A_63] : memref<32x2000000xf32, #tpu.memory_space<any>> -> memref<1x640xf32, #tpu.memory_space<any>>
    tpu.wait_dma2 semaphore(%arg23 : memref<!tpu.dma_semaphore, #tpu.memory_space<semaphore_mem>>) src(%dma_wait3A_64 : memref<1x640xf32, #tpu.memory_space<any>>) dst(%arg13 : memref<1x640xf32, #tpu.memory_space<vmem>>)
    %get3A_65 = arith.constant 0 : index
    %get3A_66 = arith.constant 0 : index
    %get3A_67 = vector.load %arg13[%get3A_65, %get3A_66] : memref<1x640xf32, #tpu.memory_space<vmem>>, vector<1x576xf32>
    %add3A_68 = arith.constant 9.99999968E-21 : f32
    %add3A_69 = vector.broadcast %add3A_68 : f32 to vector<1x576xf32>
    %add3A_70 = arith.addf %get3A_67, %add3A_69 : vector<1x576xf32>
    %neg3A = arith.constant 0.000000e+00 : f32
    %neg3A_71 = vector.broadcast %neg3A : f32 to vector<1x576xf32>
    %neg3A_72 = arith.subf %neg3A_71, %add3A_70 : vector<1x576xf32>
    %log1p3A = math.log1p %neg3A_72 : vector<1x576xf32>
    %mul3A_73 = vector.broadcast %convert_element_type3A : f32 to vector<1x576xf32>
    %mul3A_74 = arith.mulf %mul3A_73, %log1p3A : vector<1x576xf32>
    %log3A = math.log %add3A_70 : vector<1x576xf32>
    %add3A_75 = arith.addf %mul3A_74, %log3A : vector<1x576xf32>
    %reshape3A = vector.shape_cast %add3A_75 : vector<1x576xf32> to vector<576xf32>
    %swap3A = arith.constant 0 : index
    %swap3A_76 = vector.load %arg14[%swap3A] : memref<576xf32, #tpu.memory_space<vmem>>, vector<576xf32>
    tpu.vector_store %arg14[%swap3A], %reshape3A {strides = array<i32>} : memref<576xf32, #tpu.memory_space<vmem>>, vector<576xf32>,
    %dma_start3A_77 = arith.constant 999424 : i32
    %dma_start3A_78 = tpu.memref_slice %arg2[%dma_start3A_77] : memref<1000000xf32, #tpu.memory_space<any>> -> memref<576xf32, #tpu.memory_space<any>>
    tpu.enqueue_dma source(%arg14 : memref<576xf32, #tpu.memory_space<vmem>>) target(%dma_start3A_78 : memref<576xf32, #tpu.memory_space<any>>) target_semaphore(%arg24 : memref<!tpu.dma_semaphore, #tpu.memory_space<semaphore_mem>>)
    %scan3A = arith.constant 0 : i32
    %scan3A_79 = arith.constant 8 : i32
    %scan3A_80 = arith.addi %scan3A, %scan3A_79 : i32
    %scan3A_81 = arith.constant 1 : i32
    scf.for %scan3A_119 = %scan3A to %scan3A_80 step %scan3A_81  : i32 {
      %mul3A_120 = arith.constant 2 : i32
      %mul3A_121 = arith.muli %mul3A_120, %scan3A_119 : i32
      %eq3A_122 = arith.constant 0 : i32
      %eq3A_123 = arith.cmpi eq, %scan3A_119, %eq3A_122 : i32
      %mul3A_124 = arith.constant 62464 : i32
      %mul3A_125 = arith.muli %mul3A_121, %mul3A_124 : i32
      %dma_wait3A_126 = arith.constant 0 : i32
      %dma_wait3A_127 = tpu.memref_slice %arg1[%dma_wait3A_126, %mul3A_125] : memref<32x2000000xf32, #tpu.memory_space<any>> -> memref<1x62464xf32, #tpu.memory_space<any>>
      tpu.wait_dma2 semaphore(%arg18 : memref<!tpu.dma_semaphore, #tpu.memory_space<semaphore_mem>>) src(%dma_wait3A_127 : memref<1x62464xf32, #tpu.memory_space<any>>) dst(%arg8 : memref<1x62464xf32, #tpu.memory_space<vmem>>)
      %not3A = arith.constant true
      %not3A_128 = arith.xori %eq3A_123, %not3A : i1
      %convert_element_type3A_129 = arith.extui %not3A_128 : i1 to i32
      %cond3A = arith.constant 0 : i32
      %cond3A_130 = arith.cmpi ne, %convert_element_type3A_129, %cond3A : i32
      scf.if %cond3A_130 {
        %sub3A_197 = arith.constant 2 : i32
        %sub3A_198 = arith.subi %mul3A_121, %sub3A_197 : i32
        %mul3A_199 = arith.constant 62464 : i32
        %mul3A_200 = arith.muli %sub3A_198, %mul3A_199 : i32
        %dma_wait3A_201 = tpu.memref_slice %arg2[%mul3A_200] : memref<1000000xf32, #tpu.memory_space<any>> -> memref<62464xf32, #tpu.memory_space<any>>
        tpu.wait_dma2 semaphore(%arg20 : memref<!tpu.dma_semaphore, #tpu.memory_space<semaphore_mem>>) src(%arg10 : memref<62464xf32, #tpu.memory_space<vmem>>) dst(%dma_wait3A_201 : memref<62464xf32, #tpu.memory_space<any>>)
      } else {
      }
      %get3A_131 = arith.constant 0 : index
      %get3A_132 = arith.constant 0 : index
      %get3A_133 = vector.load %arg8[%get3A_131, %get3A_132] : memref<1x62464xf32, #tpu.memory_space<vmem>>, vector<1x62464xf32>
      %add3A_134 = arith.constant 9.99999968E-21 : f32
      %add3A_135 = vector.broadcast %add3A_134 : f32 to vector<1x62464xf32>
      %add3A_136 = arith.addf %get3A_133, %add3A_135 : vector<1x62464xf32>
      %neg3A_137 = arith.constant 0.000000e+00 : f32
      %neg3A_138 = vector.broadcast %neg3A_137 : f32 to vector<1x62464xf32>
      %neg3A_139 = arith.subf %neg3A_138, %add3A_136 : vector<1x62464xf32>
      %log1p3A_140 = math.log1p %neg3A_139 : vector<1x62464xf32>
      %mul3A_141 = vector.broadcast %convert_element_type3A : f32 to vector<1x62464xf32>
      %mul3A_142 = arith.mulf %mul3A_141, %log1p3A_140 : vector<1x62464xf32>
      %log3A_143 = math.log %add3A_136 : vector<1x62464xf32>
      %add3A_144 = arith.addf %mul3A_142, %log3A_143 : vector<1x62464xf32>
      %reshape3A_145 = vector.shape_cast %add3A_144 : vector<1x62464xf32> to vector<62464xf32>
      %swap3A_146 = arith.constant 0 : index
      %swap3A_147 = vector.load %arg10[%swap3A_146] : memref<62464xf32, #tpu.memory_space<vmem>>, vector<62464xf32>
      tpu.vector_store %arg10[%swap3A_146], %reshape3A_145 {strides = array<i32>} : memref<62464xf32, #tpu.memory_space<vmem>>, vector<62464xf32>,
      %mul3A_148 = arith.constant 62464 : i32
      %mul3A_149 = arith.muli %mul3A_121, %mul3A_148 : i32
      %dma_start3A_150 = tpu.memref_slice %arg2[%mul3A_149] : memref<1000000xf32, #tpu.memory_space<any>> -> memref<62464xf32, #tpu.memory_space<any>>
      tpu.enqueue_dma source(%arg10 : memref<62464xf32, #tpu.memory_space<vmem>>) target(%dma_start3A_150 : memref<62464xf32, #tpu.memory_space<any>>) target_semaphore(%arg20 : memref<!tpu.dma_semaphore, #tpu.memory_space<semaphore_mem>>)
      %add3A_151 = arith.constant 2 : i32
      %add3A_152 = arith.addi %mul3A_121, %add3A_151 : i32
      %lt3A = arith.constant 16 : i32
      %lt3A_153 = arith.cmpi slt, %add3A_152, %lt3A : i32
      %convert_element_type3A_154 = arith.extui %lt3A_153 : i1 to i32
      %cond3A_155 = arith.constant 0 : i32
      %cond3A_156 = arith.cmpi ne, %convert_element_type3A_154, %cond3A_155 : i32
      scf.if %cond3A_156 {
        %add3A_197 = arith.constant 2 : i32
        %add3A_198 = arith.addi %mul3A_121, %add3A_197 : i32
        %mul3A_199 = arith.constant 62464 : i32
        %mul3A_200 = arith.muli %add3A_198, %mul3A_199 : i32
        %dma_start3A_201 = arith.constant 0 : i32
        %dma_start3A_202 = tpu.memref_slice %arg1[%dma_start3A_201, %mul3A_200] : memref<32x2000000xf32, #tpu.memory_space<any>> -> memref<1x62464xf32, #tpu.memory_space<any>>
        tpu.enqueue_dma source(%dma_start3A_202 : memref<1x62464xf32, #tpu.memory_space<any>>) target(%arg8 : memref<1x62464xf32, #tpu.memory_space<vmem>>) target_semaphore(%arg18 : memref<!tpu.dma_semaphore, #tpu.memory_space<semaphore_mem>>)
      } else {
      }
      %add3A_157 = arith.constant 1 : i32
      %add3A_158 = arith.addi %mul3A_121, %add3A_157 : i32
      %eq3A_159 = arith.constant 0 : i32
      %eq3A_160 = arith.cmpi eq, %scan3A_119, %eq3A_159 : i32
      %mul3A_161 = arith.constant 62464 : i32
      %mul3A_162 = arith.muli %add3A_158, %mul3A_161 : i32
      %dma_wait3A_163 = arith.constant 0 : i32
      %dma_wait3A_164 = tpu.memref_slice %arg1[%dma_wait3A_163, %mul3A_162] : memref<32x2000000xf32, #tpu.memory_space<any>> -> memref<1x62464xf32, #tpu.memory_space<any>>
      tpu.wait_dma2 semaphore(%arg19 : memref<!tpu.dma_semaphore, #tpu.memory_space<semaphore_mem>>) src(%dma_wait3A_164 : memref<1x62464xf32, #tpu.memory_space<any>>) dst(%arg9 : memref<1x62464xf32, #tpu.memory_space<vmem>>)
      %not3A_165 = arith.constant true
      %not3A_166 = arith.xori %eq3A_160, %not3A_165 : i1
      %convert_element_type3A_167 = arith.extui %not3A_166 : i1 to i32
      %cond3A_168 = arith.constant 0 : i32
      %cond3A_169 = arith.cmpi ne, %convert_element_type3A_167, %cond3A_168 : i32
      scf.if %cond3A_169 {
        %sub3A_197 = arith.constant 2 : i32
        %sub3A_198 = arith.subi %add3A_158, %sub3A_197 : i32
        %mul3A_199 = arith.constant 62464 : i32
        %mul3A_200 = arith.muli %sub3A_198, %mul3A_199 : i32
        %dma_wait3A_201 = tpu.memref_slice %arg2[%mul3A_200] : memref<1000000xf32, #tpu.memory_space<any>> -> memref<62464xf32, #tpu.memory_space<any>>
        tpu.wait_dma2 semaphore(%arg21 : memref<!tpu.dma_semaphore, #tpu.memory_space<semaphore_mem>>) src(%arg11 : memref<62464xf32, #tpu.memory_space<vmem>>) dst(%dma_wait3A_201 : memref<62464xf32, #tpu.memory_space<any>>)
      } else {
      }
      %get3A_170 = arith.constant 0 : index
      %get3A_171 = arith.constant 0 : index
      %get3A_172 = vector.load %arg9[%get3A_170, %get3A_171] : memref<1x62464xf32, #tpu.memory_space<vmem>>, vector<1x62464xf32>
      %add3A_173 = arith.constant 9.99999968E-21 : f32
      %add3A_174 = vector.broadcast %add3A_173 : f32 to vector<1x62464xf32>
      %add3A_175 = arith.addf %get3A_172, %add3A_174 : vector<1x62464xf32>
      %neg3A_176 = arith.constant 0.000000e+00 : f32
      %neg3A_177 = vector.broadcast %neg3A_176 : f32 to vector<1x62464xf32>
      %neg3A_178 = arith.subf %neg3A_177, %add3A_175 : vector<1x62464xf32>
      %log1p3A_179 = math.log1p %neg3A_178 : vector<1x62464xf32>
      %mul3A_180 = vector.broadcast %convert_element_type3A : f32 to vector<1x62464xf32>
      %mul3A_181 = arith.mulf %mul3A_180, %log1p3A_179 : vector<1x62464xf32>
      %log3A_182 = math.log %add3A_175 : vector<1x62464xf32>
      %add3A_183 = arith.addf %mul3A_181, %log3A_182 : vector<1x62464xf32>
      %reshape3A_184 = vector.shape_cast %add3A_183 : vector<1x62464xf32> to vector<62464xf32>
      %swap3A_185 = arith.constant 0 : index
      %swap3A_186 = vector.load %arg11[%swap3A_185] : memref<62464xf32, #tpu.memory_space<vmem>>, vector<62464xf32>
      tpu.vector_store %arg11[%swap3A_185], %reshape3A_184 {strides = array<i32>} : memref<62464xf32, #tpu.memory_space<vmem>>, vector<62464xf32>,
      %mul3A_187 = arith.constant 62464 : i32
      %mul3A_188 = arith.muli %add3A_158, %mul3A_187 : i32
      %dma_start3A_189 = tpu.memref_slice %arg2[%mul3A_188] : memref<1000000xf32, #tpu.memory_space<any>> -> memref<62464xf32, #tpu.memory_space<any>>
      tpu.enqueue_dma source(%arg11 : memref<62464xf32, #tpu.memory_space<vmem>>) target(%dma_start3A_189 : memref<62464xf32, #tpu.memory_space<any>>) target_semaphore(%arg21 : memref<!tpu.dma_semaphore, #tpu.memory_space<semaphore_mem>>)
      %add3A_190 = arith.constant 2 : i32
      %add3A_191 = arith.addi %add3A_158, %add3A_190 : i32
      %lt3A_192 = arith.constant 16 : i32
      %lt3A_193 = arith.cmpi slt, %add3A_191, %lt3A_192 : i32
      %convert_element_type3A_194 = arith.extui %lt3A_193 : i1 to i32
      %cond3A_195 = arith.constant 0 : i32
      %cond3A_196 = arith.cmpi ne, %convert_element_type3A_194, %cond3A_195 : i32
      scf.if %cond3A_196 {
        %add3A_197 = arith.constant 2 : i32
        %add3A_198 = arith.addi %add3A_158, %add3A_197 : i32
        %mul3A_199 = arith.constant 62464 : i32
        %mul3A_200 = arith.muli %add3A_198, %mul3A_199 : i32
        %dma_start3A_201 = arith.constant 0 : i32
        %dma_start3A_202 = tpu.memref_slice %arg1[%dma_start3A_201, %mul3A_200] : memref<32x2000000xf32, #tpu.memory_space<any>> -> memref<1x62464xf32, #tpu.memory_space<any>>
        tpu.enqueue_dma source(%dma_start3A_202 : memref<1x62464xf32, #tpu.memory_space<any>>) target(%arg9 : memref<1x62464xf32, #tpu.memory_space<vmem>>) target_semaphore(%arg19 : memref<!tpu.dma_semaphore, #tpu.memory_space<semaphore_mem>>)
      } else {
      }
    }
    %scan3A_82 = arith.constant 8 : i32
    %scan3A_83 = arith.constant 0 : i32
    %scan3A_84 = arith.constant 10 : i32
    %scan3A_85 = arith.addi %scan3A_83, %scan3A_84 : i32
    %scan3A_86 = arith.constant 1 : i32
    %scan3A_87:2 = scf.for %scan3A_119 = %scan3A_83 to %scan3A_85 step %scan3A_86 iter_args(%scan3A_120 = %broadcast_in_dim3A_48, %scan3A_121 = %broadcast_in_dim3A_61) -> (vector<32x1xf32>, vector<32x1xf32>)  : i32 {
      %mul3A_122 = arith.constant 2 : i32
      %mul3A_123 = arith.muli %mul3A_122, %scan3A_119 : i32
      %mul3A_124 = arith.constant 27776 : i32
      %mul3A_125 = arith.muli %mul3A_123, %mul3A_124 : i32
      %add3A_126 = arith.constant 1000064 : i32
      %add3A_127 = arith.addi %add3A_126, %mul3A_125 : i32
      %dma_wait3A_128 = arith.constant 0 : i32
      %dma_wait3A_129 = tpu.memref_slice %arg1[%dma_wait3A_128, %add3A_127] : memref<32x2000000xf32, #tpu.memory_space<any>> -> memref<32x27776xf32, #tpu.memory_space<any>>
      tpu.wait_dma2 semaphore(%arg16 : memref<!tpu.dma_semaphore, #tpu.memory_space<semaphore_mem>>) src(%dma_wait3A_129 : memref<32x27776xf32, #tpu.memory_space<any>>) dst(%arg6 : memref<32x27776xf32, #tpu.memory_space<vmem>>)
      %get3A_130 = arith.constant 0 : index
      %get3A_131 = arith.constant 0 : index
      %get3A_132 = vector.load %arg6[%get3A_130, %get3A_131] : memref<32x27776xf32, #tpu.memory_space<vmem>>, vector<32x27776xf32>
      %reduce_max3A_133 = arith.constant dense<0xFF800000> : vector<32xf32>
      %reduce_max3A_134 = vector.multi_reduction <maximumf>, %get3A_132, %reduce_max3A_133 [1] : vector<32x27776xf32> to vector<32xf32>
      %broadcast_in_dim3A_135 = vector.shape_cast %reduce_max3A_134 : vector<32xf32> to vector<32x1xf32>
      %max3A = arith.maximumf %scan3A_120, %broadcast_in_dim3A_135 : vector<32x1xf32>
      %sub3A_136 = arith.subf %scan3A_120, %max3A : vector<32x1xf32>
      %exp3A_137 = math.exp %sub3A_136 : vector<32x1xf32>
      %mul3A_138 = arith.mulf %scan3A_121, %exp3A_137 : vector<32x1xf32>
      %sub3A_139 = vector.broadcast %max3A : vector<32x1xf32> to vector<32x27776xf32>
      %sub3A_140 = arith.subf %get3A_132, %sub3A_139 : vector<32x27776xf32>
      %exp3A_141 = math.exp %sub3A_140 : vector<32x27776xf32>
      %reduce_sum3A_142 = arith.constant dense<0.000000e+00> : vector<32xf32>
      %reduce_sum3A_143 = vector.multi_reduction <add>, %exp3A_141, %reduce_sum3A_142 [1] : vector<32x27776xf32> to vector<32xf32>
      %broadcast_in_dim3A_144 = vector.shape_cast %reduce_sum3A_143 : vector<32xf32> to vector<32x1xf32>
      %add3A_145 = arith.addf %mul3A_138, %broadcast_in_dim3A_144 : vector<32x1xf32>
      %add3A_146 = arith.constant 2 : i32
      %add3A_147 = arith.addi %mul3A_123, %add3A_146 : i32
      %lt3A = arith.constant 20 : i32
      %lt3A_148 = arith.cmpi slt, %add3A_147, %lt3A : i32
      %convert_element_type3A_149 = arith.extui %lt3A_148 : i1 to i32
      %cond3A = arith.constant 0 : i32
      %cond3A_150 = arith.cmpi ne, %convert_element_type3A_149, %cond3A : i32
      scf.if %cond3A_150 {
        %add3A_183 = arith.constant 2 : i32
        %add3A_184 = arith.addi %mul3A_123, %add3A_183 : i32
        %mul3A_185 = arith.constant 27776 : i32
        %mul3A_186 = arith.muli %add3A_184, %mul3A_185 : i32
        %add3A_187 = arith.constant 1000064 : i32
        %add3A_188 = arith.addi %add3A_187, %mul3A_186 : i32
        %dma_start3A_189 = arith.constant 0 : i32
        %dma_start3A_190 = tpu.memref_slice %arg1[%dma_start3A_189, %add3A_188] : memref<32x2000000xf32, #tpu.memory_space<any>> -> memref<32x27776xf32, #tpu.memory_space<any>>
        tpu.enqueue_dma source(%dma_start3A_190 : memref<32x27776xf32, #tpu.memory_space<any>>) target(%arg6 : memref<32x27776xf32, #tpu.memory_space<vmem>>) target_semaphore(%arg16 : memref<!tpu.dma_semaphore, #tpu.memory_space<semaphore_mem>>)
      } else {
      }
      %add3A_151 = arith.constant 1 : i32
      %add3A_152 = arith.addi %mul3A_123, %add3A_151 : i32
      %mul3A_153 = arith.constant 27776 : i32
      %mul3A_154 = arith.muli %add3A_152, %mul3A_153 : i32
      %add3A_155 = arith.constant 1000064 : i32
      %add3A_156 = arith.addi %add3A_155, %mul3A_154 : i32
      %dma_wait3A_157 = arith.constant 0 : i32
      %dma_wait3A_158 = tpu.memref_slice %arg1[%dma_wait3A_157, %add3A_156] : memref<32x2000000xf32, #tpu.memory_space<any>> -> memref<32x27776xf32, #tpu.memory_space<any>>
      tpu.wait_dma2 semaphore(%arg17 : memref<!tpu.dma_semaphore, #tpu.memory_space<semaphore_mem>>) src(%dma_wait3A_158 : memref<32x27776xf32, #tpu.memory_space<any>>) dst(%arg7 : memref<32x27776xf32, #tpu.memory_space<vmem>>)
      %get3A_159 = arith.constant 0 : index
      %get3A_160 = arith.constant 0 : index
      %get3A_161 = vector.load %arg7[%get3A_159, %get3A_160] : memref<32x27776xf32, #tpu.memory_space<vmem>>, vector<32x27776xf32>
      %reduce_max3A_162 = arith.constant dense<0xFF800000> : vector<32xf32>
      %reduce_max3A_163 = vector.multi_reduction <maximumf>, %get3A_161, %reduce_max3A_162 [1] : vector<32x27776xf32> to vector<32xf32>
      %broadcast_in_dim3A_164 = vector.shape_cast %reduce_max3A_163 : vector<32xf32> to vector<32x1xf32>
      %max3A_165 = arith.maximumf %max3A, %broadcast_in_dim3A_164 : vector<32x1xf32>
      %sub3A_166 = arith.subf %max3A, %max3A_165 : vector<32x1xf32>
      %exp3A_167 = math.exp %sub3A_166 : vector<32x1xf32>
      %mul3A_168 = arith.mulf %add3A_145, %exp3A_167 : vector<32x1xf32>
      %sub3A_169 = vector.broadcast %max3A_165 : vector<32x1xf32> to vector<32x27776xf32>
      %sub3A_170 = arith.subf %get3A_161, %sub3A_169 : vector<32x27776xf32>
      %exp3A_171 = math.exp %sub3A_170 : vector<32x27776xf32>
      %reduce_sum3A_172 = arith.constant dense<0.000000e+00> : vector<32xf32>
      %reduce_sum3A_173 = vector.multi_reduction <add>, %exp3A_171, %reduce_sum3A_172 [1] : vector<32x27776xf32> to vector<32xf32>
      %broadcast_in_dim3A_174 = vector.shape_cast %reduce_sum3A_173 : vector<32xf32> to vector<32x1xf32>
      %add3A_175 = arith.addf %mul3A_168, %broadcast_in_dim3A_174 : vector<32x1xf32>
      %add3A_176 = arith.constant 2 : i32
      %add3A_177 = arith.addi %add3A_152, %add3A_176 : i32
      %lt3A_178 = arith.constant 20 : i32
      %lt3A_179 = arith.cmpi slt, %add3A_177, %lt3A_178 : i32
      %convert_element_type3A_180 = arith.extui %lt3A_179 : i1 to i32
      %cond3A_181 = arith.constant 0 : i32
      %cond3A_182 = arith.cmpi ne, %convert_element_type3A_180, %cond3A_181 : i32
      scf.if %cond3A_182 {
        %add3A_183 = arith.constant 2 : i32
        %add3A_184 = arith.addi %add3A_152, %add3A_183 : i32
        %mul3A_185 = arith.constant 27776 : i32
        %mul3A_186 = arith.muli %add3A_184, %mul3A_185 : i32
        %add3A_187 = arith.constant 1000064 : i32
        %add3A_188 = arith.addi %add3A_187, %mul3A_186 : i32
        %dma_start3A_189 = arith.constant 0 : i32
        %dma_start3A_190 = tpu.memref_slice %arg1[%dma_start3A_189, %add3A_188] : memref<32x2000000xf32, #tpu.memory_space<any>> -> memref<32x27776xf32, #tpu.memory_space<any>>
        tpu.enqueue_dma source(%dma_start3A_190 : memref<32x27776xf32, #tpu.memory_space<any>>) target(%arg7 : memref<32x27776xf32, #tpu.memory_space<vmem>>) target_semaphore(%arg17 : memref<!tpu.dma_semaphore, #tpu.memory_space<semaphore_mem>>)
      } else {
      }
      scf.yield %max3A_165, %add3A_175 : vector<32x1xf32>, vector<32x1xf32>
    }
    %scan3A_88 = arith.constant 10 : i32
    %dma_wait3A_89 = arith.constant 874496 : i32
    %dma_wait3A_90 = tpu.memref_slice %arg2[%dma_wait3A_89] : memref<1000000xf32, #tpu.memory_space<any>> -> memref<62464xf32, #tpu.memory_space<any>>
    tpu.wait_dma2 semaphore(%arg20 : memref<!tpu.dma_semaphore, #tpu.memory_space<semaphore_mem>>) src(%arg10 : memref<62464xf32, #tpu.memory_space<vmem>>) dst(%dma_wait3A_90 : memref<62464xf32, #tpu.memory_space<any>>)
    %dma_wait3A_91 = arith.constant 936960 : i32
    %dma_wait3A_92 = tpu.memref_slice %arg2[%dma_wait3A_91] : memref<1000000xf32, #tpu.memory_space<any>> -> memref<62464xf32, #tpu.memory_space<any>>
    tpu.wait_dma2 semaphore(%arg21 : memref<!tpu.dma_semaphore, #tpu.memory_space<semaphore_mem>>) src(%arg11 : memref<62464xf32, #tpu.memory_space<vmem>>) dst(%dma_wait3A_92 : memref<62464xf32, #tpu.memory_space<any>>)
    %dma_wait3A_93 = arith.constant 999424 : i32
    %dma_wait3A_94 = tpu.memref_slice %arg2[%dma_wait3A_93] : memref<1000000xf32, #tpu.memory_space<any>> -> memref<576xf32, #tpu.memory_space<any>>
    tpu.wait_dma2 semaphore(%arg24 : memref<!tpu.dma_semaphore, #tpu.memory_space<semaphore_mem>>) src(%arg14 : memref<576xf32, #tpu.memory_space<vmem>>) dst(%dma_wait3A_94 : memref<576xf32, #tpu.memory_space<any>>)
    %dma_wait3A_95 = arith.constant 0 : i32
    %dma_wait3A_96 = tpu.memref_slice %arg1[%dma_wait3A_95, %multiple_of3A] : memref<32x2000000xf32, #tpu.memory_space<any>> -> memref<32x128xf32, #tpu.memory_space<any>>
    tpu.wait_dma2 semaphore(%arg25 : memref<!tpu.dma_semaphore, #tpu.memory_space<semaphore_mem>>) src(%dma_wait3A_96 : memref<32x128xf32, #tpu.memory_space<any>>) dst(%arg15 : memref<32x128xf32, #tpu.memory_space<vmem>>)
    %add3A_97 = arith.constant 1000000 : i32
    %add3A_98 = arith.addi %add3A_97, %get3A_0 : i32
    %sub3A_99 = arith.subi %add3A_98, %multiple_of3A : i32
    %eq3A = vector.broadcast %sub3A_99 : i32 to vector<32x128xi32>
    %eq3A_100 = arith.cmpi eq, %iota3A, %eq3A : vector<32x128xi32>
    %get3A_101 = arith.constant 0 : index
    %get3A_102 = arith.constant 0 : index
    %get3A_103 = vector.load %arg15[%get3A_101, %get3A_102] : memref<32x128xf32, #tpu.memory_space<vmem>>, vector<32x128xf32>
    %jit3A_104 = arith.constant 0.000000e+00 : f32
    %broadcast_in_dim3A_105 = vector.broadcast %jit3A_104 : f32 to vector<32x128xf32>
    %select_n3A_106 = arith.select %eq3A_100, %get3A_103, %broadcast_in_dim3A_105 : vector<32x128xi1>, vector<32x128xf32>
    %reduce_sum3A_107 = arith.constant dense<0.000000e+00> : vector<32xf32>
    %reduce_sum3A_108 = vector.multi_reduction <add>, %select_n3A_106, %reduce_sum3A_107 [1] : vector<32x128xf32> to vector<32xf32>
    %broadcast_in_dim3A_109 = vector.shape_cast %reduce_sum3A_108 : vector<32xf32> to vector<32x1xf32>
    %swap3A_110 = arith.constant 0 : index
    %swap3A_111 = arith.constant 0 : index
    %swap3A_112 = vector.load %arg5[%swap3A_110, %swap3A_111] : memref<32x1xf32, #tpu.memory_space<vmem>>, vector<32x1xf32>
    tpu.vector_store %arg5[%swap3A_110, %swap3A_111], %broadcast_in_dim3A_109 {strides = array<i32>} : memref<32x1xf32, #tpu.memory_space<vmem>>, vector<32x1xf32>,
    %swap3A_113 = arith.constant 0 : index
    %swap3A_114 = arith.constant 0 : index
    %swap3A_115 = vector.load %arg3[%swap3A_113, %swap3A_114] : memref<32x1xf32, #tpu.memory_space<vmem>>, vector<32x1xf32>
    tpu.vector_store %arg3[%swap3A_113, %swap3A_114], %scan3A_87#0 {strides = array<i32>} : memref<32x1xf32, #tpu.memory_space<vmem>>, vector<32x1xf32>,
    %swap3A_116 = arith.constant 0 : index
    %swap3A_117 = arith.constant 0 : index
    %swap3A_118 = vector.load %arg4[%swap3A_116, %swap3A_117] : memref<32x1xf32, #tpu.memory_space<vmem>>, vector<32x1xf32>
    tpu.vector_store %arg4[%swap3A_116, %swap3A_117], %scan3A_87#1 {strides = array<i32>} : memref<32x1xf32, #tpu.memory_space<vmem>>, vector<32x1xf32>,
    return
  }
}

</mosaic_0001>

<sc_bundles>
// kernel: kernel.5.cloned.1.call-start
scs
__scs_entry_jumppad:
0x0: {  	(pc) =	sbr.rel $0x88, $3  }
0x1: {  	(tag) =	ssettag $0x0;
	lr =	simm.s32 $0x1  }
0x2: {  	[smem:$0x3F9F] =	sst lr;
	_ =	strace $0xD0000000  }
0x3: {  	_ = 	snop  }
0x4: {  	_ = 	snop  }
0x5: {  	_ = 	snop  }
0x6: {  	_ = 	snop  }
0x7: {  	_ = 	snop  }
__scs_overlays_trampoline_lowered:
0x8: {  	[smem:$0x3FAE] =	sst s0  }
0x9: {  	[smem:$0x3FAF] =	sst s1  }
0xa: {  	[smem:$0x3FB0] =	sst s2  }
0xb: {  	[smem:$0x3FB1] =	sst s3  }
0xc: {  	[smem:$0x3FB2] =	sst s4  }
0xd: {  	[smem:$0x3FB3] =	sst s5  }
0xe: {  	[smem:$0x3FB4] =	sst s6  }
0xf: {  	[smem:$0x3FB5] =	sst s7  }
0x10: {  	[smem:$0x3FB6] =	sst s8  }
0x11: {  	[smem:$0x3FB7] =	sst s9;
	s0 =	simm.s32 @!p0 $0x0  }
0x12: {  	s1 =	sld [smem:$0x3F9D];
	s0 =	simm.s32 @p0 $0x1  }
0x13: {  	[smem:$0x3FB8] =	sst s0;
	s0 =	simm.s32 @!p1 $0x0  }
0x14: {  	s2 =	sld [smem:$0x3F9C];
	s0 =	simm.s32 @p1 $0x1  }
0x15: {  	[smem:$0x3FB9] =	sst s0;
	s0 =	simm.s32 @!p2 $0x0  }
0x16: {  	s3 =	sld [smem:$0x3FDB];
	s0 =	simm.s32 @p2 $0x1  }
0x17: {  	s4 =	simm.s32 $0x1BF5;
	[smem:$0x3FBB] =	sst s0  }
0x18: {  	s0 =	sld [smem:$0x3F9E];
	_ =	swait.ge [sflag:s4], $0x0  }
0x19: {  	s7 =	sld [smem:$0x3F9F]  }
0x1a: {  	s8 =	sadd.s32 $0xFFFFE003, lr  }
0x1b: {  	s9 =	sadd.s32 $0xFFFFFEF7, lr;
	s5 =	simm.s32 $0xFFFFFFFF;
	p2 =	slt.u32 s8, $0xFFFFF086  }
0x1c: {  	p1 =	slt.u32 s9, $0xF7A;
	s5 =	simm.s32 @!p2 $0x0  }
0x1d: {  	s5 =	simm.s32 @p1 $0x1;
	p0 =	seq.s32 s7, s2  }
0x1e: {  	s7 =	smul.u32 @!p0 $0xF7A, s2;
	p2 =	seq.s32 @!p0 s5, $0x0  }
0x1f: {  	s9 =	smul.u32 $0xF7A, s1;
	s8 =	simm.s32 @!p0 $0x1BF5;
	p2 =	por !p2, p0  }
0x20: {  	[sflag:s8] =	ssyncset.s32 @!p0 $0xFFFFF086;
	s6 =	sadd.s32 @!p0 s3, s7;
	s7 =	simm.s32 @!p0 $0x108  }
0x21: {  	s3 =	sadd.s32 s3, s9;
	s6 =	sadd.s32 @!p0 $0x88, s6;
	s7 =	simm.s32 @p2 $0x1082  }
0x22: {  	[simem:s7], [sflag:s8] =	dma.local @!p0 [hbm:s6], $0xF7A  }
0x23: {  	s9 =	sor.u32 $0xD0000000, s2;
	s6 =	simm.s32 $0x108;
	_ =	swait.ge @!p0 [sflag:s8], $0x0  }
0x24: {  	s3 =	sadd.s32 $0x88, s3;
	s6 =	simm.s32 @!p1 $0x1082;
	[sflag:s4] =	ssyncset.s32 $0xFFFFF086  }
0x25: {  	[simem:s6], [sflag:s4] =	dma.local [hbm:s3], $0xF7A  }
0x26: {  	[smem:$0x3F9F] =	sst s1;
	(tag) =	ssettag s2;
	_ =	strace s9  }
0x27: {  	s1 =	sld [smem:$0x3FAF]  }
0x28: {  	s2 =	sld [smem:$0x3FB0]  }
0x29: {  	s4 =	sld [smem:$0x3FB2]  }
0x2a: {  	p0 =	seq.s32 s5, $0x0;
	s5 =	sld [smem:$0x3FB3]  }
0x2b: {  	s6 =	sld [smem:$0x3FB4]  }
0x2c: {  	s7 =	sld [smem:$0x3FB5]  }
0x2d: {  	s3 =	simm.s32 $0x108;
	s8 =	sld [smem:$0x3FB6]  }
0x2e: {  	s3 =	simm.s32 @!p0 $0x1082;
	s9 =	sld [smem:$0x3FB7]  }
0x2f: {  	lr =	sadd.s32 s0, s3;
	s0 =	sld [smem:$0x3FAE]  }
0x30: {  	s3 =	sld [smem:$0x3FB1]  }
0x31: {  	[smem:$0x3FBA] =	sst s10  }
0x32: {  	s10 =	sld [smem:$0x3FB8];
	_ =	sdelay $0x3  }
0x33: {  	p0 =	seq.s32 s10, $0x1;
	s10 =	sld [smem:$0x3FBA];
	_ =	sdelay $0x3  }
0x34: {  	[smem:$0x3FBA] =	sst s10  }
0x35: {  	s10 =	sld [smem:$0x3FB9];
	_ =	sdelay $0x3  }
0x36: {  	p1 =	seq.s32 s10, $0x1;
	s10 =	sld [smem:$0x3FBA];
	_ =	sdelay $0x3  }
0x37: {  	[smem:$0x3FBA] =	sst s10  }
0x38: {  	s10 =	sld [smem:$0x3FBB]  }
0x39: {  	_ = 	snop;
	(pc) =	sbr.ind lr, $3  }
0x3a: {  	_ = 	snop  }
0x3b: {  	_ = 	snop  }
0x3c: {  	p2 =	seq.s32 s10, $0x1;
	s10 =	sld [smem:$0x3FBA]  }
0x3d: {  	_ =	shalt  }
0x3e: {  	_ =	shalt  }
0x3f: {  	_ =	shalt  }
0x40: {  	_ =	shalt  }
0x41: {  	_ =	shalt  }
0x42: {  	_ =	shalt  }
0x43: {  	_ =	shalt  }
0x44: {  	_ =	shalt  }
0x45: {  	_ =	shalt  }
0x46: {  	_ =	shalt  }
0x47: {  	_ =	shalt  }
0x48: {  	_ =	shalt  }
0x49: {  	_ =	shalt  }
0x4a: {  	_ =	shalt  }
0x4b: {  	_ =	shalt  }
0x4c: {  	_ =	shalt  }
0x4d: {  	_ =	shalt  }
0x4e: {  	_ =	shalt  }
0x4f: {  	_ =	shalt  }
0x50: {  	_ =	shalt  }
0x51: {  	_ =	shalt  }
0x52: {  	_ =	shalt  }
0x53: {  	_ =	shalt  }
0x54: {  	_ =	shalt  }
0x55: {  	_ =	shalt  }
0x56: {  	_ =	shalt  }
0x57: {  	_ =	shalt  }
0x58: {  	_ =	shalt  }
0x59: {  	_ =	shalt  }
0x5a: {  	_ =	shalt  }
0x5b: {  	_ =	shalt  }
0x5c: {  	_ =	shalt  }
0x5d: {  	_ =	shalt  }
0x5e: {  	_ =	shalt  }
0x5f: {  	_ =	shalt  }
0x60: {  	_ =	shalt  }
0x61: {  	_ =	shalt  }
0x62: {  	_ =	shalt  }
0x63: {  	_ =	shalt  }
0x64: {  	_ =	shalt  }
0x65: {  	_ =	shalt  }
0x66: {  	_ =	shalt  }
0x67: {  	_ =	shalt  }
0x68: {  	_ =	shalt  }
0x69: {  	_ =	shalt  }
0x6a: {  	_ =	shalt  }
0x6b: {  	_ =	shalt  }
0x6c: {  	_ =	shalt  }
0x6d: {  	_ =	shalt  }
0x6e: {  	_ =	shalt  }
0x6f: {  	_ =	shalt  }
0x70: {  	_ =	shalt  }
0x71: {  	_ =	shalt  }
0x72: {  	_ =	shalt  }
0x73: {  	_ =	shalt  }
0x74: {  	_ =	shalt  }
0x75: {  	_ =	shalt  }
0x76: {  	_ =	shalt  }
0x77: {  	_ =	shalt  }
0x78: {  	_ =	shalt  }
0x79: {  	_ =	shalt  }
0x7a: {  	_ =	shalt  }
0x7b: {  	_ =	shalt  }
0x7c: {  	_ =	shalt  }
0x7d: {  	_ =	shalt  }
0x7e: {  	_ =	shalt  }
0x7f: {  	_ =	shalt  }
0x80: {  	_ =	shalt  }
0x81: {  	_ =	shalt  }
0x82: {  	_ =	shalt  }
0x83: {  	_ =	shalt  }
0x84: {  	_ =	shalt  }
0x85: {  	_ =	shalt  }
0x86: {  	_ =	shalt  }
0x87: {  	_ =	shalt  }
.Lfunc_end0:
.L_simem_size_0:
called_computation_lowered:
.L_overlay_start_0:
0x88: {  	s2 =	sld [smem:$0x3FD9]  }
0x89: {  	s3 =	sld [smem:$0x3FFE];
	_ =	sdelay $0x1  }
0x8a: {  	s1 =	srdreg.scid  }
0x8b: {  	s0 =	sand.u32 $0x1, s1  }
0x8c: {  	s17 =	sshll.u32 s0, $0xA;
	s2 =	sadd.s32 s3, s2  }
0x8d: {  	s2 =	sadd.s32 s2, s17  }
0x8e: {  	[smem:$0x3FC6] =	sst s2  }
0x8f: {  	_ = 	snop  }
0x90: {  	s2 =	sld [smem:$0x3FC9];
	(tm) =	ssettm $0x1  }
0x91: {  	s18 =	sld [smem:$0x3FFB];
	_ =	sdelay $0x3  }
0x92: {  	_ =	strace s18  }
0x93: {  	s3 =	sld [smem:$0x3FFC];
	_ =	sdelay $0x3  }
0x94: {  	_ =	strace s3  }
0x95: {  	s3 =	sld [smem:$0x3FFD];
	_ =	sdelay $0x3  }
0x96: {  	_ =	strace s3  }
0x97: {  	_ =	strace $0x8FFFFFFF  }
0x98: {  	s19 =	sld [smem:$0x3FDB];
	_ =	sdelay $0x1  }
0x99: {  	s4 =	simm.s32 $_scs_section_size  }
0x9a: {  	s5 =	simm.s32 $_size__tile_overlayer_lowered;
	s6 =	simm.s32 $_tile_overlayer_lowered  }
0x9b: {  	s22 =	simm.s32 $0x1BFF;
	s21 =	sshll.u32 s6, $0x1;
	s3 =	sadd.s32 s4, s19  }
0x9c: {  	s7 =	simm.s32 $0x0;
	s20 =	sshll.u32 s5, $0x1;
	s5 =	sadd.s32 s21, s3  }
0x9d: {  	[timem:s7], [sflag:s22] =	dma.local [hbm:s5], s20  }
0x9e: {  	_ =	swait.ge [sflag:s22], s20  }
0x9f: {  	s4 =	ssub.s32 $0x0, s20;
	[sflag:s22] =	ssyncset.done $0x0  }
0xa0: {  	[sflag:s22] =	ssyncadd.s32 s4;
	_ =	sdelay $0x1  }
0xa1: {  	s23 =	simm.s32 $0x1B8B  }
0xa2: {  	_ =	swait.ge [sflag:s23], $0x1  }
0xa3: {  	[sflag:s23] =	ssyncset.done $0x0  }
0xa4: {  	s25 =	simm.s32 $0x1B8E;
	s24 =	sld [smem:$0x3FFE];
	[sflag:s23] =	ssyncadd.s32 $0xFFFFFFFF  }
0xa5: {  	s26 =	simm.s32 $execute0_lowered;
	[smem:$0x3FD2] =	sst s25  }
0xa6: {  	s5 =	sshll.u32 s26, $0x1;
	_ =	strace $0x80000046;
	[dreg:$0x1] =	wrdreg $0xFFFFFFFF  }
0xa7: {  	s28 =	simm.s32 $_size_execute0_lowered;
	s3 =	sadd.s32 s3, s5;
	[dreg:$0x0] =	wrdreg $0x0  }
0xa8: {  	s5 =	sshll.u32 s28, $0x1;
	[dreg:$0x2] =	wrdreg s3  }
0xa9: {  	[dreg:$0x3] =	wrdreg s5  }
0xaa: {  	[dreg:$0x4] =	wrdreg $0xC0  }
0xab: {  	_ =	task [dreg:s7], $0x5FFFF  }
0xac: {  	[dreg:$0x1] =	wrdreg $0xFFFFFFFF  }
0xad: {  	[dreg:$0x0] =	wrdreg $0x60  }
0xae: {  	[dreg:$0x2] =	wrdreg s2  }
0xaf: {  	[dreg:$0x3] =	wrdreg s24  }
0xb0: {  	[dreg:$0x4] =	wrdreg $0x9  }
0xb1: {  	_ =	task.clear_ibuf [dreg:s7], $0x5FFFF;
	_ =	strace $0x90000046  }
0xb2: {  	s29 =	simm.s32 $0x9;
	_ =	strace $0x80000048  }
0xb3: {  	_ =	swait.ge [sflag:s29], $0x1  }
0xb4: {  	[sflag:s29] =	ssyncadd.s32 $0xFFFFFFFF  }
0xb5: {  	_ =	strace $0x90000048  }
0xb6: {  	_ =	sfence  }
0xb7: {  	s30 =	sld [smem:$0x0];
	_ =	sdelay $0x2  }
0xb8: {  	s31 =	sshll.u32 s1, $0xD;
	s1 =	sshrl.u32 s1, $0x2  }
0xb9: {  	s3 =	sand.u32 $0x4000, s31;
	s1 =	sadd.s32 s1, s30  }
0xba: {  	s0 =	sor.u32 s3, s0;
	s1 =	sshll.u32 s1, $0x11  }
0xbb: {  	s0 =	sor.u32 s1, s0  }
0xbc: {  	s0 =	sadd.s32 $0x8F2B, s0  }
0xbd: {  	[sflag:s0] =	ssyncadd.remote.s32 $0x1  }
0xbe: {  	_ =	sfence.sel $0xFFFF  }
0xbf: {  	[dreg:$0x0] =	wrdreg $0xFFFFFFFF;
	(pc) =	sbr.abs _section_cstart, $3  }
0xc0: {  	[dreg:$0x1] =	wrdreg $0xFFFFFFFF  }
0xc1: {  	_ =	task.clear_ibuf [dreg:s7], $0x2FFFF;
	_ =	strace $0x9FFFFFFF  }
0xc2: {  	(tm) =	ssettm $0x7FFFFFFF  }
0xc3: {  	_ =	shalt  }
tec
execute0_lowered:
.L_overlay_start_1:
0x0: {  	(tag) =	ssettag $0x1  }
0x1: {  	s0 =	srdreg.scid;
	s6 =	rddreg [dreg:$0x0]  }
0x2: {  	s7 =	rddreg [dreg:$0x1];
	s8 =	simm.s32 $0x1;
	s4 =	sand.u32 $0x1, s0  }
0x3: {  	s2 =	simm.s32 $0x0;
	s0 =	stileid.u32;
	s1 =	sshll.u32 s4, $0x4  }
0x4: {  	s12 =	simm.s32 $0xF800;
	s5 =	sand.u32 $0x3, s0;
	s3 =	sor.u32 s0, s1  }
0x5: {  	s13 =	simm.s32 $0x3;
	p0 =	sne.s32 s5, $0x0;
	p1 =	seq.s32 s3, $0x0  }
0x6: {  	s14 =	simm.s32 $0x0;
	[smem:$0x7FF] =	sst s2;
	p0 =	por !p0, !p1  }
0x7: {  	s4 =	ssub.s32 $0x2, s4;
	s1 =	rddreg [dreg:$0x2];
	p0 =	por !p0, !p0  }
0x8: {  	s9 =	sshll.u32 s5, $0xA;
	s3 =	sshrl.u32 s3, $0x2;
	s8 =	simm.s32 @!p0 $0x0  }
0x9: {  	s5 =	smul.u32 $0xF42400, s5;
	s11 =	sshrl.u32 s4, $0x1;
	s8 =	ssub.s32 s3, s8  }
0xa: {  	_ =	strace $0x80000047;
	s30 =	ssub.s32 s4, s11;
	s10 =	smul.u32 $0xD900, s8  }
0xb: {  	s11 =	simm.s32 $0x2;
	s3 =	sshll.u32 s8, $0xC;
	s8 =	smul.u32 $0x6C800, s8  }
0xc: {  	s29 =	sshrl.u32 s5, $0x3;
	s9 =	sor.u32 s9, s3;
	s3 =	simm.s32 $0x1  }
.Ltmp0:
0xd: {  	s9 =	sshrl.u32 s9, $0x3;
	s5 =	sadd.s32 s8, s5;
	(pc) =	sbr.rel .LBB2_1-.Ltmp0, $4  }
0xe: {  	s9 =	sadd.s32 s9, s7;
	s7 =	sadd.s32 s29, s10;
	s5 =	sadd.s32 $0xBE6000, s5  }
0xf: {  	s10 =	simm.s32 $0x7C00;
	s7 =	sadd.s32 s6, s7;
	s31 =	sshrl.u32 s5, $0x3  }
0x10: {  	s8 =	sadd.s32 $0x800, s9;
	s9 =	smax.u32 s30, $0x1;
	s4 =	sadd.s32 $0x17BC80, s7  }
0x11: {  	v0 =	vimm.f32 $0.0e+00;
	s5 =	sadd.s32 $0x17DB80, s7;
	s6 =	sadd.s32 s6, s31;
	s7 =	sadd.s32 $0x17EB00, s7  }
.LBB2_124:
0x12: {  	[tilespmem:$0xF800] =	vst v2  }
0x13: {  	[tilespmem:$0xF880] =	vst v7  }
0x14: {  	[tilespmem:$0xF900] =	vst v12  }
0x15: {  	[tilespmem:$0xF980] =	vst v17  }
0x16: {  	[tilespmem:$0xFA00] =	vst v16  }
0x17: {  	[tilespmem:$0xFA80] =	vst v11;
	s14 =	sadd.s32 $0x1, s14  }
0x18: {  	[tilespmem:$0xFB00] =	vst v6;
	p0 =	sne.s32 s14, s9  }
.Ltmp1:
0x19: {  	[tilespmem:$0xFB80] =	vst v1;
	(pc) =	sbr.rel @!p0 .LBB2_125-.Ltmp1, $4  }
0x1a: {  	[hbm4b:s8+s2] =	stream.linear.scatter [tilespmem:s12], [sflag:$0x3], $0x400, $0x38;
	[tilespmem:$0xFC00] =	vst v63  }
0x1b: {  	_ =	swait.ge [sflag:s13], $0x400  }
0x1c: {  	[sflag:s13] =	ssyncset.done $0x0  }
0x1d: {  	[sflag:s13] =	ssyncadd.s32 $0xFFFFFC00  }
.LBB2_1:
0x1e: {  	[tilespmem:s2], [sflag:$0x1] =	stream.linear.gather [hbm4b:s4+s2], $0x7C00, $0x38;
	v1 =	vimm.f32 $0.0e+00;
	v6 =	vimm.f32 $0.0e+00;
	[tilespmem:$0xFC00] =	vst v63  }
0x1f: {  	v11 =	vimm.f32 $0.0e+00;
	v16 =	vimm.f32 $0.0e+00;
	v17 =	vimm.f32 $0.0e+00;
	s15 =	simm.s32 $0x0  }
0x20: {  	v12 =	vimm.f32 $0.0e+00;
	v7 =	vimm.f32 $0.0e+00;
	v2 =	vimm.f32 $0.0e+00;
	[tilespmem:s10], [sflag:$0x2] =	stream.linear.gather [hbm4b:s6+s2], $0x7C00, $0x38;
	[tilespmem:$0xFC00] =	vst v63  }
.LBB2_2:
0x21: {  	_ =	swait.ge [sflag:s3], $0x7C00  }
0x22: {  	[sflag:s3] =	ssyncset.done $0x0  }
0x23: {  	s16 =	simm.s32 $0x0;
	[sflag:s3] =	ssyncadd.s32 $0xFFFF8400  }
0x24: {  	v4 =	vld [tilespmem:s16+$0x40]  }
0x25: {  	v5 =	vld [tilespmem:s16+$0x50]  }
0x26: {  	v8 =	vld [tilespmem:s16+$0x60]  }
0x27: {  	v3 =	vld [tilespmem:s16+$0x70]  }
0x28: {  	v13 =	vld [tilespmem:s16+$0x30]  }
0x29: {  	v10 =	vld [tilespmem:s16+$0x20]  }
0x2a: {  	v9 =	vld [tilespmem:s16+$0x0];
	v4 =	vmul.f32 $1.442695020e+00, v4  }
0x2b: {  	s31 =	simm.s32 $0x400;
	v14 =	vld [tilespmem:s16+$0x10];
	v5 =	vmul.f32 $1.442695020e+00, v5;
	v8 =	vmul.f32 $1.442695020e+00, v8  }
0x2c: {  	v3 =	vmul.f32 $1.442695020e+00, v3;
	(erf) = vpow2.f32 v4;
	v4 =	vld [tilespmem:s31+$0x40]  }
0x2d: {  	v13 =	vmul.f32 $1.442695020e+00, v13;
	(erf) = vpow2.f32 v5;
	v5 =	vld [tilespmem:s31+$0x50]  }
0x2e: {  	v15 =	vld [tilespmem:s31+$0x70];
	(erf) = vpow2.f32 v8;
	v8 =	vmul.f32 $1.442695020e+00, v10  }
0x2f: {  	v10 =	vld [tilespmem:s31+$0x60];
	(erf) = vpow2.f32 v3;
	v3 =	vmul.f32 $1.442695020e+00, v9  }
0x30: {  	v18 =	vld [tilespmem:s31+$0x30];
	(erf) = vpow2.f32 v8;
	v8 =	vmul.f32 $1.442695020e+00, v14  }
0x31: {  	v19 =	vld [tilespmem:s31+$0x0];
	(erf) = vpow2.f32 v13;
	v4 =	vmul.f32 $1.442695020e+00, v4  }
0x32: {  	v14 =	vld [tilespmem:s31+$0x20];
	(erf) = vpow2.f32 v3;
	v3 =	vmul.f32 $1.442695020e+00, v5  }
0x33: {  	s17 =	simm.s32 $0x800;
	v9 =	vld [tilespmem:s31+$0x10];
	(erf) = vpow2.f32 v8  }
0x34: {  	v20 =	vld [tilespmem:s17+$0x70];
	v8 =	vmul.f32 $1.442695020e+00, v10;
	(erf) = vpow2.f32 v4  }
0x35: {  	v10 =	vmul.f32 $1.442695020e+00, v15;
	v15 =	vld [tilespmem:s17+$0x40];
	v5 =	vpop (erf);
	(erf) = vpow2.f32 v3  }
0x36: {  	v23 =	vld [tilespmem:s17+$0x60];
	v18 =	vmul.f32 $1.442695020e+00, v18;
	v3 =	vpop (erf);
	(erf) = vpow2.f32 v8  }
0x37: {  	v19 =	vmul.f32 $1.442695020e+00, v19;
	v13 =	vld [tilespmem:s17+$0x50];
	v14 =	vmul.f32 $1.442695020e+00, v14;
	v4 =	vpop (erf)  }
0x38: {  	v21 =	vmul.f32 $1.442695020e+00, v9;
	v8 =	vld [tilespmem:s17+$0x0];
	(erf) = vpow2.f32 v10;
	v9 =	vpop (erf)  }
0x39: {  	v10 =	vld [tilespmem:s17+$0x30];
	(erf) = vpow2.f32 v14;
	v14 =	vmul.f32 $1.442695020e+00, v20;
	v22 =	vpop (erf)  }
0x3a: {  	v20 =	vld [tilespmem:s17+$0x20];
	v24 =	vmul.f32 $1.442695020e+00, v15;
	v15 =	vimm.f32 $0.0e+00;
	(erf) = vpow2.f32 v18;
	v25 =	vpop (erf)  }
0x3b: {  	s16 =	simm.s32 $0x3000;
	v18 =	vadd.f32 v22, v0;
	v22 =	vld [tilespmem:s17+$0x10];
	(erf) = vpow2.f32 v19;
	v19 =	vadd.f32 v25, v0;
	v25 =	vpop (erf)  }
.LBB2_3:
0x3c: {  	s17 =	sshra.s32 s16, $0x2;
	p0 =	sne.s32 s16, $0x1E000;
	s16 =	sadd.s32 $0x1000, s16;
	v26 =	vmul.f32 $1.442695020e+00, v13;
	(erf) = vpow2.f32 v21;
	v2 =	vadd.f32 v25, v2;
	v13 =	vpop (erf)  }
0x3d: {  	v25 =	vld [tilespmem:s17+$0x70];
	v21 =	vmul.f32 $1.442695020e+00, v23;
	(erf) = vpow2.f32 v24;
	v23 =	vpop (erf);
	v15 =	vadd.f32 v13, v15  }
0x3e: {  	v18 =	vadd.f32 v4, v18;
	v13 =	vld [tilespmem:s17+$0x50];
	(erf) = vpow2.f32 v26;
	v24 =	vpop (erf);
	v2 =	vadd.f32 v5, v2  }
0x3f: {  	v19 =	vadd.f32 v9, v19;
	v26 =	vld [tilespmem:s17+$0x40];
	(erf) = vpow2.f32 v21;
	v4 =	vpop (erf);
	v15 =	vadd.f32 v3, v15  }
.Ltmp2:
0x40: {  	v28 =	vmovc v8;
	v5 =	vmovc v23;
	v20 =	vmul.f32 $1.442695020e+00, v20;
	v3 =	vmov v24;
	v21 =	vmul.f32 $1.442695020e+00, v22;
	v8 =	vld [tilespmem:s17+$0x0];
	(pc) =	sbr.rel @p0 .LBB2_3-.Ltmp2, $4  }
0x41: {  	v24 =	vmul.f32 $1.442695020e+00, v10;
	v23 =	vld [tilespmem:s17+$0x60];
	(erf) = vpow2.f32 v14;
	v9 =	vpop (erf)  }
0x42: {  	v27 =	vmul.f32 $1.442695020e+00, v28;
	v10 =	vld [tilespmem:s17+$0x30];
	(erf) = vpow2.f32 v20;
	v22 =	vpop (erf)  }
0x43: {  	v14 =	vmul.f32 $1.442695020e+00, v25;
	v20 =	vld [tilespmem:s17+$0x20];
	(erf) = vpow2.f32 v24;
	v18 =	vadd.f32 v22, v18;
	v25 =	vpop (erf)  }
0x44: {  	v22 =	vld [tilespmem:s17+$0x10];
	v24 =	vmul.f32 $1.442695020e+00, v26;
	(erf) = vpow2.f32 v27;
	v19 =	vadd.f32 v25, v19;
	v25 =	vpop (erf)  }
0x45: {  	v13 =	vmul.f32 $1.442695020e+00, v13  }
0x46: {  	(erf) = vpow2.f32 v21;
	v23 =	vmul.f32 $1.442695020e+00, v23  }
0x47: {  	v21 =	vpop (erf);
	(erf) = vpow2.f32 v24  }
0x48: {  	v24 =	vpop (erf);
	(erf) = vpow2.f32 v13  }
0x49: {  	s16 =	simm.s32 $0x0;
	v20 =	vmul.f32 $1.442695020e+00, v20;
	v13 =	vpop (erf);
	(erf) = vpow2.f32 v23  }
0x4a: {  	v2 =	vadd.f32 v25, v2;
	v10 =	vmul.f32 $1.442695020e+00, v10;
	v23 =	vpop (erf);
	(erf) = vpow2.f32 v14;
	v14 =	vld [tilespmem:s16+$0xB0]  }
0x4b: {  	v8 =	vmul.f32 $1.442695020e+00, v8;
	v15 =	vadd.f32 v21, v15;
	v25 =	vpop (erf);
	(erf) = vpow2.f32 v20;
	v20 =	vld [tilespmem:s16+$0xF0]  }
0x4c: {  	v21 =	vmul.f32 $1.442695020e+00, v22;
	v22 =	vpop (erf);
	(erf) = vpow2.f32 v10;
	v10 =	vld [tilespmem:s16+$0xA0]  }
0x4d: {  	v9 =	vadd.f32 v9, v19;
	v2 =	vadd.f32 v5, v2;
	v5 =	vpop (erf);
	(erf) = vpow2.f32 v8;
	v8 =	vld [tilespmem:s16+$0xE0]  }
0x4e: {  	v4 =	vadd.f32 v4, v18;
	v18 =	vld [tilespmem:s16+$0xC0]  }
0x4f: {  	v19 =	vld [tilespmem:s16+$0x90];
	v3 =	vadd.f32 v3, v15;
	v15 =	vpop (erf);
	(erf) = vpow2.f32 v21;
	v14 =	vmul.f32 $1.442695020e+00, v14  }
0x50: {  	v2 =	vadd.f32 v15, v2;
	v15 =	vpop (erf)  }
0x51: {  	v5 =	vadd.f32 v5, v9;
	v9 =	vpop (erf);
	v3 =	vadd.f32 v15, v3;
	v15 =	vld [tilespmem:s16+$0x80];
	v10 =	vmul.f32 $1.442695020e+00, v10  }
0x52: {  	s30 =	simm.s32 $0x400;
	v4 =	vadd.f32 v22, v4;
	v22 =	vld [tilespmem:s16+$0xD0];
	v20 =	vmul.f32 $1.442695020e+00, v20;
	v21 =	vpop (erf);
	v8 =	vmul.f32 $1.442695020e+00, v8  }
0x53: {  	v26 =	vld [tilespmem:s30+$0xA0];
	v18 =	vmul.f32 $1.442695020e+00, v18;
	(erf) = vpow2.f32 v14;
	v14 =	vpop (erf)  }
0x54: {  	v19 =	vmul.f32 $1.442695020e+00, v19;
	v4 =	vadd.f32 v23, v4;
	(erf) = vpow2.f32 v20;
	v20 =	vld [tilespmem:s30+$0xB0];
	v23 =	vpop (erf)  }
0x55: {  	v5 =	vadd.f32 v25, v5;
	v25 =	vld [tilespmem:s30+$0xF0];
	v2 =	vadd.f32 v24, v2;
	(erf) = vpow2.f32 v10;
	v10 =	vpop (erf)  }
0x56: {  	v24 =	vld [tilespmem:s30+$0xE0];
	v3 =	vadd.f32 v13, v3;
	(erf) = vpow2.f32 v8;
	v15 =	vmul.f32 $1.442695020e+00, v15;
	v8 =	vpop (erf)  }
0x57: {  	(erf) = vpow2.f32 v18;
	v4 =	vadd.f32 v10, v4;
	v18 =	vmul.f32 $1.442695020e+00, v22;
	v22 =	vld [tilespmem:s30+$0xC0];
	v10 =	vpop (erf)  }
0x58: {  	(erf) = vpow2.f32 v19;
	v19 =	vld [tilespmem:s30+$0x90];
	v5 =	vadd.f32 v8, v5;
	v2 =	vadd.f32 v10, v2;
	v10 =	vpop (erf)  }
0x59: {  	v20 =	vmul.f32 $1.442695020e+00, v20;
	(erf) = vpow2.f32 v15;
	v15 =	vld [tilespmem:s30+$0xD0];
	v8 =	vadd.f32 v10, v3  }
0x5a: {  	s31 =	simm.s32 $0x800;
	v10 =	vld [tilespmem:s30+$0x80];
	(erf) = vpow2.f32 v18;
	v2 =	vadd.f32 v9, v2;
	v9 =	vmul.f32 $1.442695020e+00, v25  }
0x5b: {  	v3 =	vadd.f32 v14, v4;
	v14 =	vmul.f32 $1.442695020e+00, v26;
	v26 =	vld [tilespmem:s31+$0xB0];
	(erf) = vpow2.f32 v20  }
0x5c: {  	v13 =	vimm.f32 $0.0e+00;
	v18 =	vpop (erf);
	v20 =	vld [tilespmem:s31+$0xF0];
	v25 =	vmul.f32 $1.442695020e+00, v24;
	(erf) = vpow2.f32 v9  }
0x5d: {  	v4 =	vadd.f32 v21, v8;
	v21 =	vpop (erf);
	v19 =	vmul.f32 $1.442695020e+00, v19;
	(erf) = vpow2.f32 v14  }
0x5e: {  	v27 =	vld [tilespmem:s31+$0xA0];
	v5 =	vadd.f32 v23, v5;
	v8 =	vmul.f32 $1.442695020e+00, v22;
	v15 =	vmul.f32 $1.442695020e+00, v15;
	v9 =	vpop (erf)  }
0x5f: {  	v24 =	vld [tilespmem:s31+$0xE0];
	v10 =	vmul.f32 $1.442695020e+00, v10;
	(erf) = vpow2.f32 v25;
	v22 =	vadd.f32 v9, v13;
	v23 =	vpop (erf)  }
0x60: {  	v14 =	vld [tilespmem:s31+$0x80];
	v25 =	vadd.f32 v18, v13;
	v26 =	vmul.f32 $1.442695020e+00, v26;
	(erf) = vpow2.f32 v8;
	v9 =	vpop (erf)  }
0x61: {  	(erf) = vpow2.f32 v19;
	v8 =	vadd.f32 v23, v22;
	v23 =	vmul.f32 $1.442695020e+00, v20;
	v19 =	vpop (erf);
	v22 =	vld [tilespmem:s31+$0xC0]  }
0x62: {  	v18 =	vld [tilespmem:s31+$0x90];
	(erf) = vpow2.f32 v10;
	v10 =	vadd.f32 v21, v25;
	v28 =	vadd.f32 v19, v13;
	v19 =	vpop (erf)  }
0x63: {  	s16 =	simm.s32 $0xC00;
	v20 =	vld [tilespmem:s31+$0xD0];
	v25 =	vmul.f32 $1.442695020e+00, v27;
	(erf) = vpow2.f32 v15;
	v27 =	vpop (erf);
	v21 =	vadd.f32 v19, v7  }
0x64: {  	s17 =	simm.s32 $0x4000;
	v15 =	vld [tilespmem:s16+$0xE0];
	(erf) = vpow2.f32 v26;
	v19 =	vpop (erf);
	v7 =	vadd.f32 v27, v28  }
.LBB2_5:
0x65: {  	p0 =	sne.s32 s17, $0x1E000;
	v26 =	vld [tilespmem:s16+$0xF0];
	v24 =	vmul.f32 $1.442695020e+00, v24;
	(erf) = vpow2.f32 v23;
	v27 =	vpop (erf);
	v21 =	vadd.f32 v9, v21;
	s18 =	smov.u32 s17;
	s17 =	sadd.s32 $0x1000, s17  }
0x66: {  	v28 =	vld [tilespmem:s16+$0xB0];
	v23 =	vmul.f32 $1.442695020e+00, v22;
	(erf) = vpow2.f32 v25;
	v22 =	vpop (erf)  }
0x67: {  	v29 =	vmul.f32 $1.442695020e+00, v18;
	v10 =	vadd.f32 v19, v10;
	v25 =	vld [tilespmem:s16+$0xA0];
	v8 =	vadd.f32 v22, v8  }
0x68: {  	v30 =	vmul.f32 $1.442695020e+00, v14;
	v14 =	vld [tilespmem:s16+$0x80];
	(erf) = vpow2.f32 v24;
	v22 =	vpop (erf)  }
.Ltmp3:
0x69: {  	v31 =	vmul.f32 $1.442695020e+00, v20;
	v18 =	vld [tilespmem:s16+$0x90];
	(erf) = vpow2.f32 v23;
	v8 =	vadd.f32 v22, v8;
	v9 =	vpop (erf);
	(pc) =	sbr.rel @p0 .LBB2_5-.Ltmp3, $4  }
0x6a: {  	v10 =	vadd.f32 v27, v10;
	v22 =	vld [tilespmem:s16+$0xC0];
	v23 =	vmul.f32 $1.442695020e+00, v26;
	(erf) = vpow2.f32 v29;
	v26 =	vpop (erf)  }
0x6b: {  	v27 =	vmul.f32 $1.442695020e+00, v28;
	v20 =	vld [tilespmem:s16+$0xD0];
	(erf) = vpow2.f32 v30;
	v7 =	vadd.f32 v26, v7;
	v19 =	vpop (erf)  }
0x6c: {  	s16 =	sshra.s32 s18, $0x2;
	v25 =	vmul.f32 $1.442695020e+00, v25;
	(erf) = vpow2.f32 v31;
	v21 =	vadd.f32 v19, v21;
	v24 =	vpop (erf)  }
0x6d: {  	(erf) = vpow2.f32 v27;
	v19 =	vpop (erf);
	v7 =	vadd.f32 v24, v7;
	v24 =	vmov v15;
	v15 =	vld [tilespmem:s16+$0xE0]  }
0x6e: {  	(erf) = vpow2.f32 v23;
	v23 =	vld [tilespmem:s16+$0xB0]  }
0x6f: {  	v24 =	vmul.f32 $1.442695020e+00, v24;
	v26 =	vld [tilespmem:s16+$0xF0];
	v22 =	vmul.f32 $1.442695020e+00, v22  }
0x70: {  	v27 =	vpop (erf);
	v28 =	vld [tilespmem:s16+$0xA0];
	v18 =	vmul.f32 $1.442695020e+00, v18;
	(erf) = vpow2.f32 v25  }
0x71: {  	v14 =	vmul.f32 $1.442695020e+00, v14;
	v59 =	vpop (erf);
	(erf) = vpow2.f32 v24  }
0x72: {  	v29 =	vld [tilespmem:s16+$0xC0];
	v20 =	vmul.f32 $1.442695020e+00, v20;
	v60 =	vpop (erf);
	(erf) = vpow2.f32 v22  }
0x73: {  	v22 =	vpop (erf);
	(erf) = vpow2.f32 v18;
	v23 =	vmul.f32 $1.442695020e+00, v23  }
0x74: {  	v18 =	vld [tilespmem:s16+$0x90];
	v26 =	vmul.f32 $1.442695020e+00, v26;
	v30 =	vpop (erf);
	(erf) = vpow2.f32 v14  }
0x75: {  	v28 =	vmul.f32 $1.442695020e+00, v28;
	v14 =	vld [tilespmem:s16+$0x80];
	v31 =	vpop (erf);
	(erf) = vpow2.f32 v20  }
0x76: {  	v15 =	vmul.f32 $1.442695020e+00, v15;
	v20 =	vld [tilespmem:s16+$0xD0];
	v32 =	vpop (erf);
	(erf) = vpow2.f32 v23  }
0x77: {  	v29 =	vmul.f32 $1.442695020e+00, v29;
	v23 =	vpop (erf);
	(erf) = vpow2.f32 v26  }
0x78: {  	v61 =	vpop (erf);
	(erf) = vpow2.f32 v28  }
0x79: {  	v18 =	vmul.f32 $1.442695020e+00, v18;
	v28 =	vpop (erf);
	(erf) = vpow2.f32 v15  }
0x7a: {  	v14 =	vmul.f32 $1.442695020e+00, v14;
	v15 =	vpop (erf);
	(erf) = vpow2.f32 v29  }
0x7b: {  	v29 =	vpop (erf);
	(erf) = vpow2.f32 v18;
	v18 =	vmul.f32 $1.442695020e+00, v20  }
0x7c: {  	v9 =	vadd.f32 v9, v21  }
0x7d: {  	v10 =	vadd.f32 v19, v10;
	v8 =	vadd.f32 v59, v8;
	v20 =	vpop (erf);
	(erf) = vpow2.f32 v14  }
0x7e: {  	v7 =	vadd.f32 v30, v7;
	v9 =	vadd.f32 v31, v9;
	v14 =	vpop (erf)  }
0x7f: {  	v10 =	vadd.f32 v27, v10;
	v8 =	vadd.f32 v60, v8;
	(erf) = vpow2.f32 v18;
	v18 =	vpop (erf)  }
0x80: {  	v7 =	vadd.f32 v32, v7;
	v9 =	vadd.f32 v22, v9;
	v21 =	vpop (erf)  }
0x81: {  	s31 =	simm.s32 $0x0;
	v10 =	vadd.f32 v23, v10;
	v8 =	vadd.f32 v28, v8;
	v22 =	vpop (erf)  }
0x82: {  	v62 =	vld [tilespmem:s31+$0x140];
	v7 =	vadd.f32 v20, v7;
	v9 =	vadd.f32 v14, v9;
	v19 =	vpop (erf)  }
0x83: {  	v23 =	vld [tilespmem:s31+$0x170];
	v10 =	vadd.f32 v61, v10;
	v8 =	vadd.f32 v15, v8;
	v14 =	vpop (erf)  }
0x84: {  	p1 =	por $0x1, $0x1;
	v15 =	vld [tilespmem:s31+$0x150];
	v7 =	vadd.f32 v18, v7;
	v9 =	vadd.f32 v29, v9;
	v18 =	vpop (erf)  }
.Ltmp4:
0x85: {  	v10 =	vadd.f32 v21, v10;
	v21 =	vld [tilespmem:s31+$0x160];
	v8 =	vadd.f32 v19, v8;
	v20 =	vpop (erf);
	(pc) =	sbr.rel @!p1 .LBB2_7-.Ltmp4, $4  }
0x86: {  	v19 =	vld [tilespmem:s31+$0x100];
	v20 =	vadd.f32 v20, v7;
	v63 =	vpop (erf)  }
0x87: {  	v7 =	vadd.f32 v14, v8;
	v14 =	vld [tilespmem:s31+$0x130];
	v25 =	vadd.f32 v63, v9  }
0x88: {  	v29 =	vmul.f32 $1.442695020e+00, v62;
	v8 =	vadd.f32 v22, v10;
	v22 =	vld [tilespmem:s31+$0x110];
	v9 =	vpop (erf)  }
0x89: {  	p2 =	por $0x0, $0x0;
	p0 =	por $0x0, $0x0;
	v9 =	vadd.f32 v9, v20;
	v20 =	vld [tilespmem:s31+$0x120];
	v10 =	vadd.f32 v18, v25;
	v18 =	vmul.f32 $1.442695020e+00, v23  }
0x8a: {  	s16 =	simm.s32 $0x400;
	v23 =	vmul.f32 $1.442695020e+00, v15  }
0x8b: {  	v21 =	vmul.f32 $1.442695020e+00, v21;
	(erf) = vpow2.f32 v29;
	v24 =	vld [tilespmem:s16+$0x170]  }
0x8c: {  	v15 =	vld [tilespmem:s16+$0x150];
	(erf) = vpow2.f32 v23  }
0x8d: {  	p3 =	por $0x1, $0x1;
	v23 =	vld [tilespmem:s16+$0x140];
	(erf) = vpow2.f32 v21  }
.Ltmp5:
0x8e: {  	v34 =	vld [tilespmem:s16+$0x100];
	v26 =	vmul.f32 $1.442695020e+00, v22;
	v20 =	vmul.f32 $1.442695020e+00, v20;
	(pc) =	sbr.rel @!p3 .LBB2_9-.Ltmp5, $4  }
0x8f: {  	v21 =	vld [tilespmem:s16+$0x160];
	v22 =	vmul.f32 $1.442695020e+00, v14;
	(erf) = vpow2.f32 v18  }
0x90: {  	v19 =	vmul.f32 $1.442695020e+00, v19;
	v14 =	vld [tilespmem:s16+$0x130];
	(erf) = vpow2.f32 v20  }
0x91: {  	v20 =	vld [tilespmem:s16+$0x120];
	v18 =	vmul.f32 $1.442695020e+00, v24;
	(erf) = vpow2.f32 v22  }
0x92: {  	p2 =	por $0x1, $0x1;
	v22 =	vld [tilespmem:s16+$0x110];
	v29 =	vmul.f32 $1.442695020e+00, v23;
	(erf) = vpow2.f32 v19  }
0x93: {  	v15 =	vmul.f32 $1.442695020e+00, v15;
	(erf) = vpow2.f32 v26  }
0x94: {  	s17 =	simm.s32 $0x800;
	v19 =	vmul.f32 $1.442695020e+00, v21;
	(erf) = vpow2.f32 v29  }
0x95: {  	v28 =	vld [tilespmem:s17+$0x170];
	(erf) = vpow2.f32 v15  }
0x96: {  	v24 =	vpop (erf);
	v29 =	vld [tilespmem:s17+$0x140];
	(erf) = vpow2.f32 v19  }
0x97: {  	p4 =	por $0x1, $0x1;
	v21 =	vld [tilespmem:s17+$0x160];
	v23 =	vpop (erf);
	v20 =	vmul.f32 $1.442695020e+00, v20;
	v26 =	vmul.f32 $1.442695020e+00, v22  }
.Ltmp6:
0x98: {  	v15 =	vld [tilespmem:s17+$0x150];
	v25 =	vpop (erf);
	v22 =	vmul.f32 $1.442695020e+00, v14;
	(erf) = vpow2.f32 v18;
	(pc) =	sbr.rel @!p4 .LBB2_11-.Ltmp6, $4  }
0x99: {  	v30 =	vmul.f32 $1.442695020e+00, v34;
	v19 =	vld [tilespmem:s17+$0x100];
	v27 =	vpop (erf);
	(erf) = vpow2.f32 v20  }
0x9a: {  	v14 =	vld [tilespmem:s17+$0x130];
	v31 =	vpop (erf);
	v18 =	vmul.f32 $1.442695020e+00, v28;
	(erf) = vpow2.f32 v22  }
0x9b: {  	v20 =	vld [tilespmem:s17+$0x120];
	v29 =	vmul.f32 $1.442695020e+00, v29;
	v31 =	vadd.f32 v31, v13;
	v28 =	vpop (erf);
	(erf) = vpow2.f32 v30  }
0x9c: {  	s16 =	simm.s32 $0x3000;
	p3 =	por $0x1, $0x1;
	v22 =	vld [tilespmem:s17+$0x110];
	v30 =	vimm.f32 $0.0e+00;
	v32 =	vadd.f32 v28, v13;
	v33 =	vpop (erf);
	v28 =	vmov v12  }
.LBB2_12:
0x9d: {  	s17 =	sshra.s32 s16, $0x2;
	p4 =	sne.s32 s16, $0x1E000;
	s16 =	sadd.s32 $0x1000, s16;
	v35 =	vmul.f32 $1.442695020e+00, v15;
	(erf) = vpow2.f32 v26;
	v26 =	vadd.f32 v33, v28;
	v15 =	vpop (erf)  }
0x9e: {  	v33 =	vld [tilespmem:s17+$0x170];
	v21 =	vmul.f32 $1.442695020e+00, v21;
	(erf) = vpow2.f32 v29;
	v29 =	vpop (erf);
	v30 =	vadd.f32 v15, v30  }
0x9f: {  	v31 =	vadd.f32 v25, v31;
	v15 =	vld [tilespmem:s17+$0x150];
	(erf) = vpow2.f32 v35;
	v34 =	vpop (erf);
	v28 =	vadd.f32 v24, v26  }
0xa0: {  	v32 =	vadd.f32 v27, v32;
	v35 =	vld [tilespmem:s17+$0x140];
	(erf) = vpow2.f32 v21;
	v25 =	vpop (erf);
	v30 =	vadd.f32 v23, v30  }
.Ltmp7:
0xa1: {  	v36 =	vmovc v19;
	v24 =	vmovc v29;
	v20 =	vmul.f32 $1.442695020e+00, v20;
	v23 =	vmov v34;
	v26 =	vmul.f32 $1.442695020e+00, v22;
	v19 =	vld [tilespmem:s17+$0x100];
	(pc) =	sbr.rel @p4 .LBB2_12-.Ltmp7, $4  }
0xa2: {  	v29 =	vmul.f32 $1.442695020e+00, v14;
	v21 =	vld [tilespmem:s17+$0x160];
	(erf) = vpow2.f32 v18;
	v27 =	vpop (erf)  }
0xa3: {  	v34 =	vmul.f32 $1.442695020e+00, v36;
	v14 =	vld [tilespmem:s17+$0x130];
	(erf) = vpow2.f32 v20;
	v22 =	vpop (erf)  }
0xa4: {  	v18 =	vmul.f32 $1.442695020e+00, v33;
	v20 =	vld [tilespmem:s17+$0x120];
	(erf) = vpow2.f32 v29;
	v31 =	vadd.f32 v22, v31;
	v33 =	vpop (erf)  }
0xa5: {  	v22 =	vld [tilespmem:s17+$0x110];
	v29 =	vmul.f32 $1.442695020e+00, v35;
	(erf) = vpow2.f32 v34;
	v32 =	vadd.f32 v33, v32;
	v33 =	vpop (erf)  }
0xa6: {  	_ = 	snop  }
.LBB2_14:
0xa7: {  	v15 =	vmul.f32 $1.442695020e+00, v15  }
0xa8: {  	(erf) = vpow2.f32 @p2 v26  }
0xa9: {  	v26 =	vpop @p3 (erf);
	v21 =	vmul.f32 $1.442695020e+00, v21;
	(erf) = vpow2.f32 v29  }
0xaa: {  	v19 =	vmul.f32 $1.442695020e+00, v19;
	v29 =	vpop @p2 (erf);
	(erf) = vpow2.f32 v15  }
0xab: {  	v20 =	vmul.f32 $1.442695020e+00, v20;
	(erf) = vpow2.f32 v21;
	v21 =	vadd.f32 @p3 v33, v28;
	v15 =	vpop @p2 (erf)  }
0xac: {  	v14 =	vmul.f32 $1.442695020e+00, v14;
	(erf) = vpow2.f32 v18;
	v18 =	vadd.f32 @p3 v26, v30;
	v28 =	vpop @p2 (erf)  }
0xad: {  	(erf) = vpow2.f32 v20;
	v20 =	vadd.f32 @p3 v24, v21;
	v24 =	vadd.f32 @p3 v27, v32;
	v26 =	vpop @p2 (erf)  }
0xae: {  	v21 =	vmul.f32 $1.442695020e+00, v22;
	v22 =	vpop @p2 (erf);
	(erf) = vpow2.f32 v14;
	v14 =	vadd.f32 @p3 v25, v31  }
0xaf: {  	v18 =	vadd.f32 @p3 v23, v18;
	v25 =	vpop @p2 (erf);
	(erf) = vpow2.f32 v19  }
0xb0: {  	v20 =	vpsel p3, v20, v12;
	v23 =	vpop @p2 (erf);
	(erf) = vpow2.f32 v21;
	v14 =	vpsel p3, v14, v13  }
0xb1: {  	v21 =	vpsel p3, v24, v13;
	v24 =	vpop @p2 (erf);
	v14 =	vadd.f32 @p2 v22, v14;
	v23 =	vpsel p2, v23, v0  }
0xb2: {  	v18 =	vpsel p3, v18, v13;
	v21 =	vadd.f32 @p2 v25, v21;
	v22 =	vpop (erf);
	v20 =	vadd.f32 @p2 v23, v20  }
0xb3: {  	v15 =	vpsel p2, v15, v0;
	v27 =	vpsel p2, v28, v0;
	v18 =	vadd.f32 @p2 v24, v18;
	v25 =	vpop (erf)  }
0xb4: {  	v19 =	vmov @p2 v29;
	v14 =	vpsel p2, v14, v0;
	v21 =	vpsel p2, v21, v0;
	v23 =	vpop (erf)  }
0xb5: {  	v19 =	vpsel p2, v19, v0;
	v14 =	vadd.f32 @p2 v27, v14;
	v15 =	vadd.f32 @p2 v15, v18;
	v24 =	vpop (erf)  }
0xb6: {  	v26 =	vpsel p2, v26, v0;
	v19 =	vadd.f32 @p2 v19, v20;
	v20 =	vpop (erf)  }
0xb7: {  	v18 =	vadd.f32 @p2 v26, v21;
	v14 =	vpsel p2, v14, v13;
	v21 =	vpop (erf)  }
.Ltmp8:
0xb8: {  	v12 =	vpsel p2, v19, v12;
	v14 =	vadd.f32 v20, v14;
	v20 =	vpop (erf);
	(pc) =	sbr.rel @!p1 .LBB2_15-.Ltmp8, $4  }
0xb9: {  	v18 =	vpsel p2, v18, v13;
	v13 =	vpsel p2, v15, v13;
	v12 =	vadd.f32 v20, v12;
	v15 =	vpop (erf)  }
0xba: {  	v18 =	vadd.f32 v21, v18;
	v15 =	vadd.f32 v15, v13  }
0xbb: {  	s16 =	simm.s32 $0x0;
	v13 =	vadd.f32 v23, v14;
	v12 =	vadd.f32 v22, v12  }
0xbc: {  	v21 =	vimm.f32 $0.0e+00;
	v14 =	vadd.f32 v25, v15;
	v15 =	vadd.f32 v24, v18;
	v24 =	vld [tilespmem:s16+$0x1E0]  }
0xbd: {  	v20 =	vld [tilespmem:s16+$0x1B0]  }
0xbe: {  	v18 =	vld [tilespmem:s16+$0x1F0]  }
0xbf: {  	v26 =	vld [tilespmem:s16+$0x1A0];
	p2 =	por $0x1, $0x1  }
.Ltmp9:
0xc0: {  	v22 =	vld [tilespmem:s16+$0x180];
	(pc) =	sbr.rel @!p2 .LBB2_17-.Ltmp9, $4  }
0xc1: {  	v19 =	vld [tilespmem:s16+$0x190]  }
0xc2: {  	v23 =	vld [tilespmem:s16+$0x1C0];
	v27 =	vmul.f32 $1.442695020e+00, v20  }
0xc3: {  	v20 =	vld [tilespmem:s16+$0x1D0];
	v25 =	vmul.f32 $1.442695020e+00, v18;
	s16 =	simm.s32 $0x400  }
0xc4: {  	p1 =	por $0x1, $0x1;
	v28 =	vmul.f32 $1.442695020e+00, v26;
	v33 =	vld [tilespmem:s16+$0x1E0];
	(erf) = vpow2.f32 v27  }
0xc5: {  	v18 =	vld [tilespmem:s16+$0x1F0]  }
0xc6: {  	v24 =	vmul.f32 $1.442695020e+00, v24;
	(erf) = vpow2.f32 v25;
	v25 =	vld [tilespmem:s16+$0x1B0]  }
0xc7: {  	v26 =	vld [tilespmem:s16+$0x1A0];
	(erf) = vpow2.f32 v28;
	v23 =	vmul.f32 $1.442695020e+00, v23  }
0xc8: {  	v30 =	vld [tilespmem:s16+$0x180];
	v27 =	vmul.f32 $1.442695020e+00, v19;
	(erf) = vpow2.f32 v24  }
0xc9: {  	v22 =	vmul.f32 $1.442695020e+00, v22;
	v19 =	vld [tilespmem:s16+$0x190];
	(erf) = vpow2.f32 v23  }
0xca: {  	v24 =	vmul.f32 $1.442695020e+00, v20;
	v20 =	vld [tilespmem:s16+$0x1D0];
	(erf) = vpow2.f32 v27  }
0xcb: {  	p3 =	por $0x1, $0x1;
	v23 =	vld [tilespmem:s16+$0x1C0];
	s16 =	simm.s32 $0x800;
	(erf) = vpow2.f32 v22  }
.Ltmp10:
0xcc: {  	(erf) = vpow2.f32 v24;
	v24 =	vld [tilespmem:s16+$0x1E0];
	(pc) =	sbr.rel @!p3 .LBB2_19-.Ltmp10, $4  }
0xcd: {  	_ = 	snop  }
0xce: {  	v27 =	vmul.f32 $1.442695020e+00, v25  }
0xcf: {  	v25 =	vmul.f32 $1.442695020e+00, v18  }
0xd0: {  	p2 =	por $0x1, $0x1;
	v28 =	vmul.f32 $1.442695020e+00, v26;
	(erf) = vpow2.f32 v27;
	v18 =	vpop (erf)  }
0xd1: {  	v26 =	vmul.f32 $1.442695020e+00, v33;
	v32 =	vld [tilespmem:s16+$0x1B0]  }
0xd2: {  	v29 =	vld [tilespmem:s16+$0x1F0];
	(erf) = vpow2.f32 v25  }
0xd3: {  	v31 =	vpop (erf);
	v23 =	vmul.f32 $1.442695020e+00, v23;
	(erf) = vpow2.f32 v28  }
0xd4: {  	v61 =	vmul.f32 $1.442695020e+00, v19;
	v30 =	vmul.f32 $1.442695020e+00, v30;
	v22 =	vpop (erf)  }
0xd5: {  	v35 =	vmul.f32 $1.442695020e+00, v20;
	p3 =	por $0x1, $0x1;
	v28 =	vld [tilespmem:s16+$0x1A0];
	v25 =	vadd.f32 v22, v21;
	(erf) = vpow2.f32 v26;
	v26 =	vpop (erf)  }
.Ltmp11:
0xd6: {  	v34 =	vadd.f32 v18, v21;
	v19 =	vld [tilespmem:s16+$0x190];
	(erf) = vpow2.f32 v23;
	v27 =	vpop (erf);
	v32 =	vmul.f32 $1.442695020e+00, v32;
	(pc) =	sbr.rel @!p3 .LBB2_21-.Ltmp11, $4  }
0xd7: {  	v23 =	vld [tilespmem:s16+$0x1C0];
	(erf) = vpow2.f32 v61;
	v26 =	vadd.f32 v26, v25;
	v25 =	vmul.f32 $1.442695020e+00, v29;
	v29 =	vpop (erf)  }
0xd8: {  	v20 =	vld [tilespmem:s16+$0x1D0];
	(erf) = vpow2.f32 v30;
	v30 =	vadd.f32 v29, v21;
	v62 =	vpop (erf)  }
0xd9: {  	v22 =	vld [tilespmem:s16+$0x180];
	s16 =	simm.s32 $0xC00;
	(erf) = vpow2.f32 v35;
	v29 =	vadd.f32 v31, v34;
	v63 =	vpop (erf);
	v31 =	vadd.f32 v62, v17  }
0xda: {  	s17 =	simm.s32 $0x4000;
	p0 =	por $0x1, $0x1;
	v33 =	vld [tilespmem:s16+$0x1E0];
	v28 =	vmul.f32 $1.442695020e+00, v28;
	(erf) = vpow2.f32 v32;
	v32 =	vpop (erf);
	v30 =	vadd.f32 v63, v30  }
.LBB2_22:
0xdb: {  	p3 =	sne.s32 s17, $0x1E000;
	v34 =	vld [tilespmem:s16+$0x1F0];
	v38 =	vmul.f32 $1.442695020e+00, v24;
	(erf) = vpow2.f32 v25;
	v35 =	vpop (erf);
	v31 =	vadd.f32 v27, v31;
	s18 =	smov.u32 s17;
	s17 =	sadd.s32 $0x1000, s17  }
0xdc: {  	v36 =	vld [tilespmem:s16+$0x1B0];
	v23 =	vmul.f32 $1.442695020e+00, v23;
	(erf) = vpow2.f32 v28;
	v25 =	vpop (erf)  }
0xdd: {  	v37 =	vmul.f32 $1.442695020e+00, v19;
	v29 =	vadd.f32 v32, v29;
	v28 =	vld [tilespmem:s16+$0x1A0];
	v25 =	vadd.f32 v25, v26  }
0xde: {  	v32 =	vmul.f32 $1.442695020e+00, v22;
	v22 =	vld [tilespmem:s16+$0x180];
	(erf) = vpow2.f32 v38;
	v24 =	vpop (erf)  }
.Ltmp12:
0xdf: {  	v38 =	vmul.f32 $1.442695020e+00, v20;
	v19 =	vld [tilespmem:s16+$0x190];
	(erf) = vpow2.f32 v23;
	v26 =	vadd.f32 v24, v25;
	v27 =	vpop (erf);
	(pc) =	sbr.rel @p3 .LBB2_22-.Ltmp12, $4  }
0xe0: {  	v29 =	vadd.f32 v35, v29;
	v23 =	vld [tilespmem:s16+$0x1C0];
	v25 =	vmul.f32 $1.442695020e+00, v34;
	(erf) = vpow2.f32 v37;
	v24 =	vpop (erf)  }
0xe1: {  	v34 =	vmul.f32 $1.442695020e+00, v36;
	v20 =	vld [tilespmem:s16+$0x1D0];
	(erf) = vpow2.f32 v32;
	v35 =	vadd.f32 v24, v30;
	v30 =	vpop (erf)  }
0xe2: {  	s16 =	sshra.s32 s18, $0x2;
	v28 =	vmul.f32 $1.442695020e+00, v28;
	(erf) = vpow2.f32 v38;
	v31 =	vadd.f32 v30, v31;
	v30 =	vpop (erf)  }
0xe3: {  	v24 =	vmov v33;
	(erf) = vpow2.f32 v34;
	v32 =	vpop (erf);
	v30 =	vadd.f32 v30, v35;
	v33 =	vld [tilespmem:s16+$0x1E0]  }
0xe4: {  	_ =	sdelay $0x3  }
0xe5: {  	v34 =	vmov v24;
	v24 =	vmov v33  }
.LBB2_24:
0xe6: {  	v33 =	vmul.f32 @p1 $1.442695020e+00, v34  }
0xe7: {  	(erf) = vpow2.f32 @p1 v25;
	v25 =	vld [tilespmem:s16+$0x1B0];
	v23 =	vmul.f32 @p1 $1.442695020e+00, v23  }
0xe8: {  	v60 =	vld [tilespmem:s16+$0x1F0];
	v35 =	vpop @p2 (erf);
	v19 =	vmul.f32 @p1 $1.442695020e+00, v19;
	(erf) = vpow2.f32 @p1 v28  }
0xe9: {  	v36 =	vld [tilespmem:s16+$0x1A0];
	v22 =	vmul.f32 @p1 $1.442695020e+00, v22;
	v28 =	vpop @p2 (erf);
	(erf) = vpow2.f32 @p1 v33  }
0xea: {  	v20 =	vmul.f32 @p1 $1.442695020e+00, v20;
	(erf) = vpow2.f32 @p1 v23;
	v33 =	vpop @p2 (erf)  }
0xeb: {  	v24 =	vmul.f32 $1.442695020e+00, v24;
	v23 =	vadd.f32 @p0 v27, v31;
	v27 =	vpop @p2 (erf);
	(erf) = vpow2.f32 @p1 v19;
	v19 =	vld [tilespmem:s16+$0x1C0]  }
0xec: {  	v26 =	vadd.f32 @p2 v28, v26;
	v25 =	vmul.f32 $1.442695020e+00, v25;
	v28 =	vpop @p2 (erf);
	(erf) = vpow2.f32 @p1 v22;
	v22 =	vld [tilespmem:s16+$0x190]  }
0xed: {  	v29 =	vadd.f32 @p2 v32, v29;
	v61 =	vmul.f32 $1.442695020e+00, v60;
	v31 =	vpop @p2 (erf);
	(erf) = vpow2.f32 @p1 v20;
	v20 =	vld [tilespmem:s16+$0x180]  }
0xee: {  	v26 =	vadd.f32 @p2 v33, v26;
	v62 =	vmul.f32 $1.442695020e+00, v36;
	v33 =	vpop @p2 (erf);
	(erf) = vpow2.f32 v25  }
0xef: {  	v29 =	vadd.f32 @p2 v35, v29;
	v28 =	vadd.f32 @p2 v28, v30;
	v25 =	vld [tilespmem:s16+$0x1D0];
	v35 =	vpop @p1 (erf);
	(erf) = vpow2.f32 v61  }
0xf0: {  	v23 =	vpsel p0, v23, v17;
	v30 =	vpop @p1 (erf);
	v19 =	vmul.f32 $1.442695020e+00, v19;
	(erf) = vpow2.f32 v62  }
0xf1: {  	v23 =	vadd.f32 @p2 v31, v23;
	v32 =	vpop @p1 (erf);
	v22 =	vmul.f32 $1.442695020e+00, v22;
	(erf) = vpow2.f32 v24  }
0xf2: {  	v20 =	vmul.f32 $1.442695020e+00, v20;
	v24 =	vpop @p1 (erf);
	(erf) = vpow2.f32 v19;
	v19 =	vadd.f32 @p2 v33, v28  }
0xf3: {  	v28 =	vpop @p1 (erf);
	(erf) = vpow2.f32 v22;
	v22 =	vpsel p2, v23, v0;
	v23 =	vpsel p2, v27, v0  }
0xf4: {  	v25 =	vmul.f32 $1.442695020e+00, v25  }
0xf5: {  	v27 =	vpop @p1 (erf);
	(erf) = vpow2.f32 v20;
	v22 =	vadd.f32 @p2 v23, v22  }
0xf6: {  	v20 =	vpsel p2, v26, v21;
	v23 =	vpop @p1 (erf);
	(erf) = vpow2.f32 v25;
	v25 =	vpsel p2, v29, v21  }
0xf7: {  	v19 =	vpsel p2, v19, v21;
	v20 =	vadd.f32 @p1 v32, v20;
	v22 =	vpsel p2, v22, v17  }
0xf8: {  	v18 =	vpsel p1, v35, v18;
	v19 =	vadd.f32 @p1 v27, v19;
	v26 =	vpop @p1 (erf);
	v22 =	vadd.f32 @p1 v23, v22  }
0xf9: {  	v18 =	vadd.f32 @p1 v18, v25;
	v20 =	vadd.f32 @p1 v24, v20;
	v25 =	vpop (erf)  }
0xfa: {  	s31 =	simm.s32 $0x0;
	v19 =	vadd.f32 @p1 v26, v19;
	v26 =	vpsel p1, v28, v0;
	v22 =	vpsel p1, v22, v0;
	v29 =	vpop (erf)  }
0xfb: {  	v63 =	vld [tilespmem:s31+$0x240];
	v18 =	vadd.f32 @p1 v30, v18;
	v22 =	vadd.f32 @p1 v26, v22;
	v24 =	vpop (erf)  }
0xfc: {  	v27 =	vld [tilespmem:s31+$0x260];
	v20 =	vpsel p1, v20, v21;
	v19 =	vpsel p1, v19, v21;
	v28 =	vpop (erf)  }
0xfd: {  	v30 =	vld [tilespmem:s31+$0x270];
	v18 =	vpsel p1, v18, v21;
	v20 =	vadd.f32 v24, v20;
	v22 =	vpsel p1, v22, v17;
	p1 =	por $0x1, $0x1;
	v31 =	vpop (erf)  }
.Ltmp13:
0xfe: {  	v23 =	vld [tilespmem:s31+$0x250];
	v26 =	vpop (erf);
	(pc) =	sbr.rel @!p1 .LBB2_25-.Ltmp13, $4  }
0xff: {  	v24 =	vld [tilespmem:s31+$0x200];
	v18 =	vadd.f32 v25, v18;
	v17 =	vadd.f32 v28, v20;
	v25 =	vpop (erf)  }
0x100: {  	v28 =	vld [tilespmem:s31+$0x210];
	v19 =	vadd.f32 v26, v19;
	v20 =	vadd.f32 v25, v22  }
0x101: {  	v35 =	vmul.f32 $1.442695020e+00, v63;
	v18 =	vadd.f32 v29, v18;
	v26 =	vld [tilespmem:s31+$0x220];
	v25 =	vpop (erf)  }
0x102: {  	p0 =	por $0x0, $0x0;
	p2 =	por $0x0, $0x0;
	v22 =	vld [tilespmem:s31+$0x230];
	v19 =	vadd.f32 v25, v19;
	v25 =	vmul.f32 $1.442695020e+00, v30;
	v20 =	vadd.f32 v31, v20  }
0x103: {  	s16 =	simm.s32 $0x400  }
0x104: {  	v29 =	vmul.f32 $1.442695020e+00, v23;
	v30 =	vld [tilespmem:s16+$0x270]  }
0x105: {  	v27 =	vmul.f32 $1.442695020e+00, v27;
	(erf) = vpow2.f32 v35;
	v23 =	vld [tilespmem:s16+$0x250]  }
0x106: {  	p3 =	por $0x1, $0x1;
	(erf) = vpow2.f32 v29;
	v29 =	vld [tilespmem:s16+$0x240];
	v32 =	vmul.f32 $1.442695020e+00, v28  }
.Ltmp14:
0x107: {  	v40 =	vld [tilespmem:s16+$0x200];
	(erf) = vpow2.f32 v27;
	v26 =	vmul.f32 $1.442695020e+00, v26;
	(pc) =	sbr.rel @!p3 .LBB2_27-.Ltmp14, $4  }
0x108: {  	v27 =	vld [tilespmem:s16+$0x260];
	v28 =	vmul.f32 $1.442695020e+00, v22;
	(erf) = vpow2.f32 v25  }
0x109: {  	v24 =	vmul.f32 $1.442695020e+00, v24;
	v22 =	vld [tilespmem:s16+$0x230];
	(erf) = vpow2.f32 v26  }
0x10a: {  	v26 =	vld [tilespmem:s16+$0x220];
	v25 =	vmul.f32 $1.442695020e+00, v30;
	(erf) = vpow2.f32 v28  }
0x10b: {  	p2 =	por $0x1, $0x1;
	v28 =	vld [tilespmem:s16+$0x210];
	v35 =	vmul.f32 $1.442695020e+00, v29;
	(erf) = vpow2.f32 v24  }
0x10c: {  	v23 =	vmul.f32 $1.442695020e+00, v23;
	(erf) = vpow2.f32 v32  }
0x10d: {  	s17 =	simm.s32 $0x800;
	v24 =	vmul.f32 $1.442695020e+00, v27;
	(erf) = vpow2.f32 v35  }
0x10e: {  	v34 =	vld [tilespmem:s17+$0x270];
	(erf) = vpow2.f32 v23  }
0x10f: {  	v62 =	vld [tilespmem:s17+$0x240];
	v30 =	vpop (erf);
	(erf) = vpow2.f32 v24  }
0x110: {  	p4 =	por $0x1, $0x1;
	v27 =	vld [tilespmem:s17+$0x260];
	v29 =	vpop (erf);
	v26 =	vmul.f32 $1.442695020e+00, v26;
	v32 =	vmul.f32 $1.442695020e+00, v28  }
.Ltmp15:
0x111: {  	v23 =	vld [tilespmem:s17+$0x250];
	v31 =	vpop (erf);
	v28 =	vmul.f32 $1.442695020e+00, v22;
	(erf) = vpow2.f32 v25;
	(pc) =	sbr.rel @!p4 .LBB2_29-.Ltmp15, $4  }
0x112: {  	v36 =	vmul.f32 $1.442695020e+00, v40;
	v24 =	vld [tilespmem:s17+$0x200];
	v33 =	vpop (erf);
	(erf) = vpow2.f32 v26  }
0x113: {  	v22 =	vld [tilespmem:s17+$0x230];
	v37 =	vpop (erf);
	v25 =	vmul.f32 $1.442695020e+00, v34;
	(erf) = vpow2.f32 v28  }
0x114: {  	v26 =	vld [tilespmem:s17+$0x220];
	v35 =	vmul.f32 $1.442695020e+00, v62;
	v34 =	vmov v16;
	v37 =	vadd.f32 v37, v21;
	v63 =	vpop (erf)  }
0x115: {  	s16 =	simm.s32 $0x3000;
	p3 =	por $0x1, $0x1;
	v28 =	vld [tilespmem:s17+$0x210];
	(erf) = vpow2.f32 v36;
	v36 =	vimm.f32 $0.0e+00;
	v38 =	vadd.f32 v63, v21;
	v39 =	vpop (erf)  }
.LBB2_30:
0x116: {  	s17 =	sshra.s32 s16, $0x2;
	p4 =	sne.s32 s16, $0x1E000;
	s16 =	sadd.s32 $0x1000, s16;
	v41 =	vmul.f32 $1.442695020e+00, v23;
	(erf) = vpow2.f32 v32;
	v32 =	vadd.f32 v39, v34;
	v23 =	vpop (erf)  }
0x117: {  	v39 =	vld [tilespmem:s17+$0x270];
	v27 =	vmul.f32 $1.442695020e+00, v27;
	(erf) = vpow2.f32 v35;
	v35 =	vpop (erf);
	v36 =	vadd.f32 v23, v36  }
0x118: {  	v37 =	vadd.f32 v31, v37;
	v23 =	vld [tilespmem:s17+$0x250];
	(erf) = vpow2.f32 v41;
	v40 =	vpop (erf);
	v34 =	vadd.f32 v30, v32  }
0x119: {  	v38 =	vadd.f32 v33, v38;
	v41 =	vld [tilespmem:s17+$0x240];
	(erf) = vpow2.f32 v27;
	v31 =	vpop (erf);
	v36 =	vadd.f32 v29, v36  }
.Ltmp16:
0x11a: {  	v42 =	vmovc v24;
	v30 =	vmovc v35;
	v26 =	vmul.f32 $1.442695020e+00, v26;
	v29 =	vmov v40;
	v32 =	vmul.f32 $1.442695020e+00, v28;
	v24 =	vld [tilespmem:s17+$0x200];
	(pc) =	sbr.rel @p4 .LBB2_30-.Ltmp16, $4  }
0x11b: {  	v35 =	vmul.f32 $1.442695020e+00, v22;
	v27 =	vld [tilespmem:s17+$0x260];
	(erf) = vpow2.f32 v25;
	v33 =	vpop (erf)  }
0x11c: {  	v40 =	vmul.f32 $1.442695020e+00, v42;
	v22 =	vld [tilespmem:s17+$0x230];
	(erf) = vpow2.f32 v26;
	v28 =	vpop (erf)  }
0x11d: {  	v25 =	vmul.f32 $1.442695020e+00, v39;
	v26 =	vld [tilespmem:s17+$0x220];
	(erf) = vpow2.f32 v35;
	v37 =	vadd.f32 v28, v37;
	v39 =	vpop (erf)  }
0x11e: {  	v28 =	vld [tilespmem:s17+$0x210];
	v35 =	vmul.f32 $1.442695020e+00, v41;
	(erf) = vpow2.f32 v40;
	v38 =	vadd.f32 v39, v38;
	v39 =	vpop (erf)  }
0x11f: {  	_ = 	snop  }
.LBB2_32:
0x120: {  	v23 =	vmul.f32 $1.442695020e+00, v23  }
0x121: {  	(erf) = vpow2.f32 @p2 v32  }
0x122: {  	v32 =	vpop @p3 (erf);
	v27 =	vmul.f32 $1.442695020e+00, v27;
	(erf) = vpow2.f32 v35  }
0x123: {  	v24 =	vmul.f32 $1.442695020e+00, v24;
	v35 =	vpop @p2 (erf);
	(erf) = vpow2.f32 v23  }
0x124: {  	v26 =	vmul.f32 $1.442695020e+00, v26;
	(erf) = vpow2.f32 v27;
	v27 =	vadd.f32 @p3 v39, v34;
	v23 =	vpop @p2 (erf)  }
0x125: {  	v22 =	vmul.f32 $1.442695020e+00, v22;
	(erf) = vpow2.f32 v25;
	v25 =	vadd.f32 @p3 v32, v36;
	v34 =	vpop @p2 (erf)  }
0x126: {  	(erf) = vpow2.f32 v26;
	v26 =	vadd.f32 @p3 v30, v27;
	v30 =	vadd.f32 @p3 v33, v38;
	v32 =	vpop @p2 (erf)  }
0x127: {  	v27 =	vmul.f32 $1.442695020e+00, v28;
	v28 =	vpop @p2 (erf);
	(erf) = vpow2.f32 v22;
	v22 =	vadd.f32 @p3 v31, v37  }
0x128: {  	v26 =	vpsel p3, v26, v16;
	v31 =	vpop @p2 (erf);
	(erf) = vpow2.f32 v24  }
0x129: {  	v24 =	vadd.f32 @p3 v29, v25;
	v29 =	vpop @p2 (erf);
	(erf) = vpow2.f32 v27;
	v22 =	vpsel p3, v22, v21  }
0x12a: {  	v27 =	vpsel p3, v30, v21;
	v30 =	vpop @p2 (erf);
	v22 =	vadd.f32 @p2 v28, v22;
	v29 =	vpsel p2, v29, v0  }
0x12b: {  	v27 =	vadd.f32 @p2 v31, v27;
	v24 =	vpsel p3, v24, v21;
	v28 =	vpop (erf);
	v26 =	vadd.f32 @p2 v29, v26  }
0x12c: {  	v23 =	vpsel p2, v23, v0;
	v33 =	vpsel p2, v34, v0;
	v24 =	vadd.f32 @p2 v30, v24;
	v31 =	vpop (erf)  }
0x12d: {  	v25 =	vmov @p2 v35;
	v22 =	vpsel p2, v22, v0;
	v27 =	vpsel p2, v27, v0;
	v29 =	vpop (erf)  }
0x12e: {  	v25 =	vpsel p2, v25, v0;
	v22 =	vadd.f32 @p2 v33, v22;
	v23 =	vadd.f32 @p2 v23, v24;
	v30 =	vpop (erf)  }
0x12f: {  	v32 =	vpsel p2, v32, v0;
	v25 =	vadd.f32 @p2 v25, v26;
	v26 =	vpop (erf)  }
0x130: {  	v24 =	vadd.f32 @p2 v32, v27;
	v22 =	vpsel p2, v22, v21;
	v27 =	vpop (erf)  }
.Ltmp17:
0x131: {  	v16 =	vpsel p2, v25, v16;
	v22 =	vadd.f32 v26, v22;
	v26 =	vpop (erf);
	(pc) =	sbr.rel @!p1 .LBB2_33-.Ltmp17, $4  }
0x132: {  	v24 =	vpsel p2, v24, v21;
	v21 =	vpsel p2, v23, v21;
	v16 =	vadd.f32 v26, v16;
	v23 =	vpop (erf)  }
0x133: {  	v25 =	vadd.f32 v27, v24;
	v23 =	vadd.f32 v23, v21  }
0x134: {  	s16 =	simm.s32 $0x0;
	v21 =	vadd.f32 v28, v16;
	v16 =	vadd.f32 v29, v22  }
0x135: {  	v24 =	vimm.f32 $0.0e+00;
	v22 =	vadd.f32 v30, v25;
	v30 =	vld [tilespmem:s16+$0x2E0];
	v23 =	vadd.f32 v31, v23  }
0x136: {  	v27 =	vld [tilespmem:s16+$0x2B0]  }
0x137: {  	v25 =	vld [tilespmem:s16+$0x2F0]  }
0x138: {  	v32 =	vld [tilespmem:s16+$0x2A0];
	p2 =	por $0x1, $0x1  }
.Ltmp18:
0x139: {  	v28 =	vld [tilespmem:s16+$0x280];
	(pc) =	sbr.rel @!p2 .LBB2_35-.Ltmp18, $4  }
0x13a: {  	v26 =	vld [tilespmem:s16+$0x290]  }
0x13b: {  	v29 =	vld [tilespmem:s16+$0x2C0];
	v33 =	vmul.f32 $1.442695020e+00, v27  }
0x13c: {  	v27 =	vld [tilespmem:s16+$0x2D0];
	v31 =	vmul.f32 $1.442695020e+00, v25;
	s16 =	simm.s32 $0x400  }
0x13d: {  	p1 =	por $0x1, $0x1;
	v34 =	vmul.f32 $1.442695020e+00, v32;
	v39 =	vld [tilespmem:s16+$0x2E0];
	(erf) = vpow2.f32 v33  }
0x13e: {  	v25 =	vld [tilespmem:s16+$0x2F0]  }
0x13f: {  	v30 =	vmul.f32 $1.442695020e+00, v30;
	(erf) = vpow2.f32 v31;
	v31 =	vld [tilespmem:s16+$0x2B0]  }
0x140: {  	v32 =	vld [tilespmem:s16+$0x2A0];
	(erf) = vpow2.f32 v34;
	v29 =	vmul.f32 $1.442695020e+00, v29  }
0x141: {  	v36 =	vld [tilespmem:s16+$0x280];
	v33 =	vmul.f32 $1.442695020e+00, v26;
	(erf) = vpow2.f32 v30  }
0x142: {  	v28 =	vmul.f32 $1.442695020e+00, v28;
	v26 =	vld [tilespmem:s16+$0x290];
	(erf) = vpow2.f32 v29  }
0x143: {  	v30 =	vmul.f32 $1.442695020e+00, v27;
	v27 =	vld [tilespmem:s16+$0x2D0];
	(erf) = vpow2.f32 v33  }
0x144: {  	p3 =	por $0x1, $0x1;
	v29 =	vld [tilespmem:s16+$0x2C0];
	s16 =	simm.s32 $0x800;
	(erf) = vpow2.f32 v28  }
.Ltmp19:
0x145: {  	(erf) = vpow2.f32 v30;
	v30 =	vld [tilespmem:s16+$0x2E0];
	(pc) =	sbr.rel @!p3 .LBB2_37-.Ltmp19, $4  }
0x146: {  	_ = 	snop  }
0x147: {  	v63 =	vmul.f32 $1.442695020e+00, v31  }
0x148: {  	v31 =	vmul.f32 $1.442695020e+00, v25  }
0x149: {  	p2 =	por $0x1, $0x1;
	v34 =	vmul.f32 $1.442695020e+00, v32;
	(erf) = vpow2.f32 v63;
	v25 =	vpop (erf)  }
0x14a: {  	v38 =	vld [tilespmem:s16+$0x2B0]  }
0x14b: {  	(erf) = vpow2.f32 v31  }
0x14c: {  	v35 =	vld [tilespmem:s16+$0x2F0];
	v32 =	vmul.f32 $1.442695020e+00, v39;
	v37 =	vpop (erf);
	(erf) = vpow2.f32 v34  }
0x14d: {  	v29 =	vmul.f32 $1.442695020e+00, v29;
	v58 =	vmul.f32 $1.442695020e+00, v26;
	v28 =	vpop (erf)  }
0x14e: {  	v57 =	vld [tilespmem:s16+$0x2A0];
	v36 =	vmul.f32 $1.442695020e+00, v36;
	p3 =	por $0x1, $0x1;
	v31 =	vadd.f32 v28, v24;
	(erf) = vpow2.f32 v32;
	v59 =	vpop (erf)  }
.Ltmp20:
0x14f: {  	v40 =	vadd.f32 v25, v24;
	v26 =	vld [tilespmem:s16+$0x290];
	(erf) = vpow2.f32 v29;
	v33 =	vpop (erf);
	v38 =	vmul.f32 $1.442695020e+00, v38;
	(pc) =	sbr.rel @!p3 .LBB2_39-.Ltmp20, $4  }
0x150: {  	v41 =	vmul.f32 $1.442695020e+00, v27;
	v29 =	vld [tilespmem:s16+$0x2C0];
	v32 =	vadd.f32 v59, v31;
	(erf) = vpow2.f32 v58;
	v60 =	vpop (erf)  }
0x151: {  	v27 =	vld [tilespmem:s16+$0x2D0];
	v31 =	vmul.f32 $1.442695020e+00, v35;
	(erf) = vpow2.f32 v36;
	v61 =	vadd.f32 v60, v24;
	v62 =	vpop (erf)  }
0x152: {  	v28 =	vld [tilespmem:s16+$0x280];
	s16 =	simm.s32 $0xC00;
	v35 =	vadd.f32 v37, v40;
	(erf) = vpow2.f32 v41;
	v63 =	vpop (erf);
	v37 =	vadd.f32 v62, v11  }
0x153: {  	s17 =	simm.s32 $0x4000;
	p0 =	por $0x1, $0x1;
	v39 =	vld [tilespmem:s16+$0x2E0];
	v34 =	vmul.f32 $1.442695020e+00, v57;
	(erf) = vpow2.f32 v38;
	v36 =	vadd.f32 v63, v61;
	v38 =	vpop (erf)  }
.LBB2_40:
0x154: {  	p3 =	sne.s32 s17, $0x1E000;
	v40 =	vld [tilespmem:s16+$0x2F0];
	v44 =	vmul.f32 $1.442695020e+00, v30;
	(erf) = vpow2.f32 v31;
	v41 =	vpop (erf);
	v37 =	vadd.f32 v33, v37;
	s18 =	smov.u32 s17;
	s17 =	sadd.s32 $0x1000, s17  }
0x155: {  	v42 =	vld [tilespmem:s16+$0x2B0];
	v29 =	vmul.f32 $1.442695020e+00, v29;
	(erf) = vpow2.f32 v34;
	v31 =	vpop (erf)  }
0x156: {  	v43 =	vmul.f32 $1.442695020e+00, v26;
	v35 =	vadd.f32 v38, v35;
	v34 =	vld [tilespmem:s16+$0x2A0];
	v31 =	vadd.f32 v31, v32  }
0x157: {  	v38 =	vmul.f32 $1.442695020e+00, v28;
	v28 =	vld [tilespmem:s16+$0x280];
	(erf) = vpow2.f32 v44;
	v30 =	vpop (erf)  }
.Ltmp21:
0x158: {  	v44 =	vmul.f32 $1.442695020e+00, v27;
	v26 =	vld [tilespmem:s16+$0x290];
	(erf) = vpow2.f32 v29;
	v32 =	vadd.f32 v30, v31;
	v33 =	vpop (erf);
	(pc) =	sbr.rel @p3 .LBB2_40-.Ltmp21, $4  }
0x159: {  	v35 =	vadd.f32 v41, v35;
	v29 =	vld [tilespmem:s16+$0x2C0];
	v31 =	vmul.f32 $1.442695020e+00, v40;
	(erf) = vpow2.f32 v43;
	v30 =	vpop (erf)  }
0x15a: {  	v40 =	vmul.f32 $1.442695020e+00, v42;
	v27 =	vld [tilespmem:s16+$0x2D0];
	(erf) = vpow2.f32 v38;
	v41 =	vadd.f32 v30, v36;
	v36 =	vpop (erf)  }
0x15b: {  	s16 =	sshra.s32 s18, $0x2;
	v34 =	vmul.f32 $1.442695020e+00, v34;
	(erf) = vpow2.f32 v44;
	v37 =	vadd.f32 v36, v37;
	v36 =	vpop (erf)  }
0x15c: {  	v30 =	vmov v39;
	(erf) = vpow2.f32 v40;
	v38 =	vpop (erf);
	v36 =	vadd.f32 v36, v41;
	v39 =	vld [tilespmem:s16+$0x2E0]  }
0x15d: {  	_ =	sdelay $0x3  }
0x15e: {  	v40 =	vmov v30;
	v30 =	vmov v39  }
.LBB2_42:
0x15f: {  	v39 =	vmul.f32 @p1 $1.442695020e+00, v40;
	(erf) = vpow2.f32 @p1 v31;
	v53 =	vld [tilespmem:s16+$0x2B0]  }
0x160: {  	v54 =	vld [tilespmem:s16+$0x2F0];
	v29 =	vmul.f32 @p1 $1.442695020e+00, v29;
	v26 =	vmul.f32 @p1 $1.442695020e+00, v26  }
0x161: {  	v41 =	vpop @p2 (erf);
	v42 =	vld [tilespmem:s16+$0x2A0];
	v28 =	vmul.f32 @p1 $1.442695020e+00, v28;
	(erf) = vpow2.f32 @p1 v34  }
0x162: {  	v27 =	vmul.f32 @p1 $1.442695020e+00, v27;
	v34 =	vpop @p2 (erf);
	(erf) = vpow2.f32 @p1 v39  }
0x163: {  	v57 =	vld [tilespmem:s16+$0x2D0];
	v30 =	vmul.f32 $1.442695020e+00, v30;
	(erf) = vpow2.f32 @p1 v29;
	v39 =	vpop @p2 (erf)  }
0x164: {  	v29 =	vadd.f32 @p0 v33, v37;
	v33 =	vpop @p2 (erf);
	(erf) = vpow2.f32 @p1 v26;
	v26 =	vld [tilespmem:s16+$0x2C0];
	v31 =	vmul.f32 $1.442695020e+00, v53  }
0x165: {  	v32 =	vadd.f32 @p2 v34, v32;
	v55 =	vmul.f32 $1.442695020e+00, v54;
	v34 =	vpop @p2 (erf);
	(erf) = vpow2.f32 @p1 v28;
	v28 =	vld [tilespmem:s16+$0x290]  }
0x166: {  	v35 =	vadd.f32 @p2 v38, v35;
	v56 =	vmul.f32 $1.442695020e+00, v42;
	v37 =	vpop @p2 (erf);
	(erf) = vpow2.f32 @p1 v27;
	v27 =	vld [tilespmem:s16+$0x280]  }
0x167: {  	v29 =	vpsel p0, v29, v11;
	v34 =	vadd.f32 @p2 v34, v36;
	v40 =	vpop @p2 (erf);
	(erf) = vpow2.f32 v31  }
0x168: {  	v29 =	vadd.f32 @p2 v37, v29;
	v31 =	vmul.f32 $1.442695020e+00, v57;
	v36 =	vpop @p1 (erf);
	(erf) = vpow2.f32 v55  }
0x169: {  	v32 =	vadd.f32 @p2 v39, v32;
	v38 =	vpop @p1 (erf);
	v26 =	vmul.f32 $1.442695020e+00, v26;
	(erf) = vpow2.f32 v56  }
0x16a: {  	v29 =	vpsel p2, v29, v0;
	v37 =	vpop @p1 (erf);
	v28 =	vmul.f32 $1.442695020e+00, v28;
	(erf) = vpow2.f32 v30  }
0x16b: {  	v30 =	vadd.f32 @p2 v41, v35;
	v27 =	vmul.f32 $1.442695020e+00, v27;
	v35 =	vpop @p1 (erf);
	(erf) = vpow2.f32 v26  }
0x16c: {  	v26 =	vadd.f32 @p2 v40, v34;
	v34 =	vpop @p1 (erf);
	(erf) = vpow2.f32 v28;
	v28 =	vpsel p2, v33, v0  }
0x16d: {  	v25 =	vpsel p1, v36, v25;
	v30 =	vpsel p2, v30, v24;
	v28 =	vadd.f32 @p2 v28, v29  }
0x16e: {  	v33 =	vpop @p1 (erf);
	(erf) = vpow2.f32 v27;
	v27 =	vpsel p2, v32, v24;
	v26 =	vpsel p2, v26, v24  }
0x16f: {  	v25 =	vadd.f32 @p1 v25, v30;
	v29 =	vpop @p1 (erf);
	v27 =	vadd.f32 @p1 v37, v27;
	v28 =	vpsel p2, v28, v11  }
0x170: {  	(erf) = vpow2.f32 v31;
	v26 =	vadd.f32 @p1 v33, v26;
	v31 =	vpop @p1 (erf);
	v28 =	vadd.f32 @p1 v29, v28  }
0x171: {  	v25 =	vadd.f32 @p1 v38, v25;
	v58 =	vpop (erf);
	v27 =	vadd.f32 @p1 v35, v27  }
0x172: {  	v26 =	vadd.f32 @p1 v31, v26;
	v31 =	vpsel p1, v34, v0;
	v29 =	vpop (erf);
	v28 =	vpsel p1, v28, v0  }
0x173: {  	v59 =	vpop (erf);
	v28 =	vadd.f32 @p1 v31, v28  }
0x174: {  	v25 =	vpsel p1, v25, v24;
	v27 =	vpsel p1, v27, v24;
	v60 =	vpop (erf)  }
0x175: {  	v26 =	vpsel p1, v26, v24;
	v27 =	vadd.f32 v59, v27;
	v61 =	vpop (erf);
	v11 =	vpsel p1, v28, v11;
	p1 =	por $0x1, $0x1  }
.Ltmp22:
0x176: {  	v62 =	vpop (erf);
	(pc) =	sbr.rel @!p1 .LBB2_43-.Ltmp22, $4  }
0x177: {  	v25 =	vadd.f32 v58, v25;
	v63 =	vpop (erf)  }
0x178: {  	v26 =	vadd.f32 v62, v26;
	v28 =	vadd.f32 v63, v11  }
0x179: {  	s16 =	simm.s32 $0x0;
	v25 =	vadd.f32 v29, v25;
	v11 =	vadd.f32 v60, v27;
	v27 =	vpop (erf)  }
0x17a: {  	p3 =	por $0x0, $0x0;
	p0 =	por $0x0, $0x0;
	v42 =	vld [tilespmem:s16+$0x360];
	p2 =	por $0x0, $0x0;
	v26 =	vadd.f32 v27, v26;
	v27 =	vadd.f32 v61, v28  }
0x17b: {  	v28 =	vld [tilespmem:s16+$0x330]  }
0x17c: {  	v30 =	vld [tilespmem:s16+$0x370]  }
0x17d: {  	v32 =	vld [tilespmem:s16+$0x320];
	p4 =	por $0x1, $0x1  }
.Ltmp23:
0x17e: {  	v31 =	vld [tilespmem:s16+$0x300];
	(pc) =	sbr.rel @!p4 .LBB2_45-.Ltmp23, $4  }
0x17f: {  	v29 =	vld [tilespmem:s16+$0x310]  }
0x180: {  	v33 =	vld [tilespmem:s16+$0x340];
	v28 =	vmul.f32 $1.442695020e+00, v28  }
0x181: {  	s17 =	simm.s32 $0x400;
	v34 =	vmul.f32 $1.442695020e+00, v30;
	v30 =	vld [tilespmem:s16+$0x350]  }
0x182: {  	p2 =	por $0x1, $0x1;
	v37 =	vmul.f32 $1.442695020e+00, v32;
	v32 =	vld [tilespmem:s17+$0x360];
	(erf) = vpow2.f32 v28  }
0x183: {  	v28 =	vld [tilespmem:s17+$0x370]  }
0x184: {  	v61 =	vld [tilespmem:s17+$0x330]  }
0x185: {  	(erf) = vpow2.f32 v34;
	v36 =	vld [tilespmem:s17+$0x320]  }
0x186: {  	v35 =	vmul.f32 $1.442695020e+00, v42;
	v39 =	vld [tilespmem:s17+$0x300];
	(erf) = vpow2.f32 v37  }
0x187: {  	v62 =	vmul.f32 $1.442695020e+00, v29;
	v29 =	vld [tilespmem:s17+$0x310];
	v33 =	vmul.f32 $1.442695020e+00, v33  }
0x188: {  	(erf) = vpow2.f32 v35;
	v63 =	vmul.f32 $1.442695020e+00, v30;
	v30 =	vld [tilespmem:s17+$0x350]  }
0x189: {  	p4 =	por $0x1, $0x1;
	(erf) = vpow2.f32 v33;
	v33 =	vld [tilespmem:s17+$0x340];
	s17 =	simm.s32 $0x800  }
.Ltmp24:
0x18a: {  	v31 =	vmul.f32 $1.442695020e+00, v31;
	v43 =	vld [tilespmem:s17+$0x360];
	(pc) =	sbr.rel @!p4 .LBB2_47-.Ltmp24, $4  }
0x18b: {  	(erf) = vpow2.f32 v62  }
0x18c: {  	v38 =	vmul.f32 $1.442695020e+00, v61;
	(erf) = vpow2.f32 v31  }
0x18d: {  	v34 =	vmul.f32 $1.442695020e+00, v28;
	(erf) = vpow2.f32 v63  }
0x18e: {  	p3 =	por $0x1, $0x1;
	v37 =	vmul.f32 $1.442695020e+00, v36;
	(erf) = vpow2.f32 v38;
	v28 =	vpop (erf)  }
0x18f: {  	v41 =	vld [tilespmem:s17+$0x330]  }
0x190: {  	(erf) = vpow2.f32 v34  }
0x191: {  	v38 =	vld [tilespmem:s17+$0x370];
	v32 =	vmul.f32 $1.442695020e+00, v32;
	v40 =	vpop (erf);
	(erf) = vpow2.f32 v37  }
0x192: {  	v33 =	vmul.f32 $1.442695020e+00, v33;
	v42 =	vmul.f32 $1.442695020e+00, v29;
	v31 =	vpop (erf)  }
0x193: {  	v57 =	vld [tilespmem:s17+$0x320];
	v39 =	vmul.f32 $1.442695020e+00, v39;
	p5 =	por $0x1, $0x1;
	v58 =	vadd.f32 v31, v24;
	(erf) = vpow2.f32 v32;
	v59 =	vpop (erf)  }
.Ltmp25:
0x194: {  	v44 =	vadd.f32 v28, v24;
	v29 =	vld [tilespmem:s17+$0x310];
	(erf) = vpow2.f32 v33;
	v36 =	vpop (erf);
	v41 =	vmul.f32 $1.442695020e+00, v41;
	(pc) =	sbr.rel @!p5 .LBB2_49-.Ltmp25, $4  }
0x195: {  	v45 =	vmul.f32 $1.442695020e+00, v30;
	v33 =	vld [tilespmem:s17+$0x340];
	v35 =	vadd.f32 v59, v58;
	(erf) = vpow2.f32 v42;
	v60 =	vpop (erf)  }
0x196: {  	v30 =	vld [tilespmem:s17+$0x350];
	v34 =	vmul.f32 $1.442695020e+00, v38;
	(erf) = vpow2.f32 v39;
	v61 =	vadd.f32 v60, v24;
	v62 =	vpop (erf)  }
0x197: {  	v31 =	vld [tilespmem:s17+$0x300];
	s17 =	simm.s32 $0xC00;
	v38 =	vadd.f32 v40, v44;
	(erf) = vpow2.f32 v45;
	v63 =	vpop (erf);
	v40 =	vadd.f32 v62, v6  }
0x198: {  	s18 =	simm.s32 $0x4000;
	p4 =	por $0x1, $0x1;
	v32 =	vld [tilespmem:s17+$0x360];
	v37 =	vmul.f32 $1.442695020e+00, v57;
	(erf) = vpow2.f32 v41;
	v39 =	vadd.f32 v63, v61;
	v41 =	vpop (erf)  }
.LBB2_50:
0x199: {  	p5 =	sne.s32 s18, $0x1E000;
	v42 =	vld [tilespmem:s17+$0x370];
	v43 =	vmul.f32 $1.442695020e+00, v43;
	(erf) = vpow2.f32 v34;
	v44 =	vpop (erf);
	v40 =	vadd.f32 v36, v40;
	s19 =	smov.u32 s18;
	s18 =	sadd.s32 $0x1000, s18  }
0x19a: {  	v45 =	vld [tilespmem:s17+$0x330];
	v33 =	vmul.f32 $1.442695020e+00, v33;
	(erf) = vpow2.f32 v37;
	v34 =	vpop (erf)  }
0x19b: {  	v46 =	vmul.f32 $1.442695020e+00, v29;
	v38 =	vadd.f32 v41, v38;
	v37 =	vld [tilespmem:s17+$0x320];
	v34 =	vadd.f32 v34, v35  }
0x19c: {  	v47 =	vmul.f32 $1.442695020e+00, v31;
	v31 =	vld [tilespmem:s17+$0x300];
	(erf) = vpow2.f32 v43;
	v35 =	vpop (erf)  }
.Ltmp26:
0x19d: {  	v43 =	vmul.f32 $1.442695020e+00, v30;
	v29 =	vld [tilespmem:s17+$0x310];
	(erf) = vpow2.f32 v33;
	v35 =	vadd.f32 v35, v34;
	v36 =	vpop (erf);
	(pc) =	sbr.rel @p5 .LBB2_50-.Ltmp26, $4  }
0x19e: {  	v38 =	vadd.f32 v44, v38;
	v33 =	vld [tilespmem:s17+$0x340];
	v34 =	vmul.f32 $1.442695020e+00, v42;
	(erf) = vpow2.f32 v46;
	v42 =	vpop (erf)  }
0x19f: {  	v44 =	vmul.f32 $1.442695020e+00, v45;
	v30 =	vld [tilespmem:s17+$0x350];
	(erf) = vpow2.f32 v47;
	v39 =	vadd.f32 v42, v39;
	v41 =	vpop (erf)  }
0x1a0: {  	s17 =	sshra.s32 s19, $0x2;
	v37 =	vmul.f32 $1.442695020e+00, v37;
	(erf) = vpow2.f32 v43;
	v40 =	vadd.f32 v41, v40;
	v42 =	vpop (erf)  }
0x1a1: {  	v43 =	vmov v32;
	(erf) = vpow2.f32 v44;
	v41 =	vpop (erf);
	v39 =	vadd.f32 v42, v39;
	v32 =	vld [tilespmem:s17+$0x360]  }
0x1a2: {  	v42 =	vmov v43  }
.LBB2_52:
0x1a3: {  	v42 =	vmul.f32 @p2 $1.442695020e+00, v42;
	(erf) = vpow2.f32 @p2 v34;
	v54 =	vld [tilespmem:s17+$0x330]  }
0x1a4: {  	v43 =	vld [tilespmem:s17+$0x370];
	v33 =	vmul.f32 @p2 $1.442695020e+00, v33;
	v29 =	vmul.f32 @p2 $1.442695020e+00, v29  }
0x1a5: {  	v44 =	vpop @p3 (erf);
	v45 =	vld [tilespmem:s17+$0x320];
	v31 =	vmul.f32 @p2 $1.442695020e+00, v31;
	(erf) = vpow2.f32 @p2 v37  }
0x1a6: {  	v37 =	vpop @p3 (erf);
	v30 =	vmul.f32 @p2 $1.442695020e+00, v30;
	(erf) = vpow2.f32 @p2 v42  }
0x1a7: {  	v57 =	vld [tilespmem:s17+$0x350];
	(erf) = vpow2.f32 @p2 v33;
	v32 =	vmul.f32 $1.442695020e+00, v32;
	v42 =	vpop @p3 (erf)  }
0x1a8: {  	v33 =	vadd.f32 @p4 v36, v40;
	v36 =	vpop @p3 (erf);
	(erf) = vpow2.f32 @p2 v29;
	v29 =	vld [tilespmem:s17+$0x340];
	v34 =	vmul.f32 $1.442695020e+00, v54  }
0x1a9: {  	v35 =	vadd.f32 @p3 v37, v35;
	v55 =	vmul.f32 $1.442695020e+00, v43;
	v37 =	vpop @p3 (erf);
	(erf) = vpow2.f32 @p2 v31;
	v31 =	vld [tilespmem:s17+$0x310]  }
0x1aa: {  	v38 =	vadd.f32 @p3 v41, v38;
	v56 =	vmul.f32 $1.442695020e+00, v45;
	v40 =	vpop @p3 (erf);
	(erf) = vpow2.f32 @p2 v30;
	v30 =	vld [tilespmem:s17+$0x300]  }
0x1ab: {  	v33 =	vpsel p4, v33, v6;
	v37 =	vadd.f32 @p3 v37, v39;
	v43 =	vpop @p3 (erf);
	(erf) = vpow2.f32 v34  }
0x1ac: {  	v33 =	vadd.f32 @p3 v40, v33;
	v34 =	vmul.f32 $1.442695020e+00, v57;
	v39 =	vpop @p2 (erf);
	(erf) = vpow2.f32 v55  }
0x1ad: {  	v41 =	vpop @p2 (erf);
	v29 =	vmul.f32 $1.442695020e+00, v29;
	(erf) = vpow2.f32 v56  }
0x1ae: {  	v33 =	vpsel p3, v33, v0;
	v40 =	vpop @p2 (erf);
	v31 =	vmul.f32 $1.442695020e+00, v31;
	(erf) = vpow2.f32 v32  }
0x1af: {  	v32 =	vadd.f32 @p3 v44, v38;
	v30 =	vmul.f32 $1.442695020e+00, v30;
	v38 =	vpop @p2 (erf);
	(erf) = vpow2.f32 v29  }
0x1b0: {  	v35 =	vadd.f32 @p3 v42, v35;
	v29 =	vadd.f32 @p3 v43, v37;
	v37 =	vpop @p2 (erf);
	(erf) = vpow2.f32 v31  }
0x1b1: {  	v28 =	vpsel p2, v39, v28;
	v31 =	vpsel p3, v36, v0;
	v36 =	vpop @p2 (erf);
	(erf) = vpow2.f32 v30  }
0x1b2: {  	v32 =	vpsel p3, v32, v24;
	v31 =	vadd.f32 @p3 v31, v33;
	v29 =	vpsel p3, v29, v24;
	v33 =	vpop @p2 (erf)  }
0x1b3: {  	v30 =	vpsel p3, v35, v24;
	(erf) = vpow2.f32 v34;
	v29 =	vadd.f32 @p2 v36, v29;
	v34 =	vpop @p2 (erf)  }
0x1b4: {  	v28 =	vadd.f32 @p2 v28, v32;
	v30 =	vadd.f32 @p2 v40, v30;
	v31 =	vpsel p3, v31, v6;
	v58 =	vpop (erf)  }
0x1b5: {  	v31 =	vadd.f32 @p2 v33, v31;
	v29 =	vadd.f32 @p2 v34, v29;
	v59 =	vpop (erf)  }
0x1b6: {  	v28 =	vadd.f32 @p2 v41, v28;
	v60 =	vpop (erf)  }
0x1b7: {  	v30 =	vadd.f32 @p2 v38, v30;
	v34 =	vpsel p2, v37, v0;
	v31 =	vpsel p2, v31, v0;
	v61 =	vpop (erf)  }
0x1b8: {  	v31 =	vadd.f32 @p2 v34, v31;
	v62 =	vpop (erf)  }
.Ltmp27:
0x1b9: {  	v28 =	vpsel p2, v28, v24;
	v30 =	vpsel p2, v30, v24;
	v24 =	vpsel p2, v29, v24;
	v29 =	vpop (erf);
	(pc) =	sbr.rel @!p1 .LBB2_53-.Ltmp27, $4  }
0x1ba: {  	v28 =	vadd.f32 v58, v28;
	v30 =	vadd.f32 v60, v30;
	v6 =	vpsel p2, v31, v6;
	v63 =	vpop (erf)  }
0x1bb: {  	v24 =	vadd.f32 v29, v24;
	v31 =	vadd.f32 v63, v6  }
0x1bc: {  	v28 =	vadd.f32 v59, v28;
	v6 =	vadd.f32 v61, v30;
	v29 =	vpop (erf)  }
0x1bd: {  	v38 =	vld [tilespmem:s16+$0x3E0];
	v29 =	vadd.f32 v29, v24;
	v24 =	vimm.f32 $0.0e+00;
	v30 =	vadd.f32 v62, v31  }
0x1be: {  	v33 =	vld [tilespmem:s16+$0x3B0]  }
0x1bf: {  	v31 =	vld [tilespmem:s16+$0x3F0]  }
0x1c0: {  	v36 =	vld [tilespmem:s16+$0x3A0];
	p2 =	por $0x1, $0x1  }
.Ltmp28:
0x1c1: {  	v34 =	vld [tilespmem:s16+$0x380];
	(pc) =	sbr.rel @!p2 .LBB2_55-.Ltmp28, $4  }
0x1c2: {  	v32 =	vld [tilespmem:s16+$0x390]  }
0x1c3: {  	v35 =	vld [tilespmem:s16+$0x3C0];
	v37 =	vmul.f32 $1.442695020e+00, v33  }
0x1c4: {  	v33 =	vld [tilespmem:s16+$0x3D0];
	v40 =	vmul.f32 $1.442695020e+00, v31;
	s16 =	simm.s32 $0x400  }
0x1c5: {  	p1 =	por $0x1, $0x1;
	v42 =	vmul.f32 $1.442695020e+00, v36;
	v45 =	vld [tilespmem:s16+$0x3E0];
	(erf) = vpow2.f32 v37  }
0x1c6: {  	v31 =	vld [tilespmem:s16+$0x3F0]  }
0x1c7: {  	v37 =	vld [tilespmem:s16+$0x3B0]  }
0x1c8: {  	(erf) = vpow2.f32 v40;
	v62 =	vld [tilespmem:s16+$0x3A0]  }
0x1c9: {  	v36 =	vmul.f32 $1.442695020e+00, v38;
	v41 =	vld [tilespmem:s16+$0x380];
	(erf) = vpow2.f32 v42  }
0x1ca: {  	v39 =	vmul.f32 $1.442695020e+00, v32;
	v32 =	vld [tilespmem:s16+$0x390];
	v35 =	vmul.f32 $1.442695020e+00, v35  }
0x1cb: {  	(erf) = vpow2.f32 v36;
	v63 =	vmul.f32 $1.442695020e+00, v33;
	v33 =	vld [tilespmem:s16+$0x3D0]  }
0x1cc: {  	p3 =	por $0x1, $0x1;
	(erf) = vpow2.f32 v35;
	v35 =	vld [tilespmem:s16+$0x3C0];
	s16 =	simm.s32 $0x800  }
.Ltmp29:
0x1cd: {  	v34 =	vmul.f32 $1.442695020e+00, v34;
	v38 =	vld [tilespmem:s16+$0x3E0];
	(pc) =	sbr.rel @!p3 .LBB2_57-.Ltmp29, $4  }
0x1ce: {  	(erf) = vpow2.f32 v39  }
0x1cf: {  	v37 =	vmul.f32 $1.442695020e+00, v37;
	(erf) = vpow2.f32 v34  }
0x1d0: {  	v40 =	vmul.f32 $1.442695020e+00, v31;
	(erf) = vpow2.f32 v63  }
0x1d1: {  	p2 =	por $0x1, $0x1;
	v42 =	vmul.f32 $1.442695020e+00, v62;
	(erf) = vpow2.f32 v37;
	v31 =	vpop (erf)  }
0x1d2: {  	v44 =	vld [tilespmem:s16+$0x3B0]  }
0x1d3: {  	(erf) = vpow2.f32 v40  }
0x1d4: {  	v39 =	vld [tilespmem:s16+$0x3F0];
	v36 =	vmul.f32 $1.442695020e+00, v45;
	v43 =	vpop (erf);
	(erf) = vpow2.f32 v42  }
0x1d5: {  	v35 =	vmul.f32 $1.442695020e+00, v35;
	v57 =	vmul.f32 $1.442695020e+00, v32;
	v34 =	vpop (erf)  }
0x1d6: {  	v56 =	vld [tilespmem:s16+$0x3A0];
	v41 =	vmul.f32 $1.442695020e+00, v41;
	p3 =	por $0x1, $0x1;
	v58 =	vadd.f32 v34, v24;
	(erf) = vpow2.f32 v36;
	v59 =	vpop (erf)  }
.Ltmp30:
0x1d7: {  	v46 =	vadd.f32 v31, v24;
	v32 =	vld [tilespmem:s16+$0x390];
	(erf) = vpow2.f32 v35;
	v37 =	vpop (erf);
	v44 =	vmul.f32 $1.442695020e+00, v44;
	(pc) =	sbr.rel @!p3 .LBB2_59-.Ltmp30, $4  }
0x1d8: {  	v47 =	vmul.f32 $1.442695020e+00, v33;
	v35 =	vld [tilespmem:s16+$0x3C0];
	v36 =	vadd.f32 v59, v58;
	(erf) = vpow2.f32 v57;
	v60 =	vpop (erf)  }
0x1d9: {  	v33 =	vld [tilespmem:s16+$0x3D0];
	v40 =	vmul.f32 $1.442695020e+00, v39;
	(erf) = vpow2.f32 v41;
	v61 =	vadd.f32 v60, v24;
	v62 =	vpop (erf)  }
0x1da: {  	v34 =	vld [tilespmem:s16+$0x380];
	s16 =	simm.s32 $0xC00;
	v39 =	vadd.f32 v43, v46;
	(erf) = vpow2.f32 v47;
	v63 =	vpop (erf);
	v43 =	vadd.f32 v62, v1  }
0x1db: {  	s17 =	simm.s32 $0x4000;
	p0 =	por $0x1, $0x1;
	v45 =	vld [tilespmem:s16+$0x3E0];
	v42 =	vmul.f32 $1.442695020e+00, v56;
	(erf) = vpow2.f32 v44;
	v41 =	vadd.f32 v63, v61;
	v44 =	vpop (erf)  }
.LBB2_60:
0x1dc: {  	p3 =	sne.s32 s17, $0x1E000;
	v46 =	vld [tilespmem:s16+$0x3F0];
	v38 =	vmul.f32 $1.442695020e+00, v38;
	(erf) = vpow2.f32 v40;
	v47 =	vpop (erf);
	v43 =	vadd.f32 v37, v43;
	s18 =	smov.u32 s17;
	s17 =	sadd.s32 $0x1000, s17  }
0x1dd: {  	v48 =	vld [tilespmem:s16+$0x3B0];
	v35 =	vmul.f32 $1.442695020e+00, v35;
	(erf) = vpow2.f32 v42;
	v37 =	vpop (erf)  }
0x1de: {  	v49 =	vmul.f32 $1.442695020e+00, v32;
	v39 =	vadd.f32 v44, v39;
	v42 =	vld [tilespmem:s16+$0x3A0];
	v36 =	vadd.f32 v37, v36  }
0x1df: {  	v50 =	vmul.f32 $1.442695020e+00, v34;
	v34 =	vld [tilespmem:s16+$0x380];
	(erf) = vpow2.f32 v38;
	v37 =	vpop (erf)  }
.Ltmp31:
0x1e0: {  	v51 =	vmul.f32 $1.442695020e+00, v33;
	v32 =	vld [tilespmem:s16+$0x390];
	(erf) = vpow2.f32 v35;
	v36 =	vadd.f32 v37, v36;
	v37 =	vpop (erf);
	(pc) =	sbr.rel @p3 .LBB2_60-.Ltmp31, $4  }
0x1e1: {  	v39 =	vadd.f32 v47, v39;
	v35 =	vld [tilespmem:s16+$0x3C0];
	v40 =	vmul.f32 $1.442695020e+00, v46;
	(erf) = vpow2.f32 v49;
	v46 =	vpop (erf)  }
0x1e2: {  	v47 =	vmul.f32 $1.442695020e+00, v48;
	v33 =	vld [tilespmem:s16+$0x3D0];
	(erf) = vpow2.f32 v50;
	v41 =	vadd.f32 v46, v41;
	v44 =	vpop (erf)  }
0x1e3: {  	s16 =	sshra.s32 s18, $0x2;
	v42 =	vmul.f32 $1.442695020e+00, v42;
	(erf) = vpow2.f32 v51;
	v43 =	vadd.f32 v44, v43;
	v38 =	vpop (erf)  }
0x1e4: {  	(erf) = vpow2.f32 v47;
	v44 =	vpop (erf);
	v41 =	vadd.f32 v38, v41;
	v38 =	vmov v45;
	v45 =	vld [tilespmem:s16+$0x3E0]  }
0x1e5: {  	_ =	sdelay $0x3  }
0x1e6: {  	v46 =	vmov v38;
	v38 =	vmov v45  }
.LBB2_62:
0x1e7: {  	v45 =	vmul.f32 @p1 $1.442695020e+00, v46;
	v59 =	vld [tilespmem:s16+$0x3B0]  }
0x1e8: {  	(erf) = vpow2.f32 @p1 v40;
	v60 =	vld [tilespmem:s16+$0x3F0];
	v35 =	vmul.f32 @p1 $1.442695020e+00, v35  }
0x1e9: {  	v47 =	vpop @p2 (erf);
	v48 =	vld [tilespmem:s16+$0x3A0];
	v32 =	vmul.f32 @p1 $1.442695020e+00, v32;
	(erf) = vpow2.f32 @p1 v42  }
0x1ea: {  	v34 =	vmul.f32 @p1 $1.442695020e+00, v34;
	v42 =	vpop @p2 (erf);
	(erf) = vpow2.f32 @p1 v45  }
0x1eb: {  	v33 =	vmul.f32 @p1 $1.442695020e+00, v33;
	(erf) = vpow2.f32 @p1 v35;
	v45 =	vpop @p2 (erf)  }
0x1ec: {  	v49 =	vld [tilespmem:s16+$0x3C0];
	(erf) = vpow2.f32 @p1 v32;
	v35 =	vpop @p2 (erf);
	v40 =	vmul.f32 $1.442695020e+00, v59  }
0x1ed: {  	v61 =	vld [tilespmem:s16+$0x390];
	v46 =	vmul.f32 $1.442695020e+00, v60;
	v50 =	vpop @p2 (erf);
	(erf) = vpow2.f32 @p1 v34  }
0x1ee: {  	v62 =	vld [tilespmem:s16+$0x380];
	v48 =	vmul.f32 $1.442695020e+00, v48;
	v51 =	vpop @p2 (erf);
	(erf) = vpow2.f32 @p1 v33  }
0x1ef: {  	v63 =	vld [tilespmem:s16+$0x3D0];
	v38 =	vmul.f32 $1.442695020e+00, v38;
	v52 =	vpop @p2 (erf);
	(erf) = vpow2.f32 v40  }
0x1f0: {  	v40 =	vpop @p1 (erf);
	(erf) = vpow2.f32 v46  }
0x1f1: {  	v49 =	vmul.f32 $1.442695020e+00, v49;
	v46 =	vpop @p1 (erf);
	(erf) = vpow2.f32 v48  }
0x1f2: {  	v32 =	vmul.f32 $1.442695020e+00, v61;
	v48 =	vpop @p1 (erf);
	(erf) = vpow2.f32 v38  }
0x1f3: {  	v36 =	vadd.f32 @p2 v42, v36;
	v34 =	vmul.f32 $1.442695020e+00, v62;
	v38 =	vpop @p1 (erf);
	(erf) = vpow2.f32 v49  }
0x1f4: {  	v37 =	vadd.f32 @p0 v37, v43;
	v53 =	vmul.f32 $1.442695020e+00, v63;
	v42 =	vpop @p1 (erf);
	(erf) = vpow2.f32 v32  }
0x1f5: {  	v33 =	vadd.f32 @p2 v44, v39;
	v39 =	vpop @p1 (erf);
	(erf) = vpow2.f32 v34  }
0x1f6: {  	v34 =	vpsel p0, v37, v1;
	v37 =	vadd.f32 @p2 v50, v41;
	v41 =	vpop @p1 (erf);
	(erf) = vpow2.f32 v53  }
0x1f7: {  	v32 =	vadd.f32 @p2 v45, v36;
	v36 =	vpop @p1 (erf)  }
0x1f8: {  	v54 =	vpop (erf)  }
0x1f9: {  	v2 =	vadd.f32 v4, v2;
	v55 =	vpop (erf)  }
0x1fa: {  	v3 =	vadd.f32 v5, v3;
	v9 =	vadd.f32 v9, v10;
	v56 =	vpop (erf)  }
0x1fb: {  	v7 =	vadd.f32 v8, v7;
	v10 =	vadd.f32 v14, v12;
	p0 =	seq.s32 s15, $0x6;
	v57 =	vpop (erf)  }
0x1fc: {  	v12 =	vadd.f32 v15, v13;
	v14 =	vadd.f32 v19, v20;
	s16 =	smul.u32 @!p0 $0x1F00, s15;
	v58 =	vpop (erf)  }
0x1fd: {  	v15 =	vadd.f32 v18, v17;
	v2 =	vadd.f32 v3, v2;
	v59 =	vpop (erf)  }
0x1fe: {  	v7 =	vadd.f32 v7, v9;
	v33 =	vadd.f32 @p2 v47, v33;
	s17 =	simm.s32 @!p0 $0x0;
	s16 =	sadd.s32 @!p0 s16, s5;
	v60 =	vpop (erf)  }
0x1ff: {  	v12 =	vadd.f32 v12, v10;
	v17 =	vadd.f32 v15, v14;
	[tilespmem:s17], [sflag:$0x1] =	stream.linear.gather @!p0 [hbm4b:s16+s17], $0x7C00, $0x38;
	v61 =	vpop (erf);
	[tilespmem:$0xFC00] =	vst v63  }
0x200: {  	v31 =	vpsel p1, v40, v31;
	v33 =	vpsel p2, v33, v24;
	v34 =	vadd.f32 @p2 v51, v34;
	_ =	swait.ge [sflag:s11], $0x7C00  }
0x201: {  	v35 =	vpsel p2, v35, v0;
	v31 =	vadd.f32 @p1 v31, v33;
	v32 =	vpsel p2, v32, v24;
	[sflag:s11] =	ssyncset.done $0x0  }
0x202: {  	s29 =	simm.s32 $0x0;
	v37 =	vadd.f32 @p2 v52, v37;
	v32 =	vadd.f32 @p1 v48, v32;
	v34 =	vpsel p2, v34, v0;
	[sflag:s11] =	ssyncadd.s32 $0xFFFF8400  }
0x203: {  	v31 =	vadd.f32 @p1 v46, v31;
	v34 =	vadd.f32 @p2 v35, v34;
	v4 =	vld [tilespmem:s29+$0x7C30]  }
0x204: {  	v15 =	vadd.f32 v22, v16;
	v37 =	vpsel p2, v37, v24;
	v32 =	vadd.f32 @p1 v38, v32;
	v63 =	vld [tilespmem:s29+$0x7C70]  }
0x205: {  	v31 =	vpsel p1, v31, v24;
	v33 =	vadd.f32 @p1 v39, v37;
	v34 =	vpsel p2, v34, v1;
	v3 =	vld [tilespmem:s29+$0x7C20]  }
0x206: {  	v31 =	vadd.f32 v54, v31;
	v32 =	vpsel p1, v32, v24;
	v34 =	vadd.f32 @p1 v41, v34;
	v8 =	vld [tilespmem:s29+$0x7C60]  }
0x207: {  	v39 =	vpsel p1, v42, v0;
	v33 =	vadd.f32 @p1 v36, v33;
	v32 =	vadd.f32 v56, v32;
	v13 =	vld [tilespmem:s29+$0x7C40]  }
0x208: {  	v5 =	vadd.f32 v55, v31;
	v34 =	vpsel p1, v34, v0;
	v18 =	vld [tilespmem:s29+$0x7C10];
	v4 =	vmul.f32 $1.442695020e+00, v4  }
0x209: {  	v33 =	vpsel p1, v33, v24;
	v32 =	vadd.f32 v57, v32;
	v9 =	vld [tilespmem:s29+$0x7C00];
	v10 =	vmul.f32 $1.442695020e+00, v63  }
0x20a: {  	v34 =	vadd.f32 @p1 v39, v34;
	v3 =	vmul.f32 $1.442695020e+00, v3;
	(erf) = vpow2.f32 v4  }
0x20b: {  	s30 =	simm.s32 $0x400;
	v33 =	vadd.f32 v59, v33;
	v5 =	vadd.f32 v5, v32;
	v14 =	vld [tilespmem:s29+$0x7C50];
	(erf) = vpow2.f32 v10  }
0x20c: {  	v1 =	vpsel p1, v34, v1;
	v19 =	vld [tilespmem:s30+$0x7C60];
	v8 =	vmul.f32 $1.442695020e+00, v8;
	(erf) = vpow2.f32 v3  }
0x20d: {  	v13 =	vmul.f32 $1.442695020e+00, v13;
	v18 =	vmul.f32 $1.442695020e+00, v18;
	v4 =	vadd.f32 v23, v21;
	v10 =	vld [tilespmem:s30+$0x7C30]  }
0x20e: {  	v1 =	vadd.f32 v60, v1;
	v20 =	vld [tilespmem:s30+$0x7C70];
	v9 =	vmul.f32 $1.442695020e+00, v9;
	(erf) = vpow2.f32 v8  }
0x20f: {  	s31 =	simm.s32 $0x800;
	v21 =	vld [tilespmem:s30+$0x7C20];
	v3 =	vadd.f32 v26, v27;
	v16 =	vadd.f32 v15, v4;
	(erf) = vpow2.f32 v13  }
0x210: {  	v22 =	vld [tilespmem:s31+$0x7C30];
	v4 =	vmul.f32 $1.442695020e+00, v14;
	v8 =	vadd.f32 v25, v11;
	(erf) = vpow2.f32 v18  }
0x211: {  	v62 =	vadd.f32 v61, v33;
	v1 =	vadd.f32 v58, v1;
	v14 =	vld [tilespmem:s30+$0x7C50];
	(erf) = vpow2.f32 v9  }
0x212: {  	v13 =	vld [tilespmem:s30+$0x7C40];
	v11 =	vadd.f32 v8, v3;
	v8 =	vmul.f32 $1.442695020e+00, v10;
	(erf) = vpow2.f32 v4  }
0x213: {  	v1 =	vadd.f32 v62, v1;
	v3 =	vld [tilespmem:s30+$0x7C10];
	v4 =	vmul.f32 $1.442695020e+00, v20;
	v20 =	vmul.f32 $1.442695020e+00, v19;
	v15 =	vpop (erf)  }
0x214: {  	v6 =	vadd.f32 v28, v6;
	v10 =	vld [tilespmem:s30+$0x7C00];
	(erf) = vpow2.f32 v8;
	v8 =	vmul.f32 $1.442695020e+00, v21;
	v21 =	vpop (erf)  }
0x215: {  	v1 =	vadd.f32 v5, v1;
	v22 =	vmul.f32 $1.442695020e+00, v22;
	v18 =	vld [tilespmem:s31+$0x7C70];
	(erf) = vpow2.f32 v4;
	v5 =	vpop (erf)  }
0x216: {  	v9 =	vadd.f32 v29, v30;
	(erf) = vpow2.f32 v8;
	v5 =	vadd.f32 v5, v24  }
0x217: {  	v23 =	vld [tilespmem:s31+$0x7C20];
	v25 =	vmul.f32 $1.442695020e+00, v14;
	v4 =	vmul.f32 $1.442695020e+00, v13  }
0x218: {  	v19 =	vld [tilespmem:s31+$0x7C60];
	v6 =	vadd.f32 v6, v9;
	v8 =	vmul.f32 $1.442695020e+00, v3;
	(erf) = vpow2.f32 v20;
	v20 =	vpop (erf)  }
0x219: {  	v14 =	vld [tilespmem:s31+$0x7C40];
	v15 =	vadd.f32 v15, v24;
	v13 =	vmul.f32 $1.442695020e+00, v10;
	(erf) = vpow2.f32 v4;
	v10 =	vpop (erf)  }
0x21a: {  	v9 =	vld [tilespmem:s31+$0x7C10];
	v18 =	vmul.f32 $1.442695020e+00, v18;
	(erf) = vpow2.f32 v8;
	v4 =	vadd.f32 v20, v5;
	v5 =	vpop (erf)  }
0x21b: {  	v3 =	vld [tilespmem:s31+$0x7C00];
	v8 =	vadd.f32 v21, v15;
	(erf) = vpow2.f32 v13;
	v5 =	vadd.f32 v5, v24;
	v20 =	vpop (erf)  }
0x21c: {  	s17 =	simm.s32 $0xC00;
	v21 =	vmul.f32 $1.442695020e+00, v23;
	v13 =	vld [tilespmem:s31+$0x7C50];
	(erf) = vpow2.f32 v25;
	v23 =	vpop (erf);
	v20 =	vadd.f32 v20, v2  }
0x21d: {  	s18 =	simm.s32 $0x4000;
	s16 =	simm.s32 $0x3000;
	v2 =	vld [tilespmem:s17+$0x7C60];
	(erf) = vpow2.f32 v22;
	v15 =	vpop (erf);
	v5 =	vadd.f32 v23, v5  }
.LBB2_63:
0x21e: {  	p1 =	sne.s32 s18, $0x1E000;
	v22 =	vld [tilespmem:s17+$0x7C70];
	v19 =	vmul.f32 $1.442695020e+00, v19;
	(erf) = vpow2.f32 v18;
	v23 =	vpop (erf);
	v20 =	vadd.f32 v10, v20;
	s19 =	smov.u32 s18;
	s18 =	sadd.s32 $0x1000, s18  }
0x21f: {  	v25 =	vld [tilespmem:s17+$0x7C30];
	v18 =	vmul.f32 $1.442695020e+00, v14;
	(erf) = vpow2.f32 v21;
	v14 =	vpop (erf)  }
0x220: {  	v26 =	vmul.f32 $1.442695020e+00, v9;
	v8 =	vadd.f32 v15, v8;
	v21 =	vld [tilespmem:s17+$0x7C20];
	v4 =	vadd.f32 v14, v4  }
0x221: {  	v27 =	vmul.f32 $1.442695020e+00, v3;
	v3 =	vld [tilespmem:s17+$0x7C00];
	(erf) = vpow2.f32 v19;
	v14 =	vpop (erf)  }
.Ltmp32:
0x222: {  	v28 =	vmul.f32 $1.442695020e+00, v13;
	v9 =	vld [tilespmem:s17+$0x7C10];
	(erf) = vpow2.f32 v18;
	v4 =	vadd.f32 v14, v4;
	v10 =	vpop (erf);
	(pc) =	sbr.rel @p1 .LBB2_63-.Ltmp32, $4  }
0x223: {  	v8 =	vadd.f32 v23, v8;
	v14 =	vld [tilespmem:s17+$0x7C40];
	v18 =	vmul.f32 $1.442695020e+00, v22;
	(erf) = vpow2.f32 v26;
	v22 =	vpop (erf)  }
0x224: {  	v23 =	vmul.f32 $1.442695020e+00, v25;
	v13 =	vld [tilespmem:s17+$0x7C50];
	(erf) = vpow2.f32 v27;
	v5 =	vadd.f32 v22, v5;
	v15 =	vpop (erf)  }
0x225: {  	s17 =	sshra.s32 s19, $0x2;
	v21 =	vmul.f32 $1.442695020e+00, v21;
	(erf) = vpow2.f32 v28;
	v20 =	vadd.f32 v15, v20;
	v19 =	vpop (erf)  }
0x226: {  	(erf) = vpow2.f32 v23;
	v15 =	vpop (erf);
	v5 =	vadd.f32 v19, v5;
	v19 =	vmov v2;
	v2 =	vld [tilespmem:s17+$0x7C60]  }
0x227: {  	v19 =	vmul.f32 $1.442695020e+00, v19  }
0x228: {  	(erf) = vpow2.f32 v18;
	v18 =	vld [tilespmem:s17+$0x7C30];
	v14 =	vmul.f32 $1.442695020e+00, v14  }
0x229: {  	v22 =	vld [tilespmem:s17+$0x7C70];
	v23 =	vpop (erf);
	(erf) = vpow2.f32 v21  }
0x22a: {  	v9 =	vmul.f32 $1.442695020e+00, v9;
	v21 =	vpop (erf);
	(erf) = vpow2.f32 v19  }
0x22b: {  	v25 =	vld [tilespmem:s17+$0x7C20];
	v3 =	vmul.f32 $1.442695020e+00, v3;
	v26 =	vpop (erf);
	(erf) = vpow2.f32 v14  }
0x22c: {  	v8 =	vadd.f32 v15, v8;
	v19 =	vld [tilespmem:s17+$0x7C00];
	v13 =	vmul.f32 $1.442695020e+00, v13;
	v14 =	vpop (erf);
	(erf) = vpow2.f32 v9  }
0x22d: {  	v27 =	vld [tilespmem:s17+$0x7C40];
	v9 =	vadd.f32 v10, v20;
	v18 =	vmul.f32 $1.442695020e+00, v18;
	v20 =	vpop (erf);
	(erf) = vpow2.f32 v3  }
0x22e: {  	v10 =	vld [tilespmem:s17+$0x7C10];
	v3 =	vadd.f32 v21, v4;
	v4 =	vmul.f32 $1.442695020e+00, v22;
	v22 =	vpop (erf);
	(erf) = vpow2.f32 v13  }
0x22f: {  	s29 =	simm.s32 $0x0;
	v2 =	vmul.f32 $1.442695020e+00, v2;
	v21 =	vld [tilespmem:s17+$0x7C50];
	v15 =	vpop (erf);
	(erf) = vpow2.f32 v18  }
0x230: {  	v8 =	vadd.f32 v23, v8;
	v13 =	vmul.f32 $1.442695020e+00, v25;
	v25 =	vpop (erf);
	(erf) = vpow2.f32 v4;
	v4 =	vld [tilespmem:s29+$0x7CC0]  }
0x231: {  	v5 =	vadd.f32 v20, v5;
	v19 =	vmul.f32 $1.442695020e+00, v19;
	v18 =	vld [tilespmem:s29+$0x7CF0];
	v3 =	vadd.f32 v26, v3  }
0x232: {  	v26 =	vmul.f32 $1.442695020e+00, v27;
	v9 =	vadd.f32 v22, v9;
	v23 =	vpop (erf);
	(erf) = vpow2.f32 v13;
	v13 =	vld [tilespmem:s29+$0x7CD0]  }
0x233: {  	v5 =	vadd.f32 v15, v5;
	v10 =	vmul.f32 $1.442695020e+00, v10;
	v20 =	vpop (erf);
	(erf) = vpow2.f32 v2;
	v2 =	vld [tilespmem:s29+$0x7CE0]  }
0x234: {  	v9 =	vadd.f32 v14, v9;
	v15 =	vmul.f32 $1.442695020e+00, v21;
	v22 =	vpop (erf);
	(erf) = vpow2.f32 v26;
	v26 =	vld [tilespmem:s29+$0x7C80]  }
0x235: {  	v8 =	vadd.f32 v25, v8;
	v21 =	vpop (erf);
	(erf) = vpow2.f32 v10;
	v10 =	vld [tilespmem:s29+$0x7CA0];
	v4 =	vmul.f32 $1.442695020e+00, v4  }
0x236: {  	s30 =	simm.s32 $0x400;
	v3 =	vadd.f32 v20, v3;
	v18 =	vmul.f32 $1.442695020e+00, v18;
	v14 =	vpop (erf);
	(erf) = vpow2.f32 v19;
	v19 =	vld [tilespmem:s29+$0x7CB0]  }
0x237: {  	v8 =	vadd.f32 v23, v8;
	v23 =	vld [tilespmem:s30+$0x7CD0];
	v20 =	vpop (erf);
	(erf) = vpow2.f32 v15;
	v13 =	vmul.f32 $1.442695020e+00, v13  }
0x238: {  	v15 =	vld [tilespmem:s29+$0x7C90];
	v25 =	vpop (erf);
	v2 =	vmul.f32 $1.442695020e+00, v2;
	(erf) = vpow2.f32 v4  }
0x239: {  	v3 =	vadd.f32 v22, v3;
	v26 =	vmul.f32 $1.442695020e+00, v26;
	v4 =	vpop (erf);
	(erf) = vpow2.f32 v13;
	v13 =	vld [tilespmem:s30+$0x7CC0]  }
0x23a: {  	v5 =	vadd.f32 v14, v5;
	v14 =	vld [tilespmem:s30+$0x7CE0];
	v22 =	vpop (erf);
	(erf) = vpow2.f32 v2;
	v2 =	vmul.f32 $1.442695020e+00, v10  }
0x23b: {  	v29 =	vld [tilespmem:s30+$0x7CB0];
	v9 =	vadd.f32 v20, v9;
	v19 =	vmul.f32 $1.442695020e+00, v19;
	v10 =	vpop (erf);
	(erf) = vpow2.f32 v18  }
0x23c: {  	v27 =	vld [tilespmem:s30+$0x7CF0];
	v4 =	vadd.f32 v4, v8;
	v8 =	vmul.f32 $1.442695020e+00, v23;
	v18 =	vpop (erf);
	(erf) = vpow2.f32 v2  }
0x23d: {  	v5 =	vadd.f32 v25, v5;
	v25 =	vld [tilespmem:s30+$0x7CA0];
	v2 =	vmul.f32 $1.442695020e+00, v15;
	v28 =	vpop (erf);
	(erf) = vpow2.f32 v19  }
0x23e: {  	v3 =	vadd.f32 v10, v3;
	v19 =	vld [tilespmem:s30+$0x7C90];
	v10 =	vpop (erf);
	v13 =	vmul.f32 $1.442695020e+00, v13;
	(erf) = vpow2.f32 v26  }
0x23f: {  	s31 =	simm.s32 $0x800;
	v20 =	vld [tilespmem:s30+$0x7C80];
	v21 =	vadd.f32 v21, v9;
	v14 =	vmul.f32 $1.442695020e+00, v14;
	v26 =	vpop (erf);
	(erf) = vpow2.f32 v2  }
0x240: {  	v31 =	vld [tilespmem:s31+$0x7CF0];
	v2 =	vadd.f32 v18, v3;
	v3 =	vadd.f32 v22, v4;
	v30 =	vpop (erf);
	(erf) = vpow2.f32 v13  }
0x241: {  	v4 =	vadd.f32 v10, v5;
	v5 =	vmul.f32 $1.442695020e+00, v27;
	v27 =	vld [tilespmem:s31+$0x7CC0];
	v9 =	vpop (erf);
	(erf) = vpow2.f32 v8  }
0x242: {  	v15 =	vld [tilespmem:s31+$0x7CD0];
	v18 =	vadd.f32 v26, v21;
	v21 =	vmul.f32 $1.442695020e+00, v29;
	v8 =	vpop (erf);
	(erf) = vpow2.f32 v14  }
0x243: {  	v22 =	vld [tilespmem:s31+$0x7CA0];
	v23 =	vmul.f32 $1.442695020e+00, v19;
	v19 =	vmul.f32 $1.442695020e+00, v25;
	v10 =	vpop (erf)  }
0x244: {  	v29 =	vmul.f32 $1.442695020e+00, v20;
	v25 =	vld [tilespmem:s31+$0x7CE0];
	(erf) = vpow2.f32 v5;
	v14 =	vpop (erf)  }
0x245: {  	v13 =	vld [tilespmem:s31+$0x7C80];
	v4 =	vadd.f32 v30, v4;
	(erf) = vpow2.f32 v19;
	v19 =	vmul.f32 $1.442695020e+00, v31;
	v20 =	vpop (erf)  }
0x246: {  	v26 =	vld [tilespmem:s31+$0x7C90];
	v5 =	vadd.f32 v28, v18;
	v28 =	vmul.f32 $1.442695020e+00, v27;
	(erf) = vpow2.f32 v21;
	v21 =	vpop (erf)  }
0x247: {  	v18 =	vld [tilespmem:s31+$0x7CB0];
	v20 =	vadd.f32 v20, v24;
	(erf) = vpow2.f32 v29;
	v21 =	vadd.f32 v21, v24;
	v27 =	vpop (erf)  }
.LBB2_65:
0x248: {  	s17 =	sshra.s32 s16, $0x2;
	p1 =	sne.s32 s16, $0x1E000;
	s16 =	sadd.s32 $0x1000, s16;
	v29 =	vmul.f32 $1.442695020e+00, v15;
	(erf) = vpow2.f32 v23;
	v7 =	vadd.f32 v27, v7;
	v15 =	vpop (erf)  }
0x249: {  	v27 =	vld [tilespmem:s17+$0x7CF0];
	v23 =	vmul.f32 $1.442695020e+00, v25;
	(erf) = vpow2.f32 v28;
	v25 =	vpop (erf);
	v24 =	vadd.f32 v15, v24  }
0x24a: {  	v20 =	vadd.f32 v10, v20;
	v15 =	vld [tilespmem:s17+$0x7CD0];
	(erf) = vpow2.f32 v29;
	v28 =	vpop (erf);
	v7 =	vadd.f32 v9, v7  }
0x24b: {  	v21 =	vadd.f32 v14, v21;
	v29 =	vld [tilespmem:s17+$0x7CC0];
	(erf) = vpow2.f32 v23;
	v10 =	vpop (erf);
	v24 =	vadd.f32 v8, v24  }
.Ltmp33:
0x24c: {  	v31 =	vmovc v13;
	v9 =	vmovc v25;
	v22 =	vmul.f32 $1.442695020e+00, v22;
	v8 =	vmov v28;
	v23 =	vmul.f32 $1.442695020e+00, v26;
	v13 =	vld [tilespmem:s17+$0x7C80];
	(pc) =	sbr.rel @p1 .LBB2_65-.Ltmp33, $4  }
0x24d: {  	v28 =	vmul.f32 $1.442695020e+00, v18;
	v25 =	vld [tilespmem:s17+$0x7CE0];
	(erf) = vpow2.f32 v19;
	v14 =	vpop (erf)  }
0x24e: {  	v30 =	vmul.f32 $1.442695020e+00, v31;
	v18 =	vld [tilespmem:s17+$0x7CB0];
	(erf) = vpow2.f32 v22;
	v26 =	vpop (erf)  }
0x24f: {  	v19 =	vmul.f32 $1.442695020e+00, v27;
	v22 =	vld [tilespmem:s17+$0x7CA0];
	(erf) = vpow2.f32 v28;
	v20 =	vadd.f32 v26, v20;
	v27 =	vpop (erf)  }
0x250: {  	v26 =	vld [tilespmem:s17+$0x7C90];
	v28 =	vmul.f32 $1.442695020e+00, v29;
	(erf) = vpow2.f32 v30;
	v21 =	vadd.f32 v27, v21;
	v27 =	vpop (erf)  }
0x251: {  	v15 =	vmul.f32 $1.442695020e+00, v15  }
0x252: {  	(erf) = vpow2.f32 v23  }
0x253: {  	v23 =	vpop (erf);
	v25 =	vmul.f32 $1.442695020e+00, v25;
	(erf) = vpow2.f32 v28  }
0x254: {  	v60 =	vpop (erf);
	(erf) = vpow2.f32 v15;
	v18 =	vmul.f32 $1.442695020e+00, v18  }
0x255: {  	v22 =	vmul.f32 $1.442695020e+00, v22;
	v15 =	vpop (erf);
	(erf) = vpow2.f32 v25  }
0x256: {  	v13 =	vmul.f32 $1.442695020e+00, v13;
	v61 =	vpop (erf);
	(erf) = vpow2.f32 v19  }
0x257: {  	v19 =	vpop (erf);
	(erf) = vpow2.f32 v22;
	v22 =	vmul.f32 $1.442695020e+00, v26  }
0x258: {  	v62 =	vpop (erf);
	(erf) = vpow2.f32 v18  }
0x259: {  	v18 =	vpop (erf);
	(erf) = vpow2.f32 v13  }
0x25a: {  	v13 =	vpop (erf);
	(erf) = vpow2.f32 v22  }
0x25b: {  	v7 =	vadd.f32 v27, v7;
	v22 =	vpop (erf)  }
0x25c: {  	v23 =	vadd.f32 v23, v24;
	v63 =	vpop (erf)  }
0x25d: {  	v7 =	vadd.f32 v9, v7;
	v9 =	vadd.f32 v10, v20;
	v10 =	vpop (erf)  }
0x25e: {  	v14 =	vadd.f32 v14, v21;
	v8 =	vadd.f32 v8, v23;
	v20 =	vpop (erf)  }
0x25f: {  	v9 =	vadd.f32 v62, v9;
	v7 =	vadd.f32 v13, v7;
	v13 =	vpop (erf)  }
0x260: {  	v14 =	vadd.f32 v18, v14;
	v8 =	vadd.f32 v22, v8;
	v18 =	vpop (erf)  }
0x261: {  	p2 =	por $0x1, $0x1;
	v9 =	vadd.f32 v61, v9;
	v7 =	vadd.f32 v60, v7;
	v21 =	vpop (erf)  }
.Ltmp34:
0x262: {  	v14 =	vadd.f32 v19, v14;
	v8 =	vadd.f32 v15, v8;
	v15 =	vpop (erf);
	(pc) =	sbr.rel @!p2 .LBB2_67-.Ltmp34, $4  }
0x263: {  	v9 =	vadd.f32 v18, v9;
	v7 =	vadd.f32 v15, v7;
	v15 =	vpop (erf)  }
0x264: {  	v14 =	vadd.f32 v21, v14;
	v15 =	vadd.f32 v15, v8  }
0x265: {  	s16 =	simm.s32 $0x0;
	v8 =	vadd.f32 v20, v9;
	v7 =	vadd.f32 v63, v7  }
0x266: {  	p3 =	por $0x0, $0x0;
	p4 =	por $0x0, $0x0;
	p1 =	por $0x0, $0x0;
	v18 =	vimm.f32 $0.0e+00;
	v21 =	vld [tilespmem:s16+$0x7D60];
	v9 =	vadd.f32 v10, v15;
	v10 =	vadd.f32 v13, v14  }
0x267: {  	v15 =	vld [tilespmem:s16+$0x7D30]  }
0x268: {  	v13 =	vld [tilespmem:s16+$0x7D70]  }
0x269: {  	v23 =	vld [tilespmem:s16+$0x7D20];
	p5 =	por $0x1, $0x1  }
.Ltmp35:
0x26a: {  	v19 =	vld [tilespmem:s16+$0x7D00];
	(pc) =	sbr.rel @!p5 .LBB2_69-.Ltmp35, $4  }
0x26b: {  	v14 =	vld [tilespmem:s16+$0x7D10]  }
0x26c: {  	v20 =	vld [tilespmem:s16+$0x7D40];
	v24 =	vmul.f32 $1.442695020e+00, v15  }
0x26d: {  	v15 =	vld [tilespmem:s16+$0x7D50];
	v22 =	vmul.f32 $1.442695020e+00, v13;
	s16 =	simm.s32 $0x400  }
0x26e: {  	p3 =	por $0x1, $0x1;
	v25 =	vmul.f32 $1.442695020e+00, v23;
	v30 =	vld [tilespmem:s16+$0x7D60];
	(erf) = vpow2.f32 v24  }
0x26f: {  	v13 =	vld [tilespmem:s16+$0x7D70]  }
0x270: {  	v21 =	vmul.f32 $1.442695020e+00, v21;
	(erf) = vpow2.f32 v22;
	v22 =	vld [tilespmem:s16+$0x7D30]  }
0x271: {  	v23 =	vld [tilespmem:s16+$0x7D20];
	(erf) = vpow2.f32 v25;
	v20 =	vmul.f32 $1.442695020e+00, v20  }
0x272: {  	v27 =	vld [tilespmem:s16+$0x7D00];
	v24 =	vmul.f32 $1.442695020e+00, v14;
	(erf) = vpow2.f32 v21  }
0x273: {  	v19 =	vmul.f32 $1.442695020e+00, v19;
	v14 =	vld [tilespmem:s16+$0x7D10];
	(erf) = vpow2.f32 v20  }
0x274: {  	v21 =	vmul.f32 $1.442695020e+00, v15;
	v15 =	vld [tilespmem:s16+$0x7D50];
	(erf) = vpow2.f32 v24  }
0x275: {  	p5 =	por $0x1, $0x1;
	v20 =	vld [tilespmem:s16+$0x7D40];
	s16 =	simm.s32 $0x800;
	(erf) = vpow2.f32 v19  }
.Ltmp36:
0x276: {  	(erf) = vpow2.f32 v21;
	v21 =	vld [tilespmem:s16+$0x7D60];
	(pc) =	sbr.rel @!p5 .LBB2_71-.Ltmp36, $4  }
0x277: {  	_ = 	snop  }
0x278: {  	v24 =	vmul.f32 $1.442695020e+00, v22  }
0x279: {  	v22 =	vmul.f32 $1.442695020e+00, v13  }
0x27a: {  	p4 =	por $0x1, $0x1;
	v25 =	vmul.f32 $1.442695020e+00, v23;
	(erf) = vpow2.f32 v24;
	v13 =	vpop (erf)  }
0x27b: {  	v23 =	vmul.f32 $1.442695020e+00, v30;
	v29 =	vld [tilespmem:s16+$0x7D30]  }
0x27c: {  	v26 =	vld [tilespmem:s16+$0x7D70];
	(erf) = vpow2.f32 v22  }
0x27d: {  	v28 =	vpop (erf);
	v20 =	vmul.f32 $1.442695020e+00, v20;
	(erf) = vpow2.f32 v25  }
0x27e: {  	v30 =	vmul.f32 $1.442695020e+00, v14;
	v27 =	vmul.f32 $1.442695020e+00, v27;
	v31 =	vadd.f32 v13, v18;
	v19 =	vpop (erf)  }
0x27f: {  	v32 =	vmul.f32 $1.442695020e+00, v15;
	p6 =	por $0x1, $0x1;
	v25 =	vld [tilespmem:s16+$0x7D20];
	v22 =	vadd.f32 v19, v18;
	(erf) = vpow2.f32 v23;
	v23 =	vpop (erf)  }
.Ltmp37:
0x280: {  	v14 =	vld [tilespmem:s16+$0x7D10];
	(erf) = vpow2.f32 v20;
	v24 =	vpop (erf);
	v29 =	vmul.f32 $1.442695020e+00, v29;
	(pc) =	sbr.rel @!p6 .LBB2_73-.Ltmp37, $4  }
0x281: {  	v20 =	vld [tilespmem:s16+$0x7D40];
	(erf) = vpow2.f32 v30;
	v23 =	vadd.f32 v23, v22;
	v22 =	vmul.f32 $1.442695020e+00, v26;
	v26 =	vpop (erf)  }
0x282: {  	v15 =	vld [tilespmem:s16+$0x7D50];
	(erf) = vpow2.f32 v27;
	v27 =	vadd.f32 v26, v18;
	v30 =	vpop (erf)  }
0x283: {  	v19 =	vld [tilespmem:s16+$0x7D00];
	s16 =	simm.s32 $0xC00;
	(erf) = vpow2.f32 v32;
	v26 =	vadd.f32 v28, v31;
	v31 =	vpop (erf);
	v28 =	vadd.f32 v30, v12  }
0x284: {  	s17 =	simm.s32 $0x4000;
	p5 =	por $0x1, $0x1;
	v25 =	vmul.f32 $1.442695020e+00, v25;
	(erf) = vpow2.f32 v29;
	v30 =	vld [tilespmem:s16+$0x7D60];
	v29 =	vpop (erf);
	v27 =	vadd.f32 v31, v27  }
.LBB2_74:
0x285: {  	p6 =	sne.s32 s17, $0x1E000;
	v31 =	vld [tilespmem:s16+$0x7D70];
	v35 =	vmul.f32 $1.442695020e+00, v21;
	(erf) = vpow2.f32 v22;
	v32 =	vpop (erf);
	v28 =	vadd.f32 v24, v28;
	s18 =	smov.u32 s17;
	s17 =	sadd.s32 $0x1000, s17  }
0x286: {  	v33 =	vld [tilespmem:s16+$0x7D30];
	v20 =	vmul.f32 $1.442695020e+00, v20;
	(erf) = vpow2.f32 v25;
	v22 =	vpop (erf)  }
0x287: {  	v34 =	vmul.f32 $1.442695020e+00, v14;
	v26 =	vadd.f32 v29, v26;
	v25 =	vld [tilespmem:s16+$0x7D20];
	v22 =	vadd.f32 v22, v23  }
0x288: {  	v29 =	vmul.f32 $1.442695020e+00, v19;
	v19 =	vld [tilespmem:s16+$0x7D00];
	(erf) = vpow2.f32 v35;
	v21 =	vpop (erf)  }
.Ltmp38:
0x289: {  	v35 =	vmul.f32 $1.442695020e+00, v15;
	v14 =	vld [tilespmem:s16+$0x7D10];
	(erf) = vpow2.f32 v20;
	v23 =	vadd.f32 v21, v22;
	v24 =	vpop (erf);
	(pc) =	sbr.rel @p6 .LBB2_74-.Ltmp38, $4  }
0x28a: {  	v26 =	vadd.f32 v32, v26;
	v20 =	vld [tilespmem:s16+$0x7D40];
	v22 =	vmul.f32 $1.442695020e+00, v31;
	(erf) = vpow2.f32 v34;
	v21 =	vpop (erf)  }
0x28b: {  	v31 =	vmul.f32 $1.442695020e+00, v33;
	v15 =	vld [tilespmem:s16+$0x7D50];
	(erf) = vpow2.f32 v29;
	v32 =	vadd.f32 v21, v27;
	v27 =	vpop (erf)  }
0x28c: {  	s16 =	sshra.s32 s18, $0x2;
	v25 =	vmul.f32 $1.442695020e+00, v25;
	(erf) = vpow2.f32 v35;
	v28 =	vadd.f32 v27, v28;
	v27 =	vpop (erf)  }
0x28d: {  	v21 =	vmov v30;
	(erf) = vpow2.f32 v31;
	v29 =	vpop (erf);
	v27 =	vadd.f32 v27, v32;
	v30 =	vld [tilespmem:s16+$0x7D60]  }
0x28e: {  	_ =	sdelay $0x3  }
0x28f: {  	v31 =	vmov v21;
	v21 =	vmov v30  }
.LBB2_76:
0x290: {  	v30 =	vmul.f32 @p3 $1.442695020e+00, v31  }
0x291: {  	(erf) = vpow2.f32 @p3 v22;
	v22 =	vld [tilespmem:s16+$0x7D30];
	v20 =	vmul.f32 @p3 $1.442695020e+00, v20  }
0x292: {  	v59 =	vld [tilespmem:s16+$0x7D70];
	v32 =	vpop @p4 (erf);
	v14 =	vmul.f32 @p3 $1.442695020e+00, v14;
	(erf) = vpow2.f32 @p3 v25  }
0x293: {  	v33 =	vld [tilespmem:s16+$0x7D20];
	v19 =	vmul.f32 @p3 $1.442695020e+00, v19;
	v25 =	vpop @p4 (erf);
	(erf) = vpow2.f32 @p3 v30  }
0x294: {  	v15 =	vmul.f32 @p3 $1.442695020e+00, v15;
	(erf) = vpow2.f32 @p3 v20;
	v30 =	vpop @p4 (erf)  }
0x295: {  	v21 =	vmul.f32 $1.442695020e+00, v21;
	v20 =	vadd.f32 @p5 v24, v28;
	v24 =	vpop @p4 (erf);
	(erf) = vpow2.f32 @p3 v14;
	v14 =	vld [tilespmem:s16+$0x7D40]  }
0x296: {  	v23 =	vadd.f32 @p4 v25, v23;
	v22 =	vmul.f32 $1.442695020e+00, v22;
	v25 =	vpop @p4 (erf);
	(erf) = vpow2.f32 @p3 v19;
	v19 =	vld [tilespmem:s16+$0x7D10]  }
0x297: {  	v26 =	vadd.f32 @p4 v29, v26;
	v60 =	vmul.f32 $1.442695020e+00, v59;
	v28 =	vpop @p4 (erf);
	(erf) = vpow2.f32 @p3 v15;
	v15 =	vld [tilespmem:s16+$0x7D00]  }
0x298: {  	v23 =	vadd.f32 @p4 v30, v23;
	v61 =	vmul.f32 $1.442695020e+00, v33;
	v30 =	vpop @p4 (erf);
	(erf) = vpow2.f32 v22  }
0x299: {  	v26 =	vadd.f32 @p4 v32, v26;
	v25 =	vadd.f32 @p4 v25, v27;
	v32 =	vpop @p3 (erf);
	(erf) = vpow2.f32 v60  }
0x29a: {  	v20 =	vpsel p5, v20, v12;
	v22 =	vld [tilespmem:s16+$0x7D50];
	v27 =	vpop @p3 (erf);
	v14 =	vmul.f32 $1.442695020e+00, v14;
	(erf) = vpow2.f32 v61  }
0x29b: {  	v20 =	vadd.f32 @p4 v28, v20;
	v29 =	vpop @p3 (erf);
	v19 =	vmul.f32 $1.442695020e+00, v19;
	(erf) = vpow2.f32 v21  }
0x29c: {  	v15 =	vmul.f32 $1.442695020e+00, v15;
	v21 =	vpop @p3 (erf);
	(erf) = vpow2.f32 v14;
	v14 =	vadd.f32 @p4 v30, v25  }
0x29d: {  	v25 =	vpop @p3 (erf);
	(erf) = vpow2.f32 v19;
	v19 =	vpsel p4, v20, v0;
	v20 =	vpsel p4, v24, v0;
	_ =	sdelay $0x1  }
0x29e: {  	v22 =	vmul.f32 $1.442695020e+00, v22;
	v24 =	vpop @p3 (erf);
	(erf) = vpow2.f32 v15  }
0x29f: {  	v13 =	vpsel p3, v32, v13;
	v15 =	vpsel p4, v23, v18;
	v19 =	vadd.f32 @p4 v20, v19;
	v20 =	vpop @p3 (erf)  }
0x2a0: {  	v14 =	vpsel p4, v14, v18;
	v15 =	vadd.f32 @p3 v29, v15;
	(erf) = vpow2.f32 v22;
	v23 =	vpop @p3 (erf)  }
0x2a1: {  	v14 =	vadd.f32 @p3 v24, v14;
	v22 =	vpsel p4, v26, v18;
	v19 =	vpsel p4, v19, v12;
	v26 =	vpop (erf)  }
0x2a2: {  	s31 =	simm.s32 $0x0;
	v13 =	vadd.f32 @p3 v13, v22;
	v19 =	vadd.f32 @p3 v20, v19;
	v62 =	vpop (erf)  }
0x2a3: {  	v63 =	vld [tilespmem:s31+$0x7DC0];
	v15 =	vadd.f32 @p3 v21, v15;
	v22 =	vpsel p3, v25, v0;
	v21 =	vpop (erf)  }
0x2a4: {  	v24 =	vld [tilespmem:s31+$0x7DE0];
	v14 =	vadd.f32 @p3 v23, v14;
	v13 =	vadd.f32 @p3 v27, v13;
	v19 =	vpsel p3, v19, v0;
	v23 =	vpop (erf)  }
0x2a5: {  	v27 =	vld [tilespmem:s31+$0x7DF0];
	v15 =	vpsel p3, v15, v18;
	v19 =	vadd.f32 @p3 v22, v19;
	v25 =	vpop (erf)  }
.Ltmp39:
0x2a6: {  	v20 =	vld [tilespmem:s31+$0x7DD0];
	v14 =	vpsel p3, v14, v18;
	v13 =	vpsel p3, v13, v18;
	v15 =	vadd.f32 v21, v15;
	v21 =	vpop (erf);
	(pc) =	sbr.rel @!p2 .LBB2_77-.Ltmp39, $4  }
0x2a7: {  	v22 =	vld [tilespmem:s31+$0x7D80];
	v13 =	vadd.f32 v26, v13;
	v19 =	vpsel p3, v19, v12;
	v14 =	vadd.f32 v21, v14;
	v21 =	vpop (erf)  }
0x2a8: {  	v12 =	vadd.f32 v23, v15;
	v23 =	vld [tilespmem:s31+$0x7DA0];
	v15 =	vadd.f32 v21, v19  }
0x2a9: {  	v33 =	vmul.f32 $1.442695020e+00, v63;
	v13 =	vadd.f32 v62, v13;
	v21 =	vpop (erf);
	v19 =	vld [tilespmem:s31+$0x7DB0]  }
0x2aa: {  	v14 =	vadd.f32 v21, v14;
	v21 =	vmul.f32 $1.442695020e+00, v27;
	v15 =	vadd.f32 v25, v15;
	v25 =	vld [tilespmem:s31+$0x7D90]  }
0x2ab: {  	s16 =	simm.s32 $0x400  }
0x2ac: {  	v26 =	vmul.f32 $1.442695020e+00, v20;
	v27 =	vld [tilespmem:s16+$0x7DF0]  }
0x2ad: {  	v24 =	vmul.f32 $1.442695020e+00, v24;
	(erf) = vpow2.f32 v33;
	v20 =	vld [tilespmem:s16+$0x7DD0]  }
0x2ae: {  	p3 =	por $0x1, $0x1;
	(erf) = vpow2.f32 v26;
	v26 =	vld [tilespmem:s16+$0x7DC0];
	v23 =	vmul.f32 $1.442695020e+00, v23  }
.Ltmp40:
0x2af: {  	v37 =	vld [tilespmem:s16+$0x7D80];
	(erf) = vpow2.f32 v24;
	v29 =	vmul.f32 $1.442695020e+00, v25;
	(pc) =	sbr.rel @!p3 .LBB2_79-.Ltmp40, $4  }
0x2b0: {  	v24 =	vld [tilespmem:s16+$0x7DE0];
	v25 =	vmul.f32 $1.442695020e+00, v19;
	(erf) = vpow2.f32 v21  }
0x2b1: {  	v22 =	vmul.f32 $1.442695020e+00, v22;
	v19 =	vld [tilespmem:s16+$0x7DB0];
	(erf) = vpow2.f32 v23  }
0x2b2: {  	v23 =	vld [tilespmem:s16+$0x7DA0];
	v21 =	vmul.f32 $1.442695020e+00, v27;
	(erf) = vpow2.f32 v25  }
0x2b3: {  	p2 =	por $0x1, $0x1;
	v25 =	vld [tilespmem:s16+$0x7D90];
	v33 =	vmul.f32 $1.442695020e+00, v26;
	(erf) = vpow2.f32 v22  }
0x2b4: {  	v20 =	vmul.f32 $1.442695020e+00, v20;
	(erf) = vpow2.f32 v29  }
0x2b5: {  	s17 =	simm.s32 $0x800;
	v22 =	vmul.f32 $1.442695020e+00, v24;
	(erf) = vpow2.f32 v33  }
0x2b6: {  	v31 =	vld [tilespmem:s17+$0x7DF0];
	(erf) = vpow2.f32 v20  }
0x2b7: {  	v32 =	vld [tilespmem:s17+$0x7DC0];
	v27 =	vpop (erf);
	(erf) = vpow2.f32 v22  }
0x2b8: {  	p3 =	por $0x1, $0x1;
	v24 =	vld [tilespmem:s17+$0x7DE0];
	v26 =	vpop (erf);
	v23 =	vmul.f32 $1.442695020e+00, v23;
	v29 =	vmul.f32 $1.442695020e+00, v25  }
.Ltmp41:
0x2b9: {  	v20 =	vld [tilespmem:s17+$0x7DD0];
	v28 =	vpop (erf);
	v25 =	vmul.f32 $1.442695020e+00, v19;
	(erf) = vpow2.f32 v21;
	(pc) =	sbr.rel @!p3 .LBB2_81-.Ltmp41, $4  }
0x2ba: {  	v35 =	vmul.f32 $1.442695020e+00, v37;
	v22 =	vld [tilespmem:s17+$0x7D80];
	v30 =	vpop (erf);
	(erf) = vpow2.f32 v23  }
0x2bb: {  	v19 =	vld [tilespmem:s17+$0x7DB0];
	v63 =	vpop (erf);
	v21 =	vmul.f32 $1.442695020e+00, v31;
	(erf) = vpow2.f32 v25  }
0x2bc: {  	v23 =	vld [tilespmem:s17+$0x7DA0];
	v33 =	vmul.f32 $1.442695020e+00, v32;
	v32 =	vimm.f32 $0.0e+00;
	v34 =	vadd.f32 v63, v18;
	v31 =	vpop (erf)  }
0x2bd: {  	s16 =	simm.s32 $0x3000;
	p1 =	por $0x1, $0x1;
	v25 =	vld [tilespmem:s17+$0x7D90];
	(erf) = vpow2.f32 v35;
	v35 =	vadd.f32 v31, v18;
	v36 =	vpop (erf);
	v31 =	vmov v17  }
.LBB2_82:
0x2be: {  	s17 =	sshra.s32 s16, $0x2;
	p3 =	sne.s32 s16, $0x1E000;
	s16 =	sadd.s32 $0x1000, s16;
	v38 =	vmul.f32 $1.442695020e+00, v20;
	(erf) = vpow2.f32 v29;
	v29 =	vadd.f32 v36, v31;
	v20 =	vpop (erf)  }
0x2bf: {  	v36 =	vld [tilespmem:s17+$0x7DF0];
	v24 =	vmul.f32 $1.442695020e+00, v24;
	(erf) = vpow2.f32 v33;
	v33 =	vpop (erf);
	v32 =	vadd.f32 v20, v32  }
0x2c0: {  	v34 =	vadd.f32 v28, v34;
	v20 =	vld [tilespmem:s17+$0x7DD0];
	(erf) = vpow2.f32 v38;
	v37 =	vpop (erf);
	v31 =	vadd.f32 v27, v29  }
0x2c1: {  	v35 =	vadd.f32 v30, v35;
	v38 =	vld [tilespmem:s17+$0x7DC0];
	(erf) = vpow2.f32 v24;
	v28 =	vpop (erf);
	v32 =	vadd.f32 v26, v32  }
.Ltmp42:
0x2c2: {  	v39 =	vmovc v22;
	v27 =	vmovc v33;
	v23 =	vmul.f32 $1.442695020e+00, v23;
	v26 =	vmov v37;
	v29 =	vmul.f32 $1.442695020e+00, v25;
	v22 =	vld [tilespmem:s17+$0x7D80];
	(pc) =	sbr.rel @p3 .LBB2_82-.Ltmp42, $4  }
0x2c3: {  	v33 =	vmul.f32 $1.442695020e+00, v19;
	v24 =	vld [tilespmem:s17+$0x7DE0];
	(erf) = vpow2.f32 v21;
	v30 =	vpop (erf)  }
0x2c4: {  	v37 =	vmul.f32 $1.442695020e+00, v39;
	v19 =	vld [tilespmem:s17+$0x7DB0];
	(erf) = vpow2.f32 v23;
	v25 =	vpop (erf)  }
0x2c5: {  	v21 =	vmul.f32 $1.442695020e+00, v36;
	v23 =	vld [tilespmem:s17+$0x7DA0];
	(erf) = vpow2.f32 v33;
	v34 =	vadd.f32 v25, v34;
	v36 =	vpop (erf)  }
0x2c6: {  	v25 =	vld [tilespmem:s17+$0x7D90];
	v33 =	vmul.f32 $1.442695020e+00, v38;
	(erf) = vpow2.f32 v37;
	v35 =	vadd.f32 v36, v35;
	v36 =	vpop (erf)  }
0x2c7: {  	_ = 	snop  }
.LBB2_84:
0x2c8: {  	v20 =	vmul.f32 $1.442695020e+00, v20;
	(erf) = vpow2.f32 @p2 v29  }
0x2c9: {  	v29 =	vpop @p1 (erf);
	v24 =	vmul.f32 $1.442695020e+00, v24;
	(erf) = vpow2.f32 v33  }
0x2ca: {  	v22 =	vmul.f32 $1.442695020e+00, v22;
	(erf) = vpow2.f32 v20  }
0x2cb: {  	v33 =	vpop @p2 (erf);
	v23 =	vmul.f32 $1.442695020e+00, v23;
	(erf) = vpow2.f32 v24;
	v24 =	vadd.f32 @p1 v36, v31  }
0x2cc: {  	v19 =	vmul.f32 $1.442695020e+00, v19;
	v20 =	vpop @p2 (erf);
	(erf) = vpow2.f32 v21;
	v21 =	vadd.f32 @p1 v29, v32  }
0x2cd: {  	v31 =	vpop @p2 (erf);
	(erf) = vpow2.f32 v23;
	v23 =	vadd.f32 @p1 v27, v24;
	v24 =	vmul.f32 $1.442695020e+00, v25  }
0x2ce: {  	v27 =	vadd.f32 @p1 v30, v35;
	v20 =	vpsel p2, v20, v0;
	v29 =	vpop @p2 (erf);
	v21 =	vadd.f32 @p1 v26, v21  }
0x2cf: {  	v30 =	vpsel p2, v31, v0;
	v25 =	vpop @p2 (erf);
	(erf) = vpow2.f32 v19;
	v19 =	vadd.f32 @p1 v28, v34  }
0x2d0: {  	v23 =	vpsel p1, v23, v17;
	v29 =	vpsel p2, v29, v0;
	v28 =	vpop @p2 (erf);
	(erf) = vpow2.f32 v22  }
0x2d1: {  	v22 =	vmov @p2 v33;
	v26 =	vpop @p2 (erf);
	(erf) = vpow2.f32 v24;
	v19 =	vpsel p1, v19, v18  }
0x2d2: {  	v24 =	vpsel p1, v27, v18;
	v27 =	vpop @p2 (erf);
	v19 =	vadd.f32 @p2 v25, v19;
	v26 =	vpsel p2, v26, v0  }
0x2d3: {  	v21 =	vpsel p1, v21, v18;
	v24 =	vadd.f32 @p2 v28, v24;
	v25 =	vpop (erf);
	v23 =	vadd.f32 @p2 v26, v23  }
0x2d4: {  	v22 =	vpsel p2, v22, v0;
	v21 =	vadd.f32 @p2 v27, v21;
	v28 =	vpop (erf);
	v19 =	vpsel p2, v19, v0  }
0x2d5: {  	v24 =	vpsel p2, v24, v0;
	v26 =	vpop (erf);
	v19 =	vadd.f32 @p2 v30, v19;
	v22 =	vadd.f32 @p2 v22, v23  }
0x2d6: {  	v20 =	vadd.f32 @p2 v20, v21;
	v21 =	vadd.f32 @p2 v29, v24;
	v27 =	vpop (erf)  }
0x2d7: {  	v23 =	vpop (erf);
	v19 =	vpsel p2, v19, v18  }
0x2d8: {  	v17 =	vpsel p2, v22, v17;
	v21 =	vpsel p2, v21, v18;
	v18 =	vpsel p2, v20, v18;
	p2 =	por $0x1, $0x1;
	v24 =	vpop (erf)  }
.Ltmp43:
0x2d9: {  	v19 =	vadd.f32 v23, v19;
	v23 =	vpop (erf);
	(pc) =	sbr.rel @!p2 .LBB2_85-.Ltmp43, $4  }
0x2da: {  	v17 =	vadd.f32 v23, v17;
	v20 =	vpop (erf)  }
0x2db: {  	v21 =	vadd.f32 v24, v21;
	v20 =	vadd.f32 v20, v18  }
0x2dc: {  	s16 =	simm.s32 $0x0;
	v18 =	vadd.f32 v26, v19;
	v17 =	vadd.f32 v25, v17  }
0x2dd: {  	p3 =	por $0x0, $0x0;
	p4 =	por $0x0, $0x0;
	p1 =	por $0x0, $0x0;
	v24 =	vimm.f32 $0.0e+00;
	v19 =	vadd.f32 v28, v20;
	v20 =	vadd.f32 v27, v21;
	v27 =	vld [tilespmem:s16+$0x7E60]  }
0x2de: {  	v23 =	vld [tilespmem:s16+$0x7E30]  }
0x2df: {  	v21 =	vld [tilespmem:s16+$0x7E70]  }
0x2e0: {  	v29 =	vld [tilespmem:s16+$0x7E20];
	p5 =	por $0x1, $0x1  }
.Ltmp44:
0x2e1: {  	v25 =	vld [tilespmem:s16+$0x7E00];
	(pc) =	sbr.rel @!p5 .LBB2_87-.Ltmp44, $4  }
0x2e2: {  	v22 =	vld [tilespmem:s16+$0x7E10]  }
0x2e3: {  	v26 =	vld [tilespmem:s16+$0x7E40];
	v30 =	vmul.f32 $1.442695020e+00, v23  }
0x2e4: {  	v23 =	vld [tilespmem:s16+$0x7E50];
	v28 =	vmul.f32 $1.442695020e+00, v21;
	s16 =	simm.s32 $0x400  }
0x2e5: {  	p3 =	por $0x1, $0x1;
	v31 =	vmul.f32 $1.442695020e+00, v29;
	v36 =	vld [tilespmem:s16+$0x7E60];
	(erf) = vpow2.f32 v30  }
0x2e6: {  	v21 =	vld [tilespmem:s16+$0x7E70]  }
0x2e7: {  	v27 =	vmul.f32 $1.442695020e+00, v27;
	(erf) = vpow2.f32 v28;
	v28 =	vld [tilespmem:s16+$0x7E30]  }
0x2e8: {  	v29 =	vld [tilespmem:s16+$0x7E20];
	(erf) = vpow2.f32 v31;
	v26 =	vmul.f32 $1.442695020e+00, v26  }
0x2e9: {  	v33 =	vld [tilespmem:s16+$0x7E00];
	v30 =	vmul.f32 $1.442695020e+00, v22;
	(erf) = vpow2.f32 v27  }
0x2ea: {  	v25 =	vmul.f32 $1.442695020e+00, v25;
	v22 =	vld [tilespmem:s16+$0x7E10];
	(erf) = vpow2.f32 v26  }
0x2eb: {  	v27 =	vmul.f32 $1.442695020e+00, v23;
	v23 =	vld [tilespmem:s16+$0x7E50];
	(erf) = vpow2.f32 v30  }
0x2ec: {  	p5 =	por $0x1, $0x1;
	v26 =	vld [tilespmem:s16+$0x7E40];
	s16 =	simm.s32 $0x800;
	(erf) = vpow2.f32 v25  }
.Ltmp45:
0x2ed: {  	(erf) = vpow2.f32 v27;
	v27 =	vld [tilespmem:s16+$0x7E60];
	(pc) =	sbr.rel @!p5 .LBB2_89-.Ltmp45, $4  }
0x2ee: {  	_ = 	snop  }
0x2ef: {  	v30 =	vmul.f32 $1.442695020e+00, v28  }
0x2f0: {  	v28 =	vmul.f32 $1.442695020e+00, v21  }
0x2f1: {  	p4 =	por $0x1, $0x1;
	v31 =	vmul.f32 $1.442695020e+00, v29;
	(erf) = vpow2.f32 v30;
	v21 =	vpop (erf)  }
0x2f2: {  	v29 =	vmul.f32 $1.442695020e+00, v36;
	v35 =	vld [tilespmem:s16+$0x7E30]  }
0x2f3: {  	(erf) = vpow2.f32 v28  }
0x2f4: {  	v32 =	vld [tilespmem:s16+$0x7E70];
	v34 =	vpop (erf);
	(erf) = vpow2.f32 v31  }
0x2f5: {  	v26 =	vmul.f32 $1.442695020e+00, v26;
	v59 =	vmul.f32 $1.442695020e+00, v22;
	v25 =	vpop (erf)  }
0x2f6: {  	v33 =	vmul.f32 $1.442695020e+00, v33;
	p6 =	por $0x1, $0x1;
	v31 =	vld [tilespmem:s16+$0x7E20];
	v28 =	vadd.f32 v25, v24;
	(erf) = vpow2.f32 v29;
	v29 =	vpop (erf)  }
.Ltmp46:
0x2f7: {  	v37 =	vadd.f32 v21, v24;
	v22 =	vld [tilespmem:s16+$0x7E10];
	(erf) = vpow2.f32 v26;
	v30 =	vpop (erf);
	v35 =	vmul.f32 $1.442695020e+00, v35;
	(pc) =	sbr.rel @!p6 .LBB2_91-.Ltmp46, $4  }
0x2f8: {  	v38 =	vmul.f32 $1.442695020e+00, v23;
	v26 =	vld [tilespmem:s16+$0x7E40];
	(erf) = vpow2.f32 v59;
	v29 =	vadd.f32 v29, v28;
	v60 =	vpop (erf)  }
0x2f9: {  	v23 =	vld [tilespmem:s16+$0x7E50];
	v28 =	vmul.f32 $1.442695020e+00, v32;
	(erf) = vpow2.f32 v33;
	v61 =	vadd.f32 v60, v24;
	v62 =	vpop (erf)  }
0x2fa: {  	v25 =	vld [tilespmem:s16+$0x7E00];
	s16 =	simm.s32 $0xC00;
	v32 =	vadd.f32 v34, v37;
	(erf) = vpow2.f32 v38;
	v63 =	vpop (erf);
	v34 =	vadd.f32 v62, v16  }
0x2fb: {  	s17 =	simm.s32 $0x4000;
	p5 =	por $0x1, $0x1;
	v36 =	vld [tilespmem:s16+$0x7E60];
	v31 =	vmul.f32 $1.442695020e+00, v31;
	(erf) = vpow2.f32 v35;
	v35 =	vpop (erf);
	v33 =	vadd.f32 v63, v61  }
.LBB2_92:
0x2fc: {  	p6 =	sne.s32 s17, $0x1E000;
	v37 =	vld [tilespmem:s16+$0x7E70];
	v41 =	vmul.f32 $1.442695020e+00, v27;
	(erf) = vpow2.f32 v28;
	v38 =	vpop (erf);
	v34 =	vadd.f32 v30, v34;
	s18 =	smov.u32 s17;
	s17 =	sadd.s32 $0x1000, s17  }
0x2fd: {  	v39 =	vld [tilespmem:s16+$0x7E30];
	v26 =	vmul.f32 $1.442695020e+00, v26;
	(erf) = vpow2.f32 v31;
	v28 =	vpop (erf)  }
0x2fe: {  	v40 =	vmul.f32 $1.442695020e+00, v22;
	v32 =	vadd.f32 v35, v32;
	v31 =	vld [tilespmem:s16+$0x7E20];
	v28 =	vadd.f32 v28, v29  }
0x2ff: {  	v35 =	vmul.f32 $1.442695020e+00, v25;
	v25 =	vld [tilespmem:s16+$0x7E00];
	(erf) = vpow2.f32 v41;
	v27 =	vpop (erf)  }
.Ltmp47:
0x300: {  	v41 =	vmul.f32 $1.442695020e+00, v23;
	v22 =	vld [tilespmem:s16+$0x7E10];
	(erf) = vpow2.f32 v26;
	v29 =	vadd.f32 v27, v28;
	v30 =	vpop (erf);
	(pc) =	sbr.rel @p6 .LBB2_92-.Ltmp47, $4  }
0x301: {  	v32 =	vadd.f32 v38, v32;
	v26 =	vld [tilespmem:s16+$0x7E40];
	v28 =	vmul.f32 $1.442695020e+00, v37;
	(erf) = vpow2.f32 v40;
	v27 =	vpop (erf)  }
0x302: {  	v37 =	vmul.f32 $1.442695020e+00, v39;
	v23 =	vld [tilespmem:s16+$0x7E50];
	(erf) = vpow2.f32 v35;
	v38 =	vadd.f32 v27, v33;
	v33 =	vpop (erf)  }
0x303: {  	s16 =	sshra.s32 s18, $0x2;
	v31 =	vmul.f32 $1.442695020e+00, v31;
	(erf) = vpow2.f32 v41;
	v34 =	vadd.f32 v33, v34;
	v33 =	vpop (erf)  }
0x304: {  	v27 =	vmov v36;
	(erf) = vpow2.f32 v37;
	v35 =	vpop (erf);
	v33 =	vadd.f32 v33, v38;
	v36 =	vld [tilespmem:s16+$0x7E60]  }
0x305: {  	_ =	sdelay $0x3  }
0x306: {  	v37 =	vmov v27;
	v27 =	vmov v36  }
.LBB2_94:
0x307: {  	v36 =	vmul.f32 @p3 $1.442695020e+00, v37  }
0x308: {  	(erf) = vpow2.f32 @p3 v28;
	v28 =	vld [tilespmem:s16+$0x7E30];
	v26 =	vmul.f32 @p3 $1.442695020e+00, v26  }
0x309: {  	v57 =	vld [tilespmem:s16+$0x7E70];
	v38 =	vpop @p4 (erf);
	v22 =	vmul.f32 @p3 $1.442695020e+00, v22;
	(erf) = vpow2.f32 @p3 v31  }
0x30a: {  	v39 =	vld [tilespmem:s16+$0x7E20];
	v25 =	vmul.f32 @p3 $1.442695020e+00, v25;
	v31 =	vpop @p4 (erf);
	(erf) = vpow2.f32 @p3 v36  }
0x30b: {  	v23 =	vmul.f32 @p3 $1.442695020e+00, v23;
	(erf) = vpow2.f32 @p3 v26;
	v36 =	vpop @p4 (erf)  }
0x30c: {  	v27 =	vmul.f32 $1.442695020e+00, v27;
	v26 =	vadd.f32 @p5 v30, v34;
	v30 =	vpop @p4 (erf);
	(erf) = vpow2.f32 @p3 v22;
	v22 =	vld [tilespmem:s16+$0x7E40]  }
0x30d: {  	v29 =	vadd.f32 @p4 v31, v29;
	v28 =	vmul.f32 $1.442695020e+00, v28;
	v31 =	vpop @p4 (erf);
	(erf) = vpow2.f32 @p3 v25;
	v25 =	vld [tilespmem:s16+$0x7E10]  }
0x30e: {  	v32 =	vadd.f32 @p4 v35, v32;
	v58 =	vmul.f32 $1.442695020e+00, v57;
	v34 =	vpop @p4 (erf);
	(erf) = vpow2.f32 @p3 v23;
	v23 =	vld [tilespmem:s16+$0x7E00]  }
0x30f: {  	v29 =	vadd.f32 @p4 v36, v29;
	v59 =	vmul.f32 $1.442695020e+00, v39;
	v36 =	vpop @p4 (erf);
	(erf) = vpow2.f32 v28  }
0x310: {  	v32 =	vadd.f32 @p4 v38, v32;
	v31 =	vadd.f32 @p4 v31, v33;
	v38 =	vpop @p3 (erf);
	(erf) = vpow2.f32 v58  }
0x311: {  	v26 =	vpsel p5, v26, v16;
	v28 =	vld [tilespmem:s16+$0x7E50];
	v33 =	vpop @p3 (erf);
	v22 =	vmul.f32 $1.442695020e+00, v22;
	(erf) = vpow2.f32 v59  }
0x312: {  	v26 =	vadd.f32 @p4 v34, v26;
	v35 =	vpop @p3 (erf);
	v25 =	vmul.f32 $1.442695020e+00, v25;
	(erf) = vpow2.f32 v27  }
0x313: {  	v23 =	vmul.f32 $1.442695020e+00, v23;
	v27 =	vpop @p3 (erf);
	(erf) = vpow2.f32 v22;
	v22 =	vadd.f32 @p4 v36, v31  }
0x314: {  	v31 =	vpop @p3 (erf);
	(erf) = vpow2.f32 v25;
	v25 =	vpsel p4, v26, v0;
	v26 =	vpsel p4, v30, v0;
	_ =	sdelay $0x1  }
0x315: {  	v28 =	vmul.f32 $1.442695020e+00, v28;
	v30 =	vpop @p3 (erf);
	(erf) = vpow2.f32 v23  }
0x316: {  	v21 =	vpsel p3, v38, v21;
	v23 =	vpsel p4, v29, v24;
	v25 =	vadd.f32 @p4 v26, v25;
	v26 =	vpop @p3 (erf)  }
0x317: {  	v22 =	vpsel p4, v22, v24;
	v23 =	vadd.f32 @p3 v35, v23;
	(erf) = vpow2.f32 v28;
	v29 =	vpop @p3 (erf)  }
0x318: {  	v22 =	vadd.f32 @p3 v30, v22;
	v28 =	vpsel p4, v32, v24;
	v25 =	vpsel p4, v25, v16;
	v60 =	vpop (erf)  }
0x319: {  	s31 =	simm.s32 $0x0;
	v21 =	vadd.f32 @p3 v21, v28;
	v25 =	vadd.f32 @p3 v26, v25;
	v61 =	vpop (erf)  }
0x31a: {  	v62 =	vld [tilespmem:s31+$0x7EF0];
	v23 =	vadd.f32 @p3 v27, v23;
	v28 =	vpsel p3, v31, v0;
	v27 =	vpop (erf)  }
0x31b: {  	v63 =	vld [tilespmem:s31+$0x7EC0];
	v22 =	vadd.f32 @p3 v29, v22;
	v21 =	vadd.f32 @p3 v33, v21;
	v25 =	vpsel p3, v25, v0;
	v29 =	vpop (erf)  }
0x31c: {  	v30 =	vld [tilespmem:s31+$0x7EE0];
	v23 =	vpsel p3, v23, v24;
	v25 =	vadd.f32 @p3 v28, v25;
	v31 =	vpop (erf)  }
.Ltmp48:
0x31d: {  	v26 =	vld [tilespmem:s31+$0x7ED0];
	v22 =	vpsel p3, v22, v24;
	v21 =	vpsel p3, v21, v24;
	v23 =	vadd.f32 v27, v23;
	v27 =	vpop (erf);
	(pc) =	sbr.rel @!p2 .LBB2_95-.Ltmp48, $4  }
0x31e: {  	v28 =	vld [tilespmem:s31+$0x7E80];
	v21 =	vadd.f32 v60, v21;
	v25 =	vpsel p3, v25, v16;
	v22 =	vadd.f32 v27, v22;
	v27 =	vpop (erf)  }
0x31f: {  	v16 =	vadd.f32 v29, v23;
	v29 =	vld [tilespmem:s31+$0x7EA0];
	v23 =	vadd.f32 v27, v25  }
0x320: {  	v39 =	vmul.f32 $1.442695020e+00, v63;
	v21 =	vadd.f32 v61, v21;
	v27 =	vpop (erf);
	v25 =	vld [tilespmem:s31+$0x7EB0]  }
0x321: {  	v22 =	vadd.f32 v27, v22;
	v27 =	vmul.f32 $1.442695020e+00, v62;
	v23 =	vadd.f32 v31, v23;
	v31 =	vld [tilespmem:s31+$0x7E90]  }
0x322: {  	s16 =	simm.s32 $0x400  }
0x323: {  	v32 =	vmul.f32 $1.442695020e+00, v26;
	v33 =	vld [tilespmem:s16+$0x7EF0]  }
0x324: {  	v30 =	vmul.f32 $1.442695020e+00, v30;
	(erf) = vpow2.f32 v39;
	v26 =	vld [tilespmem:s16+$0x7ED0]  }
0x325: {  	p3 =	por $0x1, $0x1;
	v63 =	vld [tilespmem:s16+$0x7EC0];
	(erf) = vpow2.f32 v32;
	v29 =	vmul.f32 $1.442695020e+00, v29  }
.Ltmp49:
0x326: {  	v43 =	vld [tilespmem:s16+$0x7E80];
	(erf) = vpow2.f32 v30;
	v35 =	vmul.f32 $1.442695020e+00, v31;
	(pc) =	sbr.rel @!p3 .LBB2_97-.Ltmp49, $4  }
0x327: {  	v30 =	vld [tilespmem:s16+$0x7EE0];
	v31 =	vmul.f32 $1.442695020e+00, v25;
	(erf) = vpow2.f32 v27  }
0x328: {  	v28 =	vmul.f32 $1.442695020e+00, v28;
	v25 =	vld [tilespmem:s16+$0x7EB0];
	(erf) = vpow2.f32 v29  }
0x329: {  	v29 =	vld [tilespmem:s16+$0x7EA0];
	v27 =	vmul.f32 $1.442695020e+00, v33;
	(erf) = vpow2.f32 v31  }
0x32a: {  	p2 =	por $0x1, $0x1;
	v31 =	vld [tilespmem:s16+$0x7E90];
	v39 =	vmul.f32 $1.442695020e+00, v63;
	(erf) = vpow2.f32 v28  }
0x32b: {  	v26 =	vmul.f32 $1.442695020e+00, v26;
	(erf) = vpow2.f32 v35  }
0x32c: {  	s17 =	simm.s32 $0x800;
	v28 =	vmul.f32 $1.442695020e+00, v30;
	(erf) = vpow2.f32 v39  }
0x32d: {  	v37 =	vld [tilespmem:s17+$0x7EF0];
	(erf) = vpow2.f32 v26  }
0x32e: {  	v38 =	vld [tilespmem:s17+$0x7EC0];
	v33 =	vpop (erf);
	(erf) = vpow2.f32 v28  }
0x32f: {  	p3 =	por $0x1, $0x1;
	v30 =	vld [tilespmem:s17+$0x7EE0];
	v32 =	vpop (erf);
	v29 =	vmul.f32 $1.442695020e+00, v29;
	v35 =	vmul.f32 $1.442695020e+00, v31  }
.Ltmp50:
0x330: {  	v26 =	vld [tilespmem:s17+$0x7ED0];
	v34 =	vpop (erf);
	v31 =	vmul.f32 $1.442695020e+00, v25;
	(erf) = vpow2.f32 v27;
	(pc) =	sbr.rel @!p3 .LBB2_99-.Ltmp50, $4  }
0x331: {  	v41 =	vmul.f32 $1.442695020e+00, v43;
	v28 =	vld [tilespmem:s17+$0x7E80];
	v36 =	vpop (erf);
	(erf) = vpow2.f32 v29  }
0x332: {  	v25 =	vld [tilespmem:s17+$0x7EB0];
	v62 =	vpop (erf);
	v27 =	vmul.f32 $1.442695020e+00, v37;
	(erf) = vpow2.f32 v31  }
0x333: {  	v29 =	vld [tilespmem:s17+$0x7EA0];
	v39 =	vmul.f32 $1.442695020e+00, v38;
	v37 =	vmov v11;
	v38 =	vimm.f32 $0.0e+00;
	v63 =	vpop (erf)  }
0x334: {  	s16 =	simm.s32 $0x3000;
	p1 =	por $0x1, $0x1;
	v31 =	vld [tilespmem:s17+$0x7E90];
	v40 =	vadd.f32 v62, v24;
	(erf) = vpow2.f32 v41;
	v41 =	vadd.f32 v63, v24;
	v42 =	vpop (erf)  }
.LBB2_100:
0x335: {  	s17 =	sshra.s32 s16, $0x2;
	p3 =	sne.s32 s16, $0x1E000;
	s16 =	sadd.s32 $0x1000, s16;
	v44 =	vmul.f32 $1.442695020e+00, v26;
	(erf) = vpow2.f32 v35;
	v35 =	vadd.f32 v42, v37;
	v26 =	vpop (erf)  }
0x336: {  	v42 =	vld [tilespmem:s17+$0x7EF0];
	v30 =	vmul.f32 $1.442695020e+00, v30;
	(erf) = vpow2.f32 v39;
	v39 =	vpop (erf);
	v38 =	vadd.f32 v26, v38  }
0x337: {  	v40 =	vadd.f32 v34, v40;
	v26 =	vld [tilespmem:s17+$0x7ED0];
	(erf) = vpow2.f32 v44;
	v43 =	vpop (erf);
	v37 =	vadd.f32 v33, v35  }
0x338: {  	v41 =	vadd.f32 v36, v41;
	v44 =	vld [tilespmem:s17+$0x7EC0];
	(erf) = vpow2.f32 v30;
	v34 =	vpop (erf);
	v38 =	vadd.f32 v32, v38  }
.Ltmp51:
0x339: {  	v45 =	vmovc v28;
	v33 =	vmovc v39;
	v29 =	vmul.f32 $1.442695020e+00, v29;
	v32 =	vmov v43;
	v35 =	vmul.f32 $1.442695020e+00, v31;
	v28 =	vld [tilespmem:s17+$0x7E80];
	(pc) =	sbr.rel @p3 .LBB2_100-.Ltmp51, $4  }
0x33a: {  	v39 =	vmul.f32 $1.442695020e+00, v25;
	v30 =	vld [tilespmem:s17+$0x7EE0];
	(erf) = vpow2.f32 v27;
	v36 =	vpop (erf)  }
0x33b: {  	v43 =	vmul.f32 $1.442695020e+00, v45;
	v25 =	vld [tilespmem:s17+$0x7EB0];
	(erf) = vpow2.f32 v29;
	v31 =	vpop (erf)  }
0x33c: {  	v27 =	vmul.f32 $1.442695020e+00, v42;
	v29 =	vld [tilespmem:s17+$0x7EA0];
	(erf) = vpow2.f32 v39;
	v40 =	vadd.f32 v31, v40;
	v42 =	vpop (erf)  }
0x33d: {  	v31 =	vld [tilespmem:s17+$0x7E90];
	v39 =	vmul.f32 $1.442695020e+00, v44;
	(erf) = vpow2.f32 v43;
	v41 =	vadd.f32 v42, v41;
	v42 =	vpop (erf)  }
0x33e: {  	_ = 	snop  }
.LBB2_102:
0x33f: {  	v26 =	vmul.f32 $1.442695020e+00, v26;
	(erf) = vpow2.f32 @p2 v35  }
0x340: {  	v35 =	vpop @p1 (erf);
	v30 =	vmul.f32 $1.442695020e+00, v30;
	(erf) = vpow2.f32 v39  }
0x341: {  	v28 =	vmul.f32 $1.442695020e+00, v28;
	(erf) = vpow2.f32 v26  }
0x342: {  	v39 =	vpop @p2 (erf);
	v29 =	vmul.f32 $1.442695020e+00, v29;
	(erf) = vpow2.f32 v30;
	v30 =	vadd.f32 @p1 v42, v37  }
0x343: {  	v25 =	vmul.f32 $1.442695020e+00, v25;
	v26 =	vpop @p2 (erf);
	(erf) = vpow2.f32 v27;
	v27 =	vadd.f32 @p1 v35, v38  }
0x344: {  	v58 =	vmul.f32 $1.442695020e+00, v31;
	v37 =	vpop @p2 (erf);
	(erf) = vpow2.f32 v29;
	v29 =	vadd.f32 @p1 v33, v30  }
0x345: {  	v33 =	vadd.f32 @p1 v36, v41;
	v26 =	vpsel p2, v26, v0;
	v35 =	vpop @p2 (erf);
	v27 =	vadd.f32 @p1 v32, v27  }
0x346: {  	v36 =	vpsel p2, v37, v0;
	v31 =	vpop @p2 (erf);
	(erf) = vpow2.f32 v25;
	v25 =	vadd.f32 @p1 v34, v40  }
0x347: {  	v30 =	vpsel p1, v33, v24;
	v29 =	vpsel p1, v29, v11;
	v34 =	vpop @p2 (erf);
	(erf) = vpow2.f32 v28  }
0x348: {  	v35 =	vpsel p2, v35, v0;
	v32 =	vpop @p2 (erf);
	(erf) = vpow2.f32 v58;
	v25 =	vpsel p1, v25, v24  }
0x349: {  	v28 =	vmov @p2 v39;
	v33 =	vpop @p2 (erf);
	v25 =	vadd.f32 @p2 v31, v25;
	v32 =	vpsel p2, v32, v0  }
0x34a: {  	v27 =	vpsel p1, v27, v24;
	v30 =	vadd.f32 @p2 v34, v30;
	v59 =	vpop (erf);
	v29 =	vadd.f32 @p2 v32, v29  }
0x34b: {  	v28 =	vpsel p2, v28, v0;
	v27 =	vadd.f32 @p2 v33, v27;
	v60 =	vpop (erf);
	v25 =	vpsel p2, v25, v0  }
0x34c: {  	v30 =	vpsel p2, v30, v0;
	v61 =	vpop (erf);
	v25 =	vadd.f32 @p2 v36, v25;
	v28 =	vadd.f32 @p2 v28, v29  }
0x34d: {  	v26 =	vadd.f32 @p2 v26, v27;
	v27 =	vadd.f32 @p2 v35, v30;
	v62 =	vpop (erf)  }
0x34e: {  	v29 =	vpop (erf);
	v25 =	vpsel p2, v25, v24  }
0x34f: {  	v11 =	vpsel p2, v28, v11;
	v27 =	vpsel p2, v27, v24;
	v24 =	vpsel p2, v26, v24;
	p2 =	por $0x1, $0x1;
	v63 =	vpop (erf)  }
.Ltmp52:
0x350: {  	v25 =	vadd.f32 v29, v25;
	v29 =	vpop (erf);
	(pc) =	sbr.rel @!p2 .LBB2_103-.Ltmp52, $4  }
0x351: {  	v11 =	vadd.f32 v29, v11;
	v26 =	vpop (erf)  }
0x352: {  	v28 =	vadd.f32 v63, v27;
	v26 =	vadd.f32 v26, v24  }
0x353: {  	s16 =	simm.s32 $0x0;
	v24 =	vadd.f32 v61, v25;
	v11 =	vadd.f32 v59, v11  }
0x354: {  	p3 =	por $0x0, $0x0;
	p4 =	por $0x0, $0x0;
	v42 =	vld [tilespmem:s16+$0x7F60];
	p1 =	por $0x0, $0x0;
	v27 =	vimm.f32 $0.0e+00;
	v25 =	vadd.f32 v60, v26;
	v26 =	vadd.f32 v62, v28  }
0x355: {  	v28 =	vld [tilespmem:s16+$0x7F30]  }
0x356: {  	v30 =	vld [tilespmem:s16+$0x7F70]  }
0x357: {  	v32 =	vld [tilespmem:s16+$0x7F20];
	p5 =	por $0x1, $0x1  }
.Ltmp53:
0x358: {  	v31 =	vld [tilespmem:s16+$0x7F00];
	(pc) =	sbr.rel @!p5 .LBB2_105-.Ltmp53, $4  }
0x359: {  	v29 =	vld [tilespmem:s16+$0x7F10]  }
0x35a: {  	v33 =	vld [tilespmem:s16+$0x7F40];
	v28 =	vmul.f32 $1.442695020e+00, v28  }
0x35b: {  	s17 =	simm.s32 $0x400;
	v34 =	vmul.f32 $1.442695020e+00, v30;
	v30 =	vld [tilespmem:s16+$0x7F50]  }
0x35c: {  	p3 =	por $0x1, $0x1;
	v37 =	vmul.f32 $1.442695020e+00, v32;
	v32 =	vld [tilespmem:s17+$0x7F60];
	(erf) = vpow2.f32 v28  }
0x35d: {  	v28 =	vld [tilespmem:s17+$0x7F70]  }
0x35e: {  	v61 =	vld [tilespmem:s17+$0x7F30]  }
0x35f: {  	(erf) = vpow2.f32 v34;
	v36 =	vld [tilespmem:s17+$0x7F20]  }
0x360: {  	v35 =	vmul.f32 $1.442695020e+00, v42;
	v39 =	vld [tilespmem:s17+$0x7F00];
	(erf) = vpow2.f32 v37  }
0x361: {  	v62 =	vmul.f32 $1.442695020e+00, v29;
	v29 =	vld [tilespmem:s17+$0x7F10];
	v33 =	vmul.f32 $1.442695020e+00, v33  }
0x362: {  	(erf) = vpow2.f32 v35;
	v63 =	vmul.f32 $1.442695020e+00, v30;
	v30 =	vld [tilespmem:s17+$0x7F50]  }
0x363: {  	p5 =	por $0x1, $0x1;
	(erf) = vpow2.f32 v33;
	v33 =	vld [tilespmem:s17+$0x7F40];
	s17 =	simm.s32 $0x800  }
.Ltmp54:
0x364: {  	v31 =	vmul.f32 $1.442695020e+00, v31;
	v43 =	vld [tilespmem:s17+$0x7F60];
	(pc) =	sbr.rel @!p5 .LBB2_107-.Ltmp54, $4  }
0x365: {  	(erf) = vpow2.f32 v62  }
0x366: {  	v38 =	vmul.f32 $1.442695020e+00, v61;
	(erf) = vpow2.f32 v31  }
0x367: {  	v34 =	vmul.f32 $1.442695020e+00, v28;
	(erf) = vpow2.f32 v63  }
0x368: {  	p4 =	por $0x1, $0x1;
	v37 =	vmul.f32 $1.442695020e+00, v36;
	(erf) = vpow2.f32 v38;
	v28 =	vpop (erf)  }
0x369: {  	v41 =	vld [tilespmem:s17+$0x7F30]  }
0x36a: {  	(erf) = vpow2.f32 v34  }
0x36b: {  	v38 =	vld [tilespmem:s17+$0x7F70];
	v32 =	vmul.f32 $1.442695020e+00, v32;
	v40 =	vpop (erf);
	(erf) = vpow2.f32 v37  }
0x36c: {  	v33 =	vmul.f32 $1.442695020e+00, v33;
	v42 =	vmul.f32 $1.442695020e+00, v29;
	v31 =	vpop (erf)  }
0x36d: {  	v57 =	vld [tilespmem:s17+$0x7F20];
	v39 =	vmul.f32 $1.442695020e+00, v39;
	p6 =	por $0x1, $0x1;
	v58 =	vadd.f32 v31, v27;
	(erf) = vpow2.f32 v32;
	v59 =	vpop (erf)  }
.Ltmp55:
0x36e: {  	v44 =	vadd.f32 v28, v27;
	v29 =	vld [tilespmem:s17+$0x7F10];
	(erf) = vpow2.f32 v33;
	v36 =	vpop (erf);
	v41 =	vmul.f32 $1.442695020e+00, v41;
	(pc) =	sbr.rel @!p6 .LBB2_109-.Ltmp55, $4  }
0x36f: {  	v45 =	vmul.f32 $1.442695020e+00, v30;
	v33 =	vld [tilespmem:s17+$0x7F40];
	v35 =	vadd.f32 v59, v58;
	(erf) = vpow2.f32 v42;
	v60 =	vpop (erf)  }
0x370: {  	v30 =	vld [tilespmem:s17+$0x7F50];
	v34 =	vmul.f32 $1.442695020e+00, v38;
	(erf) = vpow2.f32 v39;
	v61 =	vadd.f32 v60, v27;
	v62 =	vpop (erf)  }
0x371: {  	v31 =	vld [tilespmem:s17+$0x7F00];
	s17 =	simm.s32 $0xC00;
	v38 =	vadd.f32 v40, v44;
	(erf) = vpow2.f32 v45;
	v63 =	vpop (erf);
	v40 =	vadd.f32 v62, v6  }
0x372: {  	s18 =	simm.s32 $0x4000;
	p5 =	por $0x1, $0x1;
	v32 =	vld [tilespmem:s17+$0x7F60];
	v37 =	vmul.f32 $1.442695020e+00, v57;
	(erf) = vpow2.f32 v41;
	v39 =	vadd.f32 v63, v61;
	v41 =	vpop (erf)  }
.LBB2_110:
0x373: {  	p6 =	sne.s32 s18, $0x1E000;
	v42 =	vld [tilespmem:s17+$0x7F70];
	v43 =	vmul.f32 $1.442695020e+00, v43;
	(erf) = vpow2.f32 v34;
	v44 =	vpop (erf);
	v40 =	vadd.f32 v36, v40;
	s19 =	smov.u32 s18;
	s18 =	sadd.s32 $0x1000, s18  }
0x374: {  	v45 =	vld [tilespmem:s17+$0x7F30];
	v33 =	vmul.f32 $1.442695020e+00, v33;
	(erf) = vpow2.f32 v37;
	v34 =	vpop (erf)  }
0x375: {  	v46 =	vmul.f32 $1.442695020e+00, v29;
	v38 =	vadd.f32 v41, v38;
	v37 =	vld [tilespmem:s17+$0x7F20];
	v34 =	vadd.f32 v34, v35  }
0x376: {  	v47 =	vmul.f32 $1.442695020e+00, v31;
	v31 =	vld [tilespmem:s17+$0x7F00];
	(erf) = vpow2.f32 v43;
	v35 =	vpop (erf)  }
.Ltmp56:
0x377: {  	v43 =	vmul.f32 $1.442695020e+00, v30;
	v29 =	vld [tilespmem:s17+$0x7F10];
	(erf) = vpow2.f32 v33;
	v35 =	vadd.f32 v35, v34;
	v36 =	vpop (erf);
	(pc) =	sbr.rel @p6 .LBB2_110-.Ltmp56, $4  }
0x378: {  	v38 =	vadd.f32 v44, v38;
	v33 =	vld [tilespmem:s17+$0x7F40];
	v34 =	vmul.f32 $1.442695020e+00, v42;
	(erf) = vpow2.f32 v46;
	v42 =	vpop (erf)  }
0x379: {  	v44 =	vmul.f32 $1.442695020e+00, v45;
	v30 =	vld [tilespmem:s17+$0x7F50];
	(erf) = vpow2.f32 v47;
	v39 =	vadd.f32 v42, v39;
	v41 =	vpop (erf)  }
0x37a: {  	s17 =	sshra.s32 s19, $0x2;
	v37 =	vmul.f32 $1.442695020e+00, v37;
	(erf) = vpow2.f32 v43;
	v40 =	vadd.f32 v41, v40;
	v42 =	vpop (erf)  }
0x37b: {  	v43 =	vmov v32;
	(erf) = vpow2.f32 v44;
	v41 =	vpop (erf);
	v39 =	vadd.f32 v42, v39;
	v32 =	vld [tilespmem:s17+$0x7F60]  }
0x37c: {  	v42 =	vmov v43  }
.LBB2_112:
0x37d: {  	v42 =	vmul.f32 @p3 $1.442695020e+00, v42;
	(erf) = vpow2.f32 @p3 v34;
	v53 =	vld [tilespmem:s17+$0x7F30]  }
0x37e: {  	v43 =	vld [tilespmem:s17+$0x7F70];
	v33 =	vmul.f32 @p3 $1.442695020e+00, v33;
	v29 =	vmul.f32 @p3 $1.442695020e+00, v29  }
0x37f: {  	v44 =	vpop @p4 (erf);
	v45 =	vld [tilespmem:s17+$0x7F20];
	v31 =	vmul.f32 @p3 $1.442695020e+00, v31;
	(erf) = vpow2.f32 @p3 v37  }
0x380: {  	v37 =	vpop @p4 (erf);
	v30 =	vmul.f32 @p3 $1.442695020e+00, v30;
	(erf) = vpow2.f32 @p3 v42  }
0x381: {  	v56 =	vld [tilespmem:s17+$0x7F50];
	(erf) = vpow2.f32 @p3 v33;
	v32 =	vmul.f32 $1.442695020e+00, v32;
	v42 =	vpop @p4 (erf)  }
0x382: {  	v33 =	vadd.f32 @p5 v36, v40;
	v36 =	vpop @p4 (erf);
	(erf) = vpow2.f32 @p3 v29;
	v29 =	vld [tilespmem:s17+$0x7F40];
	v34 =	vmul.f32 $1.442695020e+00, v53  }
0x383: {  	v35 =	vadd.f32 @p4 v37, v35;
	v54 =	vmul.f32 $1.442695020e+00, v43;
	v37 =	vpop @p4 (erf);
	(erf) = vpow2.f32 @p3 v31;
	v31 =	vld [tilespmem:s17+$0x7F10]  }
0x384: {  	v38 =	vadd.f32 @p4 v41, v38;
	v55 =	vmul.f32 $1.442695020e+00, v45;
	v40 =	vpop @p4 (erf);
	(erf) = vpow2.f32 @p3 v30;
	v30 =	vld [tilespmem:s17+$0x7F00]  }
0x385: {  	v33 =	vpsel p5, v33, v6;
	v37 =	vadd.f32 @p4 v37, v39;
	v43 =	vpop @p4 (erf);
	(erf) = vpow2.f32 v34  }
0x386: {  	v33 =	vadd.f32 @p4 v40, v33;
	v34 =	vmul.f32 $1.442695020e+00, v56;
	v39 =	vpop @p3 (erf);
	(erf) = vpow2.f32 v54  }
0x387: {  	v41 =	vpop @p3 (erf);
	v29 =	vmul.f32 $1.442695020e+00, v29;
	(erf) = vpow2.f32 v55  }
0x388: {  	v33 =	vpsel p4, v33, v0;
	v40 =	vpop @p3 (erf);
	v31 =	vmul.f32 $1.442695020e+00, v31;
	(erf) = vpow2.f32 v32  }
0x389: {  	v32 =	vadd.f32 @p4 v44, v38;
	v30 =	vmul.f32 $1.442695020e+00, v30;
	v38 =	vpop @p3 (erf);
	(erf) = vpow2.f32 v29  }
0x38a: {  	v35 =	vadd.f32 @p4 v42, v35;
	v29 =	vadd.f32 @p4 v43, v37;
	v37 =	vpop @p3 (erf);
	(erf) = vpow2.f32 v31  }
0x38b: {  	v28 =	vpsel p3, v39, v28;
	v31 =	vpsel p4, v36, v0;
	v36 =	vpop @p3 (erf);
	(erf) = vpow2.f32 v30  }
0x38c: {  	v32 =	vpsel p4, v32, v27;
	v30 =	vpsel p4, v35, v27;
	v31 =	vadd.f32 @p4 v31, v33;
	v33 =	vpop @p3 (erf)  }
0x38d: {  	v29 =	vpsel p4, v29, v27;
	(erf) = vpow2.f32 v34;
	v30 =	vadd.f32 @p3 v40, v30;
	v34 =	vpop @p3 (erf)  }
0x38e: {  	v28 =	vadd.f32 @p3 v28, v32;
	v29 =	vadd.f32 @p3 v36, v29;
	v31 =	vpsel p4, v31, v6;
	v57 =	vpop (erf)  }
0x38f: {  	v31 =	vadd.f32 @p3 v33, v31;
	v30 =	vadd.f32 @p3 v38, v30;
	v58 =	vpop (erf)  }
0x390: {  	v28 =	vadd.f32 @p3 v41, v28;
	v29 =	vadd.f32 @p3 v34, v29;
	v59 =	vpop (erf)  }
0x391: {  	v34 =	vpsel p3, v37, v0;
	v31 =	vpsel p3, v31, v0;
	v30 =	vpsel p3, v30, v27;
	v60 =	vpop (erf)  }
0x392: {  	v31 =	vadd.f32 @p3 v34, v31;
	v30 =	vadd.f32 v59, v30;
	v61 =	vpop (erf)  }
.Ltmp57:
0x393: {  	v28 =	vpsel p3, v28, v27;
	v62 =	vpop (erf);
	(pc) =	sbr.rel @!p2 .LBB2_113-.Ltmp57, $4  }
0x394: {  	v29 =	vpsel p3, v29, v27;
	v28 =	vadd.f32 v57, v28;
	v6 =	vpsel p3, v31, v6;
	v63 =	vpop (erf)  }
0x395: {  	v29 =	vadd.f32 v62, v29;
	v31 =	vadd.f32 v63, v6  }
0x396: {  	v28 =	vadd.f32 v58, v28;
	v6 =	vadd.f32 v60, v30;
	v30 =	vpop (erf)  }
0x397: {  	v36 =	vld [tilespmem:s16+$0x7FE0];
	v29 =	vadd.f32 v30, v29;
	v30 =	vadd.f32 v61, v31  }
0x398: {  	v33 =	vld [tilespmem:s16+$0x7FB0]  }
0x399: {  	v31 =	vld [tilespmem:s16+$0x7FF0]  }
0x39a: {  	v38 =	vld [tilespmem:s16+$0x7FA0];
	p3 =	por $0x1, $0x1  }
.Ltmp58:
0x39b: {  	v34 =	vld [tilespmem:s16+$0x7F80];
	(pc) =	sbr.rel @!p3 .LBB2_115-.Ltmp58, $4  }
0x39c: {  	v32 =	vld [tilespmem:s16+$0x7F90]  }
0x39d: {  	v35 =	vld [tilespmem:s16+$0x7FC0];
	v39 =	vmul.f32 $1.442695020e+00, v33  }
0x39e: {  	v33 =	vld [tilespmem:s16+$0x7FD0];
	v37 =	vmul.f32 $1.442695020e+00, v31;
	s16 =	simm.s32 $0x400  }
0x39f: {  	p2 =	por $0x1, $0x1;
	v40 =	vmul.f32 $1.442695020e+00, v38;
	v45 =	vld [tilespmem:s16+$0x7FE0];
	(erf) = vpow2.f32 v39  }
0x3a0: {  	v31 =	vld [tilespmem:s16+$0x7FF0]  }
0x3a1: {  	v61 =	vld [tilespmem:s16+$0x7FB0]  }
0x3a2: {  	(erf) = vpow2.f32 v37;
	v38 =	vld [tilespmem:s16+$0x7FA0]  }
0x3a3: {  	v36 =	vmul.f32 $1.442695020e+00, v36;
	v42 =	vld [tilespmem:s16+$0x7F80];
	(erf) = vpow2.f32 v40  }
0x3a4: {  	v39 =	vmul.f32 $1.442695020e+00, v32;
	v32 =	vld [tilespmem:s16+$0x7F90];
	v35 =	vmul.f32 $1.442695020e+00, v35  }
0x3a5: {  	(erf) = vpow2.f32 v36;
	v62 =	vmul.f32 $1.442695020e+00, v33;
	v33 =	vld [tilespmem:s16+$0x7FD0]  }
0x3a6: {  	p4 =	por $0x1, $0x1;
	(erf) = vpow2.f32 v35;
	v35 =	vld [tilespmem:s16+$0x7FC0];
	s16 =	simm.s32 $0x800  }
.Ltmp59:
0x3a7: {  	v34 =	vmul.f32 $1.442695020e+00, v34;
	v36 =	vld [tilespmem:s16+$0x7FE0];
	(pc) =	sbr.rel @!p4 .LBB2_117-.Ltmp59, $4  }
0x3a8: {  	(erf) = vpow2.f32 v39  }
0x3a9: {  	v63 =	vmul.f32 $1.442695020e+00, v61;
	(erf) = vpow2.f32 v34  }
0x3aa: {  	v37 =	vmul.f32 $1.442695020e+00, v31;
	(erf) = vpow2.f32 v62  }
0x3ab: {  	p3 =	por $0x1, $0x1;
	v40 =	vmul.f32 $1.442695020e+00, v38;
	(erf) = vpow2.f32 v63;
	v31 =	vpop (erf)  }
0x3ac: {  	v44 =	vld [tilespmem:s16+$0x7FB0]  }
0x3ad: {  	(erf) = vpow2.f32 v37  }
0x3ae: {  	v41 =	vld [tilespmem:s16+$0x7FF0];
	v38 =	vmul.f32 $1.442695020e+00, v45;
	v43 =	vpop (erf);
	(erf) = vpow2.f32 v40  }
0x3af: {  	v35 =	vmul.f32 $1.442695020e+00, v35;
	v57 =	vmul.f32 $1.442695020e+00, v32;
	v34 =	vpop (erf)  }
0x3b0: {  	v56 =	vld [tilespmem:s16+$0x7FA0];
	v42 =	vmul.f32 $1.442695020e+00, v42;
	p4 =	por $0x1, $0x1;
	v58 =	vadd.f32 v34, v27;
	(erf) = vpow2.f32 v38;
	v59 =	vpop (erf)  }
.Ltmp60:
0x3b1: {  	v46 =	vadd.f32 v31, v27;
	v32 =	vld [tilespmem:s16+$0x7F90];
	(erf) = vpow2.f32 v35;
	v39 =	vpop (erf);
	v44 =	vmul.f32 $1.442695020e+00, v44;
	(pc) =	sbr.rel @!p4 .LBB2_119-.Ltmp60, $4  }
0x3b2: {  	v47 =	vmul.f32 $1.442695020e+00, v33;
	v35 =	vld [tilespmem:s16+$0x7FC0];
	v38 =	vadd.f32 v59, v58;
	(erf) = vpow2.f32 v57;
	v60 =	vpop (erf)  }
0x3b3: {  	v33 =	vld [tilespmem:s16+$0x7FD0];
	v37 =	vmul.f32 $1.442695020e+00, v41;
	(erf) = vpow2.f32 v42;
	v61 =	vadd.f32 v60, v27;
	v62 =	vpop (erf)  }
0x3b4: {  	v34 =	vld [tilespmem:s16+$0x7F80];
	s16 =	simm.s32 $0xC00;
	v41 =	vadd.f32 v43, v46;
	(erf) = vpow2.f32 v47;
	v63 =	vpop (erf);
	v43 =	vadd.f32 v62, v1  }
0x3b5: {  	s17 =	simm.s32 $0x4000;
	p1 =	por $0x1, $0x1;
	v45 =	vld [tilespmem:s16+$0x7FE0];
	v40 =	vmul.f32 $1.442695020e+00, v56;
	(erf) = vpow2.f32 v44;
	v42 =	vadd.f32 v63, v61;
	v44 =	vpop (erf)  }
.LBB2_120:
0x3b6: {  	p4 =	sne.s32 s17, $0x1E000;
	v46 =	vld [tilespmem:s16+$0x7FF0];
	v50 =	vmul.f32 $1.442695020e+00, v36;
	(erf) = vpow2.f32 v37;
	v47 =	vpop (erf);
	v43 =	vadd.f32 v39, v43;
	s18 =	smov.u32 s17;
	s17 =	sadd.s32 $0x1000, s17  }
0x3b7: {  	v48 =	vld [tilespmem:s16+$0x7FB0];
	v35 =	vmul.f32 $1.442695020e+00, v35;
	(erf) = vpow2.f32 v40;
	v37 =	vpop (erf)  }
0x3b8: {  	v49 =	vmul.f32 $1.442695020e+00, v32;
	v41 =	vadd.f32 v44, v41;
	v40 =	vld [tilespmem:s16+$0x7FA0];
	v37 =	vadd.f32 v37, v38  }
0x3b9: {  	v44 =	vmul.f32 $1.442695020e+00, v34;
	v34 =	vld [tilespmem:s16+$0x7F80];
	(erf) = vpow2.f32 v50;
	v36 =	vpop (erf)  }
.Ltmp61:
0x3ba: {  	v50 =	vmul.f32 $1.442695020e+00, v33;
	v32 =	vld [tilespmem:s16+$0x7F90];
	(erf) = vpow2.f32 v35;
	v38 =	vadd.f32 v36, v37;
	v39 =	vpop (erf);
	(pc) =	sbr.rel @p4 .LBB2_120-.Ltmp61, $4  }
0x3bb: {  	v41 =	vadd.f32 v47, v41;
	v35 =	vld [tilespmem:s16+$0x7FC0];
	v37 =	vmul.f32 $1.442695020e+00, v46;
	(erf) = vpow2.f32 v49;
	v36 =	vpop (erf)  }
0x3bc: {  	v46 =	vmul.f32 $1.442695020e+00, v48;
	v33 =	vld [tilespmem:s16+$0x7FD0];
	(erf) = vpow2.f32 v44;
	v47 =	vadd.f32 v36, v42;
	v42 =	vpop (erf)  }
0x3bd: {  	s16 =	sshra.s32 s18, $0x2;
	v40 =	vmul.f32 $1.442695020e+00, v40;
	(erf) = vpow2.f32 v50;
	v43 =	vadd.f32 v42, v43;
	v42 =	vpop (erf)  }
0x3be: {  	v36 =	vmov v45;
	(erf) = vpow2.f32 v46;
	v44 =	vpop (erf);
	v42 =	vadd.f32 v42, v47;
	v45 =	vld [tilespmem:s16+$0x7FE0]  }
0x3bf: {  	_ =	sdelay $0x3  }
0x3c0: {  	v46 =	vmov v36;
	v36 =	vmov v45  }
.LBB2_122:
0x3c1: {  	v45 =	vmul.f32 @p2 $1.442695020e+00, v46;
	(erf) = vpow2.f32 @p2 v37  }
0x3c2: {  	v35 =	vmul.f32 @p2 $1.442695020e+00, v35;
	v32 =	vmul.f32 @p2 $1.442695020e+00, v32;
	v41 =	vadd.f32 @p3 v44, v41  }
0x3c3: {  	v34 =	vmul.f32 @p2 $1.442695020e+00, v34;
	v4 =	vadd.f32 v4, v5;
	v2 =	vadd.f32 v3, v2  }
0x3c4: {  	v61 =	vld [tilespmem:s16+$0x7FB0];
	v33 =	vmul.f32 @p2 $1.442695020e+00, v33;
	v3 =	vadd.f32 v9, v7;
	v5 =	vadd.f32 v10, v8  }
0x3c5: {  	v62 =	vld [tilespmem:s16+$0x7FF0];
	v47 =	vpop @p3 (erf);
	v36 =	vmul.f32 $1.442695020e+00, v36;
	v8 =	vadd.f32 v14, v15;
	v9 =	vadd.f32 v13, v12  }
0x3c6: {  	v48 =	vld [tilespmem:s16+$0x7FA0];
	v10 =	vadd.f32 v19, v17;
	v13 =	vadd.f32 v20, v18;
	(erf) = vpow2.f32 @p2 v40;
	v40 =	vpop @p3 (erf)  }
0x3c7: {  	v63 =	vld [tilespmem:s16+$0x7FC0];
	v6 =	vadd.f32 v28, v6;
	(erf) = vpow2.f32 @p2 v45;
	v38 =	vadd.f32 @p3 v40, v38  }
0x3c8: {  	v49 =	vld [tilespmem:s16+$0x7F90];
	v2 =	vadd.f32 v2, v4;
	v7 =	vadd.f32 v5, v3;
	(erf) = vpow2.f32 @p2 v35;
	v45 =	vpop @p3 (erf)  }
0x3c9: {  	v50 =	vld [tilespmem:s16+$0x7F80];
	v35 =	vadd.f32 @p1 v39, v43;
	v39 =	vpop @p3 (erf);
	(erf) = vpow2.f32 @p2 v32;
	v37 =	vmul.f32 $1.442695020e+00, v61  }
0x3ca: {  	v53 =	vld [tilespmem:s16+$0x7FD0];
	v12 =	vadd.f32 v9, v8;
	v51 =	vmul.f32 $1.442695020e+00, v62;
	v40 =	vpop @p3 (erf);
	(erf) = vpow2.f32 @p2 v34  }
0x3cb: {  	v17 =	vadd.f32 v13, v10;
	v52 =	vmul.f32 $1.442695020e+00, v48;
	v43 =	vpop @p3 (erf);
	(erf) = vpow2.f32 @p2 v33  }
0x3cc: {  	v35 =	vpsel p1, v35, v1;
	v32 =	vmul.f32 $1.442695020e+00, v63;
	v46 =	vpop @p3 (erf);
	(erf) = vpow2.f32 v37  }
0x3cd: {  	v34 =	vmul.f32 $1.442695020e+00, v49;
	v40 =	vadd.f32 @p3 v40, v42;
	v42 =	vpop @p2 (erf);
	(erf) = vpow2.f32 v51  }
0x3ce: {  	v33 =	vmul.f32 $1.442695020e+00, v50;
	v35 =	vadd.f32 @p3 v43, v35;
	v44 =	vpop @p2 (erf);
	(erf) = vpow2.f32 v52  }
0x3cf: {  	v3 =	vadd.f32 v22, v23;
	v37 =	vmul.f32 $1.442695020e+00, v53;
	v43 =	vpop @p2 (erf);
	(erf) = vpow2.f32 v36  }
0x3d0: {  	v35 =	vpsel p3, v35, v0;
	v36 =	vadd.f32 @p3 v47, v41;
	v41 =	vpop @p2 (erf);
	(erf) = vpow2.f32 v32  }
0x3d1: {  	v4 =	vadd.f32 v21, v16;
	v32 =	vadd.f32 @p3 v46, v40;
	v40 =	vpop @p2 (erf);
	(erf) = vpow2.f32 v34  }
0x3d2: {  	v38 =	vadd.f32 @p3 v45, v38;
	v34 =	vpsel p3, v39, v0;
	v39 =	vpop @p2 (erf);
	(erf) = vpow2.f32 v33  }
0x3d3: {  	v31 =	vpsel p2, v42, v31;
	v36 =	vpsel p3, v36, v27;
	v34 =	vadd.f32 @p3 v34, v35;
	v35 =	vpop @p2 (erf)  }
0x3d4: {  	v33 =	vpsel p3, v38, v27;
	v32 =	vpsel p3, v32, v27;
	(erf) = vpow2.f32 v37;
	v37 =	vpop @p2 (erf)  }
0x3d5: {  	v31 =	vadd.f32 @p2 v31, v36;
	v33 =	vadd.f32 @p2 v43, v33;
	v34 =	vpsel p3, v34, v1;
	v54 =	vpop (erf)  }
0x3d6: {  	v32 =	vadd.f32 @p2 v39, v32;
	v34 =	vadd.f32 @p2 v35, v34;
	v55 =	vpop (erf)  }
0x3d7: {  	v31 =	vadd.f32 @p2 v44, v31;
	v33 =	vadd.f32 @p2 v41, v33;
	v56 =	vpop (erf)  }
0x3d8: {  	v32 =	vadd.f32 @p2 v37, v32;
	v37 =	vpsel p2, v40, v0;
	v34 =	vpsel p2, v34, v0;
	v57 =	vpop (erf)  }
0x3d9: {  	v5 =	vadd.f32 v25, v11;
	v34 =	vadd.f32 @p2 v37, v34;
	v58 =	vpop (erf)  }
0x3da: {  	v31 =	vpsel p2, v31, v27;
	v33 =	vpsel p2, v33, v27;
	v59 =	vpsel p2, v32, v27;
	v60 =	vpop (erf)  }
0x3db: {  	v31 =	vadd.f32 v54, v31;
	v33 =	vadd.f32 v56, v33;
	v1 =	vpsel p2, v34, v1;
	v61 =	vpop (erf)  }
0x3dc: {  	v27 =	vadd.f32 v60, v59;
	v1 =	vadd.f32 v61, v1  }
0x3dd: {  	v31 =	vadd.f32 v55, v31;
	v62 =	vadd.f32 v57, v33;
	v63 =	vpop (erf)  }
.Ltmp62:
0x3de: {  	v27 =	vadd.f32 v63, v27;
	v1 =	vadd.f32 v58, v1;
	(pc) =	sbr.rel @p0 .LBB2_124-.Ltmp62, $4  }
0x3df: {  	v8 =	vadd.f32 v26, v24;
	v9 =	vadd.f32 v29, v30  }
0x3e0: {  	v10 =	vadd.f32 v31, v62;
	v1 =	vadd.f32 v27, v1  }
0x3e1: {  	v16 =	vadd.f32 v4, v3;
	v11 =	vadd.f32 v8, v5  }
0x3e2: {  	v6 =	vadd.f32 v6, v9;
	v1 =	vadd.f32 v10, v1  }
.Ltmp63:
0x3e3: {  	(pc) =	sbr.rel .LBB2_2-.Ltmp63, $3  }
0x3e4: {  	s16 =	smul.u32 $0x1F00, s15;
	_ =	sdelay $0x1  }
0x3e5: {  	s15 =	sadd.s32 $0x1, s15;
	s16 =	sadd.s32 s16, s7  }
0x3e6: {  	[tilespmem:s10], [sflag:$0x2] =	stream.linear.gather [hbm4b:s16+s2], $0x7C00, $0x38;
	[tilespmem:$0xFC00] =	vst v63  }
.LBB2_7:
.Ltmp64:
0x3e7: {  	(pc) =	sbr.rel .LBB2_14-.Ltmp64, $2  }
0x3e8: {  	_ =	sdelay $0x2  }
0x3e9: {  	v28 =	vmov v12;
	v30 =	vimm.f32 $0.0e+00;
	p3 =	por $0x0, $0x0  }
.LBB2_15:
.Ltmp65:
0x3ea: {  	(pc) =	sbr.rel .LBB2_24-.Ltmp65, $2  }
0x3eb: {  	_ =	sdelay $0x2  }
0x3ec: {  	v26 =	vimm.f32 $0.0e+00;
	v29 =	vimm.f32 $0.0e+00;
	v30 =	vimm.f32 $0.0e+00;
	p1 =	por $0x0, $0x0;
	p2 =	por $0x0, $0x0  }
.LBB2_25:
.Ltmp66:
0x3ed: {  	(pc) =	sbr.rel .LBB2_32-.Ltmp66, $2  }
0x3ee: {  	_ =	sdelay $0x2  }
0x3ef: {  	v34 =	vmov v16;
	v36 =	vimm.f32 $0.0e+00;
	p3 =	por $0x0, $0x0  }
.LBB2_33:
.Ltmp67:
0x3f0: {  	(pc) =	sbr.rel .LBB2_42-.Ltmp67, $2  }
0x3f1: {  	_ =	sdelay $0x2  }
0x3f2: {  	v32 =	vimm.f32 $0.0e+00;
	v35 =	vimm.f32 $0.0e+00;
	v36 =	vimm.f32 $0.0e+00;
	p1 =	por $0x0, $0x0;
	p2 =	por $0x0, $0x0  }
.LBB2_43:
.Ltmp68:
0x3f3: {  	_ = 	snop;
	(pc) =	sbr.rel .LBB2_52-.Ltmp68, $2  }
0x3f4: {  	_ =	sdelay $0x2  }
0x3f5: {  	s17 =	simm.s32 $0x0;
	v35 =	vimm.f32 $0.0e+00;
	v38 =	vimm.f32 $0.0e+00;
	v39 =	vimm.f32 $0.0e+00;
	p4 =	por $0x0, $0x0;
	v32 =	vmovc v42  }
.LBB2_53:
.Ltmp69:
0x3f6: {  	(pc) =	sbr.rel .LBB2_62-.Ltmp69, $2  }
0x3f7: {  	_ =	sdelay $0x2  }
0x3f8: {  	v36 =	vimm.f32 $0.0e+00;
	v39 =	vimm.f32 $0.0e+00;
	v41 =	vimm.f32 $0.0e+00;
	p1 =	por $0x0, $0x0;
	p2 =	por $0x0, $0x0  }
.LBB2_67:
.Ltmp70:
0x3f9: {  	(pc) =	sbr.rel .LBB2_76-.Ltmp70, $2  }
0x3fa: {  	_ =	sdelay $0x2  }
0x3fb: {  	v23 =	vimm.f32 $0.0e+00;
	v26 =	vimm.f32 $0.0e+00;
	v27 =	vimm.f32 $0.0e+00;
	p5 =	por $0x0, $0x0  }
.LBB2_77:
.Ltmp71:
0x3fc: {  	(pc) =	sbr.rel .LBB2_84-.Ltmp71, $2  }
0x3fd: {  	_ =	sdelay $0x2  }
0x3fe: {  	v31 =	vmov v17;
	v32 =	vimm.f32 $0.0e+00;
	p2 =	por $0x0, $0x0  }
.LBB2_85:
.Ltmp72:
0x3ff: {  	(pc) =	sbr.rel .LBB2_94-.Ltmp72, $2  }
0x400: {  	_ =	sdelay $0x2  }
0x401: {  	v29 =	vimm.f32 $0.0e+00;
	v32 =	vimm.f32 $0.0e+00;
	v33 =	vimm.f32 $0.0e+00;
	p5 =	por $0x0, $0x0  }
.LBB2_95:
.Ltmp73:
0x402: {  	(pc) =	sbr.rel .LBB2_102-.Ltmp73, $2  }
0x403: {  	_ =	sdelay $0x2  }
0x404: {  	v37 =	vmov v11;
	v38 =	vimm.f32 $0.0e+00;
	p2 =	por $0x0, $0x0  }
.LBB2_103:
.Ltmp74:
0x405: {  	_ = 	snop;
	(pc) =	sbr.rel .LBB2_112-.Ltmp74, $2  }
0x406: {  	_ =	sdelay $0x2  }
0x407: {  	s17 =	simm.s32 $0x0;
	v35 =	vimm.f32 $0.0e+00;
	v38 =	vimm.f32 $0.0e+00;
	v39 =	vimm.f32 $0.0e+00;
	p5 =	por $0x0, $0x0;
	v32 =	vmovc v42  }
.LBB2_113:
.Ltmp75:
0x408: {  	(pc) =	sbr.rel .LBB2_122-.Ltmp75, $2  }
0x409: {  	_ =	sdelay $0x2  }
0x40a: {  	v38 =	vimm.f32 $0.0e+00;
	v41 =	vimm.f32 $0.0e+00;
	v42 =	vimm.f32 $0.0e+00;
	p2 =	por $0x0, $0x0;
	p3 =	por $0x0, $0x0  }
.LBB2_9:
.Ltmp76:
0x40b: {  	(pc) =	sbr.rel .LBB2_14-.Ltmp76, $2  }
0x40c: {  	_ =	sdelay $0x2  }
0x40d: {  	v28 =	vmov v12;
	v30 =	vimm.f32 $0.0e+00;
	v19 =	vmov v34;
	p3 =	por $0x0, $0x0  }
.LBB2_17:
.Ltmp77:
0x40e: {  	_ = 	snop;
	(pc) =	sbr.rel .LBB2_24-.Ltmp77, $2  }
0x40f: {  	_ =	sdelay $0x2  }
0x410: {  	v34 =	vmovc v24;
	v26 =	vimm.f32 $0.0e+00;
	v29 =	vimm.f32 $0.0e+00;
	v30 =	vimm.f32 $0.0e+00;
	p2 =	por $0x0, $0x0;
	v24 =	vmovc v33  }
.LBB2_27:
.Ltmp78:
0x411: {  	(pc) =	sbr.rel .LBB2_32-.Ltmp78, $2  }
0x412: {  	_ =	sdelay $0x2  }
0x413: {  	v34 =	vmov v16;
	v36 =	vimm.f32 $0.0e+00;
	v24 =	vmov v40;
	p3 =	por $0x0, $0x0  }
.LBB2_35:
.Ltmp79:
0x414: {  	_ = 	snop;
	(pc) =	sbr.rel .LBB2_42-.Ltmp79, $2  }
0x415: {  	_ =	sdelay $0x2  }
0x416: {  	v40 =	vmovc v30;
	v32 =	vimm.f32 $0.0e+00;
	v35 =	vimm.f32 $0.0e+00;
	v36 =	vimm.f32 $0.0e+00;
	p2 =	por $0x0, $0x0;
	v30 =	vmovc v39  }
.LBB2_45:
.Ltmp80:
0x417: {  	(pc) =	sbr.rel .LBB2_52-.Ltmp80, $2  }
0x418: {  	_ =	sdelay $0x2  }
0x419: {  	v35 =	vimm.f32 $0.0e+00;
	v38 =	vimm.f32 $0.0e+00;
	v39 =	vimm.f32 $0.0e+00;
	p4 =	por $0x0, $0x0  }
.LBB2_55:
.Ltmp81:
0x41a: {  	_ = 	snop;
	(pc) =	sbr.rel .LBB2_62-.Ltmp81, $2  }
0x41b: {  	_ =	sdelay $0x2  }
0x41c: {  	v46 =	vmovc v38;
	v36 =	vimm.f32 $0.0e+00;
	v39 =	vimm.f32 $0.0e+00;
	v41 =	vimm.f32 $0.0e+00;
	p2 =	por $0x0, $0x0;
	v38 =	vmovc v45  }
.LBB2_69:
.Ltmp82:
0x41d: {  	_ = 	snop;
	(pc) =	sbr.rel .LBB2_76-.Ltmp82, $2  }
0x41e: {  	_ =	sdelay $0x2  }
0x41f: {  	v31 =	vmovc v21;
	v23 =	vimm.f32 $0.0e+00;
	v26 =	vimm.f32 $0.0e+00;
	v27 =	vimm.f32 $0.0e+00;
	p5 =	por $0x0, $0x0;
	v21 =	vmovc v30  }
.LBB2_79:
.Ltmp83:
0x420: {  	(pc) =	sbr.rel .LBB2_84-.Ltmp83, $2  }
0x421: {  	_ =	sdelay $0x2  }
0x422: {  	v31 =	vmov v17;
	v32 =	vimm.f32 $0.0e+00;
	v22 =	vmov v37  }
.LBB2_87:
.Ltmp84:
0x423: {  	_ = 	snop;
	(pc) =	sbr.rel .LBB2_94-.Ltmp84, $2  }
0x424: {  	_ =	sdelay $0x2  }
0x425: {  	v37 =	vmovc v27;
	v29 =	vimm.f32 $0.0e+00;
	v32 =	vimm.f32 $0.0e+00;
	v33 =	vimm.f32 $0.0e+00;
	p5 =	por $0x0, $0x0;
	v27 =	vmovc v36  }
.LBB2_97:
.Ltmp85:
0x426: {  	(pc) =	sbr.rel .LBB2_102-.Ltmp85, $2  }
0x427: {  	_ =	sdelay $0x2  }
0x428: {  	v37 =	vmov v11;
	v38 =	vimm.f32 $0.0e+00;
	v28 =	vmov v43  }
.LBB2_105:
.Ltmp86:
0x429: {  	(pc) =	sbr.rel .LBB2_112-.Ltmp86, $2  }
0x42a: {  	_ =	sdelay $0x2  }
0x42b: {  	v35 =	vimm.f32 $0.0e+00;
	v38 =	vimm.f32 $0.0e+00;
	v39 =	vimm.f32 $0.0e+00;
	p5 =	por $0x0, $0x0  }
.LBB2_115:
.Ltmp87:
0x42c: {  	_ = 	snop;
	(pc) =	sbr.rel .LBB2_122-.Ltmp87, $2  }
0x42d: {  	_ =	sdelay $0x2  }
0x42e: {  	v46 =	vmovc v36;
	v38 =	vimm.f32 $0.0e+00;
	v41 =	vimm.f32 $0.0e+00;
	v42 =	vimm.f32 $0.0e+00;
	p3 =	por $0x0, $0x0;
	v36 =	vmovc v45  }
.LBB2_11:
.Ltmp88:
0x42f: {  	(pc) =	sbr.rel .LBB2_14-.Ltmp88, $2  }
0x430: {  	_ =	sdelay $0x2  }
0x431: {  	v28 =	vmov v12;
	v30 =	vimm.f32 $0.0e+00  }
.LBB2_19:
.Ltmp89:
0x432: {  	(pc) =	sbr.rel .LBB2_24-.Ltmp89, $3  }
0x433: {  	_ =	sdelay $0x1  }
0x434: {  	v34 =	vmov v33  }
0x435: {  	v26 =	vimm.f32 $0.0e+00;
	v29 =	vimm.f32 $0.0e+00;
	v32 =	vmovc v18;
	v22 =	vmovc v30;
	v30 =	vimm.f32 $0.0e+00  }
.LBB2_29:
.Ltmp90:
0x436: {  	(pc) =	sbr.rel .LBB2_32-.Ltmp90, $2  }
0x437: {  	_ =	sdelay $0x2  }
0x438: {  	v34 =	vmov v16;
	v36 =	vimm.f32 $0.0e+00  }
.LBB2_37:
.Ltmp91:
0x439: {  	(pc) =	sbr.rel .LBB2_42-.Ltmp91, $3  }
0x43a: {  	_ =	sdelay $0x1  }
0x43b: {  	v40 =	vmov v39  }
0x43c: {  	v32 =	vimm.f32 $0.0e+00;
	v35 =	vimm.f32 $0.0e+00;
	v38 =	vmovc v25;
	v28 =	vmovc v36;
	v36 =	vimm.f32 $0.0e+00  }
.LBB2_47:
.Ltmp92:
0x43d: {  	(pc) =	sbr.rel .LBB2_52-.Ltmp92, $3  }
0x43e: {  	_ =	sdelay $0x1  }
0x43f: {  	v42 =	vmov v32;
	v35 =	vimm.f32 $0.0e+00  }
0x440: {  	v38 =	vimm.f32 $0.0e+00;
	v41 =	vmovc v28;
	v31 =	vmovc v39;
	v39 =	vimm.f32 $0.0e+00;
	v32 =	vmov v43;
	p4 =	por $0x0, $0x0  }
.LBB2_57:
.Ltmp93:
0x441: {  	(pc) =	sbr.rel .LBB2_62-.Ltmp93, $3  }
0x442: {  	_ =	sdelay $0x1  }
0x443: {  	v46 =	vmov v45  }
0x444: {  	v36 =	vimm.f32 $0.0e+00;
	v39 =	vimm.f32 $0.0e+00;
	v44 =	vmovc v31;
	v34 =	vmovc v41;
	v41 =	vimm.f32 $0.0e+00  }
.LBB2_71:
.Ltmp94:
0x445: {  	(pc) =	sbr.rel .LBB2_76-.Ltmp94, $3  }
0x446: {  	_ =	sdelay $0x1  }
0x447: {  	v31 =	vmov v30  }
0x448: {  	v23 =	vimm.f32 $0.0e+00;
	v26 =	vimm.f32 $0.0e+00;
	v29 =	vmovc v13;
	v19 =	vmovc v27;
	v27 =	vimm.f32 $0.0e+00;
	p5 =	por $0x0, $0x0  }
.LBB2_81:
.Ltmp95:
0x449: {  	(pc) =	sbr.rel .LBB2_84-.Ltmp95, $2  }
0x44a: {  	_ =	sdelay $0x2  }
0x44b: {  	v31 =	vmov v17;
	v32 =	vimm.f32 $0.0e+00  }
.LBB2_89:
.Ltmp96:
0x44c: {  	(pc) =	sbr.rel .LBB2_94-.Ltmp96, $3  }
0x44d: {  	_ =	sdelay $0x1  }
0x44e: {  	v37 =	vmov v36  }
0x44f: {  	v29 =	vimm.f32 $0.0e+00;
	v32 =	vimm.f32 $0.0e+00;
	v35 =	vmovc v21;
	v25 =	vmovc v33;
	v33 =	vimm.f32 $0.0e+00;
	p5 =	por $0x0, $0x0  }
.LBB2_99:
.Ltmp97:
0x450: {  	(pc) =	sbr.rel .LBB2_102-.Ltmp97, $2  }
0x451: {  	_ =	sdelay $0x2  }
0x452: {  	v37 =	vmov v11;
	v38 =	vimm.f32 $0.0e+00  }
.LBB2_107:
.Ltmp98:
0x453: {  	(pc) =	sbr.rel .LBB2_112-.Ltmp98, $3  }
0x454: {  	_ =	sdelay $0x1  }
0x455: {  	v42 =	vmov v32;
	v35 =	vimm.f32 $0.0e+00  }
0x456: {  	v38 =	vimm.f32 $0.0e+00;
	v41 =	vmovc v28;
	v31 =	vmovc v39;
	v39 =	vimm.f32 $0.0e+00;
	v32 =	vmov v43;
	p5 =	por $0x0, $0x0  }
.LBB2_117:
.Ltmp99:
0x457: {  	(pc) =	sbr.rel .LBB2_122-.Ltmp99, $3  }
0x458: {  	_ =	sdelay $0x1  }
0x459: {  	v46 =	vmov v45  }
0x45a: {  	v38 =	vimm.f32 $0.0e+00;
	v41 =	vimm.f32 $0.0e+00;
	v44 =	vmovc v31;
	v34 =	vmovc v42;
	v42 =	vimm.f32 $0.0e+00  }
.LBB2_21:
.Ltmp100:
0x45b: {  	_ = 	snop;
	(pc) =	sbr.rel .LBB2_24-.Ltmp100, $2  }
0x45c: {  	_ =	sdelay $0x2  }
0x45d: {  	v34 =	vmov v24;
	v24 =	vmov v33  }
.LBB2_39:
.Ltmp101:
0x45e: {  	_ = 	snop;
	(pc) =	sbr.rel .LBB2_42-.Ltmp101, $2  }
0x45f: {  	_ =	sdelay $0x2  }
0x460: {  	v40 =	vmov v30;
	v30 =	vmov v39  }
.LBB2_49:
.Ltmp102:
0x461: {  	(pc) =	sbr.rel .LBB2_52-.Ltmp102, $2  }
0x462: {  	_ =	sdelay $0x2  }
0x463: {  	v42 =	vmov v43  }
.LBB2_59:
.Ltmp103:
0x464: {  	_ = 	snop;
	(pc) =	sbr.rel .LBB2_62-.Ltmp103, $2  }
0x465: {  	_ =	sdelay $0x2  }
0x466: {  	v46 =	vmov v38;
	v38 =	vmov v45  }
.LBB2_73:
.Ltmp104:
0x467: {  	_ = 	snop;
	(pc) =	sbr.rel .LBB2_76-.Ltmp104, $2  }
0x468: {  	_ =	sdelay $0x2  }
0x469: {  	v31 =	vmov v21;
	v21 =	vmov v30  }
.LBB2_91:
.Ltmp105:
0x46a: {  	_ = 	snop;
	(pc) =	sbr.rel .LBB2_94-.Ltmp105, $2  }
0x46b: {  	_ =	sdelay $0x2  }
0x46c: {  	v37 =	vmov v27;
	v27 =	vmov v36  }
.LBB2_109:
.Ltmp106:
0x46d: {  	(pc) =	sbr.rel .LBB2_112-.Ltmp106, $2  }
0x46e: {  	_ =	sdelay $0x2  }
0x46f: {  	v42 =	vmov v43  }
.LBB2_119:
.Ltmp107:
0x470: {  	_ = 	snop;
	(pc) =	sbr.rel .LBB2_122-.Ltmp107, $2  }
0x471: {  	_ =	sdelay $0x2  }
0x472: {  	v46 =	vmov v36;
	v36 =	vmov v45  }
.LBB2_125:
0x473: {  	_ =	sfence.sel $0x180000  }
0x474: {  	[bflag:$0x0] =	sbarrier.arrive $0xFFFF  }
0x475: {  	p0 =	sne.s32 s0, $0x0;
	_ =	strace $0x90000047  }
0x476: {  	s0 =	sadd.s32 @!p0 $0x100000, s1;
	[bflag:$0x2] =	sbarrier.arrive $0xFFFF  }
0x477: {  	[sflag:s0] =	ssyncadd.tile.s32 @!p0 $0x1;
	_ =	shalt  }
.Lfunc_end2:
_tile_overlayer_lowered:
.L_overlay_start_2:
0x478: {  	(tag) =	ssettag $0x2  }
0x479: {  	s0 =	rddreg [dreg:$0x0];
	s2 =	stileid.u32  }
0x47a: {  	s1 =	rddreg [dreg:$0x1];
	p0 =	sne.s32 s2, $0x0  }
0x47b: {  	s3 =	rddreg [dreg:$0x2];
	[bflag:$0x3] =	sbarrier.arrive $0xFFFF;
	s2 =	simm.s32 @!p0 $0x1C03  }
0x47c: {  	[timem:s3], [sflag:s2] =	dma.local @!p0 [hbm:s0], s1  }
0x47d: {  	s0 =	simm.s32 @!p0 $0x3  }
0x47e: {  	_ =	swait.ge @!p0 [sflag:s0], s1  }
0x47f: {  	s1 =	ssub.s32 @!p0 $0x0, s1;
	[sflag:s0] =	ssyncset.done @!p0 $0x0  }
0x480: {  	[sflag:s0] =	ssyncadd.s32 @!p0 s1  }
0x481: {  	[bflag:$0x3] =	sbarrier.arrive $0xFFFF  }
0x482: {  	_ =	shalt  }

</sc_bundles>
